<compile_context>
chip_gen: v7x
topology: tpu7x:2x2x1
jax: 0.10.2.dev20260603
libtpu: 0.0.44.dev20260713+nightly
codegen_flags: <defaults>
</compile_context>

<pallas_src>
import functools

import jax
import jax.numpy as jnp
from jax import lax
from jax.experimental import pallas as pl
from jax.experimental.pallas import tpu as pltpu
from jax.experimental.pallas import tpu_sc as plsc

_IGNORE = 255
_B, _C, _H, _W = 8, 19, 512, 512
_HB = 256
_N = _B * _H * _W
_K = int(0.2 * _N)
_GB, _GH = _B, _H // _HB
_SROWS, _SCOLS = _H, _B * _W
_NWORK = 32
_CHUNK = _N // _NWORK
_NBINS = 256


def _ce_kernel(logits_ref, labels_ref, val_ref, p16_ref):
    lab = labels_ref[0]
    m = logits_ref[0, 0]
    for c in range(1, _C):
        m = jnp.maximum(m, logits_ref[0, c])
    s = jnp.zeros((_HB, _W), jnp.float32)
    picked = jnp.zeros((_HB, _W), jnp.float32)
    for c in range(_C):
        xc = logits_ref[0, c]
        s = s + jnp.exp(xc - m)
        picked = jnp.where(lab == c, xc, picked)
    nll = (m - picked) + jnp.log(s)
    loss = jnp.where(lab != _IGNORE, nll, 0.0)
    val_ref[:, :] = loss
    p16_ref[:, :] = pltpu.bitcast(loss.astype(jnp.bfloat16), jnp.int16)


def _sc_hist(p16_hbm, out_hbm, buf, hist):
    w = lax.axis_index("s") * 2 + lax.axis_index("c")
    iota = lax.broadcasted_iota(jnp.int32, (16,), 0)
    zeros16 = jnp.zeros((16,), jnp.int32)
    ones16 = jnp.ones((16,), jnp.int32)
    for j in range(_NBINS):
        hist[pl.ds(j * 16, 16)] = zeros16
    pltpu.sync_copy(p16_hbm.at[pl.ds(w * (_CHUNK // 2), _CHUNK // 2)], buf)

    def body(i, carry):
        for u in range(8):
            v32 = buf[pl.ds(i * 128 + u * 16, 16)]
            lo = v32 & 0xFFFF
            hi = lax.shift_right_logical(v32, 16)
            plsc.addupdate_scatter(
                hist, [iota * _NBINS + lax.shift_right_logical(lo, 7)], ones16)
            plsc.addupdate_scatter(
                hist, [iota * _NBINS + lax.shift_right_logical(hi, 7)], ones16)
        return carry

    lax.fori_loop(0, _CHUNK // 256, body, 0)
    pltpu.sync_copy(hist, out_hbm.at[w])


def _resolve_kernel(hists_ref, p16_ref, val_ref, out_ref):
    kf = jnp.float32(_K)
    one16 = jnp.int16(1)

    h = jnp.sum(hists_ref[:, :].astype(jnp.float32), axis=0, keepdims=True)
    bins = jnp.zeros((1, _NBINS), jnp.float32)
    for l in range(16):
        bins = bins + h[:, l * _NBINS:(l + 1) * _NBINS]
    jvec = lax.broadcasted_iota(jnp.int32, (1, _NBINS), 1)

    def cnt_above(j):
        return jnp.sum(jnp.where(jvec > j, bins, 0.0))

    def bucket_body(_, carry):
        blo, bhi = carry
        mid = blo + (bhi - blo) // 2
        below = cnt_above(mid) < kf
        active = blo < bhi
        new_hi = jnp.where(active & below, mid, bhi)
        new_lo = jnp.where(active & (~below), mid + 1, blo)
        return new_lo, new_hi

    bb, _ = lax.fori_loop(0, 8, bucket_body,
                          (jnp.int32(0), jnp.int32(_NBINS - 1)))

    def count_gt(mid):
        mid16 = mid.astype(jnp.int16)
        acc = jnp.zeros((16, _SCOLS), jnp.int16)
        for j in range(_SROWS // 16):
            blk = p16_ref[pl.ds(j * 16, 16), :]
            acc = acc + jnp.where(blk > mid16, one16, jnp.int16(0))
        return jnp.sum(acc.astype(jnp.float32))

    def body(_, carry):
        lo, hi = carry
        mid = lo + (hi - lo) // 2
        cnt = count_gt(mid)
        active = lo < hi
        below = cnt < kf
        new_hi = jnp.where(active & below, mid, hi)
        new_lo = jnp.where(active & (~below), mid + 1, lo)
        return new_lo, new_hi

    lo, _hi = lax.fori_loop(0, 7, body, (bb * 128, bb * 128 + 127))
    t16 = lo.astype(jnp.int16)

    zf = jnp.zeros((8, _SCOLS), jnp.float32)
    zi = jnp.zeros((8, _SCOLS), jnp.int16)
    s_gt, s_eq = zf, zf
    c_gt16, c_eq16 = zi, zi
    for j in range(_SROWS // 8):
        blk = p16_ref[pl.ds(j * 8, 8), :]
        v = val_ref[pl.ds(j * 8, 8), :]
        gt_i = jnp.where(blk > t16, one16, jnp.int16(0))
        eq_i = jnp.where(blk == t16, one16, jnp.int16(0))
        c_gt16 = c_gt16 + gt_i
        c_eq16 = c_eq16 + eq_i
        s_gt = s_gt + gt_i.astype(jnp.float32) * v
        s_eq = s_eq + eq_i.astype(jnp.float32) * v
    sum_gt = jnp.sum(s_gt)
    cnt_gt = jnp.sum(c_gt16.astype(jnp.float32))
    sum_eq = jnp.sum(s_eq)
    cnt_eq = jnp.maximum(jnp.sum(c_eq16.astype(jnp.float32)), 1.0)
    kth = sum_eq / cnt_eq
    out_ref[0, 0] = (sum_gt + (kf - cnt_gt) * kth) / kf


def kernel(logits, labels):
    val, p16 = pl.pallas_call(
        _ce_kernel,
        grid=(_GB, _GH),
        in_specs=[
            pl.BlockSpec((1, _C, _HB, _W), lambda b, h: (b, 0, h, 0)),
            pl.BlockSpec((1, _HB, _W), lambda b, h: (b, h, 0)),
        ],
        out_specs=[
            pl.BlockSpec((_HB, _W), lambda b, h: (h, b)),
            pl.BlockSpec((_HB, _W), lambda b, h: (h, b)),
        ],
        out_shape=[
            jax.ShapeDtypeStruct((_SROWS, _SCOLS), jnp.float32),
            jax.ShapeDtypeStruct((_SROWS, _SCOLS), jnp.int16),
        ],
    )(logits, labels)

    mesh = plsc.VectorSubcoreMesh(core_axis_name="c", subcore_axis_name="s")
    sc_hist = functools.partial(
        pl.kernel,
        mesh=mesh,
        compiler_params=pltpu.CompilerParams(needs_layout_passes=False),
        out_type=jax.ShapeDtypeStruct((_NWORK, _NBINS * 16), jnp.int32),
        scratch_types=[
            pltpu.VMEM((_CHUNK // 2,), jnp.int32),
            pltpu.VMEM((_NBINS * 16,), jnp.int32),
        ],
    )(_sc_hist)
    p32 = lax.bitcast_convert_type(
        p16.reshape(-1, 2), jnp.int32)
    hists = sc_hist(p32)

    out = pl.pallas_call(
        _resolve_kernel,
        out_specs=pl.BlockSpec(memory_space=pltpu.SMEM),
        out_shape=jax.ShapeDtypeStruct((1, 1), jnp.float32),
    )(hists, p16, val)
    return out[0, 0]

# --- scband reference (transcript-rebuilt; emitter-appended) ---
"""Pipeline reference for scband-deep-lab-ce-8641474200076 (READ-ONLY COPY).

The authoritative reference and input builder live on the scoring server;
editing this copy changes nothing except your own understanding.
"""

import jax, jax.numpy as jnp
import numpy as np

IGNORE_LABEL = 255
TOP_K_PERCENT = 0.2


def setup_inputs(seed: int = 0) -> dict:
    key = jax.random.key(seed)
    k1, k2 = jax.random.split(key)
    logits = jax.random.normal(k1, (8, 19, 512, 512), dtype=jnp.float32)
    labels = jax.random.randint(k2, (8, 512, 512), 0, 19, dtype=jnp.int32)
    return {"logits": logits, "labels": labels}


def reference(logits, labels):
    # per-pixel cross entropy with ignore_index, reduction='none'
    logp = jax.nn.log_softmax(logits, axis=1)  # [B, C, H, W]
    valid = labels != IGNORE_LABEL
    safe_labels = jnp.where(valid, labels, 0)
    nll = -jnp.take_along_axis(logp, safe_labels[:, None, :, :], axis=1)[:, 0]  # [B, H, W]
    pixel_losses = jnp.where(valid, nll, 0.0).reshape(-1)
    # hard pixel mining: top-k percent of per-pixel losses
    top_k_pixels = int(TOP_K_PERCENT * pixel_losses.size)
    top_losses, _ = jax.lax.top_k(pixel_losses, top_k_pixels)
    return jnp.mean(top_losses)

if __name__ == "__main__":
    import jax
    _d = setup_inputs()
    print(jax.jit(kernel)(*tuple(_d.values())))

</pallas_src>

<mosaic_0001>
#map = affine_map<(d0, d1) -> (0)>
#map1 = affine_map<(d0, d1) -> (0, 0)>
module attributes {stable_mosaic.version = 14 : i64} {
  func.func @_sc_hist(%arg0: i32, %arg1: i32, %arg2: memref<1048576xi32, #tpu.memory_space<hbm>>, %arg3: memref<32x4096xi32, #tpu.memory_space<hbm>>, %arg4: memref<32768xi32, #tpu.memory_space<vmem>>, %arg5: memref<4096xi32, #tpu.memory_space<vmem>>) attributes {dimension_semantics = [#tpu.dimension_semantics<core_parallel>, #tpu.dimension_semantics<subcore_parallel>], iteration_bounds = array<i64: 2, 16>, scalar_prefetch = 0 : i64, scratch_operands = 2 : i64, tpu.core_type = #tpu.core_type<sc_vector_subcore>, window_params = [{transform_indices = #map}, {transform_indices = #map1}]} {
    %mul3A = arith.constant 2 : i32
    %mul3A_0 = arith.muli %arg1, %mul3A : i32
    %add3A = arith.addi %mul3A_0, %arg0 : i32
    %iota3A = tpu.iota {dimensions = array<i32: 0>} : vector<16xi32>
    %broadcast_in_dim3A = arith.constant 0 : i32
    %broadcast_in_dim3A_1 = vector.broadcast %broadcast_in_dim3A : i32 to vector<16xi32>
    %broadcast_in_dim3A_2 = arith.constant 1 : i32
    %broadcast_in_dim3A_3 = vector.broadcast %broadcast_in_dim3A_2 : i32 to vector<16xi32>
    %swap3A = arith.constant 0 : index
    %swap3A_4 = tpu.vector_load %arg5[%swap3A] {strides = array<i32>} : memref<4096xi32, #tpu.memory_space<vmem>>, vector<16xi32>,
    tpu.vector_store %arg5[%swap3A], %broadcast_in_dim3A_1 {strides = array<i32>} : memref<4096xi32, #tpu.memory_space<vmem>>, vector<16xi32>,
    %swap3A_5 = arith.constant 16 : index
    %swap3A_6 = tpu.vector_load %arg5[%swap3A_5] {strides = array<i32>} : memref<4096xi32, #tpu.memory_space<vmem>>, vector<16xi32>,
    tpu.vector_store %arg5[%swap3A_5], %broadcast_in_dim3A_1 {strides = array<i32>} : memref<4096xi32, #tpu.memory_space<vmem>>, vector<16xi32>,
    %swap3A_7 = arith.constant 32 : index
    %swap3A_8 = tpu.vector_load %arg5[%swap3A_7] {strides = array<i32>} : memref<4096xi32, #tpu.memory_space<vmem>>, vector<16xi32>,
    tpu.vector_store %arg5[%swap3A_7], %broadcast_in_dim3A_1 {strides = array<i32>} : memref<4096xi32, #tpu.memory_space<vmem>>, vector<16xi32>,
    %swap3A_9 = arith.constant 48 : index
    %swap3A_10 = tpu.vector_load %arg5[%swap3A_9] {strides = array<i32>} : memref<4096xi32, #tpu.memory_space<vmem>>, vector<16xi32>,
    tpu.vector_store %arg5[%swap3A_9], %broadcast_in_dim3A_1 {strides = array<i32>} : memref<4096xi32, #tpu.memory_space<vmem>>, vector<16xi32>,
    %swap3A_11 = arith.constant 64 : index
    %swap3A_12 = tpu.vector_load %arg5[%swap3A_11] {strides = array<i32>} : memref<4096xi32, #tpu.memory_space<vmem>>, vector<16xi32>,
    tpu.vector_store %arg5[%swap3A_11], %broadcast_in_dim3A_1 {strides = array<i32>} : memref<4096xi32, #tpu.memory_space<vmem>>, vector<16xi32>,
    %swap3A_13 = arith.constant 80 : index
    %swap3A_14 = tpu.vector_load %arg5[%swap3A_13] {strides = array<i32>} : memref<4096xi32, #tpu.memory_space<vmem>>, vector<16xi32>,
    tpu.vector_store %arg5[%swap3A_13], %broadcast_in_dim3A_1 {strides = array<i32>} : memref<4096xi32, #tpu.memory_space<vmem>>, vector<16xi32>,
    %swap3A_15 = arith.constant 96 : index
    %swap3A_16 = tpu.vector_load %arg5[%swap3A_15] {strides = array<i32>} : memref<4096xi32, #tpu.memory_space<vmem>>, vector<16xi32>,
    tpu.vector_store %arg5[%swap3A_15], %broadcast_in_dim3A_1 {strides = array<i32>} : memref<4096xi32, #tpu.memory_space<vmem>>, vector<16xi32>,
    %swap3A_17 = arith.constant 112 : index
    %swap3A_18 = tpu.vector_load %arg5[%swap3A_17] {strides = array<i32>} : memref<4096xi32, #tpu.memory_space<vmem>>, vector<16xi32>,
    tpu.vector_store %arg5[%swap3A_17], %broadcast_in_dim3A_1 {strides = array<i32>} : memref<4096xi32, #tpu.memory_space<vmem>>, vector<16xi32>,
    %swap3A_19 = arith.constant 128 : index
    %swap3A_20 = tpu.vector_load %arg5[%swap3A_19] {strides = array<i32>} : memref<4096xi32, #tpu.memory_space<vmem>>, vector<16xi32>,
    tpu.vector_store %arg5[%swap3A_19], %broadcast_in_dim3A_1 {strides = array<i32>} : memref<4096xi32, #tpu.memory_space<vmem>>, vector<16xi32>,
    %swap3A_21 = arith.constant 144 : index
    %swap3A_22 = tpu.vector_load %arg5[%swap3A_21] {strides = array<i32>} : memref<4096xi32, #tpu.memory_space<vmem>>, vector<16xi32>,
    tpu.vector_store %arg5[%swap3A_21], %broadcast_in_dim3A_1 {strides = array<i32>} : memref<4096xi32, #tpu.memory_space<vmem>>, vector<16xi32>,
    %swap3A_23 = arith.constant 160 : index
    %swap3A_24 = tpu.vector_load %arg5[%swap3A_23] {strides = array<i32>} : memref<4096xi32, #tpu.memory_space<vmem>>, vector<16xi32>,
    tpu.vector_store %arg5[%swap3A_23], %broadcast_in_dim3A_1 {strides = array<i32>} : memref<4096xi32, #tpu.memory_space<vmem>>, vector<16xi32>,
    %swap3A_25 = arith.constant 176 : index
    %swap3A_26 = tpu.vector_load %arg5[%swap3A_25] {strides = array<i32>} : memref<4096xi32, #tpu.memory_space<vmem>>, vector<16xi32>,
    tpu.vector_store %arg5[%swap3A_25], %broadcast_in_dim3A_1 {strides = array<i32>} : memref<4096xi32, #tpu.memory_space<vmem>>, vector<16xi32>,
    %swap3A_27 = arith.constant 192 : index
    %swap3A_28 = tpu.vector_load %arg5[%swap3A_27] {strides = array<i32>} : memref<4096xi32, #tpu.memory_space<vmem>>, vector<16xi32>,
    tpu.vector_store %arg5[%swap3A_27], %broadcast_in_dim3A_1 {strides = array<i32>} : memref<4096xi32, #tpu.memory_space<vmem>>, vector<16xi32>,
    %swap3A_29 = arith.constant 208 : index
    %swap3A_30 = tpu.vector_load %arg5[%swap3A_29] {strides = array<i32>} : memref<4096xi32, #tpu.memory_space<vmem>>, vector<16xi32>,
    tpu.vector_store %arg5[%swap3A_29], %broadcast_in_dim3A_1 {strides = array<i32>} : memref<4096xi32, #tpu.memory_space<vmem>>, vector<16xi32>,
    %swap3A_31 = arith.constant 224 : index
    %swap3A_32 = tpu.vector_load %arg5[%swap3A_31] {strides = array<i32>} : memref<4096xi32, #tpu.memory_space<vmem>>, vector<16xi32>,
    tpu.vector_store %arg5[%swap3A_31], %broadcast_in_dim3A_1 {strides = array<i32>} : memref<4096xi32, #tpu.memory_space<vmem>>, vector<16xi32>,
    %swap3A_33 = arith.constant 240 : index
    %swap3A_34 = tpu.vector_load %arg5[%swap3A_33] {strides = array<i32>} : memref<4096xi32, #tpu.memory_space<vmem>>, vector<16xi32>,
    tpu.vector_store %arg5[%swap3A_33], %broadcast_in_dim3A_1 {strides = array<i32>} : memref<4096xi32, #tpu.memory_space<vmem>>, vector<16xi32>,
    %swap3A_35 = arith.constant 256 : index
    %swap3A_36 = tpu.vector_load %arg5[%swap3A_35] {strides = array<i32>} : memref<4096xi32, #tpu.memory_space<vmem>>, vector<16xi32>,
    tpu.vector_store %arg5[%swap3A_35], %broadcast_in_dim3A_1 {strides = array<i32>} : memref<4096xi32, #tpu.memory_space<vmem>>, vector<16xi32>,
    %swap3A_37 = arith.constant 272 : index
    %swap3A_38 = tpu.vector_load %arg5[%swap3A_37] {strides = array<i32>} : memref<4096xi32, #tpu.memory_space<vmem>>, vector<16xi32>,
    tpu.vector_store %arg5[%swap3A_37], %broadcast_in_dim3A_1 {strides = array<i32>} : memref<4096xi32, #tpu.memory_space<vmem>>, vector<16xi32>,
    %swap3A_39 = arith.constant 288 : index
    %swap3A_40 = tpu.vector_load %arg5[%swap3A_39] {strides = array<i32>} : memref<4096xi32, #tpu.memory_space<vmem>>, vector<16xi32>,
    tpu.vector_store %arg5[%swap3A_39], %broadcast_in_dim3A_1 {strides = array<i32>} : memref<4096xi32, #tpu.memory_space<vmem>>, vector<16xi32>,
    %swap3A_41 = arith.constant 304 : index
    %swap3A_42 = tpu.vector_load %arg5[%swap3A_41] {strides = array<i32>} : memref<4096xi32, #tpu.memory_space<vmem>>, vector<16xi32>,
    tpu.vector_store %arg5[%swap3A_41], %broadcast_in_dim3A_1 {strides = array<i32>} : memref<4096xi32, #tpu.memory_space<vmem>>, vector<16xi32>,
    %swap3A_43 = arith.constant 320 : index
    %swap3A_44 = tpu.vector_load %arg5[%swap3A_43] {strides = array<i32>} : memref<4096xi32, #tpu.memory_space<vmem>>, vector<16xi32>,
    tpu.vector_store %arg5[%swap3A_43], %broadcast_in_dim3A_1 {strides = array<i32>} : memref<4096xi32, #tpu.memory_space<vmem>>, vector<16xi32>,
    %swap3A_45 = arith.constant 336 : index
    %swap3A_46 = tpu.vector_load %arg5[%swap3A_45] {strides = array<i32>} : memref<4096xi32, #tpu.memory_space<vmem>>, vector<16xi32>,
    tpu.vector_store %arg5[%swap3A_45], %broadcast_in_dim3A_1 {strides = array<i32>} : memref<4096xi32, #tpu.memory_space<vmem>>, vector<16xi32>,
    %swap3A_47 = arith.constant 352 : index
    %swap3A_48 = tpu.vector_load %arg5[%swap3A_47] {strides = array<i32>} : memref<4096xi32, #tpu.memory_space<vmem>>, vector<16xi32>,
    tpu.vector_store %arg5[%swap3A_47], %broadcast_in_dim3A_1 {strides = array<i32>} : memref<4096xi32, #tpu.memory_space<vmem>>, vector<16xi32>,
    %swap3A_49 = arith.constant 368 : index
    %swap3A_50 = tpu.vector_load %arg5[%swap3A_49] {strides = array<i32>} : memref<4096xi32, #tpu.memory_space<vmem>>, vector<16xi32>,
    tpu.vector_store %arg5[%swap3A_49], %broadcast_in_dim3A_1 {strides = array<i32>} : memref<4096xi32, #tpu.memory_space<vmem>>, vector<16xi32>,
    %swap3A_51 = arith.constant 384 : index
    %swap3A_52 = tpu.vector_load %arg5[%swap3A_51] {strides = array<i32>} : memref<4096xi32, #tpu.memory_space<vmem>>, vector<16xi32>,
    tpu.vector_store %arg5[%swap3A_51], %broadcast_in_dim3A_1 {strides = array<i32>} : memref<4096xi32, #tpu.memory_space<vmem>>, vector<16xi32>,
    %swap3A_53 = arith.constant 400 : index
    %swap3A_54 = tpu.vector_load %arg5[%swap3A_53] {strides = array<i32>} : memref<4096xi32, #tpu.memory_space<vmem>>, vector<16xi32>,
    tpu.vector_store %arg5[%swap3A_53], %broadcast_in_dim3A_1 {strides = array<i32>} : memref<4096xi32, #tpu.memory_space<vmem>>, vector<16xi32>,
    %swap3A_55 = arith.constant 416 : index
    %swap3A_56 = tpu.vector_load %arg5[%swap3A_55] {strides = array<i32>} : memref<4096xi32, #tpu.memory_space<vmem>>, vector<16xi32>,
    tpu.vector_store %arg5[%swap3A_55], %broadcast_in_dim3A_1 {strides = array<i32>} : memref<4096xi32, #tpu.memory_space<vmem>>, vector<16xi32>,
    %swap3A_57 = arith.constant 432 : index
    %swap3A_58 = tpu.vector_load %arg5[%swap3A_57] {strides = array<i32>} : memref<4096xi32, #tpu.memory_space<vmem>>, vector<16xi32>,
    tpu.vector_store %arg5[%swap3A_57], %broadcast_in_dim3A_1 {strides = array<i32>} : memref<4096xi32, #tpu.memory_space<vmem>>, vector<16xi32>,
    %swap3A_59 = arith.constant 448 : index
    %swap3A_60 = tpu.vector_load %arg5[%swap3A_59] {strides = array<i32>} : memref<4096xi32, #tpu.memory_space<vmem>>, vector<16xi32>,
    tpu.vector_store %arg5[%swap3A_59], %broadcast_in_dim3A_1 {strides = array<i32>} : memref<4096xi32, #tpu.memory_space<vmem>>, vector<16xi32>,
    %swap3A_61 = arith.constant 464 : index
    %swap3A_62 = tpu.vector_load %arg5[%swap3A_61] {strides = array<i32>} : memref<4096xi32, #tpu.memory_space<vmem>>, vector<16xi32>,
    tpu.vector_store %arg5[%swap3A_61], %broadcast_in_dim3A_1 {strides = array<i32>} : memref<4096xi32, #tpu.memory_space<vmem>>, vector<16xi32>,
    %swap3A_63 = arith.constant 480 : index
    %swap3A_64 = tpu.vector_load %arg5[%swap3A_63] {strides = array<i32>} : memref<4096xi32, #tpu.memory_space<vmem>>, vector<16xi32>,
    tpu.vector_store %arg5[%swap3A_63], %broadcast_in_dim3A_1 {strides = array<i32>} : memref<4096xi32, #tpu.memory_space<vmem>>, vector<16xi32>,
    %swap3A_65 = arith.constant 496 : index
    %swap3A_66 = tpu.vector_load %arg5[%swap3A_65] {strides = array<i32>} : memref<4096xi32, #tpu.memory_space<vmem>>, vector<16xi32>,
    tpu.vector_store %arg5[%swap3A_65], %broadcast_in_dim3A_1 {strides = array<i32>} : memref<4096xi32, #tpu.memory_space<vmem>>, vector<16xi32>,
    %swap3A_67 = arith.constant 512 : index
    %swap3A_68 = tpu.vector_load %arg5[%swap3A_67] {strides = array<i32>} : memref<4096xi32, #tpu.memory_space<vmem>>, vector<16xi32>,
    tpu.vector_store %arg5[%swap3A_67], %broadcast_in_dim3A_1 {strides = array<i32>} : memref<4096xi32, #tpu.memory_space<vmem>>, vector<16xi32>,
    %swap3A_69 = arith.constant 528 : index
    %swap3A_70 = tpu.vector_load %arg5[%swap3A_69] {strides = array<i32>} : memref<4096xi32, #tpu.memory_space<vmem>>, vector<16xi32>,
    tpu.vector_store %arg5[%swap3A_69], %broadcast_in_dim3A_1 {strides = array<i32>} : memref<4096xi32, #tpu.memory_space<vmem>>, vector<16xi32>,
    %swap3A_71 = arith.constant 544 : index
    %swap3A_72 = tpu.vector_load %arg5[%swap3A_71] {strides = array<i32>} : memref<4096xi32, #tpu.memory_space<vmem>>, vector<16xi32>,
    tpu.vector_store %arg5[%swap3A_71], %broadcast_in_dim3A_1 {strides = array<i32>} : memref<4096xi32, #tpu.memory_space<vmem>>, vector<16xi32>,
    %swap3A_73 = arith.constant 560 : index
    %swap3A_74 = tpu.vector_load %arg5[%swap3A_73] {strides = array<i32>} : memref<4096xi32, #tpu.memory_space<vmem>>, vector<16xi32>,
    tpu.vector_store %arg5[%swap3A_73], %broadcast_in_dim3A_1 {strides = array<i32>} : memref<4096xi32, #tpu.memory_space<vmem>>, vector<16xi32>,
    %swap3A_75 = arith.constant 576 : index
    %swap3A_76 = tpu.vector_load %arg5[%swap3A_75] {strides = array<i32>} : memref<4096xi32, #tpu.memory_space<vmem>>, vector<16xi32>,
    tpu.vector_store %arg5[%swap3A_75], %broadcast_in_dim3A_1 {strides = array<i32>} : memref<4096xi32, #tpu.memory_space<vmem>>, vector<16xi32>,
    %swap3A_77 = arith.constant 592 : index
    %swap3A_78 = tpu.vector_load %arg5[%swap3A_77] {strides = array<i32>} : memref<4096xi32, #tpu.memory_space<vmem>>, vector<16xi32>,
    tpu.vector_store %arg5[%swap3A_77], %broadcast_in_dim3A_1 {strides = array<i32>} : memref<4096xi32, #tpu.memory_space<vmem>>, vector<16xi32>,
    %swap3A_79 = arith.constant 608 : index
    %swap3A_80 = tpu.vector_load %arg5[%swap3A_79] {strides = array<i32>} : memref<4096xi32, #tpu.memory_space<vmem>>, vector<16xi32>,
    tpu.vector_store %arg5[%swap3A_79], %broadcast_in_dim3A_1 {strides = array<i32>} : memref<4096xi32, #tpu.memory_space<vmem>>, vector<16xi32>,
    %swap3A_81 = arith.constant 624 : index
    %swap3A_82 = tpu.vector_load %arg5[%swap3A_81] {strides = array<i32>} : memref<4096xi32, #tpu.memory_space<vmem>>, vector<16xi32>,
    tpu.vector_store %arg5[%swap3A_81], %broadcast_in_dim3A_1 {strides = array<i32>} : memref<4096xi32, #tpu.memory_space<vmem>>, vector<16xi32>,
    %swap3A_83 = arith.constant 640 : index
    %swap3A_84 = tpu.vector_load %arg5[%swap3A_83] {strides = array<i32>} : memref<4096xi32, #tpu.memory_space<vmem>>, vector<16xi32>,
    tpu.vector_store %arg5[%swap3A_83], %broadcast_in_dim3A_1 {strides = array<i32>} : memref<4096xi32, #tpu.memory_space<vmem>>, vector<16xi32>,
    %swap3A_85 = arith.constant 656 : index
    %swap3A_86 = tpu.vector_load %arg5[%swap3A_85] {strides = array<i32>} : memref<4096xi32, #tpu.memory_space<vmem>>, vector<16xi32>,
    tpu.vector_store %arg5[%swap3A_85], %broadcast_in_dim3A_1 {strides = array<i32>} : memref<4096xi32, #tpu.memory_space<vmem>>, vector<16xi32>,
    %swap3A_87 = arith.constant 672 : index
    %swap3A_88 = tpu.vector_load %arg5[%swap3A_87] {strides = array<i32>} : memref<4096xi32, #tpu.memory_space<vmem>>, vector<16xi32>,
    tpu.vector_store %arg5[%swap3A_87], %broadcast_in_dim3A_1 {strides = array<i32>} : memref<4096xi32, #tpu.memory_space<vmem>>, vector<16xi32>,
    %swap3A_89 = arith.constant 688 : index
    %swap3A_90 = tpu.vector_load %arg5[%swap3A_89] {strides = array<i32>} : memref<4096xi32, #tpu.memory_space<vmem>>, vector<16xi32>,
    tpu.vector_store %arg5[%swap3A_89], %broadcast_in_dim3A_1 {strides = array<i32>} : memref<4096xi32, #tpu.memory_space<vmem>>, vector<16xi32>,
    %swap3A_91 = arith.constant 704 : index
    %swap3A_92 = tpu.vector_load %arg5[%swap3A_91] {strides = array<i32>} : memref<4096xi32, #tpu.memory_space<vmem>>, vector<16xi32>,
    tpu.vector_store %arg5[%swap3A_91], %broadcast_in_dim3A_1 {strides = array<i32>} : memref<4096xi32, #tpu.memory_space<vmem>>, vector<16xi32>,
    %swap3A_93 = arith.constant 720 : index
    %swap3A_94 = tpu.vector_load %arg5[%swap3A_93] {strides = array<i32>} : memref<4096xi32, #tpu.memory_space<vmem>>, vector<16xi32>,
    tpu.vector_store %arg5[%swap3A_93], %broadcast_in_dim3A_1 {strides = array<i32>} : memref<4096xi32, #tpu.memory_space<vmem>>, vector<16xi32>,
    %swap3A_95 = arith.constant 736 : index
    %swap3A_96 = tpu.vector_load %arg5[%swap3A_95] {strides = array<i32>} : memref<4096xi32, #tpu.memory_space<vmem>>, vector<16xi32>,
    tpu.vector_store %arg5[%swap3A_95], %broadcast_in_dim3A_1 {strides = array<i32>} : memref<4096xi32, #tpu.memory_space<vmem>>, vector<16xi32>,
    %swap3A_97 = arith.constant 752 : index
    %swap3A_98 = tpu.vector_load %arg5[%swap3A_97] {strides = array<i32>} : memref<4096xi32, #tpu.memory_space<vmem>>, vector<16xi32>,
    tpu.vector_store %arg5[%swap3A_97], %broadcast_in_dim3A_1 {strides = array<i32>} : memref<4096xi32, #tpu.memory_space<vmem>>, vector<16xi32>,
    %swap3A_99 = arith.constant 768 : index
    %swap3A_100 = tpu.vector_load %arg5[%swap3A_99] {strides = array<i32>} : memref<4096xi32, #tpu.memory_space<vmem>>, vector<16xi32>,
    tpu.vector_store %arg5[%swap3A_99], %broadcast_in_dim3A_1 {strides = array<i32>} : memref<4096xi32, #tpu.memory_space<vmem>>, vector<16xi32>,
    %swap3A_101 = arith.constant 784 : index
    %swap3A_102 = tpu.vector_load %arg5[%swap3A_101] {strides = array<i32>} : memref<4096xi32, #tpu.memory_space<vmem>>, vector<16xi32>,
    tpu.vector_store %arg5[%swap3A_101], %broadcast_in_dim3A_1 {strides = array<i32>} : memref<4096xi32, #tpu.memory_space<vmem>>, vector<16xi32>,
    %swap3A_103 = arith.constant 800 : index
    %swap3A_104 = tpu.vector_load %arg5[%swap3A_103] {strides = array<i32>} : memref<4096xi32, #tpu.memory_space<vmem>>, vector<16xi32>,
    tpu.vector_store %arg5[%swap3A_103], %broadcast_in_dim3A_1 {strides = array<i32>} : memref<4096xi32, #tpu.memory_space<vmem>>, vector<16xi32>,
    %swap3A_105 = arith.constant 816 : index
    %swap3A_106 = tpu.vector_load %arg5[%swap3A_105] {strides = array<i32>} : memref<4096xi32, #tpu.memory_space<vmem>>, vector<16xi32>,
    tpu.vector_store %arg5[%swap3A_105], %broadcast_in_dim3A_1 {strides = array<i32>} : memref<4096xi32, #tpu.memory_space<vmem>>, vector<16xi32>,
    %swap3A_107 = arith.constant 832 : index
    %swap3A_108 = tpu.vector_load %arg5[%swap3A_107] {strides = array<i32>} : memref<4096xi32, #tpu.memory_space<vmem>>, vector<16xi32>,
    tpu.vector_store %arg5[%swap3A_107], %broadcast_in_dim3A_1 {strides = array<i32>} : memref<4096xi32, #tpu.memory_space<vmem>>, vector<16xi32>,
    %swap3A_109 = arith.constant 848 : index
    %swap3A_110 = tpu.vector_load %arg5[%swap3A_109] {strides = array<i32>} : memref<4096xi32, #tpu.memory_space<vmem>>, vector<16xi32>,
    tpu.vector_store %arg5[%swap3A_109], %broadcast_in_dim3A_1 {strides = array<i32>} : memref<4096xi32, #tpu.memory_space<vmem>>, vector<16xi32>,
    %swap3A_111 = arith.constant 864 : index
    %swap3A_112 = tpu.vector_load %arg5[%swap3A_111] {strides = array<i32>} : memref<4096xi32, #tpu.memory_space<vmem>>, vector<16xi32>,
    tpu.vector_store %arg5[%swap3A_111], %broadcast_in_dim3A_1 {strides = array<i32>} : memref<4096xi32, #tpu.memory_space<vmem>>, vector<16xi32>,
    %swap3A_113 = arith.constant 880 : index
    %swap3A_114 = tpu.vector_load %arg5[%swap3A_113] {strides = array<i32>} : memref<4096xi32, #tpu.memory_space<vmem>>, vector<16xi32>,
    tpu.vector_store %arg5[%swap3A_113], %broadcast_in_dim3A_1 {strides = array<i32>} : memref<4096xi32, #tpu.memory_space<vmem>>, vector<16xi32>,
    %swap3A_115 = arith.constant 896 : index
    %swap3A_116 = tpu.vector_load %arg5[%swap3A_115] {strides = array<i32>} : memref<4096xi32, #tpu.memory_space<vmem>>, vector<16xi32>,
    tpu.vector_store %arg5[%swap3A_115], %broadcast_in_dim3A_1 {strides = array<i32>} : memref<4096xi32, #tpu.memory_space<vmem>>, vector<16xi32>,
    %swap3A_117 = arith.constant 912 : index
    %swap3A_118 = tpu.vector_load %arg5[%swap3A_117] {strides = array<i32>} : memref<4096xi32, #tpu.memory_space<vmem>>, vector<16xi32>,
    tpu.vector_store %arg5[%swap3A_117], %broadcast_in_dim3A_1 {strides = array<i32>} : memref<4096xi32, #tpu.memory_space<vmem>>, vector<16xi32>,
    %swap3A_119 = arith.constant 928 : index
    %swap3A_120 = tpu.vector_load %arg5[%swap3A_119] {strides = array<i32>} : memref<4096xi32, #tpu.memory_space<vmem>>, vector<16xi32>,
    tpu.vector_store %arg5[%swap3A_119], %broadcast_in_dim3A_1 {strides = array<i32>} : memref<4096xi32, #tpu.memory_space<vmem>>, vector<16xi32>,
    %swap3A_121 = arith.constant 944 : index
    %swap3A_122 = tpu.vector_load %arg5[%swap3A_121] {strides = array<i32>} : memref<4096xi32, #tpu.memory_space<vmem>>, vector<16xi32>,
    tpu.vector_store %arg5[%swap3A_121], %broadcast_in_dim3A_1 {strides = array<i32>} : memref<4096xi32, #tpu.memory_space<vmem>>, vector<16xi32>,
    %swap3A_123 = arith.constant 960 : index
    %swap3A_124 = tpu.vector_load %arg5[%swap3A_123] {strides = array<i32>} : memref<4096xi32, #tpu.memory_space<vmem>>, vector<16xi32>,
    tpu.vector_store %arg5[%swap3A_123], %broadcast_in_dim3A_1 {strides = array<i32>} : memref<4096xi32, #tpu.memory_space<vmem>>, vector<16xi32>,
    %swap3A_125 = arith.constant 976 : index
    %swap3A_126 = tpu.vector_load %arg5[%swap3A_125] {strides = array<i32>} : memref<4096xi32, #tpu.memory_space<vmem>>, vector<16xi32>,
    tpu.vector_store %arg5[%swap3A_125], %broadcast_in_dim3A_1 {strides = array<i32>} : memref<4096xi32, #tpu.memory_space<vmem>>, vector<16xi32>,
    %swap3A_127 = arith.constant 992 : index
    %swap3A_128 = tpu.vector_load %arg5[%swap3A_127] {strides = array<i32>} : memref<4096xi32, #tpu.memory_space<vmem>>, vector<16xi32>,
    tpu.vector_store %arg5[%swap3A_127], %broadcast_in_dim3A_1 {strides = array<i32>} : memref<4096xi32, #tpu.memory_space<vmem>>, vector<16xi32>,
    %swap3A_129 = arith.constant 1008 : index
    %swap3A_130 = tpu.vector_load %arg5[%swap3A_129] {strides = array<i32>} : memref<4096xi32, #tpu.memory_space<vmem>>, vector<16xi32>,
    tpu.vector_store %arg5[%swap3A_129], %broadcast_in_dim3A_1 {strides = array<i32>} : memref<4096xi32, #tpu.memory_space<vmem>>, vector<16xi32>,
    %swap3A_131 = arith.constant 1024 : index
    %swap3A_132 = tpu.vector_load %arg5[%swap3A_131] {strides = array<i32>} : memref<4096xi32, #tpu.memory_space<vmem>>, vector<16xi32>,
    tpu.vector_store %arg5[%swap3A_131], %broadcast_in_dim3A_1 {strides = array<i32>} : memref<4096xi32, #tpu.memory_space<vmem>>, vector<16xi32>,
    %swap3A_133 = arith.constant 1040 : index
    %swap3A_134 = tpu.vector_load %arg5[%swap3A_133] {strides = array<i32>} : memref<4096xi32, #tpu.memory_space<vmem>>, vector<16xi32>,
    tpu.vector_store %arg5[%swap3A_133], %broadcast_in_dim3A_1 {strides = array<i32>} : memref<4096xi32, #tpu.memory_space<vmem>>, vector<16xi32>,
    %swap3A_135 = arith.constant 1056 : index
    %swap3A_136 = tpu.vector_load %arg5[%swap3A_135] {strides = array<i32>} : memref<4096xi32, #tpu.memory_space<vmem>>, vector<16xi32>,
    tpu.vector_store %arg5[%swap3A_135], %broadcast_in_dim3A_1 {strides = array<i32>} : memref<4096xi32, #tpu.memory_space<vmem>>, vector<16xi32>,
    %swap3A_137 = arith.constant 1072 : index
    %swap3A_138 = tpu.vector_load %arg5[%swap3A_137] {strides = array<i32>} : memref<4096xi32, #tpu.memory_space<vmem>>, vector<16xi32>,
    tpu.vector_store %arg5[%swap3A_137], %broadcast_in_dim3A_1 {strides = array<i32>} : memref<4096xi32, #tpu.memory_space<vmem>>, vector<16xi32>,
    %swap3A_139 = arith.constant 1088 : index
    %swap3A_140 = tpu.vector_load %arg5[%swap3A_139] {strides = array<i32>} : memref<4096xi32, #tpu.memory_space<vmem>>, vector<16xi32>,
    tpu.vector_store %arg5[%swap3A_139], %broadcast_in_dim3A_1 {strides = array<i32>} : memref<4096xi32, #tpu.memory_space<vmem>>, vector<16xi32>,
    %swap3A_141 = arith.constant 1104 : index
    %swap3A_142 = tpu.vector_load %arg5[%swap3A_141] {strides = array<i32>} : memref<4096xi32, #tpu.memory_space<vmem>>, vector<16xi32>,
    tpu.vector_store %arg5[%swap3A_141], %broadcast_in_dim3A_1 {strides = array<i32>} : memref<4096xi32, #tpu.memory_space<vmem>>, vector<16xi32>,
    %swap3A_143 = arith.constant 1120 : index
    %swap3A_144 = tpu.vector_load %arg5[%swap3A_143] {strides = array<i32>} : memref<4096xi32, #tpu.memory_space<vmem>>, vector<16xi32>,
    tpu.vector_store %arg5[%swap3A_143], %broadcast_in_dim3A_1 {strides = array<i32>} : memref<4096xi32, #tpu.memory_space<vmem>>, vector<16xi32>,
    %swap3A_145 = arith.constant 1136 : index
    %swap3A_146 = tpu.vector_load %arg5[%swap3A_145] {strides = array<i32>} : memref<4096xi32, #tpu.memory_space<vmem>>, vector<16xi32>,
    tpu.vector_store %arg5[%swap3A_145], %broadcast_in_dim3A_1 {strides = array<i32>} : memref<4096xi32, #tpu.memory_space<vmem>>, vector<16xi32>,
    %swap3A_147 = arith.constant 1152 : index
    %swap3A_148 = tpu.vector_load %arg5[%swap3A_147] {strides = array<i32>} : memref<4096xi32, #tpu.memory_space<vmem>>, vector<16xi32>,
    tpu.vector_store %arg5[%swap3A_147], %broadcast_in_dim3A_1 {strides = array<i32>} : memref<4096xi32, #tpu.memory_space<vmem>>, vector<16xi32>,
    %swap3A_149 = arith.constant 1168 : index
    %swap3A_150 = tpu.vector_load %arg5[%swap3A_149] {strides = array<i32>} : memref<4096xi32, #tpu.memory_space<vmem>>, vector<16xi32>,
    tpu.vector_store %arg5[%swap3A_149], %broadcast_in_dim3A_1 {strides = array<i32>} : memref<4096xi32, #tpu.memory_space<vmem>>, vector<16xi32>,
    %swap3A_151 = arith.constant 1184 : index
    %swap3A_152 = tpu.vector_load %arg5[%swap3A_151] {strides = array<i32>} : memref<4096xi32, #tpu.memory_space<vmem>>, vector<16xi32>,
    tpu.vector_store %arg5[%swap3A_151], %broadcast_in_dim3A_1 {strides = array<i32>} : memref<4096xi32, #tpu.memory_space<vmem>>, vector<16xi32>,
    %swap3A_153 = arith.constant 1200 : index
    %swap3A_154 = tpu.vector_load %arg5[%swap3A_153] {strides = array<i32>} : memref<4096xi32, #tpu.memory_space<vmem>>, vector<16xi32>,
    tpu.vector_store %arg5[%swap3A_153], %broadcast_in_dim3A_1 {strides = array<i32>} : memref<4096xi32, #tpu.memory_space<vmem>>, vector<16xi32>,
    %swap3A_155 = arith.constant 1216 : index
    %swap3A_156 = tpu.vector_load %arg5[%swap3A_155] {strides = array<i32>} : memref<4096xi32, #tpu.memory_space<vmem>>, vector<16xi32>,
    tpu.vector_store %arg5[%swap3A_155], %broadcast_in_dim3A_1 {strides = array<i32>} : memref<4096xi32, #tpu.memory_space<vmem>>, vector<16xi32>,
    %swap3A_157 = arith.constant 1232 : index
    %swap3A_158 = tpu.vector_load %arg5[%swap3A_157] {strides = array<i32>} : memref<4096xi32, #tpu.memory_space<vmem>>, vector<16xi32>,
    tpu.vector_store %arg5[%swap3A_157], %broadcast_in_dim3A_1 {strides = array<i32>} : memref<4096xi32, #tpu.memory_space<vmem>>, vector<16xi32>,
    %swap3A_159 = arith.constant 1248 : index
    %swap3A_160 = tpu.vector_load %arg5[%swap3A_159] {strides = array<i32>} : memref<4096xi32, #tpu.memory_space<vmem>>, vector<16xi32>,
    tpu.vector_store %arg5[%swap3A_159], %broadcast_in_dim3A_1 {strides = array<i32>} : memref<4096xi32, #tpu.memory_space<vmem>>, vector<16xi32>,
    %swap3A_161 = arith.constant 1264 : index
    %swap3A_162 = tpu.vector_load %arg5[%swap3A_161] {strides = array<i32>} : memref<4096xi32, #tpu.memory_space<vmem>>, vector<16xi32>,
    tpu.vector_store %arg5[%swap3A_161], %broadcast_in_dim3A_1 {strides = array<i32>} : memref<4096xi32, #tpu.memory_space<vmem>>, vector<16xi32>,
    %swap3A_163 = arith.constant 1280 : index
    %swap3A_164 = tpu.vector_load %arg5[%swap3A_163] {strides = array<i32>} : memref<4096xi32, #tpu.memory_space<vmem>>, vector<16xi32>,
    tpu.vector_store %arg5[%swap3A_163], %broadcast_in_dim3A_1 {strides = array<i32>} : memref<4096xi32, #tpu.memory_space<vmem>>, vector<16xi32>,
    %swap3A_165 = arith.constant 1296 : index
    %swap3A_166 = tpu.vector_load %arg5[%swap3A_165] {strides = array<i32>} : memref<4096xi32, #tpu.memory_space<vmem>>, vector<16xi32>,
    tpu.vector_store %arg5[%swap3A_165], %broadcast_in_dim3A_1 {strides = array<i32>} : memref<4096xi32, #tpu.memory_space<vmem>>, vector<16xi32>,
    %swap3A_167 = arith.constant 1312 : index
    %swap3A_168 = tpu.vector_load %arg5[%swap3A_167] {strides = array<i32>} : memref<4096xi32, #tpu.memory_space<vmem>>, vector<16xi32>,
    tpu.vector_store %arg5[%swap3A_167], %broadcast_in_dim3A_1 {strides = array<i32>} : memref<4096xi32, #tpu.memory_space<vmem>>, vector<16xi32>,
    %swap3A_169 = arith.constant 1328 : index
    %swap3A_170 = tpu.vector_load %arg5[%swap3A_169] {strides = array<i32>} : memref<4096xi32, #tpu.memory_space<vmem>>, vector<16xi32>,
    tpu.vector_store %arg5[%swap3A_169], %broadcast_in_dim3A_1 {strides = array<i32>} : memref<4096xi32, #tpu.memory_space<vmem>>, vector<16xi32>,
    %swap3A_171 = arith.constant 1344 : index
    %swap3A_172 = tpu.vector_load %arg5[%swap3A_171] {strides = array<i32>} : memref<4096xi32, #tpu.memory_space<vmem>>, vector<16xi32>,
    tpu.vector_store %arg5[%swap3A_171], %broadcast_in_dim3A_1 {strides = array<i32>} : memref<4096xi32, #tpu.memory_space<vmem>>, vector<16xi32>,
    %swap3A_173 = arith.constant 1360 : index
    %swap3A_174 = tpu.vector_load %arg5[%swap3A_173] {strides = array<i32>} : memref<4096xi32, #tpu.memory_space<vmem>>, vector<16xi32>,
    tpu.vector_store %arg5[%swap3A_173], %broadcast_in_dim3A_1 {strides = array<i32>} : memref<4096xi32, #tpu.memory_space<vmem>>, vector<16xi32>,
    %swap3A_175 = arith.constant 1376 : index
    %swap3A_176 = tpu.vector_load %arg5[%swap3A_175] {strides = array<i32>} : memref<4096xi32, #tpu.memory_space<vmem>>, vector<16xi32>,
    tpu.vector_store %arg5[%swap3A_175], %broadcast_in_dim3A_1 {strides = array<i32>} : memref<4096xi32, #tpu.memory_space<vmem>>, vector<16xi32>,
    %swap3A_177 = arith.constant 1392 : index
    %swap3A_178 = tpu.vector_load %arg5[%swap3A_177] {strides = array<i32>} : memref<4096xi32, #tpu.memory_space<vmem>>, vector<16xi32>,
    tpu.vector_store %arg5[%swap3A_177], %broadcast_in_dim3A_1 {strides = array<i32>} : memref<4096xi32, #tpu.memory_space<vmem>>, vector<16xi32>,
    %swap3A_179 = arith.constant 1408 : index
    %swap3A_180 = tpu.vector_load %arg5[%swap3A_179] {strides = array<i32>} : memref<4096xi32, #tpu.memory_space<vmem>>, vector<16xi32>,
    tpu.vector_store %arg5[%swap3A_179], %broadcast_in_dim3A_1 {strides = array<i32>} : memref<4096xi32, #tpu.memory_space<vmem>>, vector<16xi32>,
    %swap3A_181 = arith.constant 1424 : index
    %swap3A_182 = tpu.vector_load %arg5[%swap3A_181] {strides = array<i32>} : memref<4096xi32, #tpu.memory_space<vmem>>, vector<16xi32>,
    tpu.vector_store %arg5[%swap3A_181], %broadcast_in_dim3A_1 {strides = array<i32>} : memref<4096xi32, #tpu.memory_space<vmem>>, vector<16xi32>,
    %swap3A_183 = arith.constant 1440 : index
    %swap3A_184 = tpu.vector_load %arg5[%swap3A_183] {strides = array<i32>} : memref<4096xi32, #tpu.memory_space<vmem>>, vector<16xi32>,
    tpu.vector_store %arg5[%swap3A_183], %broadcast_in_dim3A_1 {strides = array<i32>} : memref<4096xi32, #tpu.memory_space<vmem>>, vector<16xi32>,
    %swap3A_185 = arith.constant 1456 : index
    %swap3A_186 = tpu.vector_load %arg5[%swap3A_185] {strides = array<i32>} : memref<4096xi32, #tpu.memory_space<vmem>>, vector<16xi32>,
    tpu.vector_store %arg5[%swap3A_185], %broadcast_in_dim3A_1 {strides = array<i32>} : memref<4096xi32, #tpu.memory_space<vmem>>, vector<16xi32>,
    %swap3A_187 = arith.constant 1472 : index
    %swap3A_188 = tpu.vector_load %arg5[%swap3A_187] {strides = array<i32>} : memref<4096xi32, #tpu.memory_space<vmem>>, vector<16xi32>,
    tpu.vector_store %arg5[%swap3A_187], %broadcast_in_dim3A_1 {strides = array<i32>} : memref<4096xi32, #tpu.memory_space<vmem>>, vector<16xi32>,
    %swap3A_189 = arith.constant 1488 : index
    %swap3A_190 = tpu.vector_load %arg5[%swap3A_189] {strides = array<i32>} : memref<4096xi32, #tpu.memory_space<vmem>>, vector<16xi32>,
    tpu.vector_store %arg5[%swap3A_189], %broadcast_in_dim3A_1 {strides = array<i32>} : memref<4096xi32, #tpu.memory_space<vmem>>, vector<16xi32>,
    %swap3A_191 = arith.constant 1504 : index
    %swap3A_192 = tpu.vector_load %arg5[%swap3A_191] {strides = array<i32>} : memref<4096xi32, #tpu.memory_space<vmem>>, vector<16xi32>,
    tpu.vector_store %arg5[%swap3A_191], %broadcast_in_dim3A_1 {strides = array<i32>} : memref<4096xi32, #tpu.memory_space<vmem>>, vector<16xi32>,
    %swap3A_193 = arith.constant 1520 : index
    %swap3A_194 = tpu.vector_load %arg5[%swap3A_193] {strides = array<i32>} : memref<4096xi32, #tpu.memory_space<vmem>>, vector<16xi32>,
    tpu.vector_store %arg5[%swap3A_193], %broadcast_in_dim3A_1 {strides = array<i32>} : memref<4096xi32, #tpu.memory_space<vmem>>, vector<16xi32>,
    %swap3A_195 = arith.constant 1536 : index
    %swap3A_196 = tpu.vector_load %arg5[%swap3A_195] {strides = array<i32>} : memref<4096xi32, #tpu.memory_space<vmem>>, vector<16xi32>,
    tpu.vector_store %arg5[%swap3A_195], %broadcast_in_dim3A_1 {strides = array<i32>} : memref<4096xi32, #tpu.memory_space<vmem>>, vector<16xi32>,
    %swap3A_197 = arith.constant 1552 : index
    %swap3A_198 = tpu.vector_load %arg5[%swap3A_197] {strides = array<i32>} : memref<4096xi32, #tpu.memory_space<vmem>>, vector<16xi32>,
    tpu.vector_store %arg5[%swap3A_197], %broadcast_in_dim3A_1 {strides = array<i32>} : memref<4096xi32, #tpu.memory_space<vmem>>, vector<16xi32>,
    %swap3A_199 = arith.constant 1568 : index
    %swap3A_200 = tpu.vector_load %arg5[%swap3A_199] {strides = array<i32>} : memref<4096xi32, #tpu.memory_space<vmem>>, vector<16xi32>,
    tpu.vector_store %arg5[%swap3A_199], %broadcast_in_dim3A_1 {strides = array<i32>} : memref<4096xi32, #tpu.memory_space<vmem>>, vector<16xi32>,
    %swap3A_201 = arith.constant 1584 : index
    %swap3A_202 = tpu.vector_load %arg5[%swap3A_201] {strides = array<i32>} : memref<4096xi32, #tpu.memory_space<vmem>>, vector<16xi32>,
    tpu.vector_store %arg5[%swap3A_201], %broadcast_in_dim3A_1 {strides = array<i32>} : memref<4096xi32, #tpu.memory_space<vmem>>, vector<16xi32>,
    %swap3A_203 = arith.constant 1600 : index
    %swap3A_204 = tpu.vector_load %arg5[%swap3A_203] {strides = array<i32>} : memref<4096xi32, #tpu.memory_space<vmem>>, vector<16xi32>,
    tpu.vector_store %arg5[%swap3A_203], %broadcast_in_dim3A_1 {strides = array<i32>} : memref<4096xi32, #tpu.memory_space<vmem>>, vector<16xi32>,
    %swap3A_205 = arith.constant 1616 : index
    %swap3A_206 = tpu.vector_load %arg5[%swap3A_205] {strides = array<i32>} : memref<4096xi32, #tpu.memory_space<vmem>>, vector<16xi32>,
    tpu.vector_store %arg5[%swap3A_205], %broadcast_in_dim3A_1 {strides = array<i32>} : memref<4096xi32, #tpu.memory_space<vmem>>, vector<16xi32>,
    %swap3A_207 = arith.constant 1632 : index
    %swap3A_208 = tpu.vector_load %arg5[%swap3A_207] {strides = array<i32>} : memref<4096xi32, #tpu.memory_space<vmem>>, vector<16xi32>,
    tpu.vector_store %arg5[%swap3A_207], %broadcast_in_dim3A_1 {strides = array<i32>} : memref<4096xi32, #tpu.memory_space<vmem>>, vector<16xi32>,
    %swap3A_209 = arith.constant 1648 : index
    %swap3A_210 = tpu.vector_load %arg5[%swap3A_209] {strides = array<i32>} : memref<4096xi32, #tpu.memory_space<vmem>>, vector<16xi32>,
    tpu.vector_store %arg5[%swap3A_209], %broadcast_in_dim3A_1 {strides = array<i32>} : memref<4096xi32, #tpu.memory_space<vmem>>, vector<16xi32>,
    %swap3A_211 = arith.constant 1664 : index
    %swap3A_212 = tpu.vector_load %arg5[%swap3A_211] {strides = array<i32>} : memref<4096xi32, #tpu.memory_space<vmem>>, vector<16xi32>,
    tpu.vector_store %arg5[%swap3A_211], %broadcast_in_dim3A_1 {strides = array<i32>} : memref<4096xi32, #tpu.memory_space<vmem>>, vector<16xi32>,
    %swap3A_213 = arith.constant 1680 : index
    %swap3A_214 = tpu.vector_load %arg5[%swap3A_213] {strides = array<i32>} : memref<4096xi32, #tpu.memory_space<vmem>>, vector<16xi32>,
    tpu.vector_store %arg5[%swap3A_213], %broadcast_in_dim3A_1 {strides = array<i32>} : memref<4096xi32, #tpu.memory_space<vmem>>, vector<16xi32>,
    %swap3A_215 = arith.constant 1696 : index
    %swap3A_216 = tpu.vector_load %arg5[%swap3A_215] {strides = array<i32>} : memref<4096xi32, #tpu.memory_space<vmem>>, vector<16xi32>,
    tpu.vector_store %arg5[%swap3A_215], %broadcast_in_dim3A_1 {strides = array<i32>} : memref<4096xi32, #tpu.memory_space<vmem>>, vector<16xi32>,
    %swap3A_217 = arith.constant 1712 : index
    %swap3A_218 = tpu.vector_load %arg5[%swap3A_217] {strides = array<i32>} : memref<4096xi32, #tpu.memory_space<vmem>>, vector<16xi32>,
    tpu.vector_store %arg5[%swap3A_217], %broadcast_in_dim3A_1 {strides = array<i32>} : memref<4096xi32, #tpu.memory_space<vmem>>, vector<16xi32>,
    %swap3A_219 = arith.constant 1728 : index
    %swap3A_220 = tpu.vector_load %arg5[%swap3A_219] {strides = array<i32>} : memref<4096xi32, #tpu.memory_space<vmem>>, vector<16xi32>,
    tpu.vector_store %arg5[%swap3A_219], %broadcast_in_dim3A_1 {strides = array<i32>} : memref<4096xi32, #tpu.memory_space<vmem>>, vector<16xi32>,
    %swap3A_221 = arith.constant 1744 : index
    %swap3A_222 = tpu.vector_load %arg5[%swap3A_221] {strides = array<i32>} : memref<4096xi32, #tpu.memory_space<vmem>>, vector<16xi32>,
    tpu.vector_store %arg5[%swap3A_221], %broadcast_in_dim3A_1 {strides = array<i32>} : memref<4096xi32, #tpu.memory_space<vmem>>, vector<16xi32>,
    %swap3A_223 = arith.constant 1760 : index
    %swap3A_224 = tpu.vector_load %arg5[%swap3A_223] {strides = array<i32>} : memref<4096xi32, #tpu.memory_space<vmem>>, vector<16xi32>,
    tpu.vector_store %arg5[%swap3A_223], %broadcast_in_dim3A_1 {strides = array<i32>} : memref<4096xi32, #tpu.memory_space<vmem>>, vector<16xi32>,
    %swap3A_225 = arith.constant 1776 : index
    %swap3A_226 = tpu.vector_load %arg5[%swap3A_225] {strides = array<i32>} : memref<4096xi32, #tpu.memory_space<vmem>>, vector<16xi32>,
    tpu.vector_store %arg5[%swap3A_225], %broadcast_in_dim3A_1 {strides = array<i32>} : memref<4096xi32, #tpu.memory_space<vmem>>, vector<16xi32>,
    %swap3A_227 = arith.constant 1792 : index
    %swap3A_228 = tpu.vector_load %arg5[%swap3A_227] {strides = array<i32>} : memref<4096xi32, #tpu.memory_space<vmem>>, vector<16xi32>,
    tpu.vector_store %arg5[%swap3A_227], %broadcast_in_dim3A_1 {strides = array<i32>} : memref<4096xi32, #tpu.memory_space<vmem>>, vector<16xi32>,
    %swap3A_229 = arith.constant 1808 : index
    %swap3A_230 = tpu.vector_load %arg5[%swap3A_229] {strides = array<i32>} : memref<4096xi32, #tpu.memory_space<vmem>>, vector<16xi32>,
    tpu.vector_store %arg5[%swap3A_229], %broadcast_in_dim3A_1 {strides = array<i32>} : memref<4096xi32, #tpu.memory_space<vmem>>, vector<16xi32>,
    %swap3A_231 = arith.constant 1824 : index
    %swap3A_232 = tpu.vector_load %arg5[%swap3A_231] {strides = array<i32>} : memref<4096xi32, #tpu.memory_space<vmem>>, vector<16xi32>,
    tpu.vector_store %arg5[%swap3A_231], %broadcast_in_dim3A_1 {strides = array<i32>} : memref<4096xi32, #tpu.memory_space<vmem>>, vector<16xi32>,
    %swap3A_233 = arith.constant 1840 : index
    %swap3A_234 = tpu.vector_load %arg5[%swap3A_233] {strides = array<i32>} : memref<4096xi32, #tpu.memory_space<vmem>>, vector<16xi32>,
    tpu.vector_store %arg5[%swap3A_233], %broadcast_in_dim3A_1 {strides = array<i32>} : memref<4096xi32, #tpu.memory_space<vmem>>, vector<16xi32>,
    %swap3A_235 = arith.constant 1856 : index
    %swap3A_236 = tpu.vector_load %arg5[%swap3A_235] {strides = array<i32>} : memref<4096xi32, #tpu.memory_space<vmem>>, vector<16xi32>,
    tpu.vector_store %arg5[%swap3A_235], %broadcast_in_dim3A_1 {strides = array<i32>} : memref<4096xi32, #tpu.memory_space<vmem>>, vector<16xi32>,
    %swap3A_237 = arith.constant 1872 : index
    %swap3A_238 = tpu.vector_load %arg5[%swap3A_237] {strides = array<i32>} : memref<4096xi32, #tpu.memory_space<vmem>>, vector<16xi32>,
    tpu.vector_store %arg5[%swap3A_237], %broadcast_in_dim3A_1 {strides = array<i32>} : memref<4096xi32, #tpu.memory_space<vmem>>, vector<16xi32>,
    %swap3A_239 = arith.constant 1888 : index
    %swap3A_240 = tpu.vector_load %arg5[%swap3A_239] {strides = array<i32>} : memref<4096xi32, #tpu.memory_space<vmem>>, vector<16xi32>,
    tpu.vector_store %arg5[%swap3A_239], %broadcast_in_dim3A_1 {strides = array<i32>} : memref<4096xi32, #tpu.memory_space<vmem>>, vector<16xi32>,
    %swap3A_241 = arith.constant 1904 : index
    %swap3A_242 = tpu.vector_load %arg5[%swap3A_241] {strides = array<i32>} : memref<4096xi32, #tpu.memory_space<vmem>>, vector<16xi32>,
    tpu.vector_store %arg5[%swap3A_241], %broadcast_in_dim3A_1 {strides = array<i32>} : memref<4096xi32, #tpu.memory_space<vmem>>, vector<16xi32>,
    %swap3A_243 = arith.constant 1920 : index
    %swap3A_244 = tpu.vector_load %arg5[%swap3A_243] {strides = array<i32>} : memref<4096xi32, #tpu.memory_space<vmem>>, vector<16xi32>,
    tpu.vector_store %arg5[%swap3A_243], %broadcast_in_dim3A_1 {strides = array<i32>} : memref<4096xi32, #tpu.memory_space<vmem>>, vector<16xi32>,
    %swap3A_245 = arith.constant 1936 : index
    %swap3A_246 = tpu.vector_load %arg5[%swap3A_245] {strides = array<i32>} : memref<4096xi32, #tpu.memory_space<vmem>>, vector<16xi32>,
    tpu.vector_store %arg5[%swap3A_245], %broadcast_in_dim3A_1 {strides = array<i32>} : memref<4096xi32, #tpu.memory_space<vmem>>, vector<16xi32>,
    %swap3A_247 = arith.constant 1952 : index
    %swap3A_248 = tpu.vector_load %arg5[%swap3A_247] {strides = array<i32>} : memref<4096xi32, #tpu.memory_space<vmem>>, vector<16xi32>,
    tpu.vector_store %arg5[%swap3A_247], %broadcast_in_dim3A_1 {strides = array<i32>} : memref<4096xi32, #tpu.memory_space<vmem>>, vector<16xi32>,
    %swap3A_249 = arith.constant 1968 : index
    %swap3A_250 = tpu.vector_load %arg5[%swap3A_249] {strides = array<i32>} : memref<4096xi32, #tpu.memory_space<vmem>>, vector<16xi32>,
    tpu.vector_store %arg5[%swap3A_249], %broadcast_in_dim3A_1 {strides = array<i32>} : memref<4096xi32, #tpu.memory_space<vmem>>, vector<16xi32>,
    %swap3A_251 = arith.constant 1984 : index
    %swap3A_252 = tpu.vector_load %arg5[%swap3A_251] {strides = array<i32>} : memref<4096xi32, #tpu.memory_space<vmem>>, vector<16xi32>,
    tpu.vector_store %arg5[%swap3A_251], %broadcast_in_dim3A_1 {strides = array<i32>} : memref<4096xi32, #tpu.memory_space<vmem>>, vector<16xi32>,
    %swap3A_253 = arith.constant 2000 : index
    %swap3A_254 = tpu.vector_load %arg5[%swap3A_253] {strides = array<i32>} : memref<4096xi32, #tpu.memory_space<vmem>>, vector<16xi32>,
    tpu.vector_store %arg5[%swap3A_253], %broadcast_in_dim3A_1 {strides = array<i32>} : memref<4096xi32, #tpu.memory_space<vmem>>, vector<16xi32>,
    %swap3A_255 = arith.constant 2016 : index
    %swap3A_256 = tpu.vector_load %arg5[%swap3A_255] {strides = array<i32>} : memref<4096xi32, #tpu.memory_space<vmem>>, vector<16xi32>,
    tpu.vector_store %arg5[%swap3A_255], %broadcast_in_dim3A_1 {strides = array<i32>} : memref<4096xi32, #tpu.memory_space<vmem>>, vector<16xi32>,
    %swap3A_257 = arith.constant 2032 : index
    %swap3A_258 = tpu.vector_load %arg5[%swap3A_257] {strides = array<i32>} : memref<4096xi32, #tpu.memory_space<vmem>>, vector<16xi32>,
    tpu.vector_store %arg5[%swap3A_257], %broadcast_in_dim3A_1 {strides = array<i32>} : memref<4096xi32, #tpu.memory_space<vmem>>, vector<16xi32>,
    %swap3A_259 = arith.constant 2048 : index
    %swap3A_260 = tpu.vector_load %arg5[%swap3A_259] {strides = array<i32>} : memref<4096xi32, #tpu.memory_space<vmem>>, vector<16xi32>,
    tpu.vector_store %arg5[%swap3A_259], %broadcast_in_dim3A_1 {strides = array<i32>} : memref<4096xi32, #tpu.memory_space<vmem>>, vector<16xi32>,
    %swap3A_261 = arith.constant 2064 : index
    %swap3A_262 = tpu.vector_load %arg5[%swap3A_261] {strides = array<i32>} : memref<4096xi32, #tpu.memory_space<vmem>>, vector<16xi32>,
    tpu.vector_store %arg5[%swap3A_261], %broadcast_in_dim3A_1 {strides = array<i32>} : memref<4096xi32, #tpu.memory_space<vmem>>, vector<16xi32>,
    %swap3A_263 = arith.constant 2080 : index
    %swap3A_264 = tpu.vector_load %arg5[%swap3A_263] {strides = array<i32>} : memref<4096xi32, #tpu.memory_space<vmem>>, vector<16xi32>,
    tpu.vector_store %arg5[%swap3A_263], %broadcast_in_dim3A_1 {strides = array<i32>} : memref<4096xi32, #tpu.memory_space<vmem>>, vector<16xi32>,
    %swap3A_265 = arith.constant 2096 : index
    %swap3A_266 = tpu.vector_load %arg5[%swap3A_265] {strides = array<i32>} : memref<4096xi32, #tpu.memory_space<vmem>>, vector<16xi32>,
    tpu.vector_store %arg5[%swap3A_265], %broadcast_in_dim3A_1 {strides = array<i32>} : memref<4096xi32, #tpu.memory_space<vmem>>, vector<16xi32>,
    %swap3A_267 = arith.constant 2112 : index
    %swap3A_268 = tpu.vector_load %arg5[%swap3A_267] {strides = array<i32>} : memref<4096xi32, #tpu.memory_space<vmem>>, vector<16xi32>,
    tpu.vector_store %arg5[%swap3A_267], %broadcast_in_dim3A_1 {strides = array<i32>} : memref<4096xi32, #tpu.memory_space<vmem>>, vector<16xi32>,
    %swap3A_269 = arith.constant 2128 : index
    %swap3A_270 = tpu.vector_load %arg5[%swap3A_269] {strides = array<i32>} : memref<4096xi32, #tpu.memory_space<vmem>>, vector<16xi32>,
    tpu.vector_store %arg5[%swap3A_269], %broadcast_in_dim3A_1 {strides = array<i32>} : memref<4096xi32, #tpu.memory_space<vmem>>, vector<16xi32>,
    %swap3A_271 = arith.constant 2144 : index
    %swap3A_272 = tpu.vector_load %arg5[%swap3A_271] {strides = array<i32>} : memref<4096xi32, #tpu.memory_space<vmem>>, vector<16xi32>,
    tpu.vector_store %arg5[%swap3A_271], %broadcast_in_dim3A_1 {strides = array<i32>} : memref<4096xi32, #tpu.memory_space<vmem>>, vector<16xi32>,
    %swap3A_273 = arith.constant 2160 : index
    %swap3A_274 = tpu.vector_load %arg5[%swap3A_273] {strides = array<i32>} : memref<4096xi32, #tpu.memory_space<vmem>>, vector<16xi32>,
    tpu.vector_store %arg5[%swap3A_273], %broadcast_in_dim3A_1 {strides = array<i32>} : memref<4096xi32, #tpu.memory_space<vmem>>, vector<16xi32>,
    %swap3A_275 = arith.constant 2176 : index
    %swap3A_276 = tpu.vector_load %arg5[%swap3A_275] {strides = array<i32>} : memref<4096xi32, #tpu.memory_space<vmem>>, vector<16xi32>,
    tpu.vector_store %arg5[%swap3A_275], %broadcast_in_dim3A_1 {strides = array<i32>} : memref<4096xi32, #tpu.memory_space<vmem>>, vector<16xi32>,
    %swap3A_277 = arith.constant 2192 : index
    %swap3A_278 = tpu.vector_load %arg5[%swap3A_277] {strides = array<i32>} : memref<4096xi32, #tpu.memory_space<vmem>>, vector<16xi32>,
    tpu.vector_store %arg5[%swap3A_277], %broadcast_in_dim3A_1 {strides = array<i32>} : memref<4096xi32, #tpu.memory_space<vmem>>, vector<16xi32>,
    %swap3A_279 = arith.constant 2208 : index
    %swap3A_280 = tpu.vector_load %arg5[%swap3A_279] {strides = array<i32>} : memref<4096xi32, #tpu.memory_space<vmem>>, vector<16xi32>,
    tpu.vector_store %arg5[%swap3A_279], %broadcast_in_dim3A_1 {strides = array<i32>} : memref<4096xi32, #tpu.memory_space<vmem>>, vector<16xi32>,
    %swap3A_281 = arith.constant 2224 : index
    %swap3A_282 = tpu.vector_load %arg5[%swap3A_281] {strides = array<i32>} : memref<4096xi32, #tpu.memory_space<vmem>>, vector<16xi32>,
    tpu.vector_store %arg5[%swap3A_281], %broadcast_in_dim3A_1 {strides = array<i32>} : memref<4096xi32, #tpu.memory_space<vmem>>, vector<16xi32>,
    %swap3A_283 = arith.constant 2240 : index
    %swap3A_284 = tpu.vector_load %arg5[%swap3A_283] {strides = array<i32>} : memref<4096xi32, #tpu.memory_space<vmem>>, vector<16xi32>,
    tpu.vector_store %arg5[%swap3A_283], %broadcast_in_dim3A_1 {strides = array<i32>} : memref<4096xi32, #tpu.memory_space<vmem>>, vector<16xi32>,
    %swap3A_285 = arith.constant 2256 : index
    %swap3A_286 = tpu.vector_load %arg5[%swap3A_285] {strides = array<i32>} : memref<4096xi32, #tpu.memory_space<vmem>>, vector<16xi32>,
    tpu.vector_store %arg5[%swap3A_285], %broadcast_in_dim3A_1 {strides = array<i32>} : memref<4096xi32, #tpu.memory_space<vmem>>, vector<16xi32>,
    %swap3A_287 = arith.constant 2272 : index
    %swap3A_288 = tpu.vector_load %arg5[%swap3A_287] {strides = array<i32>} : memref<4096xi32, #tpu.memory_space<vmem>>, vector<16xi32>,
    tpu.vector_store %arg5[%swap3A_287], %broadcast_in_dim3A_1 {strides = array<i32>} : memref<4096xi32, #tpu.memory_space<vmem>>, vector<16xi32>,
    %swap3A_289 = arith.constant 2288 : index
    %swap3A_290 = tpu.vector_load %arg5[%swap3A_289] {strides = array<i32>} : memref<4096xi32, #tpu.memory_space<vmem>>, vector<16xi32>,
    tpu.vector_store %arg5[%swap3A_289], %broadcast_in_dim3A_1 {strides = array<i32>} : memref<4096xi32, #tpu.memory_space<vmem>>, vector<16xi32>,
    %swap3A_291 = arith.constant 2304 : index
    %swap3A_292 = tpu.vector_load %arg5[%swap3A_291] {strides = array<i32>} : memref<4096xi32, #tpu.memory_space<vmem>>, vector<16xi32>,
    tpu.vector_store %arg5[%swap3A_291], %broadcast_in_dim3A_1 {strides = array<i32>} : memref<4096xi32, #tpu.memory_space<vmem>>, vector<16xi32>,
    %swap3A_293 = arith.constant 2320 : index
    %swap3A_294 = tpu.vector_load %arg5[%swap3A_293] {strides = array<i32>} : memref<4096xi32, #tpu.memory_space<vmem>>, vector<16xi32>,
    tpu.vector_store %arg5[%swap3A_293], %broadcast_in_dim3A_1 {strides = array<i32>} : memref<4096xi32, #tpu.memory_space<vmem>>, vector<16xi32>,
    %swap3A_295 = arith.constant 2336 : index
    %swap3A_296 = tpu.vector_load %arg5[%swap3A_295] {strides = array<i32>} : memref<4096xi32, #tpu.memory_space<vmem>>, vector<16xi32>,
    tpu.vector_store %arg5[%swap3A_295], %broadcast_in_dim3A_1 {strides = array<i32>} : memref<4096xi32, #tpu.memory_space<vmem>>, vector<16xi32>,
    %swap3A_297 = arith.constant 2352 : index
    %swap3A_298 = tpu.vector_load %arg5[%swap3A_297] {strides = array<i32>} : memref<4096xi32, #tpu.memory_space<vmem>>, vector<16xi32>,
    tpu.vector_store %arg5[%swap3A_297], %broadcast_in_dim3A_1 {strides = array<i32>} : memref<4096xi32, #tpu.memory_space<vmem>>, vector<16xi32>,
    %swap3A_299 = arith.constant 2368 : index
    %swap3A_300 = tpu.vector_load %arg5[%swap3A_299] {strides = array<i32>} : memref<4096xi32, #tpu.memory_space<vmem>>, vector<16xi32>,
    tpu.vector_store %arg5[%swap3A_299], %broadcast_in_dim3A_1 {strides = array<i32>} : memref<4096xi32, #tpu.memory_space<vmem>>, vector<16xi32>,
    %swap3A_301 = arith.constant 2384 : index
    %swap3A_302 = tpu.vector_load %arg5[%swap3A_301] {strides = array<i32>} : memref<4096xi32, #tpu.memory_space<vmem>>, vector<16xi32>,
    tpu.vector_store %arg5[%swap3A_301], %broadcast_in_dim3A_1 {strides = array<i32>} : memref<4096xi32, #tpu.memory_space<vmem>>, vector<16xi32>,
    %swap3A_303 = arith.constant 2400 : index
    %swap3A_304 = tpu.vector_load %arg5[%swap3A_303] {strides = array<i32>} : memref<4096xi32, #tpu.memory_space<vmem>>, vector<16xi32>,
    tpu.vector_store %arg5[%swap3A_303], %broadcast_in_dim3A_1 {strides = array<i32>} : memref<4096xi32, #tpu.memory_space<vmem>>, vector<16xi32>,
    %swap3A_305 = arith.constant 2416 : index
    %swap3A_306 = tpu.vector_load %arg5[%swap3A_305] {strides = array<i32>} : memref<4096xi32, #tpu.memory_space<vmem>>, vector<16xi32>,
    tpu.vector_store %arg5[%swap3A_305], %broadcast_in_dim3A_1 {strides = array<i32>} : memref<4096xi32, #tpu.memory_space<vmem>>, vector<16xi32>,
    %swap3A_307 = arith.constant 2432 : index
    %swap3A_308 = tpu.vector_load %arg5[%swap3A_307] {strides = array<i32>} : memref<4096xi32, #tpu.memory_space<vmem>>, vector<16xi32>,
    tpu.vector_store %arg5[%swap3A_307], %broadcast_in_dim3A_1 {strides = array<i32>} : memref<4096xi32, #tpu.memory_space<vmem>>, vector<16xi32>,
    %swap3A_309 = arith.constant 2448 : index
    %swap3A_310 = tpu.vector_load %arg5[%swap3A_309] {strides = array<i32>} : memref<4096xi32, #tpu.memory_space<vmem>>, vector<16xi32>,
    tpu.vector_store %arg5[%swap3A_309], %broadcast_in_dim3A_1 {strides = array<i32>} : memref<4096xi32, #tpu.memory_space<vmem>>, vector<16xi32>,
    %swap3A_311 = arith.constant 2464 : index
    %swap3A_312 = tpu.vector_load %arg5[%swap3A_311] {strides = array<i32>} : memref<4096xi32, #tpu.memory_space<vmem>>, vector<16xi32>,
    tpu.vector_store %arg5[%swap3A_311], %broadcast_in_dim3A_1 {strides = array<i32>} : memref<4096xi32, #tpu.memory_space<vmem>>, vector<16xi32>,
    %swap3A_313 = arith.constant 2480 : index
    %swap3A_314 = tpu.vector_load %arg5[%swap3A_313] {strides = array<i32>} : memref<4096xi32, #tpu.memory_space<vmem>>, vector<16xi32>,
    tpu.vector_store %arg5[%swap3A_313], %broadcast_in_dim3A_1 {strides = array<i32>} : memref<4096xi32, #tpu.memory_space<vmem>>, vector<16xi32>,
    %swap3A_315 = arith.constant 2496 : index
    %swap3A_316 = tpu.vector_load %arg5[%swap3A_315] {strides = array<i32>} : memref<4096xi32, #tpu.memory_space<vmem>>, vector<16xi32>,
    tpu.vector_store %arg5[%swap3A_315], %broadcast_in_dim3A_1 {strides = array<i32>} : memref<4096xi32, #tpu.memory_space<vmem>>, vector<16xi32>,
    %swap3A_317 = arith.constant 2512 : index
    %swap3A_318 = tpu.vector_load %arg5[%swap3A_317] {strides = array<i32>} : memref<4096xi32, #tpu.memory_space<vmem>>, vector<16xi32>,
    tpu.vector_store %arg5[%swap3A_317], %broadcast_in_dim3A_1 {strides = array<i32>} : memref<4096xi32, #tpu.memory_space<vmem>>, vector<16xi32>,
    %swap3A_319 = arith.constant 2528 : index
    %swap3A_320 = tpu.vector_load %arg5[%swap3A_319] {strides = array<i32>} : memref<4096xi32, #tpu.memory_space<vmem>>, vector<16xi32>,
    tpu.vector_store %arg5[%swap3A_319], %broadcast_in_dim3A_1 {strides = array<i32>} : memref<4096xi32, #tpu.memory_space<vmem>>, vector<16xi32>,
    %swap3A_321 = arith.constant 2544 : index
    %swap3A_322 = tpu.vector_load %arg5[%swap3A_321] {strides = array<i32>} : memref<4096xi32, #tpu.memory_space<vmem>>, vector<16xi32>,
    tpu.vector_store %arg5[%swap3A_321], %broadcast_in_dim3A_1 {strides = array<i32>} : memref<4096xi32, #tpu.memory_space<vmem>>, vector<16xi32>,
    %swap3A_323 = arith.constant 2560 : index
    %swap3A_324 = tpu.vector_load %arg5[%swap3A_323] {strides = array<i32>} : memref<4096xi32, #tpu.memory_space<vmem>>, vector<16xi32>,
    tpu.vector_store %arg5[%swap3A_323], %broadcast_in_dim3A_1 {strides = array<i32>} : memref<4096xi32, #tpu.memory_space<vmem>>, vector<16xi32>,
    %swap3A_325 = arith.constant 2576 : index
    %swap3A_326 = tpu.vector_load %arg5[%swap3A_325] {strides = array<i32>} : memref<4096xi32, #tpu.memory_space<vmem>>, vector<16xi32>,
    tpu.vector_store %arg5[%swap3A_325], %broadcast_in_dim3A_1 {strides = array<i32>} : memref<4096xi32, #tpu.memory_space<vmem>>, vector<16xi32>,
    %swap3A_327 = arith.constant 2592 : index
    %swap3A_328 = tpu.vector_load %arg5[%swap3A_327] {strides = array<i32>} : memref<4096xi32, #tpu.memory_space<vmem>>, vector<16xi32>,
    tpu.vector_store %arg5[%swap3A_327], %broadcast_in_dim3A_1 {strides = array<i32>} : memref<4096xi32, #tpu.memory_space<vmem>>, vector<16xi32>,
    %swap3A_329 = arith.constant 2608 : index
    %swap3A_330 = tpu.vector_load %arg5[%swap3A_329] {strides = array<i32>} : memref<4096xi32, #tpu.memory_space<vmem>>, vector<16xi32>,
    tpu.vector_store %arg5[%swap3A_329], %broadcast_in_dim3A_1 {strides = array<i32>} : memref<4096xi32, #tpu.memory_space<vmem>>, vector<16xi32>,
    %swap3A_331 = arith.constant 2624 : index
    %swap3A_332 = tpu.vector_load %arg5[%swap3A_331] {strides = array<i32>} : memref<4096xi32, #tpu.memory_space<vmem>>, vector<16xi32>,
    tpu.vector_store %arg5[%swap3A_331], %broadcast_in_dim3A_1 {strides = array<i32>} : memref<4096xi32, #tpu.memory_space<vmem>>, vector<16xi32>,
    %swap3A_333 = arith.constant 2640 : index
    %swap3A_334 = tpu.vector_load %arg5[%swap3A_333] {strides = array<i32>} : memref<4096xi32, #tpu.memory_space<vmem>>, vector<16xi32>,
    tpu.vector_store %arg5[%swap3A_333], %broadcast_in_dim3A_1 {strides = array<i32>} : memref<4096xi32, #tpu.memory_space<vmem>>, vector<16xi32>,
    %swap3A_335 = arith.constant 2656 : index
    %swap3A_336 = tpu.vector_load %arg5[%swap3A_335] {strides = array<i32>} : memref<4096xi32, #tpu.memory_space<vmem>>, vector<16xi32>,
    tpu.vector_store %arg5[%swap3A_335], %broadcast_in_dim3A_1 {strides = array<i32>} : memref<4096xi32, #tpu.memory_space<vmem>>, vector<16xi32>,
    %swap3A_337 = arith.constant 2672 : index
    %swap3A_338 = tpu.vector_load %arg5[%swap3A_337] {strides = array<i32>} : memref<4096xi32, #tpu.memory_space<vmem>>, vector<16xi32>,
    tpu.vector_store %arg5[%swap3A_337], %broadcast_in_dim3A_1 {strides = array<i32>} : memref<4096xi32, #tpu.memory_space<vmem>>, vector<16xi32>,
    %swap3A_339 = arith.constant 2688 : index
    %swap3A_340 = tpu.vector_load %arg5[%swap3A_339] {strides = array<i32>} : memref<4096xi32, #tpu.memory_space<vmem>>, vector<16xi32>,
    tpu.vector_store %arg5[%swap3A_339], %broadcast_in_dim3A_1 {strides = array<i32>} : memref<4096xi32, #tpu.memory_space<vmem>>, vector<16xi32>,
    %swap3A_341 = arith.constant 2704 : index
    %swap3A_342 = tpu.vector_load %arg5[%swap3A_341] {strides = array<i32>} : memref<4096xi32, #tpu.memory_space<vmem>>, vector<16xi32>,
    tpu.vector_store %arg5[%swap3A_341], %broadcast_in_dim3A_1 {strides = array<i32>} : memref<4096xi32, #tpu.memory_space<vmem>>, vector<16xi32>,
    %swap3A_343 = arith.constant 2720 : index
    %swap3A_344 = tpu.vector_load %arg5[%swap3A_343] {strides = array<i32>} : memref<4096xi32, #tpu.memory_space<vmem>>, vector<16xi32>,
    tpu.vector_store %arg5[%swap3A_343], %broadcast_in_dim3A_1 {strides = array<i32>} : memref<4096xi32, #tpu.memory_space<vmem>>, vector<16xi32>,
    %swap3A_345 = arith.constant 2736 : index
    %swap3A_346 = tpu.vector_load %arg5[%swap3A_345] {strides = array<i32>} : memref<4096xi32, #tpu.memory_space<vmem>>, vector<16xi32>,
    tpu.vector_store %arg5[%swap3A_345], %broadcast_in_dim3A_1 {strides = array<i32>} : memref<4096xi32, #tpu.memory_space<vmem>>, vector<16xi32>,
    %swap3A_347 = arith.constant 2752 : index
    %swap3A_348 = tpu.vector_load %arg5[%swap3A_347] {strides = array<i32>} : memref<4096xi32, #tpu.memory_space<vmem>>, vector<16xi32>,
    tpu.vector_store %arg5[%swap3A_347], %broadcast_in_dim3A_1 {strides = array<i32>} : memref<4096xi32, #tpu.memory_space<vmem>>, vector<16xi32>,
    %swap3A_349 = arith.constant 2768 : index
    %swap3A_350 = tpu.vector_load %arg5[%swap3A_349] {strides = array<i32>} : memref<4096xi32, #tpu.memory_space<vmem>>, vector<16xi32>,
    tpu.vector_store %arg5[%swap3A_349], %broadcast_in_dim3A_1 {strides = array<i32>} : memref<4096xi32, #tpu.memory_space<vmem>>, vector<16xi32>,
    %swap3A_351 = arith.constant 2784 : index
    %swap3A_352 = tpu.vector_load %arg5[%swap3A_351] {strides = array<i32>} : memref<4096xi32, #tpu.memory_space<vmem>>, vector<16xi32>,
    tpu.vector_store %arg5[%swap3A_351], %broadcast_in_dim3A_1 {strides = array<i32>} : memref<4096xi32, #tpu.memory_space<vmem>>, vector<16xi32>,
    %swap3A_353 = arith.constant 2800 : index
    %swap3A_354 = tpu.vector_load %arg5[%swap3A_353] {strides = array<i32>} : memref<4096xi32, #tpu.memory_space<vmem>>, vector<16xi32>,
    tpu.vector_store %arg5[%swap3A_353], %broadcast_in_dim3A_1 {strides = array<i32>} : memref<4096xi32, #tpu.memory_space<vmem>>, vector<16xi32>,
    %swap3A_355 = arith.constant 2816 : index
    %swap3A_356 = tpu.vector_load %arg5[%swap3A_355] {strides = array<i32>} : memref<4096xi32, #tpu.memory_space<vmem>>, vector<16xi32>,
    tpu.vector_store %arg5[%swap3A_355], %broadcast_in_dim3A_1 {strides = array<i32>} : memref<4096xi32, #tpu.memory_space<vmem>>, vector<16xi32>,
    %swap3A_357 = arith.constant 2832 : index
    %swap3A_358 = tpu.vector_load %arg5[%swap3A_357] {strides = array<i32>} : memref<4096xi32, #tpu.memory_space<vmem>>, vector<16xi32>,
    tpu.vector_store %arg5[%swap3A_357], %broadcast_in_dim3A_1 {strides = array<i32>} : memref<4096xi32, #tpu.memory_space<vmem>>, vector<16xi32>,
    %swap3A_359 = arith.constant 2848 : index
    %swap3A_360 = tpu.vector_load %arg5[%swap3A_359] {strides = array<i32>} : memref<4096xi32, #tpu.memory_space<vmem>>, vector<16xi32>,
    tpu.vector_store %arg5[%swap3A_359], %broadcast_in_dim3A_1 {strides = array<i32>} : memref<4096xi32, #tpu.memory_space<vmem>>, vector<16xi32>,
    %swap3A_361 = arith.constant 2864 : index
    %swap3A_362 = tpu.vector_load %arg5[%swap3A_361] {strides = array<i32>} : memref<4096xi32, #tpu.memory_space<vmem>>, vector<16xi32>,
    tpu.vector_store %arg5[%swap3A_361], %broadcast_in_dim3A_1 {strides = array<i32>} : memref<4096xi32, #tpu.memory_space<vmem>>, vector<16xi32>,
    %swap3A_363 = arith.constant 2880 : index
    %swap3A_364 = tpu.vector_load %arg5[%swap3A_363] {strides = array<i32>} : memref<4096xi32, #tpu.memory_space<vmem>>, vector<16xi32>,
    tpu.vector_store %arg5[%swap3A_363], %broadcast_in_dim3A_1 {strides = array<i32>} : memref<4096xi32, #tpu.memory_space<vmem>>, vector<16xi32>,
    %swap3A_365 = arith.constant 2896 : index
    %swap3A_366 = tpu.vector_load %arg5[%swap3A_365] {strides = array<i32>} : memref<4096xi32, #tpu.memory_space<vmem>>, vector<16xi32>,
    tpu.vector_store %arg5[%swap3A_365], %broadcast_in_dim3A_1 {strides = array<i32>} : memref<4096xi32, #tpu.memory_space<vmem>>, vector<16xi32>,
    %swap3A_367 = arith.constant 2912 : index
    %swap3A_368 = tpu.vector_load %arg5[%swap3A_367] {strides = array<i32>} : memref<4096xi32, #tpu.memory_space<vmem>>, vector<16xi32>,
    tpu.vector_store %arg5[%swap3A_367], %broadcast_in_dim3A_1 {strides = array<i32>} : memref<4096xi32, #tpu.memory_space<vmem>>, vector<16xi32>,
    %swap3A_369 = arith.constant 2928 : index
    %swap3A_370 = tpu.vector_load %arg5[%swap3A_369] {strides = array<i32>} : memref<4096xi32, #tpu.memory_space<vmem>>, vector<16xi32>,
    tpu.vector_store %arg5[%swap3A_369], %broadcast_in_dim3A_1 {strides = array<i32>} : memref<4096xi32, #tpu.memory_space<vmem>>, vector<16xi32>,
    %swap3A_371 = arith.constant 2944 : index
    %swap3A_372 = tpu.vector_load %arg5[%swap3A_371] {strides = array<i32>} : memref<4096xi32, #tpu.memory_space<vmem>>, vector<16xi32>,
    tpu.vector_store %arg5[%swap3A_371], %broadcast_in_dim3A_1 {strides = array<i32>} : memref<4096xi32, #tpu.memory_space<vmem>>, vector<16xi32>,
    %swap3A_373 = arith.constant 2960 : index
    %swap3A_374 = tpu.vector_load %arg5[%swap3A_373] {strides = array<i32>} : memref<4096xi32, #tpu.memory_space<vmem>>, vector<16xi32>,
    tpu.vector_store %arg5[%swap3A_373], %broadcast_in_dim3A_1 {strides = array<i32>} : memref<4096xi32, #tpu.memory_space<vmem>>, vector<16xi32>,
    %swap3A_375 = arith.constant 2976 : index
    %swap3A_376 = tpu.vector_load %arg5[%swap3A_375] {strides = array<i32>} : memref<4096xi32, #tpu.memory_space<vmem>>, vector<16xi32>,
    tpu.vector_store %arg5[%swap3A_375], %broadcast_in_dim3A_1 {strides = array<i32>} : memref<4096xi32, #tpu.memory_space<vmem>>, vector<16xi32>,
    %swap3A_377 = arith.constant 2992 : index
    %swap3A_378 = tpu.vector_load %arg5[%swap3A_377] {strides = array<i32>} : memref<4096xi32, #tpu.memory_space<vmem>>, vector<16xi32>,
    tpu.vector_store %arg5[%swap3A_377], %broadcast_in_dim3A_1 {strides = array<i32>} : memref<4096xi32, #tpu.memory_space<vmem>>, vector<16xi32>,
    %swap3A_379 = arith.constant 3008 : index
    %swap3A_380 = tpu.vector_load %arg5[%swap3A_379] {strides = array<i32>} : memref<4096xi32, #tpu.memory_space<vmem>>, vector<16xi32>,
    tpu.vector_store %arg5[%swap3A_379], %broadcast_in_dim3A_1 {strides = array<i32>} : memref<4096xi32, #tpu.memory_space<vmem>>, vector<16xi32>,
    %swap3A_381 = arith.constant 3024 : index
    %swap3A_382 = tpu.vector_load %arg5[%swap3A_381] {strides = array<i32>} : memref<4096xi32, #tpu.memory_space<vmem>>, vector<16xi32>,
    tpu.vector_store %arg5[%swap3A_381], %broadcast_in_dim3A_1 {strides = array<i32>} : memref<4096xi32, #tpu.memory_space<vmem>>, vector<16xi32>,
    %swap3A_383 = arith.constant 3040 : index
    %swap3A_384 = tpu.vector_load %arg5[%swap3A_383] {strides = array<i32>} : memref<4096xi32, #tpu.memory_space<vmem>>, vector<16xi32>,
    tpu.vector_store %arg5[%swap3A_383], %broadcast_in_dim3A_1 {strides = array<i32>} : memref<4096xi32, #tpu.memory_space<vmem>>, vector<16xi32>,
    %swap3A_385 = arith.constant 3056 : index
    %swap3A_386 = tpu.vector_load %arg5[%swap3A_385] {strides = array<i32>} : memref<4096xi32, #tpu.memory_space<vmem>>, vector<16xi32>,
    tpu.vector_store %arg5[%swap3A_385], %broadcast_in_dim3A_1 {strides = array<i32>} : memref<4096xi32, #tpu.memory_space<vmem>>, vector<16xi32>,
    %swap3A_387 = arith.constant 3072 : index
    %swap3A_388 = tpu.vector_load %arg5[%swap3A_387] {strides = array<i32>} : memref<4096xi32, #tpu.memory_space<vmem>>, vector<16xi32>,
    tpu.vector_store %arg5[%swap3A_387], %broadcast_in_dim3A_1 {strides = array<i32>} : memref<4096xi32, #tpu.memory_space<vmem>>, vector<16xi32>,
    %swap3A_389 = arith.constant 3088 : index
    %swap3A_390 = tpu.vector_load %arg5[%swap3A_389] {strides = array<i32>} : memref<4096xi32, #tpu.memory_space<vmem>>, vector<16xi32>,
    tpu.vector_store %arg5[%swap3A_389], %broadcast_in_dim3A_1 {strides = array<i32>} : memref<4096xi32, #tpu.memory_space<vmem>>, vector<16xi32>,
    %swap3A_391 = arith.constant 3104 : index
    %swap3A_392 = tpu.vector_load %arg5[%swap3A_391] {strides = array<i32>} : memref<4096xi32, #tpu.memory_space<vmem>>, vector<16xi32>,
    tpu.vector_store %arg5[%swap3A_391], %broadcast_in_dim3A_1 {strides = array<i32>} : memref<4096xi32, #tpu.memory_space<vmem>>, vector<16xi32>,
    %swap3A_393 = arith.constant 3120 : index
    %swap3A_394 = tpu.vector_load %arg5[%swap3A_393] {strides = array<i32>} : memref<4096xi32, #tpu.memory_space<vmem>>, vector<16xi32>,
    tpu.vector_store %arg5[%swap3A_393], %broadcast_in_dim3A_1 {strides = array<i32>} : memref<4096xi32, #tpu.memory_space<vmem>>, vector<16xi32>,
    %swap3A_395 = arith.constant 3136 : index
    %swap3A_396 = tpu.vector_load %arg5[%swap3A_395] {strides = array<i32>} : memref<4096xi32, #tpu.memory_space<vmem>>, vector<16xi32>,
    tpu.vector_store %arg5[%swap3A_395], %broadcast_in_dim3A_1 {strides = array<i32>} : memref<4096xi32, #tpu.memory_space<vmem>>, vector<16xi32>,
    %swap3A_397 = arith.constant 3152 : index
    %swap3A_398 = tpu.vector_load %arg5[%swap3A_397] {strides = array<i32>} : memref<4096xi32, #tpu.memory_space<vmem>>, vector<16xi32>,
    tpu.vector_store %arg5[%swap3A_397], %broadcast_in_dim3A_1 {strides = array<i32>} : memref<4096xi32, #tpu.memory_space<vmem>>, vector<16xi32>,
    %swap3A_399 = arith.constant 3168 : index
    %swap3A_400 = tpu.vector_load %arg5[%swap3A_399] {strides = array<i32>} : memref<4096xi32, #tpu.memory_space<vmem>>, vector<16xi32>,
    tpu.vector_store %arg5[%swap3A_399], %broadcast_in_dim3A_1 {strides = array<i32>} : memref<4096xi32, #tpu.memory_space<vmem>>, vector<16xi32>,
    %swap3A_401 = arith.constant 3184 : index
    %swap3A_402 = tpu.vector_load %arg5[%swap3A_401] {strides = array<i32>} : memref<4096xi32, #tpu.memory_space<vmem>>, vector<16xi32>,
    tpu.vector_store %arg5[%swap3A_401], %broadcast_in_dim3A_1 {strides = array<i32>} : memref<4096xi32, #tpu.memory_space<vmem>>, vector<16xi32>,
    %swap3A_403 = arith.constant 3200 : index
    %swap3A_404 = tpu.vector_load %arg5[%swap3A_403] {strides = array<i32>} : memref<4096xi32, #tpu.memory_space<vmem>>, vector<16xi32>,
    tpu.vector_store %arg5[%swap3A_403], %broadcast_in_dim3A_1 {strides = array<i32>} : memref<4096xi32, #tpu.memory_space<vmem>>, vector<16xi32>,
    %swap3A_405 = arith.constant 3216 : index
    %swap3A_406 = tpu.vector_load %arg5[%swap3A_405] {strides = array<i32>} : memref<4096xi32, #tpu.memory_space<vmem>>, vector<16xi32>,
    tpu.vector_store %arg5[%swap3A_405], %broadcast_in_dim3A_1 {strides = array<i32>} : memref<4096xi32, #tpu.memory_space<vmem>>, vector<16xi32>,
    %swap3A_407 = arith.constant 3232 : index
    %swap3A_408 = tpu.vector_load %arg5[%swap3A_407] {strides = array<i32>} : memref<4096xi32, #tpu.memory_space<vmem>>, vector<16xi32>,
    tpu.vector_store %arg5[%swap3A_407], %broadcast_in_dim3A_1 {strides = array<i32>} : memref<4096xi32, #tpu.memory_space<vmem>>, vector<16xi32>,
    %swap3A_409 = arith.constant 3248 : index
    %swap3A_410 = tpu.vector_load %arg5[%swap3A_409] {strides = array<i32>} : memref<4096xi32, #tpu.memory_space<vmem>>, vector<16xi32>,
    tpu.vector_store %arg5[%swap3A_409], %broadcast_in_dim3A_1 {strides = array<i32>} : memref<4096xi32, #tpu.memory_space<vmem>>, vector<16xi32>,
    %swap3A_411 = arith.constant 3264 : index
    %swap3A_412 = tpu.vector_load %arg5[%swap3A_411] {strides = array<i32>} : memref<4096xi32, #tpu.memory_space<vmem>>, vector<16xi32>,
    tpu.vector_store %arg5[%swap3A_411], %broadcast_in_dim3A_1 {strides = array<i32>} : memref<4096xi32, #tpu.memory_space<vmem>>, vector<16xi32>,
    %swap3A_413 = arith.constant 3280 : index
    %swap3A_414 = tpu.vector_load %arg5[%swap3A_413] {strides = array<i32>} : memref<4096xi32, #tpu.memory_space<vmem>>, vector<16xi32>,
    tpu.vector_store %arg5[%swap3A_413], %broadcast_in_dim3A_1 {strides = array<i32>} : memref<4096xi32, #tpu.memory_space<vmem>>, vector<16xi32>,
    %swap3A_415 = arith.constant 3296 : index
    %swap3A_416 = tpu.vector_load %arg5[%swap3A_415] {strides = array<i32>} : memref<4096xi32, #tpu.memory_space<vmem>>, vector<16xi32>,
    tpu.vector_store %arg5[%swap3A_415], %broadcast_in_dim3A_1 {strides = array<i32>} : memref<4096xi32, #tpu.memory_space<vmem>>, vector<16xi32>,
    %swap3A_417 = arith.constant 3312 : index
    %swap3A_418 = tpu.vector_load %arg5[%swap3A_417] {strides = array<i32>} : memref<4096xi32, #tpu.memory_space<vmem>>, vector<16xi32>,
    tpu.vector_store %arg5[%swap3A_417], %broadcast_in_dim3A_1 {strides = array<i32>} : memref<4096xi32, #tpu.memory_space<vmem>>, vector<16xi32>,
    %swap3A_419 = arith.constant 3328 : index
    %swap3A_420 = tpu.vector_load %arg5[%swap3A_419] {strides = array<i32>} : memref<4096xi32, #tpu.memory_space<vmem>>, vector<16xi32>,
    tpu.vector_store %arg5[%swap3A_419], %broadcast_in_dim3A_1 {strides = array<i32>} : memref<4096xi32, #tpu.memory_space<vmem>>, vector<16xi32>,
    %swap3A_421 = arith.constant 3344 : index
    %swap3A_422 = tpu.vector_load %arg5[%swap3A_421] {strides = array<i32>} : memref<4096xi32, #tpu.memory_space<vmem>>, vector<16xi32>,
    tpu.vector_store %arg5[%swap3A_421], %broadcast_in_dim3A_1 {strides = array<i32>} : memref<4096xi32, #tpu.memory_space<vmem>>, vector<16xi32>,
    %swap3A_423 = arith.constant 3360 : index
    %swap3A_424 = tpu.vector_load %arg5[%swap3A_423] {strides = array<i32>} : memref<4096xi32, #tpu.memory_space<vmem>>, vector<16xi32>,
    tpu.vector_store %arg5[%swap3A_423], %broadcast_in_dim3A_1 {strides = array<i32>} : memref<4096xi32, #tpu.memory_space<vmem>>, vector<16xi32>,
    %swap3A_425 = arith.constant 3376 : index
    %swap3A_426 = tpu.vector_load %arg5[%swap3A_425] {strides = array<i32>} : memref<4096xi32, #tpu.memory_space<vmem>>, vector<16xi32>,
    tpu.vector_store %arg5[%swap3A_425], %broadcast_in_dim3A_1 {strides = array<i32>} : memref<4096xi32, #tpu.memory_space<vmem>>, vector<16xi32>,
    %swap3A_427 = arith.constant 3392 : index
    %swap3A_428 = tpu.vector_load %arg5[%swap3A_427] {strides = array<i32>} : memref<4096xi32, #tpu.memory_space<vmem>>, vector<16xi32>,
    tpu.vector_store %arg5[%swap3A_427], %broadcast_in_dim3A_1 {strides = array<i32>} : memref<4096xi32, #tpu.memory_space<vmem>>, vector<16xi32>,
    %swap3A_429 = arith.constant 3408 : index
    %swap3A_430 = tpu.vector_load %arg5[%swap3A_429] {strides = array<i32>} : memref<4096xi32, #tpu.memory_space<vmem>>, vector<16xi32>,
    tpu.vector_store %arg5[%swap3A_429], %broadcast_in_dim3A_1 {strides = array<i32>} : memref<4096xi32, #tpu.memory_space<vmem>>, vector<16xi32>,
    %swap3A_431 = arith.constant 3424 : index
    %swap3A_432 = tpu.vector_load %arg5[%swap3A_431] {strides = array<i32>} : memref<4096xi32, #tpu.memory_space<vmem>>, vector<16xi32>,
    tpu.vector_store %arg5[%swap3A_431], %broadcast_in_dim3A_1 {strides = array<i32>} : memref<4096xi32, #tpu.memory_space<vmem>>, vector<16xi32>,
    %swap3A_433 = arith.constant 3440 : index
    %swap3A_434 = tpu.vector_load %arg5[%swap3A_433] {strides = array<i32>} : memref<4096xi32, #tpu.memory_space<vmem>>, vector<16xi32>,
    tpu.vector_store %arg5[%swap3A_433], %broadcast_in_dim3A_1 {strides = array<i32>} : memref<4096xi32, #tpu.memory_space<vmem>>, vector<16xi32>,
    %swap3A_435 = arith.constant 3456 : index
    %swap3A_436 = tpu.vector_load %arg5[%swap3A_435] {strides = array<i32>} : memref<4096xi32, #tpu.memory_space<vmem>>, vector<16xi32>,
    tpu.vector_store %arg5[%swap3A_435], %broadcast_in_dim3A_1 {strides = array<i32>} : memref<4096xi32, #tpu.memory_space<vmem>>, vector<16xi32>,
    %swap3A_437 = arith.constant 3472 : index
    %swap3A_438 = tpu.vector_load %arg5[%swap3A_437] {strides = array<i32>} : memref<4096xi32, #tpu.memory_space<vmem>>, vector<16xi32>,
    tpu.vector_store %arg5[%swap3A_437], %broadcast_in_dim3A_1 {strides = array<i32>} : memref<4096xi32, #tpu.memory_space<vmem>>, vector<16xi32>,
    %swap3A_439 = arith.constant 3488 : index
    %swap3A_440 = tpu.vector_load %arg5[%swap3A_439] {strides = array<i32>} : memref<4096xi32, #tpu.memory_space<vmem>>, vector<16xi32>,
    tpu.vector_store %arg5[%swap3A_439], %broadcast_in_dim3A_1 {strides = array<i32>} : memref<4096xi32, #tpu.memory_space<vmem>>, vector<16xi32>,
    %swap3A_441 = arith.constant 3504 : index
    %swap3A_442 = tpu.vector_load %arg5[%swap3A_441] {strides = array<i32>} : memref<4096xi32, #tpu.memory_space<vmem>>, vector<16xi32>,
    tpu.vector_store %arg5[%swap3A_441], %broadcast_in_dim3A_1 {strides = array<i32>} : memref<4096xi32, #tpu.memory_space<vmem>>, vector<16xi32>,
    %swap3A_443 = arith.constant 3520 : index
    %swap3A_444 = tpu.vector_load %arg5[%swap3A_443] {strides = array<i32>} : memref<4096xi32, #tpu.memory_space<vmem>>, vector<16xi32>,
    tpu.vector_store %arg5[%swap3A_443], %broadcast_in_dim3A_1 {strides = array<i32>} : memref<4096xi32, #tpu.memory_space<vmem>>, vector<16xi32>,
    %swap3A_445 = arith.constant 3536 : index
    %swap3A_446 = tpu.vector_load %arg5[%swap3A_445] {strides = array<i32>} : memref<4096xi32, #tpu.memory_space<vmem>>, vector<16xi32>,
    tpu.vector_store %arg5[%swap3A_445], %broadcast_in_dim3A_1 {strides = array<i32>} : memref<4096xi32, #tpu.memory_space<vmem>>, vector<16xi32>,
    %swap3A_447 = arith.constant 3552 : index
    %swap3A_448 = tpu.vector_load %arg5[%swap3A_447] {strides = array<i32>} : memref<4096xi32, #tpu.memory_space<vmem>>, vector<16xi32>,
    tpu.vector_store %arg5[%swap3A_447], %broadcast_in_dim3A_1 {strides = array<i32>} : memref<4096xi32, #tpu.memory_space<vmem>>, vector<16xi32>,
    %swap3A_449 = arith.constant 3568 : index
    %swap3A_450 = tpu.vector_load %arg5[%swap3A_449] {strides = array<i32>} : memref<4096xi32, #tpu.memory_space<vmem>>, vector<16xi32>,
    tpu.vector_store %arg5[%swap3A_449], %broadcast_in_dim3A_1 {strides = array<i32>} : memref<4096xi32, #tpu.memory_space<vmem>>, vector<16xi32>,
    %swap3A_451 = arith.constant 3584 : index
    %swap3A_452 = tpu.vector_load %arg5[%swap3A_451] {strides = array<i32>} : memref<4096xi32, #tpu.memory_space<vmem>>, vector<16xi32>,
    tpu.vector_store %arg5[%swap3A_451], %broadcast_in_dim3A_1 {strides = array<i32>} : memref<4096xi32, #tpu.memory_space<vmem>>, vector<16xi32>,
    %swap3A_453 = arith.constant 3600 : index
    %swap3A_454 = tpu.vector_load %arg5[%swap3A_453] {strides = array<i32>} : memref<4096xi32, #tpu.memory_space<vmem>>, vector<16xi32>,
    tpu.vector_store %arg5[%swap3A_453], %broadcast_in_dim3A_1 {strides = array<i32>} : memref<4096xi32, #tpu.memory_space<vmem>>, vector<16xi32>,
    %swap3A_455 = arith.constant 3616 : index
    %swap3A_456 = tpu.vector_load %arg5[%swap3A_455] {strides = array<i32>} : memref<4096xi32, #tpu.memory_space<vmem>>, vector<16xi32>,
    tpu.vector_store %arg5[%swap3A_455], %broadcast_in_dim3A_1 {strides = array<i32>} : memref<4096xi32, #tpu.memory_space<vmem>>, vector<16xi32>,
    %swap3A_457 = arith.constant 3632 : index
    %swap3A_458 = tpu.vector_load %arg5[%swap3A_457] {strides = array<i32>} : memref<4096xi32, #tpu.memory_space<vmem>>, vector<16xi32>,
    tpu.vector_store %arg5[%swap3A_457], %broadcast_in_dim3A_1 {strides = array<i32>} : memref<4096xi32, #tpu.memory_space<vmem>>, vector<16xi32>,
    %swap3A_459 = arith.constant 3648 : index
    %swap3A_460 = tpu.vector_load %arg5[%swap3A_459] {strides = array<i32>} : memref<4096xi32, #tpu.memory_space<vmem>>, vector<16xi32>,
    tpu.vector_store %arg5[%swap3A_459], %broadcast_in_dim3A_1 {strides = array<i32>} : memref<4096xi32, #tpu.memory_space<vmem>>, vector<16xi32>,
    %swap3A_461 = arith.constant 3664 : index
    %swap3A_462 = tpu.vector_load %arg5[%swap3A_461] {strides = array<i32>} : memref<4096xi32, #tpu.memory_space<vmem>>, vector<16xi32>,
    tpu.vector_store %arg5[%swap3A_461], %broadcast_in_dim3A_1 {strides = array<i32>} : memref<4096xi32, #tpu.memory_space<vmem>>, vector<16xi32>,
    %swap3A_463 = arith.constant 3680 : index
    %swap3A_464 = tpu.vector_load %arg5[%swap3A_463] {strides = array<i32>} : memref<4096xi32, #tpu.memory_space<vmem>>, vector<16xi32>,
    tpu.vector_store %arg5[%swap3A_463], %broadcast_in_dim3A_1 {strides = array<i32>} : memref<4096xi32, #tpu.memory_space<vmem>>, vector<16xi32>,
    %swap3A_465 = arith.constant 3696 : index
    %swap3A_466 = tpu.vector_load %arg5[%swap3A_465] {strides = array<i32>} : memref<4096xi32, #tpu.memory_space<vmem>>, vector<16xi32>,
    tpu.vector_store %arg5[%swap3A_465], %broadcast_in_dim3A_1 {strides = array<i32>} : memref<4096xi32, #tpu.memory_space<vmem>>, vector<16xi32>,
    %swap3A_467 = arith.constant 3712 : index
    %swap3A_468 = tpu.vector_load %arg5[%swap3A_467] {strides = array<i32>} : memref<4096xi32, #tpu.memory_space<vmem>>, vector<16xi32>,
    tpu.vector_store %arg5[%swap3A_467], %broadcast_in_dim3A_1 {strides = array<i32>} : memref<4096xi32, #tpu.memory_space<vmem>>, vector<16xi32>,
    %swap3A_469 = arith.constant 3728 : index
    %swap3A_470 = tpu.vector_load %arg5[%swap3A_469] {strides = array<i32>} : memref<4096xi32, #tpu.memory_space<vmem>>, vector<16xi32>,
    tpu.vector_store %arg5[%swap3A_469], %broadcast_in_dim3A_1 {strides = array<i32>} : memref<4096xi32, #tpu.memory_space<vmem>>, vector<16xi32>,
    %swap3A_471 = arith.constant 3744 : index
    %swap3A_472 = tpu.vector_load %arg5[%swap3A_471] {strides = array<i32>} : memref<4096xi32, #tpu.memory_space<vmem>>, vector<16xi32>,
    tpu.vector_store %arg5[%swap3A_471], %broadcast_in_dim3A_1 {strides = array<i32>} : memref<4096xi32, #tpu.memory_space<vmem>>, vector<16xi32>,
    %swap3A_473 = arith.constant 3760 : index
    %swap3A_474 = tpu.vector_load %arg5[%swap3A_473] {strides = array<i32>} : memref<4096xi32, #tpu.memory_space<vmem>>, vector<16xi32>,
    tpu.vector_store %arg5[%swap3A_473], %broadcast_in_dim3A_1 {strides = array<i32>} : memref<4096xi32, #tpu.memory_space<vmem>>, vector<16xi32>,
    %swap3A_475 = arith.constant 3776 : index
    %swap3A_476 = tpu.vector_load %arg5[%swap3A_475] {strides = array<i32>} : memref<4096xi32, #tpu.memory_space<vmem>>, vector<16xi32>,
    tpu.vector_store %arg5[%swap3A_475], %broadcast_in_dim3A_1 {strides = array<i32>} : memref<4096xi32, #tpu.memory_space<vmem>>, vector<16xi32>,
    %swap3A_477 = arith.constant 3792 : index
    %swap3A_478 = tpu.vector_load %arg5[%swap3A_477] {strides = array<i32>} : memref<4096xi32, #tpu.memory_space<vmem>>, vector<16xi32>,
    tpu.vector_store %arg5[%swap3A_477], %broadcast_in_dim3A_1 {strides = array<i32>} : memref<4096xi32, #tpu.memory_space<vmem>>, vector<16xi32>,
    %swap3A_479 = arith.constant 3808 : index
    %swap3A_480 = tpu.vector_load %arg5[%swap3A_479] {strides = array<i32>} : memref<4096xi32, #tpu.memory_space<vmem>>, vector<16xi32>,
    tpu.vector_store %arg5[%swap3A_479], %broadcast_in_dim3A_1 {strides = array<i32>} : memref<4096xi32, #tpu.memory_space<vmem>>, vector<16xi32>,
    %swap3A_481 = arith.constant 3824 : index
    %swap3A_482 = tpu.vector_load %arg5[%swap3A_481] {strides = array<i32>} : memref<4096xi32, #tpu.memory_space<vmem>>, vector<16xi32>,
    tpu.vector_store %arg5[%swap3A_481], %broadcast_in_dim3A_1 {strides = array<i32>} : memref<4096xi32, #tpu.memory_space<vmem>>, vector<16xi32>,
    %swap3A_483 = arith.constant 3840 : index
    %swap3A_484 = tpu.vector_load %arg5[%swap3A_483] {strides = array<i32>} : memref<4096xi32, #tpu.memory_space<vmem>>, vector<16xi32>,
    tpu.vector_store %arg5[%swap3A_483], %broadcast_in_dim3A_1 {strides = array<i32>} : memref<4096xi32, #tpu.memory_space<vmem>>, vector<16xi32>,
    %swap3A_485 = arith.constant 3856 : index
    %swap3A_486 = tpu.vector_load %arg5[%swap3A_485] {strides = array<i32>} : memref<4096xi32, #tpu.memory_space<vmem>>, vector<16xi32>,
    tpu.vector_store %arg5[%swap3A_485], %broadcast_in_dim3A_1 {strides = array<i32>} : memref<4096xi32, #tpu.memory_space<vmem>>, vector<16xi32>,
    %swap3A_487 = arith.constant 3872 : index
    %swap3A_488 = tpu.vector_load %arg5[%swap3A_487] {strides = array<i32>} : memref<4096xi32, #tpu.memory_space<vmem>>, vector<16xi32>,
    tpu.vector_store %arg5[%swap3A_487], %broadcast_in_dim3A_1 {strides = array<i32>} : memref<4096xi32, #tpu.memory_space<vmem>>, vector<16xi32>,
    %swap3A_489 = arith.constant 3888 : index
    %swap3A_490 = tpu.vector_load %arg5[%swap3A_489] {strides = array<i32>} : memref<4096xi32, #tpu.memory_space<vmem>>, vector<16xi32>,
    tpu.vector_store %arg5[%swap3A_489], %broadcast_in_dim3A_1 {strides = array<i32>} : memref<4096xi32, #tpu.memory_space<vmem>>, vector<16xi32>,
    %swap3A_491 = arith.constant 3904 : index
    %swap3A_492 = tpu.vector_load %arg5[%swap3A_491] {strides = array<i32>} : memref<4096xi32, #tpu.memory_space<vmem>>, vector<16xi32>,
    tpu.vector_store %arg5[%swap3A_491], %broadcast_in_dim3A_1 {strides = array<i32>} : memref<4096xi32, #tpu.memory_space<vmem>>, vector<16xi32>,
    %swap3A_493 = arith.constant 3920 : index
    %swap3A_494 = tpu.vector_load %arg5[%swap3A_493] {strides = array<i32>} : memref<4096xi32, #tpu.memory_space<vmem>>, vector<16xi32>,
    tpu.vector_store %arg5[%swap3A_493], %broadcast_in_dim3A_1 {strides = array<i32>} : memref<4096xi32, #tpu.memory_space<vmem>>, vector<16xi32>,
    %swap3A_495 = arith.constant 3936 : index
    %swap3A_496 = tpu.vector_load %arg5[%swap3A_495] {strides = array<i32>} : memref<4096xi32, #tpu.memory_space<vmem>>, vector<16xi32>,
    tpu.vector_store %arg5[%swap3A_495], %broadcast_in_dim3A_1 {strides = array<i32>} : memref<4096xi32, #tpu.memory_space<vmem>>, vector<16xi32>,
    %swap3A_497 = arith.constant 3952 : index
    %swap3A_498 = tpu.vector_load %arg5[%swap3A_497] {strides = array<i32>} : memref<4096xi32, #tpu.memory_space<vmem>>, vector<16xi32>,
    tpu.vector_store %arg5[%swap3A_497], %broadcast_in_dim3A_1 {strides = array<i32>} : memref<4096xi32, #tpu.memory_space<vmem>>, vector<16xi32>,
    %swap3A_499 = arith.constant 3968 : index
    %swap3A_500 = tpu.vector_load %arg5[%swap3A_499] {strides = array<i32>} : memref<4096xi32, #tpu.memory_space<vmem>>, vector<16xi32>,
    tpu.vector_store %arg5[%swap3A_499], %broadcast_in_dim3A_1 {strides = array<i32>} : memref<4096xi32, #tpu.memory_space<vmem>>, vector<16xi32>,
    %swap3A_501 = arith.constant 3984 : index
    %swap3A_502 = tpu.vector_load %arg5[%swap3A_501] {strides = array<i32>} : memref<4096xi32, #tpu.memory_space<vmem>>, vector<16xi32>,
    tpu.vector_store %arg5[%swap3A_501], %broadcast_in_dim3A_1 {strides = array<i32>} : memref<4096xi32, #tpu.memory_space<vmem>>, vector<16xi32>,
    %swap3A_503 = arith.constant 4000 : index
    %swap3A_504 = tpu.vector_load %arg5[%swap3A_503] {strides = array<i32>} : memref<4096xi32, #tpu.memory_space<vmem>>, vector<16xi32>,
    tpu.vector_store %arg5[%swap3A_503], %broadcast_in_dim3A_1 {strides = array<i32>} : memref<4096xi32, #tpu.memory_space<vmem>>, vector<16xi32>,
    %swap3A_505 = arith.constant 4016 : index
    %swap3A_506 = tpu.vector_load %arg5[%swap3A_505] {strides = array<i32>} : memref<4096xi32, #tpu.memory_space<vmem>>, vector<16xi32>,
    tpu.vector_store %arg5[%swap3A_505], %broadcast_in_dim3A_1 {strides = array<i32>} : memref<4096xi32, #tpu.memory_space<vmem>>, vector<16xi32>,
    %swap3A_507 = arith.constant 4032 : index
    %swap3A_508 = tpu.vector_load %arg5[%swap3A_507] {strides = array<i32>} : memref<4096xi32, #tpu.memory_space<vmem>>, vector<16xi32>,
    tpu.vector_store %arg5[%swap3A_507], %broadcast_in_dim3A_1 {strides = array<i32>} : memref<4096xi32, #tpu.memory_space<vmem>>, vector<16xi32>,
    %swap3A_509 = arith.constant 4048 : index
    %swap3A_510 = tpu.vector_load %arg5[%swap3A_509] {strides = array<i32>} : memref<4096xi32, #tpu.memory_space<vmem>>, vector<16xi32>,
    tpu.vector_store %arg5[%swap3A_509], %broadcast_in_dim3A_1 {strides = array<i32>} : memref<4096xi32, #tpu.memory_space<vmem>>, vector<16xi32>,
    %swap3A_511 = arith.constant 4064 : index
    %swap3A_512 = tpu.vector_load %arg5[%swap3A_511] {strides = array<i32>} : memref<4096xi32, #tpu.memory_space<vmem>>, vector<16xi32>,
    tpu.vector_store %arg5[%swap3A_511], %broadcast_in_dim3A_1 {strides = array<i32>} : memref<4096xi32, #tpu.memory_space<vmem>>, vector<16xi32>,
    %swap3A_513 = arith.constant 4080 : index
    %swap3A_514 = tpu.vector_load %arg5[%swap3A_513] {strides = array<i32>} : memref<4096xi32, #tpu.memory_space<vmem>>, vector<16xi32>,
    tpu.vector_store %arg5[%swap3A_513], %broadcast_in_dim3A_1 {strides = array<i32>} : memref<4096xi32, #tpu.memory_space<vmem>>, vector<16xi32>,
    %mul3A_515 = arith.constant 32768 : i32
    %mul3A_516 = arith.muli %add3A, %mul3A_515 : i32
    "tpu.region"() ({
      %run_scoped3A = tpu.sem_alloc : memref<!tpu.dma_semaphore, #tpu.memory_space<semaphore_mem>>
      %dma_start3A = tpu.memref_slice %arg2[%mul3A_516] : memref<1048576xi32, #tpu.memory_space<hbm>> -> memref<32768xi32, #tpu.memory_space<hbm>>
      %dma_start3A_522 = tpu.memref_slice %arg2[%mul3A_516] : memref<1048576xi32, #tpu.memory_space<hbm>> -> memref<32768xi32, #tpu.memory_space<hbm>>
      tpu.enqueue_dma source(%dma_start3A_522 : memref<32768xi32, #tpu.memory_space<hbm>>) target(%arg4 : memref<32768xi32, #tpu.memory_space<vmem>>) target_semaphore(%run_scoped3A : memref<!tpu.dma_semaphore, #tpu.memory_space<semaphore_mem>>)
      %dma_wait3A = tpu.memref_slice %arg2[%mul3A_516] : memref<1048576xi32, #tpu.memory_space<hbm>> -> memref<32768xi32, #tpu.memory_space<hbm>>
      %dma_wait3A_523 = tpu.memref_slice %arg2[%mul3A_516] : memref<1048576xi32, #tpu.memory_space<hbm>> -> memref<32768xi32, #tpu.memory_space<hbm>>
      tpu.wait_dma2 semaphore(%run_scoped3A : memref<!tpu.dma_semaphore, #tpu.memory_space<semaphore_mem>>) src(%dma_wait3A_523 : memref<32768xi32, #tpu.memory_space<hbm>>) dst(%arg4 : memref<32768xi32, #tpu.memory_space<vmem>>)
      tpu.yield
    }) : () -> ()
    %scan3A = arith.constant 0 : i32
    %scan3A_517 = arith.constant 0 : i32
    %scan3A_518 = arith.constant 256 : i32
    %scan3A_519 = arith.addi %scan3A_517, %scan3A_518 : i32
    %scan3A_520 = arith.constant 1 : i32
    scf.for %scan3A_522 = %scan3A_517 to %scan3A_519 step %scan3A_520  : i32 {
      %mul3A_523 = arith.constant 128 : i32
      %mul3A_524 = arith.muli %scan3A_522, %mul3A_523 : i32
      %add3A_525 = arith.constant 0 : i32
      %add3A_526 = arith.addi %mul3A_524, %add3A_525 : i32
      %get3A = arith.index_cast %add3A_526 : i32 to index
      %get3A_527 = tpu.vector_load %arg4[%get3A] {strides = array<i32>} : memref<32768xi32, #tpu.memory_space<vmem>>, vector<16xi32>,
      %and3A = arith.constant 65535 : i32
      %and3A_528 = vector.broadcast %and3A : i32 to vector<16xi32>
      %and3A_529 = arith.andi %get3A_527, %and3A_528 : vector<16xi32>
      %shift_right_logical3A = arith.constant 16 : i32
      %shift_right_logical3A_530 = vector.broadcast %shift_right_logical3A : i32 to vector<16xi32>
      %shift_right_logical3A_531 = arith.shrui %get3A_527, %shift_right_logical3A_530 : vector<16xi32>
      %mul3A_532 = arith.constant 256 : i32
      %mul3A_533 = vector.broadcast %mul3A_532 : i32 to vector<16xi32>
      %mul3A_534 = arith.muli %iota3A, %mul3A_533 : vector<16xi32>
      %shift_right_logical3A_535 = arith.constant 7 : i32
      %shift_right_logical3A_536 = vector.broadcast %shift_right_logical3A_535 : i32 to vector<16xi32>
      %shift_right_logical3A_537 = arith.shrui %and3A_529, %shift_right_logical3A_536 : vector<16xi32>
      %add3A_538 = arith.addi %mul3A_534, %shift_right_logical3A_537 : vector<16xi32>
      tpu.vector_store_idx %arg5[%add3A_538], %broadcast_in_dim3A_3 {add = true} : memref<4096xi32, #tpu.memory_space<vmem>>[vector<16xi32>], vector<16xi32>,
      %mul3A_539 = arith.constant 256 : i32
      %mul3A_540 = vector.broadcast %mul3A_539 : i32 to vector<16xi32>
      %mul3A_541 = arith.muli %iota3A, %mul3A_540 : vector<16xi32>
      %shift_right_logical3A_542 = arith.constant 7 : i32
      %shift_right_logical3A_543 = vector.broadcast %shift_right_logical3A_542 : i32 to vector<16xi32>
      %shift_right_logical3A_544 = arith.shrui %shift_right_logical3A_531, %shift_right_logical3A_543 : vector<16xi32>
      %add3A_545 = arith.addi %mul3A_541, %shift_right_logical3A_544 : vector<16xi32>
      tpu.vector_store_idx %arg5[%add3A_545], %broadcast_in_dim3A_3 {add = true} : memref<4096xi32, #tpu.memory_space<vmem>>[vector<16xi32>], vector<16xi32>,
      %mul3A_546 = arith.constant 128 : i32
      %mul3A_547 = arith.muli %scan3A_522, %mul3A_546 : i32
      %add3A_548 = arith.constant 16 : i32
      %add3A_549 = arith.addi %mul3A_547, %add3A_548 : i32
      %get3A_550 = arith.index_cast %add3A_549 : i32 to index
      %get3A_551 = tpu.vector_load %arg4[%get3A_550] {strides = array<i32>} : memref<32768xi32, #tpu.memory_space<vmem>>, vector<16xi32>,
      %and3A_552 = arith.constant 65535 : i32
      %and3A_553 = vector.broadcast %and3A_552 : i32 to vector<16xi32>
      %and3A_554 = arith.andi %get3A_551, %and3A_553 : vector<16xi32>
      %shift_right_logical3A_555 = arith.constant 16 : i32
      %shift_right_logical3A_556 = vector.broadcast %shift_right_logical3A_555 : i32 to vector<16xi32>
      %shift_right_logical3A_557 = arith.shrui %get3A_551, %shift_right_logical3A_556 : vector<16xi32>
      %mul3A_558 = arith.constant 256 : i32
      %mul3A_559 = vector.broadcast %mul3A_558 : i32 to vector<16xi32>
      %mul3A_560 = arith.muli %iota3A, %mul3A_559 : vector<16xi32>
      %shift_right_logical3A_561 = arith.constant 7 : i32
      %shift_right_logical3A_562 = vector.broadcast %shift_right_logical3A_561 : i32 to vector<16xi32>
      %shift_right_logical3A_563 = arith.shrui %and3A_554, %shift_right_logical3A_562 : vector<16xi32>
      %add3A_564 = arith.addi %mul3A_560, %shift_right_logical3A_563 : vector<16xi32>
      tpu.vector_store_idx %arg5[%add3A_564], %broadcast_in_dim3A_3 {add = true} : memref<4096xi32, #tpu.memory_space<vmem>>[vector<16xi32>], vector<16xi32>,
      %mul3A_565 = arith.constant 256 : i32
      %mul3A_566 = vector.broadcast %mul3A_565 : i32 to vector<16xi32>
      %mul3A_567 = arith.muli %iota3A, %mul3A_566 : vector<16xi32>
      %shift_right_logical3A_568 = arith.constant 7 : i32
      %shift_right_logical3A_569 = vector.broadcast %shift_right_logical3A_568 : i32 to vector<16xi32>
      %shift_right_logical3A_570 = arith.shrui %shift_right_logical3A_557, %shift_right_logical3A_569 : vector<16xi32>
      %add3A_571 = arith.addi %mul3A_567, %shift_right_logical3A_570 : vector<16xi32>
      tpu.vector_store_idx %arg5[%add3A_571], %broadcast_in_dim3A_3 {add = true} : memref<4096xi32, #tpu.memory_space<vmem>>[vector<16xi32>], vector<16xi32>,
      %mul3A_572 = arith.constant 128 : i32
      %mul3A_573 = arith.muli %scan3A_522, %mul3A_572 : i32
      %add3A_574 = arith.constant 32 : i32
      %add3A_575 = arith.addi %mul3A_573, %add3A_574 : i32
      %get3A_576 = arith.index_cast %add3A_575 : i32 to index
      %get3A_577 = tpu.vector_load %arg4[%get3A_576] {strides = array<i32>} : memref<32768xi32, #tpu.memory_space<vmem>>, vector<16xi32>,
      %and3A_578 = arith.constant 65535 : i32
      %and3A_579 = vector.broadcast %and3A_578 : i32 to vector<16xi32>
      %and3A_580 = arith.andi %get3A_577, %and3A_579 : vector<16xi32>
      %shift_right_logical3A_581 = arith.constant 16 : i32
      %shift_right_logical3A_582 = vector.broadcast %shift_right_logical3A_581 : i32 to vector<16xi32>
      %shift_right_logical3A_583 = arith.shrui %get3A_577, %shift_right_logical3A_582 : vector<16xi32>
      %mul3A_584 = arith.constant 256 : i32
      %mul3A_585 = vector.broadcast %mul3A_584 : i32 to vector<16xi32>
      %mul3A_586 = arith.muli %iota3A, %mul3A_585 : vector<16xi32>
      %shift_right_logical3A_587 = arith.constant 7 : i32
      %shift_right_logical3A_588 = vector.broadcast %shift_right_logical3A_587 : i32 to vector<16xi32>
      %shift_right_logical3A_589 = arith.shrui %and3A_580, %shift_right_logical3A_588 : vector<16xi32>
      %add3A_590 = arith.addi %mul3A_586, %shift_right_logical3A_589 : vector<16xi32>
      tpu.vector_store_idx %arg5[%add3A_590], %broadcast_in_dim3A_3 {add = true} : memref<4096xi32, #tpu.memory_space<vmem>>[vector<16xi32>], vector<16xi32>,
      %mul3A_591 = arith.constant 256 : i32
      %mul3A_592 = vector.broadcast %mul3A_591 : i32 to vector<16xi32>
      %mul3A_593 = arith.muli %iota3A, %mul3A_592 : vector<16xi32>
      %shift_right_logical3A_594 = arith.constant 7 : i32
      %shift_right_logical3A_595 = vector.broadcast %shift_right_logical3A_594 : i32 to vector<16xi32>
      %shift_right_logical3A_596 = arith.shrui %shift_right_logical3A_583, %shift_right_logical3A_595 : vector<16xi32>
      %add3A_597 = arith.addi %mul3A_593, %shift_right_logical3A_596 : vector<16xi32>
      tpu.vector_store_idx %arg5[%add3A_597], %broadcast_in_dim3A_3 {add = true} : memref<4096xi32, #tpu.memory_space<vmem>>[vector<16xi32>], vector<16xi32>,
      %mul3A_598 = arith.constant 128 : i32
      %mul3A_599 = arith.muli %scan3A_522, %mul3A_598 : i32
      %add3A_600 = arith.constant 48 : i32
      %add3A_601 = arith.addi %mul3A_599, %add3A_600 : i32
      %get3A_602 = arith.index_cast %add3A_601 : i32 to index
      %get3A_603 = tpu.vector_load %arg4[%get3A_602] {strides = array<i32>} : memref<32768xi32, #tpu.memory_space<vmem>>, vector<16xi32>,
      %and3A_604 = arith.constant 65535 : i32
      %and3A_605 = vector.broadcast %and3A_604 : i32 to vector<16xi32>
      %and3A_606 = arith.andi %get3A_603, %and3A_605 : vector<16xi32>
      %shift_right_logical3A_607 = arith.constant 16 : i32
      %shift_right_logical3A_608 = vector.broadcast %shift_right_logical3A_607 : i32 to vector<16xi32>
      %shift_right_logical3A_609 = arith.shrui %get3A_603, %shift_right_logical3A_608 : vector<16xi32>
      %mul3A_610 = arith.constant 256 : i32
      %mul3A_611 = vector.broadcast %mul3A_610 : i32 to vector<16xi32>
      %mul3A_612 = arith.muli %iota3A, %mul3A_611 : vector<16xi32>
      %shift_right_logical3A_613 = arith.constant 7 : i32
      %shift_right_logical3A_614 = vector.broadcast %shift_right_logical3A_613 : i32 to vector<16xi32>
      %shift_right_logical3A_615 = arith.shrui %and3A_606, %shift_right_logical3A_614 : vector<16xi32>
      %add3A_616 = arith.addi %mul3A_612, %shift_right_logical3A_615 : vector<16xi32>
      tpu.vector_store_idx %arg5[%add3A_616], %broadcast_in_dim3A_3 {add = true} : memref<4096xi32, #tpu.memory_space<vmem>>[vector<16xi32>], vector<16xi32>,
      %mul3A_617 = arith.constant 256 : i32
      %mul3A_618 = vector.broadcast %mul3A_617 : i32 to vector<16xi32>
      %mul3A_619 = arith.muli %iota3A, %mul3A_618 : vector<16xi32>
      %shift_right_logical3A_620 = arith.constant 7 : i32
      %shift_right_logical3A_621 = vector.broadcast %shift_right_logical3A_620 : i32 to vector<16xi32>
      %shift_right_logical3A_622 = arith.shrui %shift_right_logical3A_609, %shift_right_logical3A_621 : vector<16xi32>
      %add3A_623 = arith.addi %mul3A_619, %shift_right_logical3A_622 : vector<16xi32>
      tpu.vector_store_idx %arg5[%add3A_623], %broadcast_in_dim3A_3 {add = true} : memref<4096xi32, #tpu.memory_space<vmem>>[vector<16xi32>], vector<16xi32>,
      %mul3A_624 = arith.constant 128 : i32
      %mul3A_625 = arith.muli %scan3A_522, %mul3A_624 : i32
      %add3A_626 = arith.constant 64 : i32
      %add3A_627 = arith.addi %mul3A_625, %add3A_626 : i32
      %get3A_628 = arith.index_cast %add3A_627 : i32 to index
      %get3A_629 = tpu.vector_load %arg4[%get3A_628] {strides = array<i32>} : memref<32768xi32, #tpu.memory_space<vmem>>, vector<16xi32>,
      %and3A_630 = arith.constant 65535 : i32
      %and3A_631 = vector.broadcast %and3A_630 : i32 to vector<16xi32>
      %and3A_632 = arith.andi %get3A_629, %and3A_631 : vector<16xi32>
      %shift_right_logical3A_633 = arith.constant 16 : i32
      %shift_right_logical3A_634 = vector.broadcast %shift_right_logical3A_633 : i32 to vector<16xi32>
      %shift_right_logical3A_635 = arith.shrui %get3A_629, %shift_right_logical3A_634 : vector<16xi32>
      %mul3A_636 = arith.constant 256 : i32
      %mul3A_637 = vector.broadcast %mul3A_636 : i32 to vector<16xi32>
      %mul3A_638 = arith.muli %iota3A, %mul3A_637 : vector<16xi32>
      %shift_right_logical3A_639 = arith.constant 7 : i32
      %shift_right_logical3A_640 = vector.broadcast %shift_right_logical3A_639 : i32 to vector<16xi32>
      %shift_right_logical3A_641 = arith.shrui %and3A_632, %shift_right_logical3A_640 : vector<16xi32>
      %add3A_642 = arith.addi %mul3A_638, %shift_right_logical3A_641 : vector<16xi32>
      tpu.vector_store_idx %arg5[%add3A_642], %broadcast_in_dim3A_3 {add = true} : memref<4096xi32, #tpu.memory_space<vmem>>[vector<16xi32>], vector<16xi32>,
      %mul3A_643 = arith.constant 256 : i32
      %mul3A_644 = vector.broadcast %mul3A_643 : i32 to vector<16xi32>
      %mul3A_645 = arith.muli %iota3A, %mul3A_644 : vector<16xi32>
      %shift_right_logical3A_646 = arith.constant 7 : i32
      %shift_right_logical3A_647 = vector.broadcast %shift_right_logical3A_646 : i32 to vector<16xi32>
      %shift_right_logical3A_648 = arith.shrui %shift_right_logical3A_635, %shift_right_logical3A_647 : vector<16xi32>
      %add3A_649 = arith.addi %mul3A_645, %shift_right_logical3A_648 : vector<16xi32>
      tpu.vector_store_idx %arg5[%add3A_649], %broadcast_in_dim3A_3 {add = true} : memref<4096xi32, #tpu.memory_space<vmem>>[vector<16xi32>], vector<16xi32>,
      %mul3A_650 = arith.constant 128 : i32
      %mul3A_651 = arith.muli %scan3A_522, %mul3A_650 : i32
      %add3A_652 = arith.constant 80 : i32
      %add3A_653 = arith.addi %mul3A_651, %add3A_652 : i32
      %get3A_654 = arith.index_cast %add3A_653 : i32 to index
      %get3A_655 = tpu.vector_load %arg4[%get3A_654] {strides = array<i32>} : memref<32768xi32, #tpu.memory_space<vmem>>, vector<16xi32>,
      %and3A_656 = arith.constant 65535 : i32
      %and3A_657 = vector.broadcast %and3A_656 : i32 to vector<16xi32>
      %and3A_658 = arith.andi %get3A_655, %and3A_657 : vector<16xi32>
      %shift_right_logical3A_659 = arith.constant 16 : i32
      %shift_right_logical3A_660 = vector.broadcast %shift_right_logical3A_659 : i32 to vector<16xi32>
      %shift_right_logical3A_661 = arith.shrui %get3A_655, %shift_right_logical3A_660 : vector<16xi32>
      %mul3A_662 = arith.constant 256 : i32
      %mul3A_663 = vector.broadcast %mul3A_662 : i32 to vector<16xi32>
      %mul3A_664 = arith.muli %iota3A, %mul3A_663 : vector<16xi32>
      %shift_right_logical3A_665 = arith.constant 7 : i32
      %shift_right_logical3A_666 = vector.broadcast %shift_right_logical3A_665 : i32 to vector<16xi32>
      %shift_right_logical3A_667 = arith.shrui %and3A_658, %shift_right_logical3A_666 : vector<16xi32>
      %add3A_668 = arith.addi %mul3A_664, %shift_right_logical3A_667 : vector<16xi32>
      tpu.vector_store_idx %arg5[%add3A_668], %broadcast_in_dim3A_3 {add = true} : memref<4096xi32, #tpu.memory_space<vmem>>[vector<16xi32>], vector<16xi32>,
      %mul3A_669 = arith.constant 256 : i32
      %mul3A_670 = vector.broadcast %mul3A_669 : i32 to vector<16xi32>
      %mul3A_671 = arith.muli %iota3A, %mul3A_670 : vector<16xi32>
      %shift_right_logical3A_672 = arith.constant 7 : i32
      %shift_right_logical3A_673 = vector.broadcast %shift_right_logical3A_672 : i32 to vector<16xi32>
      %shift_right_logical3A_674 = arith.shrui %shift_right_logical3A_661, %shift_right_logical3A_673 : vector<16xi32>
      %add3A_675 = arith.addi %mul3A_671, %shift_right_logical3A_674 : vector<16xi32>
      tpu.vector_store_idx %arg5[%add3A_675], %broadcast_in_dim3A_3 {add = true} : memref<4096xi32, #tpu.memory_space<vmem>>[vector<16xi32>], vector<16xi32>,
      %mul3A_676 = arith.constant 128 : i32
      %mul3A_677 = arith.muli %scan3A_522, %mul3A_676 : i32
      %add3A_678 = arith.constant 96 : i32
      %add3A_679 = arith.addi %mul3A_677, %add3A_678 : i32
      %get3A_680 = arith.index_cast %add3A_679 : i32 to index
      %get3A_681 = tpu.vector_load %arg4[%get3A_680] {strides = array<i32>} : memref<32768xi32, #tpu.memory_space<vmem>>, vector<16xi32>,
      %and3A_682 = arith.constant 65535 : i32
      %and3A_683 = vector.broadcast %and3A_682 : i32 to vector<16xi32>
      %and3A_684 = arith.andi %get3A_681, %and3A_683 : vector<16xi32>
      %shift_right_logical3A_685 = arith.constant 16 : i32
      %shift_right_logical3A_686 = vector.broadcast %shift_right_logical3A_685 : i32 to vector<16xi32>
      %shift_right_logical3A_687 = arith.shrui %get3A_681, %shift_right_logical3A_686 : vector<16xi32>
      %mul3A_688 = arith.constant 256 : i32
      %mul3A_689 = vector.broadcast %mul3A_688 : i32 to vector<16xi32>
      %mul3A_690 = arith.muli %iota3A, %mul3A_689 : vector<16xi32>
      %shift_right_logical3A_691 = arith.constant 7 : i32
      %shift_right_logical3A_692 = vector.broadcast %shift_right_logical3A_691 : i32 to vector<16xi32>
      %shift_right_logical3A_693 = arith.shrui %and3A_684, %shift_right_logical3A_692 : vector<16xi32>
      %add3A_694 = arith.addi %mul3A_690, %shift_right_logical3A_693 : vector<16xi32>
      tpu.vector_store_idx %arg5[%add3A_694], %broadcast_in_dim3A_3 {add = true} : memref<4096xi32, #tpu.memory_space<vmem>>[vector<16xi32>], vector<16xi32>,
      %mul3A_695 = arith.constant 256 : i32
      %mul3A_696 = vector.broadcast %mul3A_695 : i32 to vector<16xi32>
      %mul3A_697 = arith.muli %iota3A, %mul3A_696 : vector<16xi32>
      %shift_right_logical3A_698 = arith.constant 7 : i32
      %shift_right_logical3A_699 = vector.broadcast %shift_right_logical3A_698 : i32 to vector<16xi32>
      %shift_right_logical3A_700 = arith.shrui %shift_right_logical3A_687, %shift_right_logical3A_699 : vector<16xi32>
      %add3A_701 = arith.addi %mul3A_697, %shift_right_logical3A_700 : vector<16xi32>
      tpu.vector_store_idx %arg5[%add3A_701], %broadcast_in_dim3A_3 {add = true} : memref<4096xi32, #tpu.memory_space<vmem>>[vector<16xi32>], vector<16xi32>,
      %mul3A_702 = arith.constant 128 : i32
      %mul3A_703 = arith.muli %scan3A_522, %mul3A_702 : i32
      %add3A_704 = arith.constant 112 : i32
      %add3A_705 = arith.addi %mul3A_703, %add3A_704 : i32
      %get3A_706 = arith.index_cast %add3A_705 : i32 to index
      %get3A_707 = tpu.vector_load %arg4[%get3A_706] {strides = array<i32>} : memref<32768xi32, #tpu.memory_space<vmem>>, vector<16xi32>,
      %and3A_708 = arith.constant 65535 : i32
      %and3A_709 = vector.broadcast %and3A_708 : i32 to vector<16xi32>
      %and3A_710 = arith.andi %get3A_707, %and3A_709 : vector<16xi32>
      %shift_right_logical3A_711 = arith.constant 16 : i32
      %shift_right_logical3A_712 = vector.broadcast %shift_right_logical3A_711 : i32 to vector<16xi32>
      %shift_right_logical3A_713 = arith.shrui %get3A_707, %shift_right_logical3A_712 : vector<16xi32>
      %mul3A_714 = arith.constant 256 : i32
      %mul3A_715 = vector.broadcast %mul3A_714 : i32 to vector<16xi32>
      %mul3A_716 = arith.muli %iota3A, %mul3A_715 : vector<16xi32>
      %shift_right_logical3A_717 = arith.constant 7 : i32
      %shift_right_logical3A_718 = vector.broadcast %shift_right_logical3A_717 : i32 to vector<16xi32>
      %shift_right_logical3A_719 = arith.shrui %and3A_710, %shift_right_logical3A_718 : vector<16xi32>
      %add3A_720 = arith.addi %mul3A_716, %shift_right_logical3A_719 : vector<16xi32>
      tpu.vector_store_idx %arg5[%add3A_720], %broadcast_in_dim3A_3 {add = true} : memref<4096xi32, #tpu.memory_space<vmem>>[vector<16xi32>], vector<16xi32>,
      %mul3A_721 = arith.constant 256 : i32
      %mul3A_722 = vector.broadcast %mul3A_721 : i32 to vector<16xi32>
      %mul3A_723 = arith.muli %iota3A, %mul3A_722 : vector<16xi32>
      %shift_right_logical3A_724 = arith.constant 7 : i32
      %shift_right_logical3A_725 = vector.broadcast %shift_right_logical3A_724 : i32 to vector<16xi32>
      %shift_right_logical3A_726 = arith.shrui %shift_right_logical3A_713, %shift_right_logical3A_725 : vector<16xi32>
      %add3A_727 = arith.addi %mul3A_723, %shift_right_logical3A_726 : vector<16xi32>
      tpu.vector_store_idx %arg5[%add3A_727], %broadcast_in_dim3A_3 {add = true} : memref<4096xi32, #tpu.memory_space<vmem>>[vector<16xi32>], vector<16xi32>,
    }
    %scan3A_521 = arith.constant 256 : i32
    "tpu.region"() ({
      %run_scoped3A = tpu.sem_alloc : memref<!tpu.dma_semaphore, #tpu.memory_space<semaphore_mem>>
      %dma_start3A = arith.constant 0 : i32
      %dma_start3A_522 = tpu.memref_slice %arg3[%add3A, %dma_start3A] : memref<32x4096xi32, #tpu.memory_space<hbm>> -> memref<1x4096xi32, #tpu.memory_space<hbm>>
      %dma_start3A_523 = tpu.memref_squeeze %dma_start3A_522 : memref<1x4096xi32, #tpu.memory_space<hbm>> -> memref<4096xi32, #tpu.memory_space<hbm>>
      %dma_start3A_524 = arith.constant 0 : i32
      %dma_start3A_525 = tpu.memref_slice %arg3[%add3A, %dma_start3A_524] : memref<32x4096xi32, #tpu.memory_space<hbm>> -> memref<1x4096xi32, #tpu.memory_space<hbm>>
      %dma_start3A_526 = tpu.memref_squeeze %dma_start3A_525 : memref<1x4096xi32, #tpu.memory_space<hbm>> -> memref<4096xi32, #tpu.memory_space<hbm>>
      tpu.enqueue_dma source(%arg5 : memref<4096xi32, #tpu.memory_space<vmem>>) target(%dma_start3A_526 : memref<4096xi32, #tpu.memory_space<hbm>>) target_semaphore(%run_scoped3A : memref<!tpu.dma_semaphore, #tpu.memory_space<semaphore_mem>>)
      %dma_wait3A = arith.constant 0 : i32
      %dma_wait3A_527 = tpu.memref_slice %arg3[%add3A, %dma_wait3A] : memref<32x4096xi32, #tpu.memory_space<hbm>> -> memref<1x4096xi32, #tpu.memory_space<hbm>>
      %dma_wait3A_528 = tpu.memref_squeeze %dma_wait3A_527 : memref<1x4096xi32, #tpu.memory_space<hbm>> -> memref<4096xi32, #tpu.memory_space<hbm>>
      %dma_wait3A_529 = arith.constant 0 : i32
      %dma_wait3A_530 = tpu.memref_slice %arg3[%add3A, %dma_wait3A_529] : memref<32x4096xi32, #tpu.memory_space<hbm>> -> memref<1x4096xi32, #tpu.memory_space<hbm>>
      %dma_wait3A_531 = tpu.memref_squeeze %dma_wait3A_530 : memref<1x4096xi32, #tpu.memory_space<hbm>> -> memref<4096xi32, #tpu.memory_space<hbm>>
      tpu.wait_dma2 semaphore(%run_scoped3A : memref<!tpu.dma_semaphore, #tpu.memory_space<semaphore_mem>>) src(%arg5 : memref<4096xi32, #tpu.memory_space<vmem>>) dst(%dma_wait3A_531 : memref<4096xi32, #tpu.memory_space<hbm>>)
      tpu.yield
    }) : () -> ()
    return
  }
}

module attributes {stable_mosaic.version = 14 : i64} {
  func.func @_ce_kernel(%arg0: i32, %arg1: i32, %arg2: memref<1x19x256x512xf32, #tpu.memory_space<vmem>>, %arg3: memref<1x256x512xi32, #tpu.memory_space<vmem>>, %arg4: memref<256x512xf32, #tpu.memory_space<vmem>>, %arg5: memref<256x512xi16, #tpu.memory_space<vmem>>) attributes {dimension_semantics = [#tpu.dimension_semantics<arbitrary>, #tpu.dimension_semantics<arbitrary>], iteration_bounds = array<i64: 8, 2>, scalar_prefetch = 0 : i64, scratch_operands = 0 : i64, tpu.core_type = #tpu.core_type<tc>, window_params = [{transform_indices = @transform_0, window_bounds = array<i64: 1, 19, 256, 512>}, {transform_indices = @transform_1, window_bounds = array<i64: 1, 256, 512>}, {transform_indices = @transform_2, window_bounds = array<i64: 256, 512>}, {transform_indices = @transform_3, window_bounds = array<i64: 256, 512>}]} {
    %get3A = arith.constant 0 : index
    %get3A_0 = arith.constant 0 : index
    %get3A_1 = arith.constant 0 : index
    %get3A_2 = vector.load %arg3[%get3A, %get3A_0, %get3A_1] : memref<1x256x512xi32, #tpu.memory_space<vmem>>, vector<1x256x512xi32>
    %get3A_3 = vector.shape_cast %get3A_2 : vector<1x256x512xi32> to vector<256x512xi32>
    %get3A_4 = arith.constant 0 : index
    %get3A_5 = arith.constant 0 : index
    %get3A_6 = arith.constant 0 : index
    %get3A_7 = arith.constant 0 : index
    %get3A_8 = vector.load %arg2[%get3A_4, %get3A_5, %get3A_6, %get3A_7] : memref<1x19x256x512xf32, #tpu.memory_space<vmem>>, vector<1x1x256x512xf32>
    %get3A_9 = vector.shape_cast %get3A_8 : vector<1x1x256x512xf32> to vector<256x512xf32>
    %get3A_10 = arith.constant 0 : index
    %get3A_11 = arith.constant 1 : index
    %get3A_12 = arith.constant 0 : index
    %get3A_13 = arith.constant 0 : index
    %get3A_14 = vector.load %arg2[%get3A_10, %get3A_11, %get3A_12, %get3A_13] : memref<1x19x256x512xf32, #tpu.memory_space<vmem>>, vector<1x1x256x512xf32>
    %get3A_15 = vector.shape_cast %get3A_14 : vector<1x1x256x512xf32> to vector<256x512xf32>
    %max3A = arith.maximumf %get3A_9, %get3A_15 : vector<256x512xf32>
    %get3A_16 = arith.constant 0 : index
    %get3A_17 = arith.constant 2 : index
    %get3A_18 = arith.constant 0 : index
    %get3A_19 = arith.constant 0 : index
    %get3A_20 = vector.load %arg2[%get3A_16, %get3A_17, %get3A_18, %get3A_19] : memref<1x19x256x512xf32, #tpu.memory_space<vmem>>, vector<1x1x256x512xf32>
    %get3A_21 = vector.shape_cast %get3A_20 : vector<1x1x256x512xf32> to vector<256x512xf32>
    %max3A_22 = arith.maximumf %max3A, %get3A_21 : vector<256x512xf32>
    %get3A_23 = arith.constant 0 : index
    %get3A_24 = arith.constant 3 : index
    %get3A_25 = arith.constant 0 : index
    %get3A_26 = arith.constant 0 : index
    %get3A_27 = vector.load %arg2[%get3A_23, %get3A_24, %get3A_25, %get3A_26] : memref<1x19x256x512xf32, #tpu.memory_space<vmem>>, vector<1x1x256x512xf32>
    %get3A_28 = vector.shape_cast %get3A_27 : vector<1x1x256x512xf32> to vector<256x512xf32>
    %max3A_29 = arith.maximumf %max3A_22, %get3A_28 : vector<256x512xf32>
    %get3A_30 = arith.constant 0 : index
    %get3A_31 = arith.constant 4 : index
    %get3A_32 = arith.constant 0 : index
    %get3A_33 = arith.constant 0 : index
    %get3A_34 = vector.load %arg2[%get3A_30, %get3A_31, %get3A_32, %get3A_33] : memref<1x19x256x512xf32, #tpu.memory_space<vmem>>, vector<1x1x256x512xf32>
    %get3A_35 = vector.shape_cast %get3A_34 : vector<1x1x256x512xf32> to vector<256x512xf32>
    %max3A_36 = arith.maximumf %max3A_29, %get3A_35 : vector<256x512xf32>
    %get3A_37 = arith.constant 0 : index
    %get3A_38 = arith.constant 5 : index
    %get3A_39 = arith.constant 0 : index
    %get3A_40 = arith.constant 0 : index
    %get3A_41 = vector.load %arg2[%get3A_37, %get3A_38, %get3A_39, %get3A_40] : memref<1x19x256x512xf32, #tpu.memory_space<vmem>>, vector<1x1x256x512xf32>
    %get3A_42 = vector.shape_cast %get3A_41 : vector<1x1x256x512xf32> to vector<256x512xf32>
    %max3A_43 = arith.maximumf %max3A_36, %get3A_42 : vector<256x512xf32>
    %get3A_44 = arith.constant 0 : index
    %get3A_45 = arith.constant 6 : index
    %get3A_46 = arith.constant 0 : index
    %get3A_47 = arith.constant 0 : index
    %get3A_48 = vector.load %arg2[%get3A_44, %get3A_45, %get3A_46, %get3A_47] : memref<1x19x256x512xf32, #tpu.memory_space<vmem>>, vector<1x1x256x512xf32>
    %get3A_49 = vector.shape_cast %get3A_48 : vector<1x1x256x512xf32> to vector<256x512xf32>
    %max3A_50 = arith.maximumf %max3A_43, %get3A_49 : vector<256x512xf32>
    %get3A_51 = arith.constant 0 : index
    %get3A_52 = arith.constant 7 : index
    %get3A_53 = arith.constant 0 : index
    %get3A_54 = arith.constant 0 : index
    %get3A_55 = vector.load %arg2[%get3A_51, %get3A_52, %get3A_53, %get3A_54] : memref<1x19x256x512xf32, #tpu.memory_space<vmem>>, vector<1x1x256x512xf32>
    %get3A_56 = vector.shape_cast %get3A_55 : vector<1x1x256x512xf32> to vector<256x512xf32>
    %max3A_57 = arith.maximumf %max3A_50, %get3A_56 : vector<256x512xf32>
    %get3A_58 = arith.constant 0 : index
    %get3A_59 = arith.constant 8 : index
    %get3A_60 = arith.constant 0 : index
    %get3A_61 = arith.constant 0 : index
    %get3A_62 = vector.load %arg2[%get3A_58, %get3A_59, %get3A_60, %get3A_61] : memref<1x19x256x512xf32, #tpu.memory_space<vmem>>, vector<1x1x256x512xf32>
    %get3A_63 = vector.shape_cast %get3A_62 : vector<1x1x256x512xf32> to vector<256x512xf32>
    %max3A_64 = arith.maximumf %max3A_57, %get3A_63 : vector<256x512xf32>
    %get3A_65 = arith.constant 0 : index
    %get3A_66 = arith.constant 9 : index
    %get3A_67 = arith.constant 0 : index
    %get3A_68 = arith.constant 0 : index
    %get3A_69 = vector.load %arg2[%get3A_65, %get3A_66, %get3A_67, %get3A_68] : memref<1x19x256x512xf32, #tpu.memory_space<vmem>>, vector<1x1x256x512xf32>
    %get3A_70 = vector.shape_cast %get3A_69 : vector<1x1x256x512xf32> to vector<256x512xf32>
    %max3A_71 = arith.maximumf %max3A_64, %get3A_70 : vector<256x512xf32>
    %get3A_72 = arith.constant 0 : index
    %get3A_73 = arith.constant 10 : index
    %get3A_74 = arith.constant 0 : index
    %get3A_75 = arith.constant 0 : index
    %get3A_76 = vector.load %arg2[%get3A_72, %get3A_73, %get3A_74, %get3A_75] : memref<1x19x256x512xf32, #tpu.memory_space<vmem>>, vector<1x1x256x512xf32>
    %get3A_77 = vector.shape_cast %get3A_76 : vector<1x1x256x512xf32> to vector<256x512xf32>
    %max3A_78 = arith.maximumf %max3A_71, %get3A_77 : vector<256x512xf32>
    %get3A_79 = arith.constant 0 : index
    %get3A_80 = arith.constant 11 : index
    %get3A_81 = arith.constant 0 : index
    %get3A_82 = arith.constant 0 : index
    %get3A_83 = vector.load %arg2[%get3A_79, %get3A_80, %get3A_81, %get3A_82] : memref<1x19x256x512xf32, #tpu.memory_space<vmem>>, vector<1x1x256x512xf32>
    %get3A_84 = vector.shape_cast %get3A_83 : vector<1x1x256x512xf32> to vector<256x512xf32>
    %max3A_85 = arith.maximumf %max3A_78, %get3A_84 : vector<256x512xf32>
    %get3A_86 = arith.constant 0 : index
    %get3A_87 = arith.constant 12 : index
    %get3A_88 = arith.constant 0 : index
    %get3A_89 = arith.constant 0 : index
    %get3A_90 = vector.load %arg2[%get3A_86, %get3A_87, %get3A_88, %get3A_89] : memref<1x19x256x512xf32, #tpu.memory_space<vmem>>, vector<1x1x256x512xf32>
    %get3A_91 = vector.shape_cast %get3A_90 : vector<1x1x256x512xf32> to vector<256x512xf32>
    %max3A_92 = arith.maximumf %max3A_85, %get3A_91 : vector<256x512xf32>
    %get3A_93 = arith.constant 0 : index
    %get3A_94 = arith.constant 13 : index
    %get3A_95 = arith.constant 0 : index
    %get3A_96 = arith.constant 0 : index
    %get3A_97 = vector.load %arg2[%get3A_93, %get3A_94, %get3A_95, %get3A_96] : memref<1x19x256x512xf32, #tpu.memory_space<vmem>>, vector<1x1x256x512xf32>
    %get3A_98 = vector.shape_cast %get3A_97 : vector<1x1x256x512xf32> to vector<256x512xf32>
    %max3A_99 = arith.maximumf %max3A_92, %get3A_98 : vector<256x512xf32>
    %get3A_100 = arith.constant 0 : index
    %get3A_101 = arith.constant 14 : index
    %get3A_102 = arith.constant 0 : index
    %get3A_103 = arith.constant 0 : index
    %get3A_104 = vector.load %arg2[%get3A_100, %get3A_101, %get3A_102, %get3A_103] : memref<1x19x256x512xf32, #tpu.memory_space<vmem>>, vector<1x1x256x512xf32>
    %get3A_105 = vector.shape_cast %get3A_104 : vector<1x1x256x512xf32> to vector<256x512xf32>
    %max3A_106 = arith.maximumf %max3A_99, %get3A_105 : vector<256x512xf32>
    %get3A_107 = arith.constant 0 : index
    %get3A_108 = arith.constant 15 : index
    %get3A_109 = arith.constant 0 : index
    %get3A_110 = arith.constant 0 : index
    %get3A_111 = vector.load %arg2[%get3A_107, %get3A_108, %get3A_109, %get3A_110] : memref<1x19x256x512xf32, #tpu.memory_space<vmem>>, vector<1x1x256x512xf32>
    %get3A_112 = vector.shape_cast %get3A_111 : vector<1x1x256x512xf32> to vector<256x512xf32>
    %max3A_113 = arith.maximumf %max3A_106, %get3A_112 : vector<256x512xf32>
    %get3A_114 = arith.constant 0 : index
    %get3A_115 = arith.constant 16 : index
    %get3A_116 = arith.constant 0 : index
    %get3A_117 = arith.constant 0 : index
    %get3A_118 = vector.load %arg2[%get3A_114, %get3A_115, %get3A_116, %get3A_117] : memref<1x19x256x512xf32, #tpu.memory_space<vmem>>, vector<1x1x256x512xf32>
    %get3A_119 = vector.shape_cast %get3A_118 : vector<1x1x256x512xf32> to vector<256x512xf32>
    %max3A_120 = arith.maximumf %max3A_113, %get3A_119 : vector<256x512xf32>
    %get3A_121 = arith.constant 0 : index
    %get3A_122 = arith.constant 17 : index
    %get3A_123 = arith.constant 0 : index
    %get3A_124 = arith.constant 0 : index
    %get3A_125 = vector.load %arg2[%get3A_121, %get3A_122, %get3A_123, %get3A_124] : memref<1x19x256x512xf32, #tpu.memory_space<vmem>>, vector<1x1x256x512xf32>
    %get3A_126 = vector.shape_cast %get3A_125 : vector<1x1x256x512xf32> to vector<256x512xf32>
    %max3A_127 = arith.maximumf %max3A_120, %get3A_126 : vector<256x512xf32>
    %get3A_128 = arith.constant 0 : index
    %get3A_129 = arith.constant 18 : index
    %get3A_130 = arith.constant 0 : index
    %get3A_131 = arith.constant 0 : index
    %get3A_132 = vector.load %arg2[%get3A_128, %get3A_129, %get3A_130, %get3A_131] : memref<1x19x256x512xf32, #tpu.memory_space<vmem>>, vector<1x1x256x512xf32>
    %get3A_133 = vector.shape_cast %get3A_132 : vector<1x1x256x512xf32> to vector<256x512xf32>
    %max3A_134 = arith.maximumf %max3A_127, %get3A_133 : vector<256x512xf32>
    %broadcast_in_dim3A = arith.constant 0.000000e+00 : f32
    %broadcast_in_dim3A_135 = vector.broadcast %broadcast_in_dim3A : f32 to vector<256x512xf32>
    %broadcast_in_dim3A_136 = arith.constant 0.000000e+00 : f32
    %broadcast_in_dim3A_137 = vector.broadcast %broadcast_in_dim3A_136 : f32 to vector<256x512xf32>
    %get3A_138 = arith.constant 0 : index
    %get3A_139 = arith.constant 0 : index
    %get3A_140 = arith.constant 0 : index
    %get3A_141 = arith.constant 0 : index
    %get3A_142 = vector.load %arg2[%get3A_138, %get3A_139, %get3A_140, %get3A_141] : memref<1x19x256x512xf32, #tpu.memory_space<vmem>>, vector<1x1x256x512xf32>
    %get3A_143 = vector.shape_cast %get3A_142 : vector<1x1x256x512xf32> to vector<256x512xf32>
    %sub3A = arith.subf %get3A_143, %max3A_134 : vector<256x512xf32>
    %exp3A = math.exp %sub3A : vector<256x512xf32>
    %add3A = arith.addf %broadcast_in_dim3A_135, %exp3A : vector<256x512xf32>
    %eq3A = arith.constant 0 : i32
    %eq3A_144 = vector.broadcast %eq3A : i32 to vector<256x512xi32>
    %eq3A_145 = arith.cmpi eq, %get3A_3, %eq3A_144 : vector<256x512xi32>
    %select_n3A = arith.select %eq3A_145, %get3A_143, %broadcast_in_dim3A_137 : vector<256x512xi1>, vector<256x512xf32>
    %get3A_146 = arith.constant 0 : index
    %get3A_147 = arith.constant 1 : index
    %get3A_148 = arith.constant 0 : index
    %get3A_149 = arith.constant 0 : index
    %get3A_150 = vector.load %arg2[%get3A_146, %get3A_147, %get3A_148, %get3A_149] : memref<1x19x256x512xf32, #tpu.memory_space<vmem>>, vector<1x1x256x512xf32>
    %get3A_151 = vector.shape_cast %get3A_150 : vector<1x1x256x512xf32> to vector<256x512xf32>
    %sub3A_152 = arith.subf %get3A_151, %max3A_134 : vector<256x512xf32>
    %exp3A_153 = math.exp %sub3A_152 : vector<256x512xf32>
    %add3A_154 = arith.addf %add3A, %exp3A_153 : vector<256x512xf32>
    %eq3A_155 = arith.constant 1 : i32
    %eq3A_156 = vector.broadcast %eq3A_155 : i32 to vector<256x512xi32>
    %eq3A_157 = arith.cmpi eq, %get3A_3, %eq3A_156 : vector<256x512xi32>
    %select_n3A_158 = arith.select %eq3A_157, %get3A_151, %select_n3A : vector<256x512xi1>, vector<256x512xf32>
    %get3A_159 = arith.constant 0 : index
    %get3A_160 = arith.constant 2 : index
    %get3A_161 = arith.constant 0 : index
    %get3A_162 = arith.constant 0 : index
    %get3A_163 = vector.load %arg2[%get3A_159, %get3A_160, %get3A_161, %get3A_162] : memref<1x19x256x512xf32, #tpu.memory_space<vmem>>, vector<1x1x256x512xf32>
    %get3A_164 = vector.shape_cast %get3A_163 : vector<1x1x256x512xf32> to vector<256x512xf32>
    %sub3A_165 = arith.subf %get3A_164, %max3A_134 : vector<256x512xf32>
    %exp3A_166 = math.exp %sub3A_165 : vector<256x512xf32>
    %add3A_167 = arith.addf %add3A_154, %exp3A_166 : vector<256x512xf32>
    %eq3A_168 = arith.constant 2 : i32
    %eq3A_169 = vector.broadcast %eq3A_168 : i32 to vector<256x512xi32>
    %eq3A_170 = arith.cmpi eq, %get3A_3, %eq3A_169 : vector<256x512xi32>
    %select_n3A_171 = arith.select %eq3A_170, %get3A_164, %select_n3A_158 : vector<256x512xi1>, vector<256x512xf32>
    %get3A_172 = arith.constant 0 : index
    %get3A_173 = arith.constant 3 : index
    %get3A_174 = arith.constant 0 : index
    %get3A_175 = arith.constant 0 : index
    %get3A_176 = vector.load %arg2[%get3A_172, %get3A_173, %get3A_174, %get3A_175] : memref<1x19x256x512xf32, #tpu.memory_space<vmem>>, vector<1x1x256x512xf32>
    %get3A_177 = vector.shape_cast %get3A_176 : vector<1x1x256x512xf32> to vector<256x512xf32>
    %sub3A_178 = arith.subf %get3A_177, %max3A_134 : vector<256x512xf32>
    %exp3A_179 = math.exp %sub3A_178 : vector<256x512xf32>
    %add3A_180 = arith.addf %add3A_167, %exp3A_179 : vector<256x512xf32>
    %eq3A_181 = arith.constant 3 : i32
    %eq3A_182 = vector.broadcast %eq3A_181 : i32 to vector<256x512xi32>
    %eq3A_183 = arith.cmpi eq, %get3A_3, %eq3A_182 : vector<256x512xi32>
    %select_n3A_184 = arith.select %eq3A_183, %get3A_177, %select_n3A_171 : vector<256x512xi1>, vector<256x512xf32>
    %get3A_185 = arith.constant 0 : index
    %get3A_186 = arith.constant 4 : index
    %get3A_187 = arith.constant 0 : index
    %get3A_188 = arith.constant 0 : index
    %get3A_189 = vector.load %arg2[%get3A_185, %get3A_186, %get3A_187, %get3A_188] : memref<1x19x256x512xf32, #tpu.memory_space<vmem>>, vector<1x1x256x512xf32>
    %get3A_190 = vector.shape_cast %get3A_189 : vector<1x1x256x512xf32> to vector<256x512xf32>
    %sub3A_191 = arith.subf %get3A_190, %max3A_134 : vector<256x512xf32>
    %exp3A_192 = math.exp %sub3A_191 : vector<256x512xf32>
    %add3A_193 = arith.addf %add3A_180, %exp3A_192 : vector<256x512xf32>
    %eq3A_194 = arith.constant 4 : i32
    %eq3A_195 = vector.broadcast %eq3A_194 : i32 to vector<256x512xi32>
    %eq3A_196 = arith.cmpi eq, %get3A_3, %eq3A_195 : vector<256x512xi32>
    %select_n3A_197 = arith.select %eq3A_196, %get3A_190, %select_n3A_184 : vector<256x512xi1>, vector<256x512xf32>
    %get3A_198 = arith.constant 0 : index
    %get3A_199 = arith.constant 5 : index
    %get3A_200 = arith.constant 0 : index
    %get3A_201 = arith.constant 0 : index
    %get3A_202 = vector.load %arg2[%get3A_198, %get3A_199, %get3A_200, %get3A_201] : memref<1x19x256x512xf32, #tpu.memory_space<vmem>>, vector<1x1x256x512xf32>
    %get3A_203 = vector.shape_cast %get3A_202 : vector<1x1x256x512xf32> to vector<256x512xf32>
    %sub3A_204 = arith.subf %get3A_203, %max3A_134 : vector<256x512xf32>
    %exp3A_205 = math.exp %sub3A_204 : vector<256x512xf32>
    %add3A_206 = arith.addf %add3A_193, %exp3A_205 : vector<256x512xf32>
    %eq3A_207 = arith.constant 5 : i32
    %eq3A_208 = vector.broadcast %eq3A_207 : i32 to vector<256x512xi32>
    %eq3A_209 = arith.cmpi eq, %get3A_3, %eq3A_208 : vector<256x512xi32>
    %select_n3A_210 = arith.select %eq3A_209, %get3A_203, %select_n3A_197 : vector<256x512xi1>, vector<256x512xf32>
    %get3A_211 = arith.constant 0 : index
    %get3A_212 = arith.constant 6 : index
    %get3A_213 = arith.constant 0 : index
    %get3A_214 = arith.constant 0 : index
    %get3A_215 = vector.load %arg2[%get3A_211, %get3A_212, %get3A_213, %get3A_214] : memref<1x19x256x512xf32, #tpu.memory_space<vmem>>, vector<1x1x256x512xf32>
    %get3A_216 = vector.shape_cast %get3A_215 : vector<1x1x256x512xf32> to vector<256x512xf32>
    %sub3A_217 = arith.subf %get3A_216, %max3A_134 : vector<256x512xf32>
    %exp3A_218 = math.exp %sub3A_217 : vector<256x512xf32>
    %add3A_219 = arith.addf %add3A_206, %exp3A_218 : vector<256x512xf32>
    %eq3A_220 = arith.constant 6 : i32
    %eq3A_221 = vector.broadcast %eq3A_220 : i32 to vector<256x512xi32>
    %eq3A_222 = arith.cmpi eq, %get3A_3, %eq3A_221 : vector<256x512xi32>
    %select_n3A_223 = arith.select %eq3A_222, %get3A_216, %select_n3A_210 : vector<256x512xi1>, vector<256x512xf32>
    %get3A_224 = arith.constant 0 : index
    %get3A_225 = arith.constant 7 : index
    %get3A_226 = arith.constant 0 : index
    %get3A_227 = arith.constant 0 : index
    %get3A_228 = vector.load %arg2[%get3A_224, %get3A_225, %get3A_226, %get3A_227] : memref<1x19x256x512xf32, #tpu.memory_space<vmem>>, vector<1x1x256x512xf32>
    %get3A_229 = vector.shape_cast %get3A_228 : vector<1x1x256x512xf32> to vector<256x512xf32>
    %sub3A_230 = arith.subf %get3A_229, %max3A_134 : vector<256x512xf32>
    %exp3A_231 = math.exp %sub3A_230 : vector<256x512xf32>
    %add3A_232 = arith.addf %add3A_219, %exp3A_231 : vector<256x512xf32>
    %eq3A_233 = arith.constant 7 : i32
    %eq3A_234 = vector.broadcast %eq3A_233 : i32 to vector<256x512xi32>
    %eq3A_235 = arith.cmpi eq, %get3A_3, %eq3A_234 : vector<256x512xi32>
    %select_n3A_236 = arith.select %eq3A_235, %get3A_229, %select_n3A_223 : vector<256x512xi1>, vector<256x512xf32>
    %get3A_237 = arith.constant 0 : index
    %get3A_238 = arith.constant 8 : index
    %get3A_239 = arith.constant 0 : index
    %get3A_240 = arith.constant 0 : index
    %get3A_241 = vector.load %arg2[%get3A_237, %get3A_238, %get3A_239, %get3A_240] : memref<1x19x256x512xf32, #tpu.memory_space<vmem>>, vector<1x1x256x512xf32>
    %get3A_242 = vector.shape_cast %get3A_241 : vector<1x1x256x512xf32> to vector<256x512xf32>
    %sub3A_243 = arith.subf %get3A_242, %max3A_134 : vector<256x512xf32>
    %exp3A_244 = math.exp %sub3A_243 : vector<256x512xf32>
    %add3A_245 = arith.addf %add3A_232, %exp3A_244 : vector<256x512xf32>
    %eq3A_246 = arith.constant 8 : i32
    %eq3A_247 = vector.broadcast %eq3A_246 : i32 to vector<256x512xi32>
    %eq3A_248 = arith.cmpi eq, %get3A_3, %eq3A_247 : vector<256x512xi32>
    %select_n3A_249 = arith.select %eq3A_248, %get3A_242, %select_n3A_236 : vector<256x512xi1>, vector<256x512xf32>
    %get3A_250 = arith.constant 0 : index
    %get3A_251 = arith.constant 9 : index
    %get3A_252 = arith.constant 0 : index
    %get3A_253 = arith.constant 0 : index
    %get3A_254 = vector.load %arg2[%get3A_250, %get3A_251, %get3A_252, %get3A_253] : memref<1x19x256x512xf32, #tpu.memory_space<vmem>>, vector<1x1x256x512xf32>
    %get3A_255 = vector.shape_cast %get3A_254 : vector<1x1x256x512xf32> to vector<256x512xf32>
    %sub3A_256 = arith.subf %get3A_255, %max3A_134 : vector<256x512xf32>
    %exp3A_257 = math.exp %sub3A_256 : vector<256x512xf32>
    %add3A_258 = arith.addf %add3A_245, %exp3A_257 : vector<256x512xf32>
    %eq3A_259 = arith.constant 9 : i32
    %eq3A_260 = vector.broadcast %eq3A_259 : i32 to vector<256x512xi32>
    %eq3A_261 = arith.cmpi eq, %get3A_3, %eq3A_260 : vector<256x512xi32>
    %select_n3A_262 = arith.select %eq3A_261, %get3A_255, %select_n3A_249 : vector<256x512xi1>, vector<256x512xf32>
    %get3A_263 = arith.constant 0 : index
    %get3A_264 = arith.constant 10 : index
    %get3A_265 = arith.constant 0 : index
    %get3A_266 = arith.constant 0 : index
    %get3A_267 = vector.load %arg2[%get3A_263, %get3A_264, %get3A_265, %get3A_266] : memref<1x19x256x512xf32, #tpu.memory_space<vmem>>, vector<1x1x256x512xf32>
    %get3A_268 = vector.shape_cast %get3A_267 : vector<1x1x256x512xf32> to vector<256x512xf32>
    %sub3A_269 = arith.subf %get3A_268, %max3A_134 : vector<256x512xf32>
    %exp3A_270 = math.exp %sub3A_269 : vector<256x512xf32>
    %add3A_271 = arith.addf %add3A_258, %exp3A_270 : vector<256x512xf32>
    %eq3A_272 = arith.constant 10 : i32
    %eq3A_273 = vector.broadcast %eq3A_272 : i32 to vector<256x512xi32>
    %eq3A_274 = arith.cmpi eq, %get3A_3, %eq3A_273 : vector<256x512xi32>
    %select_n3A_275 = arith.select %eq3A_274, %get3A_268, %select_n3A_262 : vector<256x512xi1>, vector<256x512xf32>
    %get3A_276 = arith.constant 0 : index
    %get3A_277 = arith.constant 11 : index
    %get3A_278 = arith.constant 0 : index
    %get3A_279 = arith.constant 0 : index
    %get3A_280 = vector.load %arg2[%get3A_276, %get3A_277, %get3A_278, %get3A_279] : memref<1x19x256x512xf32, #tpu.memory_space<vmem>>, vector<1x1x256x512xf32>
    %get3A_281 = vector.shape_cast %get3A_280 : vector<1x1x256x512xf32> to vector<256x512xf32>
    %sub3A_282 = arith.subf %get3A_281, %max3A_134 : vector<256x512xf32>
    %exp3A_283 = math.exp %sub3A_282 : vector<256x512xf32>
    %add3A_284 = arith.addf %add3A_271, %exp3A_283 : vector<256x512xf32>
    %eq3A_285 = arith.constant 11 : i32
    %eq3A_286 = vector.broadcast %eq3A_285 : i32 to vector<256x512xi32>
    %eq3A_287 = arith.cmpi eq, %get3A_3, %eq3A_286 : vector<256x512xi32>
    %select_n3A_288 = arith.select %eq3A_287, %get3A_281, %select_n3A_275 : vector<256x512xi1>, vector<256x512xf32>
    %get3A_289 = arith.constant 0 : index
    %get3A_290 = arith.constant 12 : index
    %get3A_291 = arith.constant 0 : index
    %get3A_292 = arith.constant 0 : index
    %get3A_293 = vector.load %arg2[%get3A_289, %get3A_290, %get3A_291, %get3A_292] : memref<1x19x256x512xf32, #tpu.memory_space<vmem>>, vector<1x1x256x512xf32>
    %get3A_294 = vector.shape_cast %get3A_293 : vector<1x1x256x512xf32> to vector<256x512xf32>
    %sub3A_295 = arith.subf %get3A_294, %max3A_134 : vector<256x512xf32>
    %exp3A_296 = math.exp %sub3A_295 : vector<256x512xf32>
    %add3A_297 = arith.addf %add3A_284, %exp3A_296 : vector<256x512xf32>
    %eq3A_298 = arith.constant 12 : i32
    %eq3A_299 = vector.broadcast %eq3A_298 : i32 to vector<256x512xi32>
    %eq3A_300 = arith.cmpi eq, %get3A_3, %eq3A_299 : vector<256x512xi32>
    %select_n3A_301 = arith.select %eq3A_300, %get3A_294, %select_n3A_288 : vector<256x512xi1>, vector<256x512xf32>
    %get3A_302 = arith.constant 0 : index
    %get3A_303 = arith.constant 13 : index
    %get3A_304 = arith.constant 0 : index
    %get3A_305 = arith.constant 0 : index
    %get3A_306 = vector.load %arg2[%get3A_302, %get3A_303, %get3A_304, %get3A_305] : memref<1x19x256x512xf32, #tpu.memory_space<vmem>>, vector<1x1x256x512xf32>
    %get3A_307 = vector.shape_cast %get3A_306 : vector<1x1x256x512xf32> to vector<256x512xf32>
    %sub3A_308 = arith.subf %get3A_307, %max3A_134 : vector<256x512xf32>
    %exp3A_309 = math.exp %sub3A_308 : vector<256x512xf32>
    %add3A_310 = arith.addf %add3A_297, %exp3A_309 : vector<256x512xf32>
    %eq3A_311 = arith.constant 13 : i32
    %eq3A_312 = vector.broadcast %eq3A_311 : i32 to vector<256x512xi32>
    %eq3A_313 = arith.cmpi eq, %get3A_3, %eq3A_312 : vector<256x512xi32>
    %select_n3A_314 = arith.select %eq3A_313, %get3A_307, %select_n3A_301 : vector<256x512xi1>, vector<256x512xf32>
    %get3A_315 = arith.constant 0 : index
    %get3A_316 = arith.constant 14 : index
    %get3A_317 = arith.constant 0 : index
    %get3A_318 = arith.constant 0 : index
    %get3A_319 = vector.load %arg2[%get3A_315, %get3A_316, %get3A_317, %get3A_318] : memref<1x19x256x512xf32, #tpu.memory_space<vmem>>, vector<1x1x256x512xf32>
    %get3A_320 = vector.shape_cast %get3A_319 : vector<1x1x256x512xf32> to vector<256x512xf32>
    %sub3A_321 = arith.subf %get3A_320, %max3A_134 : vector<256x512xf32>
    %exp3A_322 = math.exp %sub3A_321 : vector<256x512xf32>
    %add3A_323 = arith.addf %add3A_310, %exp3A_322 : vector<256x512xf32>
    %eq3A_324 = arith.constant 14 : i32
    %eq3A_325 = vector.broadcast %eq3A_324 : i32 to vector<256x512xi32>
    %eq3A_326 = arith.cmpi eq, %get3A_3, %eq3A_325 : vector<256x512xi32>
    %select_n3A_327 = arith.select %eq3A_326, %get3A_320, %select_n3A_314 : vector<256x512xi1>, vector<256x512xf32>
    %get3A_328 = arith.constant 0 : index
    %get3A_329 = arith.constant 15 : index
    %get3A_330 = arith.constant 0 : index
    %get3A_331 = arith.constant 0 : index
    %get3A_332 = vector.load %arg2[%get3A_328, %get3A_329, %get3A_330, %get3A_331] : memref<1x19x256x512xf32, #tpu.memory_space<vmem>>, vector<1x1x256x512xf32>
    %get3A_333 = vector.shape_cast %get3A_332 : vector<1x1x256x512xf32> to vector<256x512xf32>
    %sub3A_334 = arith.subf %get3A_333, %max3A_134 : vector<256x512xf32>
    %exp3A_335 = math.exp %sub3A_334 : vector<256x512xf32>
    %add3A_336 = arith.addf %add3A_323, %exp3A_335 : vector<256x512xf32>
    %eq3A_337 = arith.constant 15 : i32
    %eq3A_338 = vector.broadcast %eq3A_337 : i32 to vector<256x512xi32>
    %eq3A_339 = arith.cmpi eq, %get3A_3, %eq3A_338 : vector<256x512xi32>
    %select_n3A_340 = arith.select %eq3A_339, %get3A_333, %select_n3A_327 : vector<256x512xi1>, vector<256x512xf32>
    %get3A_341 = arith.constant 0 : index
    %get3A_342 = arith.constant 16 : index
    %get3A_343 = arith.constant 0 : index
    %get3A_344 = arith.constant 0 : index
    %get3A_345 = vector.load %arg2[%get3A_341, %get3A_342, %get3A_343, %get3A_344] : memref<1x19x256x512xf32, #tpu.memory_space<vmem>>, vector<1x1x256x512xf32>
    %get3A_346 = vector.shape_cast %get3A_345 : vector<1x1x256x512xf32> to vector<256x512xf32>
    %sub3A_347 = arith.subf %get3A_346, %max3A_134 : vector<256x512xf32>
    %exp3A_348 = math.exp %sub3A_347 : vector<256x512xf32>
    %add3A_349 = arith.addf %add3A_336, %exp3A_348 : vector<256x512xf32>
    %eq3A_350 = arith.constant 16 : i32
    %eq3A_351 = vector.broadcast %eq3A_350 : i32 to vector<256x512xi32>
    %eq3A_352 = arith.cmpi eq, %get3A_3, %eq3A_351 : vector<256x512xi32>
    %select_n3A_353 = arith.select %eq3A_352, %get3A_346, %select_n3A_340 : vector<256x512xi1>, vector<256x512xf32>
    %get3A_354 = arith.constant 0 : index
    %get3A_355 = arith.constant 17 : index
    %get3A_356 = arith.constant 0 : index
    %get3A_357 = arith.constant 0 : index
    %get3A_358 = vector.load %arg2[%get3A_354, %get3A_355, %get3A_356, %get3A_357] : memref<1x19x256x512xf32, #tpu.memory_space<vmem>>, vector<1x1x256x512xf32>
    %get3A_359 = vector.shape_cast %get3A_358 : vector<1x1x256x512xf32> to vector<256x512xf32>
    %sub3A_360 = arith.subf %get3A_359, %max3A_134 : vector<256x512xf32>
    %exp3A_361 = math.exp %sub3A_360 : vector<256x512xf32>
    %add3A_362 = arith.addf %add3A_349, %exp3A_361 : vector<256x512xf32>
    %eq3A_363 = arith.constant 17 : i32
    %eq3A_364 = vector.broadcast %eq3A_363 : i32 to vector<256x512xi32>
    %eq3A_365 = arith.cmpi eq, %get3A_3, %eq3A_364 : vector<256x512xi32>
    %select_n3A_366 = arith.select %eq3A_365, %get3A_359, %select_n3A_353 : vector<256x512xi1>, vector<256x512xf32>
    %get3A_367 = arith.constant 0 : index
    %get3A_368 = arith.constant 18 : index
    %get3A_369 = arith.constant 0 : index
    %get3A_370 = arith.constant 0 : index
    %get3A_371 = vector.load %arg2[%get3A_367, %get3A_368, %get3A_369, %get3A_370] : memref<1x19x256x512xf32, #tpu.memory_space<vmem>>, vector<1x1x256x512xf32>
    %get3A_372 = vector.shape_cast %get3A_371 : vector<1x1x256x512xf32> to vector<256x512xf32>
    %sub3A_373 = arith.subf %get3A_372, %max3A_134 : vector<256x512xf32>
    %exp3A_374 = math.exp %sub3A_373 : vector<256x512xf32>
    %add3A_375 = arith.addf %add3A_362, %exp3A_374 : vector<256x512xf32>
    %eq3A_376 = arith.constant 18 : i32
    %eq3A_377 = vector.broadcast %eq3A_376 : i32 to vector<256x512xi32>
    %eq3A_378 = arith.cmpi eq, %get3A_3, %eq3A_377 : vector<256x512xi32>
    %select_n3A_379 = arith.select %eq3A_378, %get3A_372, %select_n3A_366 : vector<256x512xi1>, vector<256x512xf32>
    %sub3A_380 = arith.subf %max3A_134, %select_n3A_379 : vector<256x512xf32>
    %log3A = math.log %add3A_375 : vector<256x512xf32>
    %add3A_381 = arith.addf %sub3A_380, %log3A : vector<256x512xf32>
    %ne3A = arith.constant 255 : i32
    %ne3A_382 = vector.broadcast %ne3A : i32 to vector<256x512xi32>
    %ne3A_383 = arith.cmpi ne, %get3A_3, %ne3A_382 : vector<256x512xi32>
    %jit3A = arith.constant 0.000000e+00 : f32
    %broadcast_in_dim3A_384 = vector.broadcast %jit3A : f32 to vector<256x512xf32>
    %select_n3A_385 = arith.select %ne3A_383, %add3A_381, %broadcast_in_dim3A_384 : vector<256x512xi1>, vector<256x512xf32>
    %swap3A = arith.constant 0 : index
    %swap3A_386 = arith.constant 0 : index
    %swap3A_387 = vector.load %arg4[%swap3A, %swap3A_386] : memref<256x512xf32, #tpu.memory_space<vmem>>, vector<256x512xf32>
    tpu.vector_store %arg4[%swap3A, %swap3A_386], %select_n3A_385 {strides = array<i32>} : memref<256x512xf32, #tpu.memory_space<vmem>>, vector<256x512xf32>,
    %convert_element_type3A = arith.truncf %select_n3A_385 : vector<256x512xf32> to vector<256x512xbf16>
    %bitcast3A = tpu.bitcast %convert_element_type3A : vector<256x512xbf16> -> vector<256x512xi16>
    %swap3A_388 = arith.constant 0 : index
    %swap3A_389 = arith.constant 0 : index
    %swap3A_390 = vector.load %arg5[%swap3A_388, %swap3A_389] : memref<256x512xi16, #tpu.memory_space<vmem>>, vector<256x512xi16>
    tpu.vector_store %arg5[%swap3A_388, %swap3A_389], %bitcast3A {strides = array<i32>} : memref<256x512xi16, #tpu.memory_space<vmem>>, vector<256x512xi16>,
    return
  }
  func.func @transform_0(%arg0: i32, %arg1: i32) -> (i32, i32, i32, i32) {
    %c0_i32 = arith.constant 0 : i32
    %c0_i32_0 = arith.constant 0 : i32
    %c0_i32_1 = arith.constant 0 : i32
    return %arg0, %c0_i32, %arg1, %c0_i32_0 : i32, i32, i32, i32
  }
  func.func @transform_1(%arg0: i32, %arg1: i32) -> (i32, i32, i32) {
    %c0_i32 = arith.constant 0 : i32
    %c0_i32_0 = arith.constant 0 : i32
    return %arg0, %arg1, %c0_i32 : i32, i32, i32
  }
  func.func @transform_2(%arg0: i32, %arg1: i32) -> (i32, i32) {
    %c0_i32 = arith.constant 0 : i32
    return %arg1, %arg0 : i32, i32
  }
  func.func @transform_3(%arg0: i32, %arg1: i32) -> (i32, i32) {
    %c0_i32 = arith.constant 0 : i32
    return %arg1, %arg0 : i32, i32
  }
}

module attributes {stable_mosaic.version = 14 : i64} {
  func.func @_resolve_kernel(%arg0: memref<32x4096xi32, #tpu.memory_space<vmem>>, %arg1: memref<512x4096xi16, #tpu.memory_space<vmem>>, %arg2: memref<512x4096xf32, #tpu.memory_space<vmem>>, %arg3: memref<1x1xf32, #tpu.memory_space<smem>>) attributes {dimension_semantics = [], scalar_prefetch = 0 : i64, scratch_operands = 0 : i64, tpu.core_type = #tpu.core_type<tc>} {
    %get3A = arith.constant 0 : index
    %get3A_0 = arith.constant 0 : index
    %get3A_1 = vector.load %arg0[%get3A, %get3A_0] : memref<32x4096xi32, #tpu.memory_space<vmem>>, vector<32x4096xi32>
    %convert_element_type3A = arith.sitofp %get3A_1 : vector<32x4096xi32> to vector<32x4096xf32>
    %reduce_sum3A = arith.constant dense<0.000000e+00> : vector<4096xf32>
    %reduce_sum3A_2 = vector.multi_reduction <add>, %convert_element_type3A, %reduce_sum3A [0] : vector<32x4096xf32> to vector<4096xf32>
    %broadcast_in_dim3A = vector.shape_cast %reduce_sum3A_2 : vector<4096xf32> to vector<1x4096xf32>
    %broadcast_in_dim3A_3 = arith.constant 0.000000e+00 : f32
    %broadcast_in_dim3A_4 = vector.broadcast %broadcast_in_dim3A_3 : f32 to vector<1x256xf32>
    %slice3A = vector.extract_strided_slice %broadcast_in_dim3A {offsets = [0, 0], sizes = [1, 256], strides = [1, 1]} : vector<1x4096xf32> to vector<1x256xf32>
    %add3A = arith.addf %broadcast_in_dim3A_4, %slice3A : vector<1x256xf32>
    %slice3A_5 = vector.extract_strided_slice %broadcast_in_dim3A {offsets = [0, 256], sizes = [1, 256], strides = [1, 1]} : vector<1x4096xf32> to vector<1x256xf32>
    %add3A_6 = arith.addf %add3A, %slice3A_5 : vector<1x256xf32>
    %slice3A_7 = vector.extract_strided_slice %broadcast_in_dim3A {offsets = [0, 512], sizes = [1, 256], strides = [1, 1]} : vector<1x4096xf32> to vector<1x256xf32>
    %add3A_8 = arith.addf %add3A_6, %slice3A_7 : vector<1x256xf32>
    %slice3A_9 = vector.extract_strided_slice %broadcast_in_dim3A {offsets = [0, 768], sizes = [1, 256], strides = [1, 1]} : vector<1x4096xf32> to vector<1x256xf32>
    %add3A_10 = arith.addf %add3A_8, %slice3A_9 : vector<1x256xf32>
    %slice3A_11 = vector.extract_strided_slice %broadcast_in_dim3A {offsets = [0, 1024], sizes = [1, 256], strides = [1, 1]} : vector<1x4096xf32> to vector<1x256xf32>
    %add3A_12 = arith.addf %add3A_10, %slice3A_11 : vector<1x256xf32>
    %slice3A_13 = vector.extract_strided_slice %broadcast_in_dim3A {offsets = [0, 1280], sizes = [1, 256], strides = [1, 1]} : vector<1x4096xf32> to vector<1x256xf32>
    %add3A_14 = arith.addf %add3A_12, %slice3A_13 : vector<1x256xf32>
    %slice3A_15 = vector.extract_strided_slice %broadcast_in_dim3A {offsets = [0, 1536], sizes = [1, 256], strides = [1, 1]} : vector<1x4096xf32> to vector<1x256xf32>
    %add3A_16 = arith.addf %add3A_14, %slice3A_15 : vector<1x256xf32>
    %slice3A_17 = vector.extract_strided_slice %broadcast_in_dim3A {offsets = [0, 1792], sizes = [1, 256], strides = [1, 1]} : vector<1x4096xf32> to vector<1x256xf32>
    %add3A_18 = arith.addf %add3A_16, %slice3A_17 : vector<1x256xf32>
    %slice3A_19 = vector.extract_strided_slice %broadcast_in_dim3A {offsets = [0, 2048], sizes = [1, 256], strides = [1, 1]} : vector<1x4096xf32> to vector<1x256xf32>
    %add3A_20 = arith.addf %add3A_18, %slice3A_19 : vector<1x256xf32>
    %slice3A_21 = vector.extract_strided_slice %broadcast_in_dim3A {offsets = [0, 2304], sizes = [1, 256], strides = [1, 1]} : vector<1x4096xf32> to vector<1x256xf32>
    %add3A_22 = arith.addf %add3A_20, %slice3A_21 : vector<1x256xf32>
    %slice3A_23 = vector.extract_strided_slice %broadcast_in_dim3A {offsets = [0, 2560], sizes = [1, 256], strides = [1, 1]} : vector<1x4096xf32> to vector<1x256xf32>
    %add3A_24 = arith.addf %add3A_22, %slice3A_23 : vector<1x256xf32>
    %slice3A_25 = vector.extract_strided_slice %broadcast_in_dim3A {offsets = [0, 2816], sizes = [1, 256], strides = [1, 1]} : vector<1x4096xf32> to vector<1x256xf32>
    %add3A_26 = arith.addf %add3A_24, %slice3A_25 : vector<1x256xf32>
    %slice3A_27 = vector.extract_strided_slice %broadcast_in_dim3A {offsets = [0, 3072], sizes = [1, 256], strides = [1, 1]} : vector<1x4096xf32> to vector<1x256xf32>
    %add3A_28 = arith.addf %add3A_26, %slice3A_27 : vector<1x256xf32>
    %slice3A_29 = vector.extract_strided_slice %broadcast_in_dim3A {offsets = [0, 3328], sizes = [1, 256], strides = [1, 1]} : vector<1x4096xf32> to vector<1x256xf32>
    %add3A_30 = arith.addf %add3A_28, %slice3A_29 : vector<1x256xf32>
    %slice3A_31 = vector.extract_strided_slice %broadcast_in_dim3A {offsets = [0, 3584], sizes = [1, 256], strides = [1, 1]} : vector<1x4096xf32> to vector<1x256xf32>
    %add3A_32 = arith.addf %add3A_30, %slice3A_31 : vector<1x256xf32>
    %slice3A_33 = vector.extract_strided_slice %broadcast_in_dim3A {offsets = [0, 3840], sizes = [1, 256], strides = [1, 1]} : vector<1x4096xf32> to vector<1x256xf32>
    %add3A_34 = arith.addf %add3A_32, %slice3A_33 : vector<1x256xf32>
    %iota3A = tpu.iota {dimensions = array<i32: 1>} : vector<1x256xi32>
    %scan3A = arith.constant 4.194300e+05 : f32
    %scan3A_35 = arith.constant 0 : i32
    %scan3A_36 = arith.constant 255 : i32
    %scan3A_37 = arith.constant 0 : i32
    %scan3A_38 = arith.constant 8 : i32
    %scan3A_39 = arith.addi %scan3A_37, %scan3A_38 : i32
    %scan3A_40 = arith.constant 1 : i32
    %scan3A_41:2 = scf.for %scan3A_1877 = %scan3A_37 to %scan3A_39 step %scan3A_40 iter_args(%scan3A_1878 = %scan3A_35, %scan3A_1879 = %scan3A_36) -> (i32, i32)  : i32 {
      %sub3A_1880 = arith.subi %scan3A_1879, %scan3A_1878 : i32
      %jit3A_1881 = arith.constant 2 : i32
      %div3A_1882 = arith.divsi %sub3A_1880, %jit3A_1881 : i32
      %sign3A = arith.constant 0 : i32
      %sign3A_1883 = arith.cmpi sgt, %sub3A_1880, %sign3A : i32
      %sign3A_1884 = arith.extui %sign3A_1883 : i1 to i32
      %sign3A_1885 = arith.constant 0 : i32
      %sign3A_1886 = arith.cmpi slt, %sub3A_1880, %sign3A_1885 : i32
      %sign3A_1887 = arith.extui %sign3A_1886 : i1 to i32
      %sign3A_1888 = arith.subi %sign3A_1884, %sign3A_1887 : i32
      %sign3A_1889 = arith.constant 0 : i32
      %sign3A_1890 = arith.cmpi sgt, %jit3A_1881, %sign3A_1889 : i32
      %sign3A_1891 = arith.extui %sign3A_1890 : i1 to i32
      %sign3A_1892 = arith.constant 0 : i32
      %sign3A_1893 = arith.cmpi slt, %jit3A_1881, %sign3A_1892 : i32
      %sign3A_1894 = arith.extui %sign3A_1893 : i1 to i32
      %sign3A_1895 = arith.subi %sign3A_1891, %sign3A_1894 : i32
      %ne3A = arith.cmpi ne, %sign3A_1888, %sign3A_1895 : i32
      %rem3A = arith.remsi %sub3A_1880, %jit3A_1881 : i32
      %ne3A_1896 = arith.constant 0 : i32
      %ne3A_1897 = arith.cmpi ne, %rem3A, %ne3A_1896 : i32
      %and3A = arith.andi %ne3A, %ne3A_1897 : i1
      %sub3A_1898 = arith.constant 1 : i32
      %sub3A_1899 = arith.subi %div3A_1882, %sub3A_1898 : i32
      %select_n3A_1900 = arith.select %and3A, %sub3A_1899, %div3A_1882 : i32
      %add3A_1901 = arith.addi %scan3A_1878, %select_n3A_1900 : i32
      %gt3A_1902 = vector.broadcast %add3A_1901 : i32 to vector<1x256xi32>
      %gt3A_1903 = arith.cmpi sgt, %iota3A, %gt3A_1902 : vector<1x256xi32>
      %jit3A_1904 = arith.constant 0.000000e+00 : f32
      %broadcast_in_dim3A_1905 = vector.broadcast %jit3A_1904 : f32 to vector<1x256xf32>
      %select_n3A_1906 = arith.select %gt3A_1903, %add3A_34, %broadcast_in_dim3A_1905 : vector<1x256xi1>, vector<1x256xf32>
      %reduce_sum3A_1907 = vector.shape_cast %select_n3A_1906 : vector<1x256xf32> to vector<1x1x256xf32>
      %reduce_sum3A_1908 = arith.constant dense<0.000000e+00> : vector<1xf32>
      %reduce_sum3A_1909 = vector.multi_reduction <add>, %reduce_sum3A_1907, %reduce_sum3A_1908 [1, 2] : vector<1x1x256xf32> to vector<1xf32>
      %reduce_sum3A_1910 = vector.shape_cast %reduce_sum3A_1909 : vector<1xf32> to vector<1x1x1xf32>
      %reduce_sum3A_1911 = vector.extract %reduce_sum3A_1910[0, 0, 0] : f32 from vector<1x1x1xf32>
      %lt3A = arith.cmpf olt, %reduce_sum3A_1911, %scan3A : f32
      %lt3A_1912 = arith.cmpi slt, %scan3A_1878, %scan3A_1879 : i32
      %and3A_1913 = arith.andi %lt3A_1912, %lt3A : i1
      %select_n3A_1914 = arith.select %and3A_1913, %add3A_1901, %scan3A_1879 : i32
      %not3A = arith.constant true
      %not3A_1915 = arith.xori %lt3A, %not3A : i1
      %and3A_1916 = arith.andi %lt3A_1912, %not3A_1915 : i1
      %add3A_1917 = arith.constant 1 : i32
      %add3A_1918 = arith.addi %add3A_1901, %add3A_1917 : i32
      %select_n3A_1919 = arith.select %and3A_1916, %add3A_1918, %scan3A_1878 : i32
      scf.yield %select_n3A_1919, %select_n3A_1914 : i32, i32
    }
    %mul3A = arith.constant 128 : i32
    %mul3A_42 = arith.muli %scan3A_41#0, %mul3A : i32
    %mul3A_43 = arith.constant 128 : i32
    %mul3A_44 = arith.muli %scan3A_41#0, %mul3A_43 : i32
    %add3A_45 = arith.constant 127 : i32
    %add3A_46 = arith.addi %mul3A_44, %add3A_45 : i32
    %scan3A_47 = arith.constant 1 : i16
    %scan3A_48 = arith.constant 4.194300e+05 : f32
    %scan3A_49 = arith.constant 0 : i32
    %scan3A_50 = arith.constant 7 : i32
    %scan3A_51 = arith.addi %scan3A_49, %scan3A_50 : i32
    %scan3A_52 = arith.constant 1 : i32
    %scan3A_53:2 = scf.for %scan3A_1877 = %scan3A_49 to %scan3A_51 step %scan3A_52 iter_args(%scan3A_1878 = %mul3A_42, %scan3A_1879 = %add3A_46) -> (i32, i32)  : i32 {
      %sub3A_1880 = arith.subi %scan3A_1879, %scan3A_1878 : i32
      %jit3A_1881 = arith.constant 2 : i32
      %div3A_1882 = arith.divsi %sub3A_1880, %jit3A_1881 : i32
      %sign3A = arith.constant 0 : i32
      %sign3A_1883 = arith.cmpi sgt, %sub3A_1880, %sign3A : i32
      %sign3A_1884 = arith.extui %sign3A_1883 : i1 to i32
      %sign3A_1885 = arith.constant 0 : i32
      %sign3A_1886 = arith.cmpi slt, %sub3A_1880, %sign3A_1885 : i32
      %sign3A_1887 = arith.extui %sign3A_1886 : i1 to i32
      %sign3A_1888 = arith.subi %sign3A_1884, %sign3A_1887 : i32
      %sign3A_1889 = arith.constant 0 : i32
      %sign3A_1890 = arith.cmpi sgt, %jit3A_1881, %sign3A_1889 : i32
      %sign3A_1891 = arith.extui %sign3A_1890 : i1 to i32
      %sign3A_1892 = arith.constant 0 : i32
      %sign3A_1893 = arith.cmpi slt, %jit3A_1881, %sign3A_1892 : i32
      %sign3A_1894 = arith.extui %sign3A_1893 : i1 to i32
      %sign3A_1895 = arith.subi %sign3A_1891, %sign3A_1894 : i32
      %ne3A = arith.cmpi ne, %sign3A_1888, %sign3A_1895 : i32
      %rem3A = arith.remsi %sub3A_1880, %jit3A_1881 : i32
      %ne3A_1896 = arith.constant 0 : i32
      %ne3A_1897 = arith.cmpi ne, %rem3A, %ne3A_1896 : i32
      %and3A = arith.andi %ne3A, %ne3A_1897 : i1
      %sub3A_1898 = arith.constant 1 : i32
      %sub3A_1899 = arith.subi %div3A_1882, %sub3A_1898 : i32
      %select_n3A_1900 = arith.select %and3A, %sub3A_1899, %div3A_1882 : i32
      %add3A_1901 = arith.addi %scan3A_1878, %select_n3A_1900 : i32
      %convert_element_type3A_1902 = arith.trunci %add3A_1901 : i32 to i16
      %broadcast_in_dim3A_1903 = arith.constant 0 : i16
      %broadcast_in_dim3A_1904 = vector.broadcast %broadcast_in_dim3A_1903 : i16 to vector<16x4096xi16>
      %get3A_1905 = arith.constant 0 : index
      %get3A_1906 = arith.constant 0 : index
      %get3A_1907 = vector.load %arg1[%get3A_1905, %get3A_1906] : memref<512x4096xi16, #tpu.memory_space<vmem>>, vector<16x4096xi16>
      %gt3A_1908 = vector.broadcast %convert_element_type3A_1902 : i16 to vector<16x4096xi16>
      %gt3A_1909 = arith.cmpi sgt, %get3A_1907, %gt3A_1908 : vector<16x4096xi16>
      %jit3A_1910 = arith.constant 0 : i16
      %broadcast_in_dim3A_1911 = vector.broadcast %scan3A_47 : i16 to vector<16x4096xi16>
      %broadcast_in_dim3A_1912 = vector.broadcast %jit3A_1910 : i16 to vector<16x4096xi16>
      %select_n3A_1913 = arith.select %gt3A_1909, %broadcast_in_dim3A_1911, %broadcast_in_dim3A_1912 : vector<16x4096xi1>, vector<16x4096xi16>
      %add3A_1914 = arith.addi %broadcast_in_dim3A_1904, %select_n3A_1913 : vector<16x4096xi16>
      %get3A_1915 = arith.constant 16 : index
      %get3A_1916 = arith.constant 0 : index
      %get3A_1917 = vector.load %arg1[%get3A_1915, %get3A_1916] : memref<512x4096xi16, #tpu.memory_space<vmem>>, vector<16x4096xi16>
      %gt3A_1918 = vector.broadcast %convert_element_type3A_1902 : i16 to vector<16x4096xi16>
      %gt3A_1919 = arith.cmpi sgt, %get3A_1917, %gt3A_1918 : vector<16x4096xi16>
      %jit3A_1920 = arith.constant 0 : i16
      %broadcast_in_dim3A_1921 = vector.broadcast %scan3A_47 : i16 to vector<16x4096xi16>
      %broadcast_in_dim3A_1922 = vector.broadcast %jit3A_1920 : i16 to vector<16x4096xi16>
      %select_n3A_1923 = arith.select %gt3A_1919, %broadcast_in_dim3A_1921, %broadcast_in_dim3A_1922 : vector<16x4096xi1>, vector<16x4096xi16>
      %add3A_1924 = arith.addi %add3A_1914, %select_n3A_1923 : vector<16x4096xi16>
      %get3A_1925 = arith.constant 32 : index
      %get3A_1926 = arith.constant 0 : index
      %get3A_1927 = vector.load %arg1[%get3A_1925, %get3A_1926] : memref<512x4096xi16, #tpu.memory_space<vmem>>, vector<16x4096xi16>
      %gt3A_1928 = vector.broadcast %convert_element_type3A_1902 : i16 to vector<16x4096xi16>
      %gt3A_1929 = arith.cmpi sgt, %get3A_1927, %gt3A_1928 : vector<16x4096xi16>
      %jit3A_1930 = arith.constant 0 : i16
      %broadcast_in_dim3A_1931 = vector.broadcast %scan3A_47 : i16 to vector<16x4096xi16>
      %broadcast_in_dim3A_1932 = vector.broadcast %jit3A_1930 : i16 to vector<16x4096xi16>
      %select_n3A_1933 = arith.select %gt3A_1929, %broadcast_in_dim3A_1931, %broadcast_in_dim3A_1932 : vector<16x4096xi1>, vector<16x4096xi16>
      %add3A_1934 = arith.addi %add3A_1924, %select_n3A_1933 : vector<16x4096xi16>
      %get3A_1935 = arith.constant 48 : index
      %get3A_1936 = arith.constant 0 : index
      %get3A_1937 = vector.load %arg1[%get3A_1935, %get3A_1936] : memref<512x4096xi16, #tpu.memory_space<vmem>>, vector<16x4096xi16>
      %gt3A_1938 = vector.broadcast %convert_element_type3A_1902 : i16 to vector<16x4096xi16>
      %gt3A_1939 = arith.cmpi sgt, %get3A_1937, %gt3A_1938 : vector<16x4096xi16>
      %jit3A_1940 = arith.constant 0 : i16
      %broadcast_in_dim3A_1941 = vector.broadcast %scan3A_47 : i16 to vector<16x4096xi16>
      %broadcast_in_dim3A_1942 = vector.broadcast %jit3A_1940 : i16 to vector<16x4096xi16>
      %select_n3A_1943 = arith.select %gt3A_1939, %broadcast_in_dim3A_1941, %broadcast_in_dim3A_1942 : vector<16x4096xi1>, vector<16x4096xi16>
      %add3A_1944 = arith.addi %add3A_1934, %select_n3A_1943 : vector<16x4096xi16>
      %get3A_1945 = arith.constant 64 : index
      %get3A_1946 = arith.constant 0 : index
      %get3A_1947 = vector.load %arg1[%get3A_1945, %get3A_1946] : memref<512x4096xi16, #tpu.memory_space<vmem>>, vector<16x4096xi16>
      %gt3A_1948 = vector.broadcast %convert_element_type3A_1902 : i16 to vector<16x4096xi16>
      %gt3A_1949 = arith.cmpi sgt, %get3A_1947, %gt3A_1948 : vector<16x4096xi16>
      %jit3A_1950 = arith.constant 0 : i16
      %broadcast_in_dim3A_1951 = vector.broadcast %scan3A_47 : i16 to vector<16x4096xi16>
      %broadcast_in_dim3A_1952 = vector.broadcast %jit3A_1950 : i16 to vector<16x4096xi16>
      %select_n3A_1953 = arith.select %gt3A_1949, %broadcast_in_dim3A_1951, %broadcast_in_dim3A_1952 : vector<16x4096xi1>, vector<16x4096xi16>
      %add3A_1954 = arith.addi %add3A_1944, %select_n3A_1953 : vector<16x4096xi16>
      %get3A_1955 = arith.constant 80 : index
      %get3A_1956 = arith.constant 0 : index
      %get3A_1957 = vector.load %arg1[%get3A_1955, %get3A_1956] : memref<512x4096xi16, #tpu.memory_space<vmem>>, vector<16x4096xi16>
      %gt3A_1958 = vector.broadcast %convert_element_type3A_1902 : i16 to vector<16x4096xi16>
      %gt3A_1959 = arith.cmpi sgt, %get3A_1957, %gt3A_1958 : vector<16x4096xi16>
      %jit3A_1960 = arith.constant 0 : i16
      %broadcast_in_dim3A_1961 = vector.broadcast %scan3A_47 : i16 to vector<16x4096xi16>
      %broadcast_in_dim3A_1962 = vector.broadcast %jit3A_1960 : i16 to vector<16x4096xi16>
      %select_n3A_1963 = arith.select %gt3A_1959, %broadcast_in_dim3A_1961, %broadcast_in_dim3A_1962 : vector<16x4096xi1>, vector<16x4096xi16>
      %add3A_1964 = arith.addi %add3A_1954, %select_n3A_1963 : vector<16x4096xi16>
      %get3A_1965 = arith.constant 96 : index
      %get3A_1966 = arith.constant 0 : index
      %get3A_1967 = vector.load %arg1[%get3A_1965, %get3A_1966] : memref<512x4096xi16, #tpu.memory_space<vmem>>, vector<16x4096xi16>
      %gt3A_1968 = vector.broadcast %convert_element_type3A_1902 : i16 to vector<16x4096xi16>
      %gt3A_1969 = arith.cmpi sgt, %get3A_1967, %gt3A_1968 : vector<16x4096xi16>
      %jit3A_1970 = arith.constant 0 : i16
      %broadcast_in_dim3A_1971 = vector.broadcast %scan3A_47 : i16 to vector<16x4096xi16>
      %broadcast_in_dim3A_1972 = vector.broadcast %jit3A_1970 : i16 to vector<16x4096xi16>
      %select_n3A_1973 = arith.select %gt3A_1969, %broadcast_in_dim3A_1971, %broadcast_in_dim3A_1972 : vector<16x4096xi1>, vector<16x4096xi16>
      %add3A_1974 = arith.addi %add3A_1964, %select_n3A_1973 : vector<16x4096xi16>
      %get3A_1975 = arith.constant 112 : index
      %get3A_1976 = arith.constant 0 : index
      %get3A_1977 = vector.load %arg1[%get3A_1975, %get3A_1976] : memref<512x4096xi16, #tpu.memory_space<vmem>>, vector<16x4096xi16>
      %gt3A_1978 = vector.broadcast %convert_element_type3A_1902 : i16 to vector<16x4096xi16>
      %gt3A_1979 = arith.cmpi sgt, %get3A_1977, %gt3A_1978 : vector<16x4096xi16>
      %jit3A_1980 = arith.constant 0 : i16
      %broadcast_in_dim3A_1981 = vector.broadcast %scan3A_47 : i16 to vector<16x4096xi16>
      %broadcast_in_dim3A_1982 = vector.broadcast %jit3A_1980 : i16 to vector<16x4096xi16>
      %select_n3A_1983 = arith.select %gt3A_1979, %broadcast_in_dim3A_1981, %broadcast_in_dim3A_1982 : vector<16x4096xi1>, vector<16x4096xi16>
      %add3A_1984 = arith.addi %add3A_1974, %select_n3A_1983 : vector<16x4096xi16>
      %get3A_1985 = arith.constant 128 : index
      %get3A_1986 = arith.constant 0 : index
      %get3A_1987 = vector.load %arg1[%get3A_1985, %get3A_1986] : memref<512x4096xi16, #tpu.memory_space<vmem>>, vector<16x4096xi16>
      %gt3A_1988 = vector.broadcast %convert_element_type3A_1902 : i16 to vector<16x4096xi16>
      %gt3A_1989 = arith.cmpi sgt, %get3A_1987, %gt3A_1988 : vector<16x4096xi16>
      %jit3A_1990 = arith.constant 0 : i16
      %broadcast_in_dim3A_1991 = vector.broadcast %scan3A_47 : i16 to vector<16x4096xi16>
      %broadcast_in_dim3A_1992 = vector.broadcast %jit3A_1990 : i16 to vector<16x4096xi16>
      %select_n3A_1993 = arith.select %gt3A_1989, %broadcast_in_dim3A_1991, %broadcast_in_dim3A_1992 : vector<16x4096xi1>, vector<16x4096xi16>
      %add3A_1994 = arith.addi %add3A_1984, %select_n3A_1993 : vector<16x4096xi16>
      %get3A_1995 = arith.constant 144 : index
      %get3A_1996 = arith.constant 0 : index
      %get3A_1997 = vector.load %arg1[%get3A_1995, %get3A_1996] : memref<512x4096xi16, #tpu.memory_space<vmem>>, vector<16x4096xi16>
      %gt3A_1998 = vector.broadcast %convert_element_type3A_1902 : i16 to vector<16x4096xi16>
      %gt3A_1999 = arith.cmpi sgt, %get3A_1997, %gt3A_1998 : vector<16x4096xi16>
      %jit3A_2000 = arith.constant 0 : i16
      %broadcast_in_dim3A_2001 = vector.broadcast %scan3A_47 : i16 to vector<16x4096xi16>
      %broadcast_in_dim3A_2002 = vector.broadcast %jit3A_2000 : i16 to vector<16x4096xi16>
      %select_n3A_2003 = arith.select %gt3A_1999, %broadcast_in_dim3A_2001, %broadcast_in_dim3A_2002 : vector<16x4096xi1>, vector<16x4096xi16>
      %add3A_2004 = arith.addi %add3A_1994, %select_n3A_2003 : vector<16x4096xi16>
      %get3A_2005 = arith.constant 160 : index
      %get3A_2006 = arith.constant 0 : index
      %get3A_2007 = vector.load %arg1[%get3A_2005, %get3A_2006] : memref<512x4096xi16, #tpu.memory_space<vmem>>, vector<16x4096xi16>
      %gt3A_2008 = vector.broadcast %convert_element_type3A_1902 : i16 to vector<16x4096xi16>
      %gt3A_2009 = arith.cmpi sgt, %get3A_2007, %gt3A_2008 : vector<16x4096xi16>
      %jit3A_2010 = arith.constant 0 : i16
      %broadcast_in_dim3A_2011 = vector.broadcast %scan3A_47 : i16 to vector<16x4096xi16>
      %broadcast_in_dim3A_2012 = vector.broadcast %jit3A_2010 : i16 to vector<16x4096xi16>
      %select_n3A_2013 = arith.select %gt3A_2009, %broadcast_in_dim3A_2011, %broadcast_in_dim3A_2012 : vector<16x4096xi1>, vector<16x4096xi16>
      %add3A_2014 = arith.addi %add3A_2004, %select_n3A_2013 : vector<16x4096xi16>
      %get3A_2015 = arith.constant 176 : index
      %get3A_2016 = arith.constant 0 : index
      %get3A_2017 = vector.load %arg1[%get3A_2015, %get3A_2016] : memref<512x4096xi16, #tpu.memory_space<vmem>>, vector<16x4096xi16>
      %gt3A_2018 = vector.broadcast %convert_element_type3A_1902 : i16 to vector<16x4096xi16>
      %gt3A_2019 = arith.cmpi sgt, %get3A_2017, %gt3A_2018 : vector<16x4096xi16>
      %jit3A_2020 = arith.constant 0 : i16
      %broadcast_in_dim3A_2021 = vector.broadcast %scan3A_47 : i16 to vector<16x4096xi16>
      %broadcast_in_dim3A_2022 = vector.broadcast %jit3A_2020 : i16 to vector<16x4096xi16>
      %select_n3A_2023 = arith.select %gt3A_2019, %broadcast_in_dim3A_2021, %broadcast_in_dim3A_2022 : vector<16x4096xi1>, vector<16x4096xi16>
      %add3A_2024 = arith.addi %add3A_2014, %select_n3A_2023 : vector<16x4096xi16>
      %get3A_2025 = arith.constant 192 : index
      %get3A_2026 = arith.constant 0 : index
      %get3A_2027 = vector.load %arg1[%get3A_2025, %get3A_2026] : memref<512x4096xi16, #tpu.memory_space<vmem>>, vector<16x4096xi16>
      %gt3A_2028 = vector.broadcast %convert_element_type3A_1902 : i16 to vector<16x4096xi16>
      %gt3A_2029 = arith.cmpi sgt, %get3A_2027, %gt3A_2028 : vector<16x4096xi16>
      %jit3A_2030 = arith.constant 0 : i16
      %broadcast_in_dim3A_2031 = vector.broadcast %scan3A_47 : i16 to vector<16x4096xi16>
      %broadcast_in_dim3A_2032 = vector.broadcast %jit3A_2030 : i16 to vector<16x4096xi16>
      %select_n3A_2033 = arith.select %gt3A_2029, %broadcast_in_dim3A_2031, %broadcast_in_dim3A_2032 : vector<16x4096xi1>, vector<16x4096xi16>
      %add3A_2034 = arith.addi %add3A_2024, %select_n3A_2033 : vector<16x4096xi16>
      %get3A_2035 = arith.constant 208 : index
      %get3A_2036 = arith.constant 0 : index
      %get3A_2037 = vector.load %arg1[%get3A_2035, %get3A_2036] : memref<512x4096xi16, #tpu.memory_space<vmem>>, vector<16x4096xi16>
      %gt3A_2038 = vector.broadcast %convert_element_type3A_1902 : i16 to vector<16x4096xi16>
      %gt3A_2039 = arith.cmpi sgt, %get3A_2037, %gt3A_2038 : vector<16x4096xi16>
      %jit3A_2040 = arith.constant 0 : i16
      %broadcast_in_dim3A_2041 = vector.broadcast %scan3A_47 : i16 to vector<16x4096xi16>
      %broadcast_in_dim3A_2042 = vector.broadcast %jit3A_2040 : i16 to vector<16x4096xi16>
      %select_n3A_2043 = arith.select %gt3A_2039, %broadcast_in_dim3A_2041, %broadcast_in_dim3A_2042 : vector<16x4096xi1>, vector<16x4096xi16>
      %add3A_2044 = arith.addi %add3A_2034, %select_n3A_2043 : vector<16x4096xi16>
      %get3A_2045 = arith.constant 224 : index
      %get3A_2046 = arith.constant 0 : index
      %get3A_2047 = vector.load %arg1[%get3A_2045, %get3A_2046] : memref<512x4096xi16, #tpu.memory_space<vmem>>, vector<16x4096xi16>
      %gt3A_2048 = vector.broadcast %convert_element_type3A_1902 : i16 to vector<16x4096xi16>
      %gt3A_2049 = arith.cmpi sgt, %get3A_2047, %gt3A_2048 : vector<16x4096xi16>
      %jit3A_2050 = arith.constant 0 : i16
      %broadcast_in_dim3A_2051 = vector.broadcast %scan3A_47 : i16 to vector<16x4096xi16>
      %broadcast_in_dim3A_2052 = vector.broadcast %jit3A_2050 : i16 to vector<16x4096xi16>
      %select_n3A_2053 = arith.select %gt3A_2049, %broadcast_in_dim3A_2051, %broadcast_in_dim3A_2052 : vector<16x4096xi1>, vector<16x4096xi16>
      %add3A_2054 = arith.addi %add3A_2044, %select_n3A_2053 : vector<16x4096xi16>
      %get3A_2055 = arith.constant 240 : index
      %get3A_2056 = arith.constant 0 : index
      %get3A_2057 = vector.load %arg1[%get3A_2055, %get3A_2056] : memref<512x4096xi16, #tpu.memory_space<vmem>>, vector<16x4096xi16>
      %gt3A_2058 = vector.broadcast %convert_element_type3A_1902 : i16 to vector<16x4096xi16>
      %gt3A_2059 = arith.cmpi sgt, %get3A_2057, %gt3A_2058 : vector<16x4096xi16>
      %jit3A_2060 = arith.constant 0 : i16
      %broadcast_in_dim3A_2061 = vector.broadcast %scan3A_47 : i16 to vector<16x4096xi16>
      %broadcast_in_dim3A_2062 = vector.broadcast %jit3A_2060 : i16 to vector<16x4096xi16>
      %select_n3A_2063 = arith.select %gt3A_2059, %broadcast_in_dim3A_2061, %broadcast_in_dim3A_2062 : vector<16x4096xi1>, vector<16x4096xi16>
      %add3A_2064 = arith.addi %add3A_2054, %select_n3A_2063 : vector<16x4096xi16>
      %get3A_2065 = arith.constant 256 : index
      %get3A_2066 = arith.constant 0 : index
      %get3A_2067 = vector.load %arg1[%get3A_2065, %get3A_2066] : memref<512x4096xi16, #tpu.memory_space<vmem>>, vector<16x4096xi16>
      %gt3A_2068 = vector.broadcast %convert_element_type3A_1902 : i16 to vector<16x4096xi16>
      %gt3A_2069 = arith.cmpi sgt, %get3A_2067, %gt3A_2068 : vector<16x4096xi16>
      %jit3A_2070 = arith.constant 0 : i16
      %broadcast_in_dim3A_2071 = vector.broadcast %scan3A_47 : i16 to vector<16x4096xi16>
      %broadcast_in_dim3A_2072 = vector.broadcast %jit3A_2070 : i16 to vector<16x4096xi16>
      %select_n3A_2073 = arith.select %gt3A_2069, %broadcast_in_dim3A_2071, %broadcast_in_dim3A_2072 : vector<16x4096xi1>, vector<16x4096xi16>
      %add3A_2074 = arith.addi %add3A_2064, %select_n3A_2073 : vector<16x4096xi16>
      %get3A_2075 = arith.constant 272 : index
      %get3A_2076 = arith.constant 0 : index
      %get3A_2077 = vector.load %arg1[%get3A_2075, %get3A_2076] : memref<512x4096xi16, #tpu.memory_space<vmem>>, vector<16x4096xi16>
      %gt3A_2078 = vector.broadcast %convert_element_type3A_1902 : i16 to vector<16x4096xi16>
      %gt3A_2079 = arith.cmpi sgt, %get3A_2077, %gt3A_2078 : vector<16x4096xi16>
      %jit3A_2080 = arith.constant 0 : i16
      %broadcast_in_dim3A_2081 = vector.broadcast %scan3A_47 : i16 to vector<16x4096xi16>
      %broadcast_in_dim3A_2082 = vector.broadcast %jit3A_2080 : i16 to vector<16x4096xi16>
      %select_n3A_2083 = arith.select %gt3A_2079, %broadcast_in_dim3A_2081, %broadcast_in_dim3A_2082 : vector<16x4096xi1>, vector<16x4096xi16>
      %add3A_2084 = arith.addi %add3A_2074, %select_n3A_2083 : vector<16x4096xi16>
      %get3A_2085 = arith.constant 288 : index
      %get3A_2086 = arith.constant 0 : index
      %get3A_2087 = vector.load %arg1[%get3A_2085, %get3A_2086] : memref<512x4096xi16, #tpu.memory_space<vmem>>, vector<16x4096xi16>
      %gt3A_2088 = vector.broadcast %convert_element_type3A_1902 : i16 to vector<16x4096xi16>
      %gt3A_2089 = arith.cmpi sgt, %get3A_2087, %gt3A_2088 : vector<16x4096xi16>
      %jit3A_2090 = arith.constant 0 : i16
      %broadcast_in_dim3A_2091 = vector.broadcast %scan3A_47 : i16 to vector<16x4096xi16>
      %broadcast_in_dim3A_2092 = vector.broadcast %jit3A_2090 : i16 to vector<16x4096xi16>
      %select_n3A_2093 = arith.select %gt3A_2089, %broadcast_in_dim3A_2091, %broadcast_in_dim3A_2092 : vector<16x4096xi1>, vector<16x4096xi16>
      %add3A_2094 = arith.addi %add3A_2084, %select_n3A_2093 : vector<16x4096xi16>
      %get3A_2095 = arith.constant 304 : index
      %get3A_2096 = arith.constant 0 : index
      %get3A_2097 = vector.load %arg1[%get3A_2095, %get3A_2096] : memref<512x4096xi16, #tpu.memory_space<vmem>>, vector<16x4096xi16>
      %gt3A_2098 = vector.broadcast %convert_element_type3A_1902 : i16 to vector<16x4096xi16>
      %gt3A_2099 = arith.cmpi sgt, %get3A_2097, %gt3A_2098 : vector<16x4096xi16>
      %jit3A_2100 = arith.constant 0 : i16
      %broadcast_in_dim3A_2101 = vector.broadcast %scan3A_47 : i16 to vector<16x4096xi16>
      %broadcast_in_dim3A_2102 = vector.broadcast %jit3A_2100 : i16 to vector<16x4096xi16>
      %select_n3A_2103 = arith.select %gt3A_2099, %broadcast_in_dim3A_2101, %broadcast_in_dim3A_2102 : vector<16x4096xi1>, vector<16x4096xi16>
      %add3A_2104 = arith.addi %add3A_2094, %select_n3A_2103 : vector<16x4096xi16>
      %get3A_2105 = arith.constant 320 : index
      %get3A_2106 = arith.constant 0 : index
      %get3A_2107 = vector.load %arg1[%get3A_2105, %get3A_2106] : memref<512x4096xi16, #tpu.memory_space<vmem>>, vector<16x4096xi16>
      %gt3A_2108 = vector.broadcast %convert_element_type3A_1902 : i16 to vector<16x4096xi16>
      %gt3A_2109 = arith.cmpi sgt, %get3A_2107, %gt3A_2108 : vector<16x4096xi16>
      %jit3A_2110 = arith.constant 0 : i16
      %broadcast_in_dim3A_2111 = vector.broadcast %scan3A_47 : i16 to vector<16x4096xi16>
      %broadcast_in_dim3A_2112 = vector.broadcast %jit3A_2110 : i16 to vector<16x4096xi16>
      %select_n3A_2113 = arith.select %gt3A_2109, %broadcast_in_dim3A_2111, %broadcast_in_dim3A_2112 : vector<16x4096xi1>, vector<16x4096xi16>
      %add3A_2114 = arith.addi %add3A_2104, %select_n3A_2113 : vector<16x4096xi16>
      %get3A_2115 = arith.constant 336 : index
      %get3A_2116 = arith.constant 0 : index
      %get3A_2117 = vector.load %arg1[%get3A_2115, %get3A_2116] : memref<512x4096xi16, #tpu.memory_space<vmem>>, vector<16x4096xi16>
      %gt3A_2118 = vector.broadcast %convert_element_type3A_1902 : i16 to vector<16x4096xi16>
      %gt3A_2119 = arith.cmpi sgt, %get3A_2117, %gt3A_2118 : vector<16x4096xi16>
      %jit3A_2120 = arith.constant 0 : i16
      %broadcast_in_dim3A_2121 = vector.broadcast %scan3A_47 : i16 to vector<16x4096xi16>
      %broadcast_in_dim3A_2122 = vector.broadcast %jit3A_2120 : i16 to vector<16x4096xi16>
      %select_n3A_2123 = arith.select %gt3A_2119, %broadcast_in_dim3A_2121, %broadcast_in_dim3A_2122 : vector<16x4096xi1>, vector<16x4096xi16>
      %add3A_2124 = arith.addi %add3A_2114, %select_n3A_2123 : vector<16x4096xi16>
      %get3A_2125 = arith.constant 352 : index
      %get3A_2126 = arith.constant 0 : index
      %get3A_2127 = vector.load %arg1[%get3A_2125, %get3A_2126] : memref<512x4096xi16, #tpu.memory_space<vmem>>, vector<16x4096xi16>
      %gt3A_2128 = vector.broadcast %convert_element_type3A_1902 : i16 to vector<16x4096xi16>
      %gt3A_2129 = arith.cmpi sgt, %get3A_2127, %gt3A_2128 : vector<16x4096xi16>
      %jit3A_2130 = arith.constant 0 : i16
      %broadcast_in_dim3A_2131 = vector.broadcast %scan3A_47 : i16 to vector<16x4096xi16>
      %broadcast_in_dim3A_2132 = vector.broadcast %jit3A_2130 : i16 to vector<16x4096xi16>
      %select_n3A_2133 = arith.select %gt3A_2129, %broadcast_in_dim3A_2131, %broadcast_in_dim3A_2132 : vector<16x4096xi1>, vector<16x4096xi16>
      %add3A_2134 = arith.addi %add3A_2124, %select_n3A_2133 : vector<16x4096xi16>
      %get3A_2135 = arith.constant 368 : index
      %get3A_2136 = arith.constant 0 : index
      %get3A_2137 = vector.load %arg1[%get3A_2135, %get3A_2136] : memref<512x4096xi16, #tpu.memory_space<vmem>>, vector<16x4096xi16>
      %gt3A_2138 = vector.broadcast %convert_element_type3A_1902 : i16 to vector<16x4096xi16>
      %gt3A_2139 = arith.cmpi sgt, %get3A_2137, %gt3A_2138 : vector<16x4096xi16>
      %jit3A_2140 = arith.constant 0 : i16
      %broadcast_in_dim3A_2141 = vector.broadcast %scan3A_47 : i16 to vector<16x4096xi16>
      %broadcast_in_dim3A_2142 = vector.broadcast %jit3A_2140 : i16 to vector<16x4096xi16>
      %select_n3A_2143 = arith.select %gt3A_2139, %broadcast_in_dim3A_2141, %broadcast_in_dim3A_2142 : vector<16x4096xi1>, vector<16x4096xi16>
      %add3A_2144 = arith.addi %add3A_2134, %select_n3A_2143 : vector<16x4096xi16>
      %get3A_2145 = arith.constant 384 : index
      %get3A_2146 = arith.constant 0 : index
      %get3A_2147 = vector.load %arg1[%get3A_2145, %get3A_2146] : memref<512x4096xi16, #tpu.memory_space<vmem>>, vector<16x4096xi16>
      %gt3A_2148 = vector.broadcast %convert_element_type3A_1902 : i16 to vector<16x4096xi16>
      %gt3A_2149 = arith.cmpi sgt, %get3A_2147, %gt3A_2148 : vector<16x4096xi16>
      %jit3A_2150 = arith.constant 0 : i16
      %broadcast_in_dim3A_2151 = vector.broadcast %scan3A_47 : i16 to vector<16x4096xi16>
      %broadcast_in_dim3A_2152 = vector.broadcast %jit3A_2150 : i16 to vector<16x4096xi16>
      %select_n3A_2153 = arith.select %gt3A_2149, %broadcast_in_dim3A_2151, %broadcast_in_dim3A_2152 : vector<16x4096xi1>, vector<16x4096xi16>
      %add3A_2154 = arith.addi %add3A_2144, %select_n3A_2153 : vector<16x4096xi16>
      %get3A_2155 = arith.constant 400 : index
      %get3A_2156 = arith.constant 0 : index
      %get3A_2157 = vector.load %arg1[%get3A_2155, %get3A_2156] : memref<512x4096xi16, #tpu.memory_space<vmem>>, vector<16x4096xi16>
      %gt3A_2158 = vector.broadcast %convert_element_type3A_1902 : i16 to vector<16x4096xi16>
      %gt3A_2159 = arith.cmpi sgt, %get3A_2157, %gt3A_2158 : vector<16x4096xi16>
      %jit3A_2160 = arith.constant 0 : i16
      %broadcast_in_dim3A_2161 = vector.broadcast %scan3A_47 : i16 to vector<16x4096xi16>
      %broadcast_in_dim3A_2162 = vector.broadcast %jit3A_2160 : i16 to vector<16x4096xi16>
      %select_n3A_2163 = arith.select %gt3A_2159, %broadcast_in_dim3A_2161, %broadcast_in_dim3A_2162 : vector<16x4096xi1>, vector<16x4096xi16>
      %add3A_2164 = arith.addi %add3A_2154, %select_n3A_2163 : vector<16x4096xi16>
      %get3A_2165 = arith.constant 416 : index
      %get3A_2166 = arith.constant 0 : index
      %get3A_2167 = vector.load %arg1[%get3A_2165, %get3A_2166] : memref<512x4096xi16, #tpu.memory_space<vmem>>, vector<16x4096xi16>
      %gt3A_2168 = vector.broadcast %convert_element_type3A_1902 : i16 to vector<16x4096xi16>
      %gt3A_2169 = arith.cmpi sgt, %get3A_2167, %gt3A_2168 : vector<16x4096xi16>
      %jit3A_2170 = arith.constant 0 : i16
      %broadcast_in_dim3A_2171 = vector.broadcast %scan3A_47 : i16 to vector<16x4096xi16>
      %broadcast_in_dim3A_2172 = vector.broadcast %jit3A_2170 : i16 to vector<16x4096xi16>
      %select_n3A_2173 = arith.select %gt3A_2169, %broadcast_in_dim3A_2171, %broadcast_in_dim3A_2172 : vector<16x4096xi1>, vector<16x4096xi16>
      %add3A_2174 = arith.addi %add3A_2164, %select_n3A_2173 : vector<16x4096xi16>
      %get3A_2175 = arith.constant 432 : index
      %get3A_2176 = arith.constant 0 : index
      %get3A_2177 = vector.load %arg1[%get3A_2175, %get3A_2176] : memref<512x4096xi16, #tpu.memory_space<vmem>>, vector<16x4096xi16>
      %gt3A_2178 = vector.broadcast %convert_element_type3A_1902 : i16 to vector<16x4096xi16>
      %gt3A_2179 = arith.cmpi sgt, %get3A_2177, %gt3A_2178 : vector<16x4096xi16>
      %jit3A_2180 = arith.constant 0 : i16
      %broadcast_in_dim3A_2181 = vector.broadcast %scan3A_47 : i16 to vector<16x4096xi16>
      %broadcast_in_dim3A_2182 = vector.broadcast %jit3A_2180 : i16 to vector<16x4096xi16>
      %select_n3A_2183 = arith.select %gt3A_2179, %broadcast_in_dim3A_2181, %broadcast_in_dim3A_2182 : vector<16x4096xi1>, vector<16x4096xi16>
      %add3A_2184 = arith.addi %add3A_2174, %select_n3A_2183 : vector<16x4096xi16>
      %get3A_2185 = arith.constant 448 : index
      %get3A_2186 = arith.constant 0 : index
      %get3A_2187 = vector.load %arg1[%get3A_2185, %get3A_2186] : memref<512x4096xi16, #tpu.memory_space<vmem>>, vector<16x4096xi16>
      %gt3A_2188 = vector.broadcast %convert_element_type3A_1902 : i16 to vector<16x4096xi16>
      %gt3A_2189 = arith.cmpi sgt, %get3A_2187, %gt3A_2188 : vector<16x4096xi16>
      %jit3A_2190 = arith.constant 0 : i16
      %broadcast_in_dim3A_2191 = vector.broadcast %scan3A_47 : i16 to vector<16x4096xi16>
      %broadcast_in_dim3A_2192 = vector.broadcast %jit3A_2190 : i16 to vector<16x4096xi16>
      %select_n3A_2193 = arith.select %gt3A_2189, %broadcast_in_dim3A_2191, %broadcast_in_dim3A_2192 : vector<16x4096xi1>, vector<16x4096xi16>
      %add3A_2194 = arith.addi %add3A_2184, %select_n3A_2193 : vector<16x4096xi16>
      %get3A_2195 = arith.constant 464 : index
      %get3A_2196 = arith.constant 0 : index
      %get3A_2197 = vector.load %arg1[%get3A_2195, %get3A_2196] : memref<512x4096xi16, #tpu.memory_space<vmem>>, vector<16x4096xi16>
      %gt3A_2198 = vector.broadcast %convert_element_type3A_1902 : i16 to vector<16x4096xi16>
      %gt3A_2199 = arith.cmpi sgt, %get3A_2197, %gt3A_2198 : vector<16x4096xi16>
      %jit3A_2200 = arith.constant 0 : i16
      %broadcast_in_dim3A_2201 = vector.broadcast %scan3A_47 : i16 to vector<16x4096xi16>
      %broadcast_in_dim3A_2202 = vector.broadcast %jit3A_2200 : i16 to vector<16x4096xi16>
      %select_n3A_2203 = arith.select %gt3A_2199, %broadcast_in_dim3A_2201, %broadcast_in_dim3A_2202 : vector<16x4096xi1>, vector<16x4096xi16>
      %add3A_2204 = arith.addi %add3A_2194, %select_n3A_2203 : vector<16x4096xi16>
      %get3A_2205 = arith.constant 480 : index
      %get3A_2206 = arith.constant 0 : index
      %get3A_2207 = vector.load %arg1[%get3A_2205, %get3A_2206] : memref<512x4096xi16, #tpu.memory_space<vmem>>, vector<16x4096xi16>
      %gt3A_2208 = vector.broadcast %convert_element_type3A_1902 : i16 to vector<16x4096xi16>
      %gt3A_2209 = arith.cmpi sgt, %get3A_2207, %gt3A_2208 : vector<16x4096xi16>
      %jit3A_2210 = arith.constant 0 : i16
      %broadcast_in_dim3A_2211 = vector.broadcast %scan3A_47 : i16 to vector<16x4096xi16>
      %broadcast_in_dim3A_2212 = vector.broadcast %jit3A_2210 : i16 to vector<16x4096xi16>
      %select_n3A_2213 = arith.select %gt3A_2209, %broadcast_in_dim3A_2211, %broadcast_in_dim3A_2212 : vector<16x4096xi1>, vector<16x4096xi16>
      %add3A_2214 = arith.addi %add3A_2204, %select_n3A_2213 : vector<16x4096xi16>
      %get3A_2215 = arith.constant 496 : index
      %get3A_2216 = arith.constant 0 : index
      %get3A_2217 = vector.load %arg1[%get3A_2215, %get3A_2216] : memref<512x4096xi16, #tpu.memory_space<vmem>>, vector<16x4096xi16>
      %gt3A_2218 = vector.broadcast %convert_element_type3A_1902 : i16 to vector<16x4096xi16>
      %gt3A_2219 = arith.cmpi sgt, %get3A_2217, %gt3A_2218 : vector<16x4096xi16>
      %jit3A_2220 = arith.constant 0 : i16
      %broadcast_in_dim3A_2221 = vector.broadcast %scan3A_47 : i16 to vector<16x4096xi16>
      %broadcast_in_dim3A_2222 = vector.broadcast %jit3A_2220 : i16 to vector<16x4096xi16>
      %select_n3A_2223 = arith.select %gt3A_2219, %broadcast_in_dim3A_2221, %broadcast_in_dim3A_2222 : vector<16x4096xi1>, vector<16x4096xi16>
      %add3A_2224 = arith.addi %add3A_2214, %select_n3A_2223 : vector<16x4096xi16>
      %convert_element_type3A_2225 = arith.sitofp %add3A_2224 : vector<16x4096xi16> to vector<16x4096xf32>
      %reduce_sum3A_2226 = vector.shape_cast %convert_element_type3A_2225 : vector<16x4096xf32> to vector<1x16x4096xf32>
      %reduce_sum3A_2227 = arith.constant dense<0.000000e+00> : vector<1xf32>
      %reduce_sum3A_2228 = vector.multi_reduction <add>, %reduce_sum3A_2226, %reduce_sum3A_2227 [1, 2] : vector<1x16x4096xf32> to vector<1xf32>
      %reduce_sum3A_2229 = vector.shape_cast %reduce_sum3A_2228 : vector<1xf32> to vector<1x1x1xf32>
      %reduce_sum3A_2230 = vector.extract %reduce_sum3A_2229[0, 0, 0] : f32 from vector<1x1x1xf32>
      %lt3A = arith.cmpi slt, %scan3A_1878, %scan3A_1879 : i32
      %lt3A_2231 = arith.cmpf olt, %reduce_sum3A_2230, %scan3A_48 : f32
      %and3A_2232 = arith.andi %lt3A, %lt3A_2231 : i1
      %select_n3A_2233 = arith.select %and3A_2232, %add3A_1901, %scan3A_1879 : i32
      %not3A = arith.constant true
      %not3A_2234 = arith.xori %lt3A_2231, %not3A : i1
      %and3A_2235 = arith.andi %lt3A, %not3A_2234 : i1
      %add3A_2236 = arith.constant 1 : i32
      %add3A_2237 = arith.addi %add3A_1901, %add3A_2236 : i32
      %select_n3A_2238 = arith.select %and3A_2235, %add3A_2237, %scan3A_1878 : i32
      scf.yield %select_n3A_2238, %select_n3A_2233 : i32, i32
    }
    %convert_element_type3A_54 = arith.trunci %scan3A_53#0 : i32 to i16
    %broadcast_in_dim3A_55 = arith.constant 0.000000e+00 : f32
    %broadcast_in_dim3A_56 = vector.broadcast %broadcast_in_dim3A_55 : f32 to vector<8x4096xf32>
    %broadcast_in_dim3A_57 = arith.constant 0 : i16
    %broadcast_in_dim3A_58 = vector.broadcast %broadcast_in_dim3A_57 : i16 to vector<8x4096xi16>
    %get3A_59 = arith.constant 0 : index
    %get3A_60 = arith.constant 0 : index
    %get3A_61 = vector.load %arg1[%get3A_59, %get3A_60] : memref<512x4096xi16, #tpu.memory_space<vmem>>, vector<8x4096xi16>
    %get3A_62 = arith.constant 0 : index
    %get3A_63 = arith.constant 0 : index
    %get3A_64 = vector.load %arg2[%get3A_62, %get3A_63] : memref<512x4096xf32, #tpu.memory_space<vmem>>, vector<8x4096xf32>
    %gt3A = vector.broadcast %convert_element_type3A_54 : i16 to vector<8x4096xi16>
    %gt3A_65 = arith.cmpi sgt, %get3A_61, %gt3A : vector<8x4096xi16>
    %jit3A = arith.constant 1 : i16
    %jit3A_66 = arith.constant 0 : i16
    %broadcast_in_dim3A_67 = vector.broadcast %jit3A : i16 to vector<8x4096xi16>
    %broadcast_in_dim3A_68 = vector.broadcast %jit3A_66 : i16 to vector<8x4096xi16>
    %select_n3A = arith.select %gt3A_65, %broadcast_in_dim3A_67, %broadcast_in_dim3A_68 : vector<8x4096xi1>, vector<8x4096xi16>
    %eq3A = vector.broadcast %convert_element_type3A_54 : i16 to vector<8x4096xi16>
    %eq3A_69 = arith.cmpi eq, %get3A_61, %eq3A : vector<8x4096xi16>
    %jit3A_70 = arith.constant 1 : i16
    %jit3A_71 = arith.constant 0 : i16
    %broadcast_in_dim3A_72 = vector.broadcast %jit3A_70 : i16 to vector<8x4096xi16>
    %broadcast_in_dim3A_73 = vector.broadcast %jit3A_71 : i16 to vector<8x4096xi16>
    %select_n3A_74 = arith.select %eq3A_69, %broadcast_in_dim3A_72, %broadcast_in_dim3A_73 : vector<8x4096xi1>, vector<8x4096xi16>
    %add3A_75 = arith.addi %broadcast_in_dim3A_58, %select_n3A : vector<8x4096xi16>
    %add3A_76 = arith.addi %broadcast_in_dim3A_58, %select_n3A_74 : vector<8x4096xi16>
    %convert_element_type3A_77 = arith.sitofp %select_n3A : vector<8x4096xi16> to vector<8x4096xf32>
    %mul3A_78 = arith.mulf %convert_element_type3A_77, %get3A_64 : vector<8x4096xf32>
    %add3A_79 = arith.addf %broadcast_in_dim3A_56, %mul3A_78 : vector<8x4096xf32>
    %convert_element_type3A_80 = arith.sitofp %select_n3A_74 : vector<8x4096xi16> to vector<8x4096xf32>
    %mul3A_81 = arith.mulf %convert_element_type3A_80, %get3A_64 : vector<8x4096xf32>
    %add3A_82 = arith.addf %broadcast_in_dim3A_56, %mul3A_81 : vector<8x4096xf32>
    %get3A_83 = arith.constant 8 : index
    %get3A_84 = arith.constant 0 : index
    %get3A_85 = vector.load %arg1[%get3A_83, %get3A_84] : memref<512x4096xi16, #tpu.memory_space<vmem>>, vector<8x4096xi16>
    %get3A_86 = arith.constant 8 : index
    %get3A_87 = arith.constant 0 : index
    %get3A_88 = vector.load %arg2[%get3A_86, %get3A_87] : memref<512x4096xf32, #tpu.memory_space<vmem>>, vector<8x4096xf32>
    %gt3A_89 = vector.broadcast %convert_element_type3A_54 : i16 to vector<8x4096xi16>
    %gt3A_90 = arith.cmpi sgt, %get3A_85, %gt3A_89 : vector<8x4096xi16>
    %jit3A_91 = arith.constant 1 : i16
    %jit3A_92 = arith.constant 0 : i16
    %broadcast_in_dim3A_93 = vector.broadcast %jit3A_91 : i16 to vector<8x4096xi16>
    %broadcast_in_dim3A_94 = vector.broadcast %jit3A_92 : i16 to vector<8x4096xi16>
    %select_n3A_95 = arith.select %gt3A_90, %broadcast_in_dim3A_93, %broadcast_in_dim3A_94 : vector<8x4096xi1>, vector<8x4096xi16>
    %eq3A_96 = vector.broadcast %convert_element_type3A_54 : i16 to vector<8x4096xi16>
    %eq3A_97 = arith.cmpi eq, %get3A_85, %eq3A_96 : vector<8x4096xi16>
    %jit3A_98 = arith.constant 1 : i16
    %jit3A_99 = arith.constant 0 : i16
    %broadcast_in_dim3A_100 = vector.broadcast %jit3A_98 : i16 to vector<8x4096xi16>
    %broadcast_in_dim3A_101 = vector.broadcast %jit3A_99 : i16 to vector<8x4096xi16>
    %select_n3A_102 = arith.select %eq3A_97, %broadcast_in_dim3A_100, %broadcast_in_dim3A_101 : vector<8x4096xi1>, vector<8x4096xi16>
    %add3A_103 = arith.addi %add3A_75, %select_n3A_95 : vector<8x4096xi16>
    %add3A_104 = arith.addi %add3A_76, %select_n3A_102 : vector<8x4096xi16>
    %convert_element_type3A_105 = arith.sitofp %select_n3A_95 : vector<8x4096xi16> to vector<8x4096xf32>
    %mul3A_106 = arith.mulf %convert_element_type3A_105, %get3A_88 : vector<8x4096xf32>
    %add3A_107 = arith.addf %add3A_79, %mul3A_106 : vector<8x4096xf32>
    %convert_element_type3A_108 = arith.sitofp %select_n3A_102 : vector<8x4096xi16> to vector<8x4096xf32>
    %mul3A_109 = arith.mulf %convert_element_type3A_108, %get3A_88 : vector<8x4096xf32>
    %add3A_110 = arith.addf %add3A_82, %mul3A_109 : vector<8x4096xf32>
    %get3A_111 = arith.constant 16 : index
    %get3A_112 = arith.constant 0 : index
    %get3A_113 = vector.load %arg1[%get3A_111, %get3A_112] : memref<512x4096xi16, #tpu.memory_space<vmem>>, vector<8x4096xi16>
    %get3A_114 = arith.constant 16 : index
    %get3A_115 = arith.constant 0 : index
    %get3A_116 = vector.load %arg2[%get3A_114, %get3A_115] : memref<512x4096xf32, #tpu.memory_space<vmem>>, vector<8x4096xf32>
    %gt3A_117 = vector.broadcast %convert_element_type3A_54 : i16 to vector<8x4096xi16>
    %gt3A_118 = arith.cmpi sgt, %get3A_113, %gt3A_117 : vector<8x4096xi16>
    %jit3A_119 = arith.constant 1 : i16
    %jit3A_120 = arith.constant 0 : i16
    %broadcast_in_dim3A_121 = vector.broadcast %jit3A_119 : i16 to vector<8x4096xi16>
    %broadcast_in_dim3A_122 = vector.broadcast %jit3A_120 : i16 to vector<8x4096xi16>
    %select_n3A_123 = arith.select %gt3A_118, %broadcast_in_dim3A_121, %broadcast_in_dim3A_122 : vector<8x4096xi1>, vector<8x4096xi16>
    %eq3A_124 = vector.broadcast %convert_element_type3A_54 : i16 to vector<8x4096xi16>
    %eq3A_125 = arith.cmpi eq, %get3A_113, %eq3A_124 : vector<8x4096xi16>
    %jit3A_126 = arith.constant 1 : i16
    %jit3A_127 = arith.constant 0 : i16
    %broadcast_in_dim3A_128 = vector.broadcast %jit3A_126 : i16 to vector<8x4096xi16>
    %broadcast_in_dim3A_129 = vector.broadcast %jit3A_127 : i16 to vector<8x4096xi16>
    %select_n3A_130 = arith.select %eq3A_125, %broadcast_in_dim3A_128, %broadcast_in_dim3A_129 : vector<8x4096xi1>, vector<8x4096xi16>
    %add3A_131 = arith.addi %add3A_103, %select_n3A_123 : vector<8x4096xi16>
    %add3A_132 = arith.addi %add3A_104, %select_n3A_130 : vector<8x4096xi16>
    %convert_element_type3A_133 = arith.sitofp %select_n3A_123 : vector<8x4096xi16> to vector<8x4096xf32>
    %mul3A_134 = arith.mulf %convert_element_type3A_133, %get3A_116 : vector<8x4096xf32>
    %add3A_135 = arith.addf %add3A_107, %mul3A_134 : vector<8x4096xf32>
    %convert_element_type3A_136 = arith.sitofp %select_n3A_130 : vector<8x4096xi16> to vector<8x4096xf32>
    %mul3A_137 = arith.mulf %convert_element_type3A_136, %get3A_116 : vector<8x4096xf32>
    %add3A_138 = arith.addf %add3A_110, %mul3A_137 : vector<8x4096xf32>
    %get3A_139 = arith.constant 24 : index
    %get3A_140 = arith.constant 0 : index
    %get3A_141 = vector.load %arg1[%get3A_139, %get3A_140] : memref<512x4096xi16, #tpu.memory_space<vmem>>, vector<8x4096xi16>
    %get3A_142 = arith.constant 24 : index
    %get3A_143 = arith.constant 0 : index
    %get3A_144 = vector.load %arg2[%get3A_142, %get3A_143] : memref<512x4096xf32, #tpu.memory_space<vmem>>, vector<8x4096xf32>
    %gt3A_145 = vector.broadcast %convert_element_type3A_54 : i16 to vector<8x4096xi16>
    %gt3A_146 = arith.cmpi sgt, %get3A_141, %gt3A_145 : vector<8x4096xi16>
    %jit3A_147 = arith.constant 1 : i16
    %jit3A_148 = arith.constant 0 : i16
    %broadcast_in_dim3A_149 = vector.broadcast %jit3A_147 : i16 to vector<8x4096xi16>
    %broadcast_in_dim3A_150 = vector.broadcast %jit3A_148 : i16 to vector<8x4096xi16>
    %select_n3A_151 = arith.select %gt3A_146, %broadcast_in_dim3A_149, %broadcast_in_dim3A_150 : vector<8x4096xi1>, vector<8x4096xi16>
    %eq3A_152 = vector.broadcast %convert_element_type3A_54 : i16 to vector<8x4096xi16>
    %eq3A_153 = arith.cmpi eq, %get3A_141, %eq3A_152 : vector<8x4096xi16>
    %jit3A_154 = arith.constant 1 : i16
    %jit3A_155 = arith.constant 0 : i16
    %broadcast_in_dim3A_156 = vector.broadcast %jit3A_154 : i16 to vector<8x4096xi16>
    %broadcast_in_dim3A_157 = vector.broadcast %jit3A_155 : i16 to vector<8x4096xi16>
    %select_n3A_158 = arith.select %eq3A_153, %broadcast_in_dim3A_156, %broadcast_in_dim3A_157 : vector<8x4096xi1>, vector<8x4096xi16>
    %add3A_159 = arith.addi %add3A_131, %select_n3A_151 : vector<8x4096xi16>
    %add3A_160 = arith.addi %add3A_132, %select_n3A_158 : vector<8x4096xi16>
    %convert_element_type3A_161 = arith.sitofp %select_n3A_151 : vector<8x4096xi16> to vector<8x4096xf32>
    %mul3A_162 = arith.mulf %convert_element_type3A_161, %get3A_144 : vector<8x4096xf32>
    %add3A_163 = arith.addf %add3A_135, %mul3A_162 : vector<8x4096xf32>
    %convert_element_type3A_164 = arith.sitofp %select_n3A_158 : vector<8x4096xi16> to vector<8x4096xf32>
    %mul3A_165 = arith.mulf %convert_element_type3A_164, %get3A_144 : vector<8x4096xf32>
    %add3A_166 = arith.addf %add3A_138, %mul3A_165 : vector<8x4096xf32>
    %get3A_167 = arith.constant 32 : index
    %get3A_168 = arith.constant 0 : index
    %get3A_169 = vector.load %arg1[%get3A_167, %get3A_168] : memref<512x4096xi16, #tpu.memory_space<vmem>>, vector<8x4096xi16>
    %get3A_170 = arith.constant 32 : index
    %get3A_171 = arith.constant 0 : index
    %get3A_172 = vector.load %arg2[%get3A_170, %get3A_171] : memref<512x4096xf32, #tpu.memory_space<vmem>>, vector<8x4096xf32>
    %gt3A_173 = vector.broadcast %convert_element_type3A_54 : i16 to vector<8x4096xi16>
    %gt3A_174 = arith.cmpi sgt, %get3A_169, %gt3A_173 : vector<8x4096xi16>
    %jit3A_175 = arith.constant 1 : i16
    %jit3A_176 = arith.constant 0 : i16
    %broadcast_in_dim3A_177 = vector.broadcast %jit3A_175 : i16 to vector<8x4096xi16>
    %broadcast_in_dim3A_178 = vector.broadcast %jit3A_176 : i16 to vector<8x4096xi16>
    %select_n3A_179 = arith.select %gt3A_174, %broadcast_in_dim3A_177, %broadcast_in_dim3A_178 : vector<8x4096xi1>, vector<8x4096xi16>
    %eq3A_180 = vector.broadcast %convert_element_type3A_54 : i16 to vector<8x4096xi16>
    %eq3A_181 = arith.cmpi eq, %get3A_169, %eq3A_180 : vector<8x4096xi16>
    %jit3A_182 = arith.constant 1 : i16
    %jit3A_183 = arith.constant 0 : i16
    %broadcast_in_dim3A_184 = vector.broadcast %jit3A_182 : i16 to vector<8x4096xi16>
    %broadcast_in_dim3A_185 = vector.broadcast %jit3A_183 : i16 to vector<8x4096xi16>
    %select_n3A_186 = arith.select %eq3A_181, %broadcast_in_dim3A_184, %broadcast_in_dim3A_185 : vector<8x4096xi1>, vector<8x4096xi16>
    %add3A_187 = arith.addi %add3A_159, %select_n3A_179 : vector<8x4096xi16>
    %add3A_188 = arith.addi %add3A_160, %select_n3A_186 : vector<8x4096xi16>
    %convert_element_type3A_189 = arith.sitofp %select_n3A_179 : vector<8x4096xi16> to vector<8x4096xf32>
    %mul3A_190 = arith.mulf %convert_element_type3A_189, %get3A_172 : vector<8x4096xf32>
    %add3A_191 = arith.addf %add3A_163, %mul3A_190 : vector<8x4096xf32>
    %convert_element_type3A_192 = arith.sitofp %select_n3A_186 : vector<8x4096xi16> to vector<8x4096xf32>
    %mul3A_193 = arith.mulf %convert_element_type3A_192, %get3A_172 : vector<8x4096xf32>
    %add3A_194 = arith.addf %add3A_166, %mul3A_193 : vector<8x4096xf32>
    %get3A_195 = arith.constant 40 : index
    %get3A_196 = arith.constant 0 : index
    %get3A_197 = vector.load %arg1[%get3A_195, %get3A_196] : memref<512x4096xi16, #tpu.memory_space<vmem>>, vector<8x4096xi16>
    %get3A_198 = arith.constant 40 : index
    %get3A_199 = arith.constant 0 : index
    %get3A_200 = vector.load %arg2[%get3A_198, %get3A_199] : memref<512x4096xf32, #tpu.memory_space<vmem>>, vector<8x4096xf32>
    %gt3A_201 = vector.broadcast %convert_element_type3A_54 : i16 to vector<8x4096xi16>
    %gt3A_202 = arith.cmpi sgt, %get3A_197, %gt3A_201 : vector<8x4096xi16>
    %jit3A_203 = arith.constant 1 : i16
    %jit3A_204 = arith.constant 0 : i16
    %broadcast_in_dim3A_205 = vector.broadcast %jit3A_203 : i16 to vector<8x4096xi16>
    %broadcast_in_dim3A_206 = vector.broadcast %jit3A_204 : i16 to vector<8x4096xi16>
    %select_n3A_207 = arith.select %gt3A_202, %broadcast_in_dim3A_205, %broadcast_in_dim3A_206 : vector<8x4096xi1>, vector<8x4096xi16>
    %eq3A_208 = vector.broadcast %convert_element_type3A_54 : i16 to vector<8x4096xi16>
    %eq3A_209 = arith.cmpi eq, %get3A_197, %eq3A_208 : vector<8x4096xi16>
    %jit3A_210 = arith.constant 1 : i16
    %jit3A_211 = arith.constant 0 : i16
    %broadcast_in_dim3A_212 = vector.broadcast %jit3A_210 : i16 to vector<8x4096xi16>
    %broadcast_in_dim3A_213 = vector.broadcast %jit3A_211 : i16 to vector<8x4096xi16>
    %select_n3A_214 = arith.select %eq3A_209, %broadcast_in_dim3A_212, %broadcast_in_dim3A_213 : vector<8x4096xi1>, vector<8x4096xi16>
    %add3A_215 = arith.addi %add3A_187, %select_n3A_207 : vector<8x4096xi16>
    %add3A_216 = arith.addi %add3A_188, %select_n3A_214 : vector<8x4096xi16>
    %convert_element_type3A_217 = arith.sitofp %select_n3A_207 : vector<8x4096xi16> to vector<8x4096xf32>
    %mul3A_218 = arith.mulf %convert_element_type3A_217, %get3A_200 : vector<8x4096xf32>
    %add3A_219 = arith.addf %add3A_191, %mul3A_218 : vector<8x4096xf32>
    %convert_element_type3A_220 = arith.sitofp %select_n3A_214 : vector<8x4096xi16> to vector<8x4096xf32>
    %mul3A_221 = arith.mulf %convert_element_type3A_220, %get3A_200 : vector<8x4096xf32>
    %add3A_222 = arith.addf %add3A_194, %mul3A_221 : vector<8x4096xf32>
    %get3A_223 = arith.constant 48 : index
    %get3A_224 = arith.constant 0 : index
    %get3A_225 = vector.load %arg1[%get3A_223, %get3A_224] : memref<512x4096xi16, #tpu.memory_space<vmem>>, vector<8x4096xi16>
    %get3A_226 = arith.constant 48 : index
    %get3A_227 = arith.constant 0 : index
    %get3A_228 = vector.load %arg2[%get3A_226, %get3A_227] : memref<512x4096xf32, #tpu.memory_space<vmem>>, vector<8x4096xf32>
    %gt3A_229 = vector.broadcast %convert_element_type3A_54 : i16 to vector<8x4096xi16>
    %gt3A_230 = arith.cmpi sgt, %get3A_225, %gt3A_229 : vector<8x4096xi16>
    %jit3A_231 = arith.constant 1 : i16
    %jit3A_232 = arith.constant 0 : i16
    %broadcast_in_dim3A_233 = vector.broadcast %jit3A_231 : i16 to vector<8x4096xi16>
    %broadcast_in_dim3A_234 = vector.broadcast %jit3A_232 : i16 to vector<8x4096xi16>
    %select_n3A_235 = arith.select %gt3A_230, %broadcast_in_dim3A_233, %broadcast_in_dim3A_234 : vector<8x4096xi1>, vector<8x4096xi16>
    %eq3A_236 = vector.broadcast %convert_element_type3A_54 : i16 to vector<8x4096xi16>
    %eq3A_237 = arith.cmpi eq, %get3A_225, %eq3A_236 : vector<8x4096xi16>
    %jit3A_238 = arith.constant 1 : i16
    %jit3A_239 = arith.constant 0 : i16
    %broadcast_in_dim3A_240 = vector.broadcast %jit3A_238 : i16 to vector<8x4096xi16>
    %broadcast_in_dim3A_241 = vector.broadcast %jit3A_239 : i16 to vector<8x4096xi16>
    %select_n3A_242 = arith.select %eq3A_237, %broadcast_in_dim3A_240, %broadcast_in_dim3A_241 : vector<8x4096xi1>, vector<8x4096xi16>
    %add3A_243 = arith.addi %add3A_215, %select_n3A_235 : vector<8x4096xi16>
    %add3A_244 = arith.addi %add3A_216, %select_n3A_242 : vector<8x4096xi16>
    %convert_element_type3A_245 = arith.sitofp %select_n3A_235 : vector<8x4096xi16> to vector<8x4096xf32>
    %mul3A_246 = arith.mulf %convert_element_type3A_245, %get3A_228 : vector<8x4096xf32>
    %add3A_247 = arith.addf %add3A_219, %mul3A_246 : vector<8x4096xf32>
    %convert_element_type3A_248 = arith.sitofp %select_n3A_242 : vector<8x4096xi16> to vector<8x4096xf32>
    %mul3A_249 = arith.mulf %convert_element_type3A_248, %get3A_228 : vector<8x4096xf32>
    %add3A_250 = arith.addf %add3A_222, %mul3A_249 : vector<8x4096xf32>
    %get3A_251 = arith.constant 56 : index
    %get3A_252 = arith.constant 0 : index
    %get3A_253 = vector.load %arg1[%get3A_251, %get3A_252] : memref<512x4096xi16, #tpu.memory_space<vmem>>, vector<8x4096xi16>
    %get3A_254 = arith.constant 56 : index
    %get3A_255 = arith.constant 0 : index
    %get3A_256 = vector.load %arg2[%get3A_254, %get3A_255] : memref<512x4096xf32, #tpu.memory_space<vmem>>, vector<8x4096xf32>
    %gt3A_257 = vector.broadcast %convert_element_type3A_54 : i16 to vector<8x4096xi16>
    %gt3A_258 = arith.cmpi sgt, %get3A_253, %gt3A_257 : vector<8x4096xi16>
    %jit3A_259 = arith.constant 1 : i16
    %jit3A_260 = arith.constant 0 : i16
    %broadcast_in_dim3A_261 = vector.broadcast %jit3A_259 : i16 to vector<8x4096xi16>
    %broadcast_in_dim3A_262 = vector.broadcast %jit3A_260 : i16 to vector<8x4096xi16>
    %select_n3A_263 = arith.select %gt3A_258, %broadcast_in_dim3A_261, %broadcast_in_dim3A_262 : vector<8x4096xi1>, vector<8x4096xi16>
    %eq3A_264 = vector.broadcast %convert_element_type3A_54 : i16 to vector<8x4096xi16>
    %eq3A_265 = arith.cmpi eq, %get3A_253, %eq3A_264 : vector<8x4096xi16>
    %jit3A_266 = arith.constant 1 : i16
    %jit3A_267 = arith.constant 0 : i16
    %broadcast_in_dim3A_268 = vector.broadcast %jit3A_266 : i16 to vector<8x4096xi16>
    %broadcast_in_dim3A_269 = vector.broadcast %jit3A_267 : i16 to vector<8x4096xi16>
    %select_n3A_270 = arith.select %eq3A_265, %broadcast_in_dim3A_268, %broadcast_in_dim3A_269 : vector<8x4096xi1>, vector<8x4096xi16>
    %add3A_271 = arith.addi %add3A_243, %select_n3A_263 : vector<8x4096xi16>
    %add3A_272 = arith.addi %add3A_244, %select_n3A_270 : vector<8x4096xi16>
    %convert_element_type3A_273 = arith.sitofp %select_n3A_263 : vector<8x4096xi16> to vector<8x4096xf32>
    %mul3A_274 = arith.mulf %convert_element_type3A_273, %get3A_256 : vector<8x4096xf32>
    %add3A_275 = arith.addf %add3A_247, %mul3A_274 : vector<8x4096xf32>
    %convert_element_type3A_276 = arith.sitofp %select_n3A_270 : vector<8x4096xi16> to vector<8x4096xf32>
    %mul3A_277 = arith.mulf %convert_element_type3A_276, %get3A_256 : vector<8x4096xf32>
    %add3A_278 = arith.addf %add3A_250, %mul3A_277 : vector<8x4096xf32>
    %get3A_279 = arith.constant 64 : index
    %get3A_280 = arith.constant 0 : index
    %get3A_281 = vector.load %arg1[%get3A_279, %get3A_280] : memref<512x4096xi16, #tpu.memory_space<vmem>>, vector<8x4096xi16>
    %get3A_282 = arith.constant 64 : index
    %get3A_283 = arith.constant 0 : index
    %get3A_284 = vector.load %arg2[%get3A_282, %get3A_283] : memref<512x4096xf32, #tpu.memory_space<vmem>>, vector<8x4096xf32>
    %gt3A_285 = vector.broadcast %convert_element_type3A_54 : i16 to vector<8x4096xi16>
    %gt3A_286 = arith.cmpi sgt, %get3A_281, %gt3A_285 : vector<8x4096xi16>
    %jit3A_287 = arith.constant 1 : i16
    %jit3A_288 = arith.constant 0 : i16
    %broadcast_in_dim3A_289 = vector.broadcast %jit3A_287 : i16 to vector<8x4096xi16>
    %broadcast_in_dim3A_290 = vector.broadcast %jit3A_288 : i16 to vector<8x4096xi16>
    %select_n3A_291 = arith.select %gt3A_286, %broadcast_in_dim3A_289, %broadcast_in_dim3A_290 : vector<8x4096xi1>, vector<8x4096xi16>
    %eq3A_292 = vector.broadcast %convert_element_type3A_54 : i16 to vector<8x4096xi16>
    %eq3A_293 = arith.cmpi eq, %get3A_281, %eq3A_292 : vector<8x4096xi16>
    %jit3A_294 = arith.constant 1 : i16
    %jit3A_295 = arith.constant 0 : i16
    %broadcast_in_dim3A_296 = vector.broadcast %jit3A_294 : i16 to vector<8x4096xi16>
    %broadcast_in_dim3A_297 = vector.broadcast %jit3A_295 : i16 to vector<8x4096xi16>
    %select_n3A_298 = arith.select %eq3A_293, %broadcast_in_dim3A_296, %broadcast_in_dim3A_297 : vector<8x4096xi1>, vector<8x4096xi16>
    %add3A_299 = arith.addi %add3A_271, %select_n3A_291 : vector<8x4096xi16>
    %add3A_300 = arith.addi %add3A_272, %select_n3A_298 : vector<8x4096xi16>
    %convert_element_type3A_301 = arith.sitofp %select_n3A_291 : vector<8x4096xi16> to vector<8x4096xf32>
    %mul3A_302 = arith.mulf %convert_element_type3A_301, %get3A_284 : vector<8x4096xf32>
    %add3A_303 = arith.addf %add3A_275, %mul3A_302 : vector<8x4096xf32>
    %convert_element_type3A_304 = arith.sitofp %select_n3A_298 : vector<8x4096xi16> to vector<8x4096xf32>
    %mul3A_305 = arith.mulf %convert_element_type3A_304, %get3A_284 : vector<8x4096xf32>
    %add3A_306 = arith.addf %add3A_278, %mul3A_305 : vector<8x4096xf32>
    %get3A_307 = arith.constant 72 : index
    %get3A_308 = arith.constant 0 : index
    %get3A_309 = vector.load %arg1[%get3A_307, %get3A_308] : memref<512x4096xi16, #tpu.memory_space<vmem>>, vector<8x4096xi16>
    %get3A_310 = arith.constant 72 : index
    %get3A_311 = arith.constant 0 : index
    %get3A_312 = vector.load %arg2[%get3A_310, %get3A_311] : memref<512x4096xf32, #tpu.memory_space<vmem>>, vector<8x4096xf32>
    %gt3A_313 = vector.broadcast %convert_element_type3A_54 : i16 to vector<8x4096xi16>
    %gt3A_314 = arith.cmpi sgt, %get3A_309, %gt3A_313 : vector<8x4096xi16>
    %jit3A_315 = arith.constant 1 : i16
    %jit3A_316 = arith.constant 0 : i16
    %broadcast_in_dim3A_317 = vector.broadcast %jit3A_315 : i16 to vector<8x4096xi16>
    %broadcast_in_dim3A_318 = vector.broadcast %jit3A_316 : i16 to vector<8x4096xi16>
    %select_n3A_319 = arith.select %gt3A_314, %broadcast_in_dim3A_317, %broadcast_in_dim3A_318 : vector<8x4096xi1>, vector<8x4096xi16>
    %eq3A_320 = vector.broadcast %convert_element_type3A_54 : i16 to vector<8x4096xi16>
    %eq3A_321 = arith.cmpi eq, %get3A_309, %eq3A_320 : vector<8x4096xi16>
    %jit3A_322 = arith.constant 1 : i16
    %jit3A_323 = arith.constant 0 : i16
    %broadcast_in_dim3A_324 = vector.broadcast %jit3A_322 : i16 to vector<8x4096xi16>
    %broadcast_in_dim3A_325 = vector.broadcast %jit3A_323 : i16 to vector<8x4096xi16>
    %select_n3A_326 = arith.select %eq3A_321, %broadcast_in_dim3A_324, %broadcast_in_dim3A_325 : vector<8x4096xi1>, vector<8x4096xi16>
    %add3A_327 = arith.addi %add3A_299, %select_n3A_319 : vector<8x4096xi16>
    %add3A_328 = arith.addi %add3A_300, %select_n3A_326 : vector<8x4096xi16>
    %convert_element_type3A_329 = arith.sitofp %select_n3A_319 : vector<8x4096xi16> to vector<8x4096xf32>
    %mul3A_330 = arith.mulf %convert_element_type3A_329, %get3A_312 : vector<8x4096xf32>
    %add3A_331 = arith.addf %add3A_303, %mul3A_330 : vector<8x4096xf32>
    %convert_element_type3A_332 = arith.sitofp %select_n3A_326 : vector<8x4096xi16> to vector<8x4096xf32>
    %mul3A_333 = arith.mulf %convert_element_type3A_332, %get3A_312 : vector<8x4096xf32>
    %add3A_334 = arith.addf %add3A_306, %mul3A_333 : vector<8x4096xf32>
    %get3A_335 = arith.constant 80 : index
    %get3A_336 = arith.constant 0 : index
    %get3A_337 = vector.load %arg1[%get3A_335, %get3A_336] : memref<512x4096xi16, #tpu.memory_space<vmem>>, vector<8x4096xi16>
    %get3A_338 = arith.constant 80 : index
    %get3A_339 = arith.constant 0 : index
    %get3A_340 = vector.load %arg2[%get3A_338, %get3A_339] : memref<512x4096xf32, #tpu.memory_space<vmem>>, vector<8x4096xf32>
    %gt3A_341 = vector.broadcast %convert_element_type3A_54 : i16 to vector<8x4096xi16>
    %gt3A_342 = arith.cmpi sgt, %get3A_337, %gt3A_341 : vector<8x4096xi16>
    %jit3A_343 = arith.constant 1 : i16
    %jit3A_344 = arith.constant 0 : i16
    %broadcast_in_dim3A_345 = vector.broadcast %jit3A_343 : i16 to vector<8x4096xi16>
    %broadcast_in_dim3A_346 = vector.broadcast %jit3A_344 : i16 to vector<8x4096xi16>
    %select_n3A_347 = arith.select %gt3A_342, %broadcast_in_dim3A_345, %broadcast_in_dim3A_346 : vector<8x4096xi1>, vector<8x4096xi16>
    %eq3A_348 = vector.broadcast %convert_element_type3A_54 : i16 to vector<8x4096xi16>
    %eq3A_349 = arith.cmpi eq, %get3A_337, %eq3A_348 : vector<8x4096xi16>
    %jit3A_350 = arith.constant 1 : i16
    %jit3A_351 = arith.constant 0 : i16
    %broadcast_in_dim3A_352 = vector.broadcast %jit3A_350 : i16 to vector<8x4096xi16>
    %broadcast_in_dim3A_353 = vector.broadcast %jit3A_351 : i16 to vector<8x4096xi16>
    %select_n3A_354 = arith.select %eq3A_349, %broadcast_in_dim3A_352, %broadcast_in_dim3A_353 : vector<8x4096xi1>, vector<8x4096xi16>
    %add3A_355 = arith.addi %add3A_327, %select_n3A_347 : vector<8x4096xi16>
    %add3A_356 = arith.addi %add3A_328, %select_n3A_354 : vector<8x4096xi16>
    %convert_element_type3A_357 = arith.sitofp %select_n3A_347 : vector<8x4096xi16> to vector<8x4096xf32>
    %mul3A_358 = arith.mulf %convert_element_type3A_357, %get3A_340 : vector<8x4096xf32>
    %add3A_359 = arith.addf %add3A_331, %mul3A_358 : vector<8x4096xf32>
    %convert_element_type3A_360 = arith.sitofp %select_n3A_354 : vector<8x4096xi16> to vector<8x4096xf32>
    %mul3A_361 = arith.mulf %convert_element_type3A_360, %get3A_340 : vector<8x4096xf32>
    %add3A_362 = arith.addf %add3A_334, %mul3A_361 : vector<8x4096xf32>
    %get3A_363 = arith.constant 88 : index
    %get3A_364 = arith.constant 0 : index
    %get3A_365 = vector.load %arg1[%get3A_363, %get3A_364] : memref<512x4096xi16, #tpu.memory_space<vmem>>, vector<8x4096xi16>
    %get3A_366 = arith.constant 88 : index
    %get3A_367 = arith.constant 0 : index
    %get3A_368 = vector.load %arg2[%get3A_366, %get3A_367] : memref<512x4096xf32, #tpu.memory_space<vmem>>, vector<8x4096xf32>
    %gt3A_369 = vector.broadcast %convert_element_type3A_54 : i16 to vector<8x4096xi16>
    %gt3A_370 = arith.cmpi sgt, %get3A_365, %gt3A_369 : vector<8x4096xi16>
    %jit3A_371 = arith.constant 1 : i16
    %jit3A_372 = arith.constant 0 : i16
    %broadcast_in_dim3A_373 = vector.broadcast %jit3A_371 : i16 to vector<8x4096xi16>
    %broadcast_in_dim3A_374 = vector.broadcast %jit3A_372 : i16 to vector<8x4096xi16>
    %select_n3A_375 = arith.select %gt3A_370, %broadcast_in_dim3A_373, %broadcast_in_dim3A_374 : vector<8x4096xi1>, vector<8x4096xi16>
    %eq3A_376 = vector.broadcast %convert_element_type3A_54 : i16 to vector<8x4096xi16>
    %eq3A_377 = arith.cmpi eq, %get3A_365, %eq3A_376 : vector<8x4096xi16>
    %jit3A_378 = arith.constant 1 : i16
    %jit3A_379 = arith.constant 0 : i16
    %broadcast_in_dim3A_380 = vector.broadcast %jit3A_378 : i16 to vector<8x4096xi16>
    %broadcast_in_dim3A_381 = vector.broadcast %jit3A_379 : i16 to vector<8x4096xi16>
    %select_n3A_382 = arith.select %eq3A_377, %broadcast_in_dim3A_380, %broadcast_in_dim3A_381 : vector<8x4096xi1>, vector<8x4096xi16>
    %add3A_383 = arith.addi %add3A_355, %select_n3A_375 : vector<8x4096xi16>
    %add3A_384 = arith.addi %add3A_356, %select_n3A_382 : vector<8x4096xi16>
    %convert_element_type3A_385 = arith.sitofp %select_n3A_375 : vector<8x4096xi16> to vector<8x4096xf32>
    %mul3A_386 = arith.mulf %convert_element_type3A_385, %get3A_368 : vector<8x4096xf32>
    %add3A_387 = arith.addf %add3A_359, %mul3A_386 : vector<8x4096xf32>
    %convert_element_type3A_388 = arith.sitofp %select_n3A_382 : vector<8x4096xi16> to vector<8x4096xf32>
    %mul3A_389 = arith.mulf %convert_element_type3A_388, %get3A_368 : vector<8x4096xf32>
    %add3A_390 = arith.addf %add3A_362, %mul3A_389 : vector<8x4096xf32>
    %get3A_391 = arith.constant 96 : index
    %get3A_392 = arith.constant 0 : index
    %get3A_393 = vector.load %arg1[%get3A_391, %get3A_392] : memref<512x4096xi16, #tpu.memory_space<vmem>>, vector<8x4096xi16>
    %get3A_394 = arith.constant 96 : index
    %get3A_395 = arith.constant 0 : index
    %get3A_396 = vector.load %arg2[%get3A_394, %get3A_395] : memref<512x4096xf32, #tpu.memory_space<vmem>>, vector<8x4096xf32>
    %gt3A_397 = vector.broadcast %convert_element_type3A_54 : i16 to vector<8x4096xi16>
    %gt3A_398 = arith.cmpi sgt, %get3A_393, %gt3A_397 : vector<8x4096xi16>
    %jit3A_399 = arith.constant 1 : i16
    %jit3A_400 = arith.constant 0 : i16
    %broadcast_in_dim3A_401 = vector.broadcast %jit3A_399 : i16 to vector<8x4096xi16>
    %broadcast_in_dim3A_402 = vector.broadcast %jit3A_400 : i16 to vector<8x4096xi16>
    %select_n3A_403 = arith.select %gt3A_398, %broadcast_in_dim3A_401, %broadcast_in_dim3A_402 : vector<8x4096xi1>, vector<8x4096xi16>
    %eq3A_404 = vector.broadcast %convert_element_type3A_54 : i16 to vector<8x4096xi16>
    %eq3A_405 = arith.cmpi eq, %get3A_393, %eq3A_404 : vector<8x4096xi16>
    %jit3A_406 = arith.constant 1 : i16
    %jit3A_407 = arith.constant 0 : i16
    %broadcast_in_dim3A_408 = vector.broadcast %jit3A_406 : i16 to vector<8x4096xi16>
    %broadcast_in_dim3A_409 = vector.broadcast %jit3A_407 : i16 to vector<8x4096xi16>
    %select_n3A_410 = arith.select %eq3A_405, %broadcast_in_dim3A_408, %broadcast_in_dim3A_409 : vector<8x4096xi1>, vector<8x4096xi16>
    %add3A_411 = arith.addi %add3A_383, %select_n3A_403 : vector<8x4096xi16>
    %add3A_412 = arith.addi %add3A_384, %select_n3A_410 : vector<8x4096xi16>
    %convert_element_type3A_413 = arith.sitofp %select_n3A_403 : vector<8x4096xi16> to vector<8x4096xf32>
    %mul3A_414 = arith.mulf %convert_element_type3A_413, %get3A_396 : vector<8x4096xf32>
    %add3A_415 = arith.addf %add3A_387, %mul3A_414 : vector<8x4096xf32>
    %convert_element_type3A_416 = arith.sitofp %select_n3A_410 : vector<8x4096xi16> to vector<8x4096xf32>
    %mul3A_417 = arith.mulf %convert_element_type3A_416, %get3A_396 : vector<8x4096xf32>
    %add3A_418 = arith.addf %add3A_390, %mul3A_417 : vector<8x4096xf32>
    %get3A_419 = arith.constant 104 : index
    %get3A_420 = arith.constant 0 : index
    %get3A_421 = vector.load %arg1[%get3A_419, %get3A_420] : memref<512x4096xi16, #tpu.memory_space<vmem>>, vector<8x4096xi16>
    %get3A_422 = arith.constant 104 : index
    %get3A_423 = arith.constant 0 : index
    %get3A_424 = vector.load %arg2[%get3A_422, %get3A_423] : memref<512x4096xf32, #tpu.memory_space<vmem>>, vector<8x4096xf32>
    %gt3A_425 = vector.broadcast %convert_element_type3A_54 : i16 to vector<8x4096xi16>
    %gt3A_426 = arith.cmpi sgt, %get3A_421, %gt3A_425 : vector<8x4096xi16>
    %jit3A_427 = arith.constant 1 : i16
    %jit3A_428 = arith.constant 0 : i16
    %broadcast_in_dim3A_429 = vector.broadcast %jit3A_427 : i16 to vector<8x4096xi16>
    %broadcast_in_dim3A_430 = vector.broadcast %jit3A_428 : i16 to vector<8x4096xi16>
    %select_n3A_431 = arith.select %gt3A_426, %broadcast_in_dim3A_429, %broadcast_in_dim3A_430 : vector<8x4096xi1>, vector<8x4096xi16>
    %eq3A_432 = vector.broadcast %convert_element_type3A_54 : i16 to vector<8x4096xi16>
    %eq3A_433 = arith.cmpi eq, %get3A_421, %eq3A_432 : vector<8x4096xi16>
    %jit3A_434 = arith.constant 1 : i16
    %jit3A_435 = arith.constant 0 : i16
    %broadcast_in_dim3A_436 = vector.broadcast %jit3A_434 : i16 to vector<8x4096xi16>
    %broadcast_in_dim3A_437 = vector.broadcast %jit3A_435 : i16 to vector<8x4096xi16>
    %select_n3A_438 = arith.select %eq3A_433, %broadcast_in_dim3A_436, %broadcast_in_dim3A_437 : vector<8x4096xi1>, vector<8x4096xi16>
    %add3A_439 = arith.addi %add3A_411, %select_n3A_431 : vector<8x4096xi16>
    %add3A_440 = arith.addi %add3A_412, %select_n3A_438 : vector<8x4096xi16>
    %convert_element_type3A_441 = arith.sitofp %select_n3A_431 : vector<8x4096xi16> to vector<8x4096xf32>
    %mul3A_442 = arith.mulf %convert_element_type3A_441, %get3A_424 : vector<8x4096xf32>
    %add3A_443 = arith.addf %add3A_415, %mul3A_442 : vector<8x4096xf32>
    %convert_element_type3A_444 = arith.sitofp %select_n3A_438 : vector<8x4096xi16> to vector<8x4096xf32>
    %mul3A_445 = arith.mulf %convert_element_type3A_444, %get3A_424 : vector<8x4096xf32>
    %add3A_446 = arith.addf %add3A_418, %mul3A_445 : vector<8x4096xf32>
    %get3A_447 = arith.constant 112 : index
    %get3A_448 = arith.constant 0 : index
    %get3A_449 = vector.load %arg1[%get3A_447, %get3A_448] : memref<512x4096xi16, #tpu.memory_space<vmem>>, vector<8x4096xi16>
    %get3A_450 = arith.constant 112 : index
    %get3A_451 = arith.constant 0 : index
    %get3A_452 = vector.load %arg2[%get3A_450, %get3A_451] : memref<512x4096xf32, #tpu.memory_space<vmem>>, vector<8x4096xf32>
    %gt3A_453 = vector.broadcast %convert_element_type3A_54 : i16 to vector<8x4096xi16>
    %gt3A_454 = arith.cmpi sgt, %get3A_449, %gt3A_453 : vector<8x4096xi16>
    %jit3A_455 = arith.constant 1 : i16
    %jit3A_456 = arith.constant 0 : i16
    %broadcast_in_dim3A_457 = vector.broadcast %jit3A_455 : i16 to vector<8x4096xi16>
    %broadcast_in_dim3A_458 = vector.broadcast %jit3A_456 : i16 to vector<8x4096xi16>
    %select_n3A_459 = arith.select %gt3A_454, %broadcast_in_dim3A_457, %broadcast_in_dim3A_458 : vector<8x4096xi1>, vector<8x4096xi16>
    %eq3A_460 = vector.broadcast %convert_element_type3A_54 : i16 to vector<8x4096xi16>
    %eq3A_461 = arith.cmpi eq, %get3A_449, %eq3A_460 : vector<8x4096xi16>
    %jit3A_462 = arith.constant 1 : i16
    %jit3A_463 = arith.constant 0 : i16
    %broadcast_in_dim3A_464 = vector.broadcast %jit3A_462 : i16 to vector<8x4096xi16>
    %broadcast_in_dim3A_465 = vector.broadcast %jit3A_463 : i16 to vector<8x4096xi16>
    %select_n3A_466 = arith.select %eq3A_461, %broadcast_in_dim3A_464, %broadcast_in_dim3A_465 : vector<8x4096xi1>, vector<8x4096xi16>
    %add3A_467 = arith.addi %add3A_439, %select_n3A_459 : vector<8x4096xi16>
    %add3A_468 = arith.addi %add3A_440, %select_n3A_466 : vector<8x4096xi16>
    %convert_element_type3A_469 = arith.sitofp %select_n3A_459 : vector<8x4096xi16> to vector<8x4096xf32>
    %mul3A_470 = arith.mulf %convert_element_type3A_469, %get3A_452 : vector<8x4096xf32>
    %add3A_471 = arith.addf %add3A_443, %mul3A_470 : vector<8x4096xf32>
    %convert_element_type3A_472 = arith.sitofp %select_n3A_466 : vector<8x4096xi16> to vector<8x4096xf32>
    %mul3A_473 = arith.mulf %convert_element_type3A_472, %get3A_452 : vector<8x4096xf32>
    %add3A_474 = arith.addf %add3A_446, %mul3A_473 : vector<8x4096xf32>
    %get3A_475 = arith.constant 120 : index
    %get3A_476 = arith.constant 0 : index
    %get3A_477 = vector.load %arg1[%get3A_475, %get3A_476] : memref<512x4096xi16, #tpu.memory_space<vmem>>, vector<8x4096xi16>
    %get3A_478 = arith.constant 120 : index
    %get3A_479 = arith.constant 0 : index
    %get3A_480 = vector.load %arg2[%get3A_478, %get3A_479] : memref<512x4096xf32, #tpu.memory_space<vmem>>, vector<8x4096xf32>
    %gt3A_481 = vector.broadcast %convert_element_type3A_54 : i16 to vector<8x4096xi16>
    %gt3A_482 = arith.cmpi sgt, %get3A_477, %gt3A_481 : vector<8x4096xi16>
    %jit3A_483 = arith.constant 1 : i16
    %jit3A_484 = arith.constant 0 : i16
    %broadcast_in_dim3A_485 = vector.broadcast %jit3A_483 : i16 to vector<8x4096xi16>
    %broadcast_in_dim3A_486 = vector.broadcast %jit3A_484 : i16 to vector<8x4096xi16>
    %select_n3A_487 = arith.select %gt3A_482, %broadcast_in_dim3A_485, %broadcast_in_dim3A_486 : vector<8x4096xi1>, vector<8x4096xi16>
    %eq3A_488 = vector.broadcast %convert_element_type3A_54 : i16 to vector<8x4096xi16>
    %eq3A_489 = arith.cmpi eq, %get3A_477, %eq3A_488 : vector<8x4096xi16>
    %jit3A_490 = arith.constant 1 : i16
    %jit3A_491 = arith.constant 0 : i16
    %broadcast_in_dim3A_492 = vector.broadcast %jit3A_490 : i16 to vector<8x4096xi16>
    %broadcast_in_dim3A_493 = vector.broadcast %jit3A_491 : i16 to vector<8x4096xi16>
    %select_n3A_494 = arith.select %eq3A_489, %broadcast_in_dim3A_492, %broadcast_in_dim3A_493 : vector<8x4096xi1>, vector<8x4096xi16>
    %add3A_495 = arith.addi %add3A_467, %select_n3A_487 : vector<8x4096xi16>
    %add3A_496 = arith.addi %add3A_468, %select_n3A_494 : vector<8x4096xi16>
    %convert_element_type3A_497 = arith.sitofp %select_n3A_487 : vector<8x4096xi16> to vector<8x4096xf32>
    %mul3A_498 = arith.mulf %convert_element_type3A_497, %get3A_480 : vector<8x4096xf32>
    %add3A_499 = arith.addf %add3A_471, %mul3A_498 : vector<8x4096xf32>
    %convert_element_type3A_500 = arith.sitofp %select_n3A_494 : vector<8x4096xi16> to vector<8x4096xf32>
    %mul3A_501 = arith.mulf %convert_element_type3A_500, %get3A_480 : vector<8x4096xf32>
    %add3A_502 = arith.addf %add3A_474, %mul3A_501 : vector<8x4096xf32>
    %get3A_503 = arith.constant 128 : index
    %get3A_504 = arith.constant 0 : index
    %get3A_505 = vector.load %arg1[%get3A_503, %get3A_504] : memref<512x4096xi16, #tpu.memory_space<vmem>>, vector<8x4096xi16>
    %get3A_506 = arith.constant 128 : index
    %get3A_507 = arith.constant 0 : index
    %get3A_508 = vector.load %arg2[%get3A_506, %get3A_507] : memref<512x4096xf32, #tpu.memory_space<vmem>>, vector<8x4096xf32>
    %gt3A_509 = vector.broadcast %convert_element_type3A_54 : i16 to vector<8x4096xi16>
    %gt3A_510 = arith.cmpi sgt, %get3A_505, %gt3A_509 : vector<8x4096xi16>
    %jit3A_511 = arith.constant 1 : i16
    %jit3A_512 = arith.constant 0 : i16
    %broadcast_in_dim3A_513 = vector.broadcast %jit3A_511 : i16 to vector<8x4096xi16>
    %broadcast_in_dim3A_514 = vector.broadcast %jit3A_512 : i16 to vector<8x4096xi16>
    %select_n3A_515 = arith.select %gt3A_510, %broadcast_in_dim3A_513, %broadcast_in_dim3A_514 : vector<8x4096xi1>, vector<8x4096xi16>
    %eq3A_516 = vector.broadcast %convert_element_type3A_54 : i16 to vector<8x4096xi16>
    %eq3A_517 = arith.cmpi eq, %get3A_505, %eq3A_516 : vector<8x4096xi16>
    %jit3A_518 = arith.constant 1 : i16
    %jit3A_519 = arith.constant 0 : i16
    %broadcast_in_dim3A_520 = vector.broadcast %jit3A_518 : i16 to vector<8x4096xi16>
    %broadcast_in_dim3A_521 = vector.broadcast %jit3A_519 : i16 to vector<8x4096xi16>
    %select_n3A_522 = arith.select %eq3A_517, %broadcast_in_dim3A_520, %broadcast_in_dim3A_521 : vector<8x4096xi1>, vector<8x4096xi16>
    %add3A_523 = arith.addi %add3A_495, %select_n3A_515 : vector<8x4096xi16>
    %add3A_524 = arith.addi %add3A_496, %select_n3A_522 : vector<8x4096xi16>
    %convert_element_type3A_525 = arith.sitofp %select_n3A_515 : vector<8x4096xi16> to vector<8x4096xf32>
    %mul3A_526 = arith.mulf %convert_element_type3A_525, %get3A_508 : vector<8x4096xf32>
    %add3A_527 = arith.addf %add3A_499, %mul3A_526 : vector<8x4096xf32>
    %convert_element_type3A_528 = arith.sitofp %select_n3A_522 : vector<8x4096xi16> to vector<8x4096xf32>
    %mul3A_529 = arith.mulf %convert_element_type3A_528, %get3A_508 : vector<8x4096xf32>
    %add3A_530 = arith.addf %add3A_502, %mul3A_529 : vector<8x4096xf32>
    %get3A_531 = arith.constant 136 : index
    %get3A_532 = arith.constant 0 : index
    %get3A_533 = vector.load %arg1[%get3A_531, %get3A_532] : memref<512x4096xi16, #tpu.memory_space<vmem>>, vector<8x4096xi16>
    %get3A_534 = arith.constant 136 : index
    %get3A_535 = arith.constant 0 : index
    %get3A_536 = vector.load %arg2[%get3A_534, %get3A_535] : memref<512x4096xf32, #tpu.memory_space<vmem>>, vector<8x4096xf32>
    %gt3A_537 = vector.broadcast %convert_element_type3A_54 : i16 to vector<8x4096xi16>
    %gt3A_538 = arith.cmpi sgt, %get3A_533, %gt3A_537 : vector<8x4096xi16>
    %jit3A_539 = arith.constant 1 : i16
    %jit3A_540 = arith.constant 0 : i16
    %broadcast_in_dim3A_541 = vector.broadcast %jit3A_539 : i16 to vector<8x4096xi16>
    %broadcast_in_dim3A_542 = vector.broadcast %jit3A_540 : i16 to vector<8x4096xi16>
    %select_n3A_543 = arith.select %gt3A_538, %broadcast_in_dim3A_541, %broadcast_in_dim3A_542 : vector<8x4096xi1>, vector<8x4096xi16>
    %eq3A_544 = vector.broadcast %convert_element_type3A_54 : i16 to vector<8x4096xi16>
    %eq3A_545 = arith.cmpi eq, %get3A_533, %eq3A_544 : vector<8x4096xi16>
    %jit3A_546 = arith.constant 1 : i16
    %jit3A_547 = arith.constant 0 : i16
    %broadcast_in_dim3A_548 = vector.broadcast %jit3A_546 : i16 to vector<8x4096xi16>
    %broadcast_in_dim3A_549 = vector.broadcast %jit3A_547 : i16 to vector<8x4096xi16>
    %select_n3A_550 = arith.select %eq3A_545, %broadcast_in_dim3A_548, %broadcast_in_dim3A_549 : vector<8x4096xi1>, vector<8x4096xi16>
    %add3A_551 = arith.addi %add3A_523, %select_n3A_543 : vector<8x4096xi16>
    %add3A_552 = arith.addi %add3A_524, %select_n3A_550 : vector<8x4096xi16>
    %convert_element_type3A_553 = arith.sitofp %select_n3A_543 : vector<8x4096xi16> to vector<8x4096xf32>
    %mul3A_554 = arith.mulf %convert_element_type3A_553, %get3A_536 : vector<8x4096xf32>
    %add3A_555 = arith.addf %add3A_527, %mul3A_554 : vector<8x4096xf32>
    %convert_element_type3A_556 = arith.sitofp %select_n3A_550 : vector<8x4096xi16> to vector<8x4096xf32>
    %mul3A_557 = arith.mulf %convert_element_type3A_556, %get3A_536 : vector<8x4096xf32>
    %add3A_558 = arith.addf %add3A_530, %mul3A_557 : vector<8x4096xf32>
    %get3A_559 = arith.constant 144 : index
    %get3A_560 = arith.constant 0 : index
    %get3A_561 = vector.load %arg1[%get3A_559, %get3A_560] : memref<512x4096xi16, #tpu.memory_space<vmem>>, vector<8x4096xi16>
    %get3A_562 = arith.constant 144 : index
    %get3A_563 = arith.constant 0 : index
    %get3A_564 = vector.load %arg2[%get3A_562, %get3A_563] : memref<512x4096xf32, #tpu.memory_space<vmem>>, vector<8x4096xf32>
    %gt3A_565 = vector.broadcast %convert_element_type3A_54 : i16 to vector<8x4096xi16>
    %gt3A_566 = arith.cmpi sgt, %get3A_561, %gt3A_565 : vector<8x4096xi16>
    %jit3A_567 = arith.constant 1 : i16
    %jit3A_568 = arith.constant 0 : i16
    %broadcast_in_dim3A_569 = vector.broadcast %jit3A_567 : i16 to vector<8x4096xi16>
    %broadcast_in_dim3A_570 = vector.broadcast %jit3A_568 : i16 to vector<8x4096xi16>
    %select_n3A_571 = arith.select %gt3A_566, %broadcast_in_dim3A_569, %broadcast_in_dim3A_570 : vector<8x4096xi1>, vector<8x4096xi16>
    %eq3A_572 = vector.broadcast %convert_element_type3A_54 : i16 to vector<8x4096xi16>
    %eq3A_573 = arith.cmpi eq, %get3A_561, %eq3A_572 : vector<8x4096xi16>
    %jit3A_574 = arith.constant 1 : i16
    %jit3A_575 = arith.constant 0 : i16
    %broadcast_in_dim3A_576 = vector.broadcast %jit3A_574 : i16 to vector<8x4096xi16>
    %broadcast_in_dim3A_577 = vector.broadcast %jit3A_575 : i16 to vector<8x4096xi16>
    %select_n3A_578 = arith.select %eq3A_573, %broadcast_in_dim3A_576, %broadcast_in_dim3A_577 : vector<8x4096xi1>, vector<8x4096xi16>
    %add3A_579 = arith.addi %add3A_551, %select_n3A_571 : vector<8x4096xi16>
    %add3A_580 = arith.addi %add3A_552, %select_n3A_578 : vector<8x4096xi16>
    %convert_element_type3A_581 = arith.sitofp %select_n3A_571 : vector<8x4096xi16> to vector<8x4096xf32>
    %mul3A_582 = arith.mulf %convert_element_type3A_581, %get3A_564 : vector<8x4096xf32>
    %add3A_583 = arith.addf %add3A_555, %mul3A_582 : vector<8x4096xf32>
    %convert_element_type3A_584 = arith.sitofp %select_n3A_578 : vector<8x4096xi16> to vector<8x4096xf32>
    %mul3A_585 = arith.mulf %convert_element_type3A_584, %get3A_564 : vector<8x4096xf32>
    %add3A_586 = arith.addf %add3A_558, %mul3A_585 : vector<8x4096xf32>
    %get3A_587 = arith.constant 152 : index
    %get3A_588 = arith.constant 0 : index
    %get3A_589 = vector.load %arg1[%get3A_587, %get3A_588] : memref<512x4096xi16, #tpu.memory_space<vmem>>, vector<8x4096xi16>
    %get3A_590 = arith.constant 152 : index
    %get3A_591 = arith.constant 0 : index
    %get3A_592 = vector.load %arg2[%get3A_590, %get3A_591] : memref<512x4096xf32, #tpu.memory_space<vmem>>, vector<8x4096xf32>
    %gt3A_593 = vector.broadcast %convert_element_type3A_54 : i16 to vector<8x4096xi16>
    %gt3A_594 = arith.cmpi sgt, %get3A_589, %gt3A_593 : vector<8x4096xi16>
    %jit3A_595 = arith.constant 1 : i16
    %jit3A_596 = arith.constant 0 : i16
    %broadcast_in_dim3A_597 = vector.broadcast %jit3A_595 : i16 to vector<8x4096xi16>
    %broadcast_in_dim3A_598 = vector.broadcast %jit3A_596 : i16 to vector<8x4096xi16>
    %select_n3A_599 = arith.select %gt3A_594, %broadcast_in_dim3A_597, %broadcast_in_dim3A_598 : vector<8x4096xi1>, vector<8x4096xi16>
    %eq3A_600 = vector.broadcast %convert_element_type3A_54 : i16 to vector<8x4096xi16>
    %eq3A_601 = arith.cmpi eq, %get3A_589, %eq3A_600 : vector<8x4096xi16>
    %jit3A_602 = arith.constant 1 : i16
    %jit3A_603 = arith.constant 0 : i16
    %broadcast_in_dim3A_604 = vector.broadcast %jit3A_602 : i16 to vector<8x4096xi16>
    %broadcast_in_dim3A_605 = vector.broadcast %jit3A_603 : i16 to vector<8x4096xi16>
    %select_n3A_606 = arith.select %eq3A_601, %broadcast_in_dim3A_604, %broadcast_in_dim3A_605 : vector<8x4096xi1>, vector<8x4096xi16>
    %add3A_607 = arith.addi %add3A_579, %select_n3A_599 : vector<8x4096xi16>
    %add3A_608 = arith.addi %add3A_580, %select_n3A_606 : vector<8x4096xi16>
    %convert_element_type3A_609 = arith.sitofp %select_n3A_599 : vector<8x4096xi16> to vector<8x4096xf32>
    %mul3A_610 = arith.mulf %convert_element_type3A_609, %get3A_592 : vector<8x4096xf32>
    %add3A_611 = arith.addf %add3A_583, %mul3A_610 : vector<8x4096xf32>
    %convert_element_type3A_612 = arith.sitofp %select_n3A_606 : vector<8x4096xi16> to vector<8x4096xf32>
    %mul3A_613 = arith.mulf %convert_element_type3A_612, %get3A_592 : vector<8x4096xf32>
    %add3A_614 = arith.addf %add3A_586, %mul3A_613 : vector<8x4096xf32>
    %get3A_615 = arith.constant 160 : index
    %get3A_616 = arith.constant 0 : index
    %get3A_617 = vector.load %arg1[%get3A_615, %get3A_616] : memref<512x4096xi16, #tpu.memory_space<vmem>>, vector<8x4096xi16>
    %get3A_618 = arith.constant 160 : index
    %get3A_619 = arith.constant 0 : index
    %get3A_620 = vector.load %arg2[%get3A_618, %get3A_619] : memref<512x4096xf32, #tpu.memory_space<vmem>>, vector<8x4096xf32>
    %gt3A_621 = vector.broadcast %convert_element_type3A_54 : i16 to vector<8x4096xi16>
    %gt3A_622 = arith.cmpi sgt, %get3A_617, %gt3A_621 : vector<8x4096xi16>
    %jit3A_623 = arith.constant 1 : i16
    %jit3A_624 = arith.constant 0 : i16
    %broadcast_in_dim3A_625 = vector.broadcast %jit3A_623 : i16 to vector<8x4096xi16>
    %broadcast_in_dim3A_626 = vector.broadcast %jit3A_624 : i16 to vector<8x4096xi16>
    %select_n3A_627 = arith.select %gt3A_622, %broadcast_in_dim3A_625, %broadcast_in_dim3A_626 : vector<8x4096xi1>, vector<8x4096xi16>
    %eq3A_628 = vector.broadcast %convert_element_type3A_54 : i16 to vector<8x4096xi16>
    %eq3A_629 = arith.cmpi eq, %get3A_617, %eq3A_628 : vector<8x4096xi16>
    %jit3A_630 = arith.constant 1 : i16
    %jit3A_631 = arith.constant 0 : i16
    %broadcast_in_dim3A_632 = vector.broadcast %jit3A_630 : i16 to vector<8x4096xi16>
    %broadcast_in_dim3A_633 = vector.broadcast %jit3A_631 : i16 to vector<8x4096xi16>
    %select_n3A_634 = arith.select %eq3A_629, %broadcast_in_dim3A_632, %broadcast_in_dim3A_633 : vector<8x4096xi1>, vector<8x4096xi16>
    %add3A_635 = arith.addi %add3A_607, %select_n3A_627 : vector<8x4096xi16>
    %add3A_636 = arith.addi %add3A_608, %select_n3A_634 : vector<8x4096xi16>
    %convert_element_type3A_637 = arith.sitofp %select_n3A_627 : vector<8x4096xi16> to vector<8x4096xf32>
    %mul3A_638 = arith.mulf %convert_element_type3A_637, %get3A_620 : vector<8x4096xf32>
    %add3A_639 = arith.addf %add3A_611, %mul3A_638 : vector<8x4096xf32>
    %convert_element_type3A_640 = arith.sitofp %select_n3A_634 : vector<8x4096xi16> to vector<8x4096xf32>
    %mul3A_641 = arith.mulf %convert_element_type3A_640, %get3A_620 : vector<8x4096xf32>
    %add3A_642 = arith.addf %add3A_614, %mul3A_641 : vector<8x4096xf32>
    %get3A_643 = arith.constant 168 : index
    %get3A_644 = arith.constant 0 : index
    %get3A_645 = vector.load %arg1[%get3A_643, %get3A_644] : memref<512x4096xi16, #tpu.memory_space<vmem>>, vector<8x4096xi16>
    %get3A_646 = arith.constant 168 : index
    %get3A_647 = arith.constant 0 : index
    %get3A_648 = vector.load %arg2[%get3A_646, %get3A_647] : memref<512x4096xf32, #tpu.memory_space<vmem>>, vector<8x4096xf32>
    %gt3A_649 = vector.broadcast %convert_element_type3A_54 : i16 to vector<8x4096xi16>
    %gt3A_650 = arith.cmpi sgt, %get3A_645, %gt3A_649 : vector<8x4096xi16>
    %jit3A_651 = arith.constant 1 : i16
    %jit3A_652 = arith.constant 0 : i16
    %broadcast_in_dim3A_653 = vector.broadcast %jit3A_651 : i16 to vector<8x4096xi16>
    %broadcast_in_dim3A_654 = vector.broadcast %jit3A_652 : i16 to vector<8x4096xi16>
    %select_n3A_655 = arith.select %gt3A_650, %broadcast_in_dim3A_653, %broadcast_in_dim3A_654 : vector<8x4096xi1>, vector<8x4096xi16>
    %eq3A_656 = vector.broadcast %convert_element_type3A_54 : i16 to vector<8x4096xi16>
    %eq3A_657 = arith.cmpi eq, %get3A_645, %eq3A_656 : vector<8x4096xi16>
    %jit3A_658 = arith.constant 1 : i16
    %jit3A_659 = arith.constant 0 : i16
    %broadcast_in_dim3A_660 = vector.broadcast %jit3A_658 : i16 to vector<8x4096xi16>
    %broadcast_in_dim3A_661 = vector.broadcast %jit3A_659 : i16 to vector<8x4096xi16>
    %select_n3A_662 = arith.select %eq3A_657, %broadcast_in_dim3A_660, %broadcast_in_dim3A_661 : vector<8x4096xi1>, vector<8x4096xi16>
    %add3A_663 = arith.addi %add3A_635, %select_n3A_655 : vector<8x4096xi16>
    %add3A_664 = arith.addi %add3A_636, %select_n3A_662 : vector<8x4096xi16>
    %convert_element_type3A_665 = arith.sitofp %select_n3A_655 : vector<8x4096xi16> to vector<8x4096xf32>
    %mul3A_666 = arith.mulf %convert_element_type3A_665, %get3A_648 : vector<8x4096xf32>
    %add3A_667 = arith.addf %add3A_639, %mul3A_666 : vector<8x4096xf32>
    %convert_element_type3A_668 = arith.sitofp %select_n3A_662 : vector<8x4096xi16> to vector<8x4096xf32>
    %mul3A_669 = arith.mulf %convert_element_type3A_668, %get3A_648 : vector<8x4096xf32>
    %add3A_670 = arith.addf %add3A_642, %mul3A_669 : vector<8x4096xf32>
    %get3A_671 = arith.constant 176 : index
    %get3A_672 = arith.constant 0 : index
    %get3A_673 = vector.load %arg1[%get3A_671, %get3A_672] : memref<512x4096xi16, #tpu.memory_space<vmem>>, vector<8x4096xi16>
    %get3A_674 = arith.constant 176 : index
    %get3A_675 = arith.constant 0 : index
    %get3A_676 = vector.load %arg2[%get3A_674, %get3A_675] : memref<512x4096xf32, #tpu.memory_space<vmem>>, vector<8x4096xf32>
    %gt3A_677 = vector.broadcast %convert_element_type3A_54 : i16 to vector<8x4096xi16>
    %gt3A_678 = arith.cmpi sgt, %get3A_673, %gt3A_677 : vector<8x4096xi16>
    %jit3A_679 = arith.constant 1 : i16
    %jit3A_680 = arith.constant 0 : i16
    %broadcast_in_dim3A_681 = vector.broadcast %jit3A_679 : i16 to vector<8x4096xi16>
    %broadcast_in_dim3A_682 = vector.broadcast %jit3A_680 : i16 to vector<8x4096xi16>
    %select_n3A_683 = arith.select %gt3A_678, %broadcast_in_dim3A_681, %broadcast_in_dim3A_682 : vector<8x4096xi1>, vector<8x4096xi16>
    %eq3A_684 = vector.broadcast %convert_element_type3A_54 : i16 to vector<8x4096xi16>
    %eq3A_685 = arith.cmpi eq, %get3A_673, %eq3A_684 : vector<8x4096xi16>
    %jit3A_686 = arith.constant 1 : i16
    %jit3A_687 = arith.constant 0 : i16
    %broadcast_in_dim3A_688 = vector.broadcast %jit3A_686 : i16 to vector<8x4096xi16>
    %broadcast_in_dim3A_689 = vector.broadcast %jit3A_687 : i16 to vector<8x4096xi16>
    %select_n3A_690 = arith.select %eq3A_685, %broadcast_in_dim3A_688, %broadcast_in_dim3A_689 : vector<8x4096xi1>, vector<8x4096xi16>
    %add3A_691 = arith.addi %add3A_663, %select_n3A_683 : vector<8x4096xi16>
    %add3A_692 = arith.addi %add3A_664, %select_n3A_690 : vector<8x4096xi16>
    %convert_element_type3A_693 = arith.sitofp %select_n3A_683 : vector<8x4096xi16> to vector<8x4096xf32>
    %mul3A_694 = arith.mulf %convert_element_type3A_693, %get3A_676 : vector<8x4096xf32>
    %add3A_695 = arith.addf %add3A_667, %mul3A_694 : vector<8x4096xf32>
    %convert_element_type3A_696 = arith.sitofp %select_n3A_690 : vector<8x4096xi16> to vector<8x4096xf32>
    %mul3A_697 = arith.mulf %convert_element_type3A_696, %get3A_676 : vector<8x4096xf32>
    %add3A_698 = arith.addf %add3A_670, %mul3A_697 : vector<8x4096xf32>
    %get3A_699 = arith.constant 184 : index
    %get3A_700 = arith.constant 0 : index
    %get3A_701 = vector.load %arg1[%get3A_699, %get3A_700] : memref<512x4096xi16, #tpu.memory_space<vmem>>, vector<8x4096xi16>
    %get3A_702 = arith.constant 184 : index
    %get3A_703 = arith.constant 0 : index
    %get3A_704 = vector.load %arg2[%get3A_702, %get3A_703] : memref<512x4096xf32, #tpu.memory_space<vmem>>, vector<8x4096xf32>
    %gt3A_705 = vector.broadcast %convert_element_type3A_54 : i16 to vector<8x4096xi16>
    %gt3A_706 = arith.cmpi sgt, %get3A_701, %gt3A_705 : vector<8x4096xi16>
    %jit3A_707 = arith.constant 1 : i16
    %jit3A_708 = arith.constant 0 : i16
    %broadcast_in_dim3A_709 = vector.broadcast %jit3A_707 : i16 to vector<8x4096xi16>
    %broadcast_in_dim3A_710 = vector.broadcast %jit3A_708 : i16 to vector<8x4096xi16>
    %select_n3A_711 = arith.select %gt3A_706, %broadcast_in_dim3A_709, %broadcast_in_dim3A_710 : vector<8x4096xi1>, vector<8x4096xi16>
    %eq3A_712 = vector.broadcast %convert_element_type3A_54 : i16 to vector<8x4096xi16>
    %eq3A_713 = arith.cmpi eq, %get3A_701, %eq3A_712 : vector<8x4096xi16>
    %jit3A_714 = arith.constant 1 : i16
    %jit3A_715 = arith.constant 0 : i16
    %broadcast_in_dim3A_716 = vector.broadcast %jit3A_714 : i16 to vector<8x4096xi16>
    %broadcast_in_dim3A_717 = vector.broadcast %jit3A_715 : i16 to vector<8x4096xi16>
    %select_n3A_718 = arith.select %eq3A_713, %broadcast_in_dim3A_716, %broadcast_in_dim3A_717 : vector<8x4096xi1>, vector<8x4096xi16>
    %add3A_719 = arith.addi %add3A_691, %select_n3A_711 : vector<8x4096xi16>
    %add3A_720 = arith.addi %add3A_692, %select_n3A_718 : vector<8x4096xi16>
    %convert_element_type3A_721 = arith.sitofp %select_n3A_711 : vector<8x4096xi16> to vector<8x4096xf32>
    %mul3A_722 = arith.mulf %convert_element_type3A_721, %get3A_704 : vector<8x4096xf32>
    %add3A_723 = arith.addf %add3A_695, %mul3A_722 : vector<8x4096xf32>
    %convert_element_type3A_724 = arith.sitofp %select_n3A_718 : vector<8x4096xi16> to vector<8x4096xf32>
    %mul3A_725 = arith.mulf %convert_element_type3A_724, %get3A_704 : vector<8x4096xf32>
    %add3A_726 = arith.addf %add3A_698, %mul3A_725 : vector<8x4096xf32>
    %get3A_727 = arith.constant 192 : index
    %get3A_728 = arith.constant 0 : index
    %get3A_729 = vector.load %arg1[%get3A_727, %get3A_728] : memref<512x4096xi16, #tpu.memory_space<vmem>>, vector<8x4096xi16>
    %get3A_730 = arith.constant 192 : index
    %get3A_731 = arith.constant 0 : index
    %get3A_732 = vector.load %arg2[%get3A_730, %get3A_731] : memref<512x4096xf32, #tpu.memory_space<vmem>>, vector<8x4096xf32>
    %gt3A_733 = vector.broadcast %convert_element_type3A_54 : i16 to vector<8x4096xi16>
    %gt3A_734 = arith.cmpi sgt, %get3A_729, %gt3A_733 : vector<8x4096xi16>
    %jit3A_735 = arith.constant 1 : i16
    %jit3A_736 = arith.constant 0 : i16
    %broadcast_in_dim3A_737 = vector.broadcast %jit3A_735 : i16 to vector<8x4096xi16>
    %broadcast_in_dim3A_738 = vector.broadcast %jit3A_736 : i16 to vector<8x4096xi16>
    %select_n3A_739 = arith.select %gt3A_734, %broadcast_in_dim3A_737, %broadcast_in_dim3A_738 : vector<8x4096xi1>, vector<8x4096xi16>
    %eq3A_740 = vector.broadcast %convert_element_type3A_54 : i16 to vector<8x4096xi16>
    %eq3A_741 = arith.cmpi eq, %get3A_729, %eq3A_740 : vector<8x4096xi16>
    %jit3A_742 = arith.constant 1 : i16
    %jit3A_743 = arith.constant 0 : i16
    %broadcast_in_dim3A_744 = vector.broadcast %jit3A_742 : i16 to vector<8x4096xi16>
    %broadcast_in_dim3A_745 = vector.broadcast %jit3A_743 : i16 to vector<8x4096xi16>
    %select_n3A_746 = arith.select %eq3A_741, %broadcast_in_dim3A_744, %broadcast_in_dim3A_745 : vector<8x4096xi1>, vector<8x4096xi16>
    %add3A_747 = arith.addi %add3A_719, %select_n3A_739 : vector<8x4096xi16>
    %add3A_748 = arith.addi %add3A_720, %select_n3A_746 : vector<8x4096xi16>
    %convert_element_type3A_749 = arith.sitofp %select_n3A_739 : vector<8x4096xi16> to vector<8x4096xf32>
    %mul3A_750 = arith.mulf %convert_element_type3A_749, %get3A_732 : vector<8x4096xf32>
    %add3A_751 = arith.addf %add3A_723, %mul3A_750 : vector<8x4096xf32>
    %convert_element_type3A_752 = arith.sitofp %select_n3A_746 : vector<8x4096xi16> to vector<8x4096xf32>
    %mul3A_753 = arith.mulf %convert_element_type3A_752, %get3A_732 : vector<8x4096xf32>
    %add3A_754 = arith.addf %add3A_726, %mul3A_753 : vector<8x4096xf32>
    %get3A_755 = arith.constant 200 : index
    %get3A_756 = arith.constant 0 : index
    %get3A_757 = vector.load %arg1[%get3A_755, %get3A_756] : memref<512x4096xi16, #tpu.memory_space<vmem>>, vector<8x4096xi16>
    %get3A_758 = arith.constant 200 : index
    %get3A_759 = arith.constant 0 : index
    %get3A_760 = vector.load %arg2[%get3A_758, %get3A_759] : memref<512x4096xf32, #tpu.memory_space<vmem>>, vector<8x4096xf32>
    %gt3A_761 = vector.broadcast %convert_element_type3A_54 : i16 to vector<8x4096xi16>
    %gt3A_762 = arith.cmpi sgt, %get3A_757, %gt3A_761 : vector<8x4096xi16>
    %jit3A_763 = arith.constant 1 : i16
    %jit3A_764 = arith.constant 0 : i16
    %broadcast_in_dim3A_765 = vector.broadcast %jit3A_763 : i16 to vector<8x4096xi16>
    %broadcast_in_dim3A_766 = vector.broadcast %jit3A_764 : i16 to vector<8x4096xi16>
    %select_n3A_767 = arith.select %gt3A_762, %broadcast_in_dim3A_765, %broadcast_in_dim3A_766 : vector<8x4096xi1>, vector<8x4096xi16>
    %eq3A_768 = vector.broadcast %convert_element_type3A_54 : i16 to vector<8x4096xi16>
    %eq3A_769 = arith.cmpi eq, %get3A_757, %eq3A_768 : vector<8x4096xi16>
    %jit3A_770 = arith.constant 1 : i16
    %jit3A_771 = arith.constant 0 : i16
    %broadcast_in_dim3A_772 = vector.broadcast %jit3A_770 : i16 to vector<8x4096xi16>
    %broadcast_in_dim3A_773 = vector.broadcast %jit3A_771 : i16 to vector<8x4096xi16>
    %select_n3A_774 = arith.select %eq3A_769, %broadcast_in_dim3A_772, %broadcast_in_dim3A_773 : vector<8x4096xi1>, vector<8x4096xi16>
    %add3A_775 = arith.addi %add3A_747, %select_n3A_767 : vector<8x4096xi16>
    %add3A_776 = arith.addi %add3A_748, %select_n3A_774 : vector<8x4096xi16>
    %convert_element_type3A_777 = arith.sitofp %select_n3A_767 : vector<8x4096xi16> to vector<8x4096xf32>
    %mul3A_778 = arith.mulf %convert_element_type3A_777, %get3A_760 : vector<8x4096xf32>
    %add3A_779 = arith.addf %add3A_751, %mul3A_778 : vector<8x4096xf32>
    %convert_element_type3A_780 = arith.sitofp %select_n3A_774 : vector<8x4096xi16> to vector<8x4096xf32>
    %mul3A_781 = arith.mulf %convert_element_type3A_780, %get3A_760 : vector<8x4096xf32>
    %add3A_782 = arith.addf %add3A_754, %mul3A_781 : vector<8x4096xf32>
    %get3A_783 = arith.constant 208 : index
    %get3A_784 = arith.constant 0 : index
    %get3A_785 = vector.load %arg1[%get3A_783, %get3A_784] : memref<512x4096xi16, #tpu.memory_space<vmem>>, vector<8x4096xi16>
    %get3A_786 = arith.constant 208 : index
    %get3A_787 = arith.constant 0 : index
    %get3A_788 = vector.load %arg2[%get3A_786, %get3A_787] : memref<512x4096xf32, #tpu.memory_space<vmem>>, vector<8x4096xf32>
    %gt3A_789 = vector.broadcast %convert_element_type3A_54 : i16 to vector<8x4096xi16>
    %gt3A_790 = arith.cmpi sgt, %get3A_785, %gt3A_789 : vector<8x4096xi16>
    %jit3A_791 = arith.constant 1 : i16
    %jit3A_792 = arith.constant 0 : i16
    %broadcast_in_dim3A_793 = vector.broadcast %jit3A_791 : i16 to vector<8x4096xi16>
    %broadcast_in_dim3A_794 = vector.broadcast %jit3A_792 : i16 to vector<8x4096xi16>
    %select_n3A_795 = arith.select %gt3A_790, %broadcast_in_dim3A_793, %broadcast_in_dim3A_794 : vector<8x4096xi1>, vector<8x4096xi16>
    %eq3A_796 = vector.broadcast %convert_element_type3A_54 : i16 to vector<8x4096xi16>
    %eq3A_797 = arith.cmpi eq, %get3A_785, %eq3A_796 : vector<8x4096xi16>
    %jit3A_798 = arith.constant 1 : i16
    %jit3A_799 = arith.constant 0 : i16
    %broadcast_in_dim3A_800 = vector.broadcast %jit3A_798 : i16 to vector<8x4096xi16>
    %broadcast_in_dim3A_801 = vector.broadcast %jit3A_799 : i16 to vector<8x4096xi16>
    %select_n3A_802 = arith.select %eq3A_797, %broadcast_in_dim3A_800, %broadcast_in_dim3A_801 : vector<8x4096xi1>, vector<8x4096xi16>
    %add3A_803 = arith.addi %add3A_775, %select_n3A_795 : vector<8x4096xi16>
    %add3A_804 = arith.addi %add3A_776, %select_n3A_802 : vector<8x4096xi16>
    %convert_element_type3A_805 = arith.sitofp %select_n3A_795 : vector<8x4096xi16> to vector<8x4096xf32>
    %mul3A_806 = arith.mulf %convert_element_type3A_805, %get3A_788 : vector<8x4096xf32>
    %add3A_807 = arith.addf %add3A_779, %mul3A_806 : vector<8x4096xf32>
    %convert_element_type3A_808 = arith.sitofp %select_n3A_802 : vector<8x4096xi16> to vector<8x4096xf32>
    %mul3A_809 = arith.mulf %convert_element_type3A_808, %get3A_788 : vector<8x4096xf32>
    %add3A_810 = arith.addf %add3A_782, %mul3A_809 : vector<8x4096xf32>
    %get3A_811 = arith.constant 216 : index
    %get3A_812 = arith.constant 0 : index
    %get3A_813 = vector.load %arg1[%get3A_811, %get3A_812] : memref<512x4096xi16, #tpu.memory_space<vmem>>, vector<8x4096xi16>
    %get3A_814 = arith.constant 216 : index
    %get3A_815 = arith.constant 0 : index
    %get3A_816 = vector.load %arg2[%get3A_814, %get3A_815] : memref<512x4096xf32, #tpu.memory_space<vmem>>, vector<8x4096xf32>
    %gt3A_817 = vector.broadcast %convert_element_type3A_54 : i16 to vector<8x4096xi16>
    %gt3A_818 = arith.cmpi sgt, %get3A_813, %gt3A_817 : vector<8x4096xi16>
    %jit3A_819 = arith.constant 1 : i16
    %jit3A_820 = arith.constant 0 : i16
    %broadcast_in_dim3A_821 = vector.broadcast %jit3A_819 : i16 to vector<8x4096xi16>
    %broadcast_in_dim3A_822 = vector.broadcast %jit3A_820 : i16 to vector<8x4096xi16>
    %select_n3A_823 = arith.select %gt3A_818, %broadcast_in_dim3A_821, %broadcast_in_dim3A_822 : vector<8x4096xi1>, vector<8x4096xi16>
    %eq3A_824 = vector.broadcast %convert_element_type3A_54 : i16 to vector<8x4096xi16>
    %eq3A_825 = arith.cmpi eq, %get3A_813, %eq3A_824 : vector<8x4096xi16>
    %jit3A_826 = arith.constant 1 : i16
    %jit3A_827 = arith.constant 0 : i16
    %broadcast_in_dim3A_828 = vector.broadcast %jit3A_826 : i16 to vector<8x4096xi16>
    %broadcast_in_dim3A_829 = vector.broadcast %jit3A_827 : i16 to vector<8x4096xi16>
    %select_n3A_830 = arith.select %eq3A_825, %broadcast_in_dim3A_828, %broadcast_in_dim3A_829 : vector<8x4096xi1>, vector<8x4096xi16>
    %add3A_831 = arith.addi %add3A_803, %select_n3A_823 : vector<8x4096xi16>
    %add3A_832 = arith.addi %add3A_804, %select_n3A_830 : vector<8x4096xi16>
    %convert_element_type3A_833 = arith.sitofp %select_n3A_823 : vector<8x4096xi16> to vector<8x4096xf32>
    %mul3A_834 = arith.mulf %convert_element_type3A_833, %get3A_816 : vector<8x4096xf32>
    %add3A_835 = arith.addf %add3A_807, %mul3A_834 : vector<8x4096xf32>
    %convert_element_type3A_836 = arith.sitofp %select_n3A_830 : vector<8x4096xi16> to vector<8x4096xf32>
    %mul3A_837 = arith.mulf %convert_element_type3A_836, %get3A_816 : vector<8x4096xf32>
    %add3A_838 = arith.addf %add3A_810, %mul3A_837 : vector<8x4096xf32>
    %get3A_839 = arith.constant 224 : index
    %get3A_840 = arith.constant 0 : index
    %get3A_841 = vector.load %arg1[%get3A_839, %get3A_840] : memref<512x4096xi16, #tpu.memory_space<vmem>>, vector<8x4096xi16>
    %get3A_842 = arith.constant 224 : index
    %get3A_843 = arith.constant 0 : index
    %get3A_844 = vector.load %arg2[%get3A_842, %get3A_843] : memref<512x4096xf32, #tpu.memory_space<vmem>>, vector<8x4096xf32>
    %gt3A_845 = vector.broadcast %convert_element_type3A_54 : i16 to vector<8x4096xi16>
    %gt3A_846 = arith.cmpi sgt, %get3A_841, %gt3A_845 : vector<8x4096xi16>
    %jit3A_847 = arith.constant 1 : i16
    %jit3A_848 = arith.constant 0 : i16
    %broadcast_in_dim3A_849 = vector.broadcast %jit3A_847 : i16 to vector<8x4096xi16>
    %broadcast_in_dim3A_850 = vector.broadcast %jit3A_848 : i16 to vector<8x4096xi16>
    %select_n3A_851 = arith.select %gt3A_846, %broadcast_in_dim3A_849, %broadcast_in_dim3A_850 : vector<8x4096xi1>, vector<8x4096xi16>
    %eq3A_852 = vector.broadcast %convert_element_type3A_54 : i16 to vector<8x4096xi16>
    %eq3A_853 = arith.cmpi eq, %get3A_841, %eq3A_852 : vector<8x4096xi16>
    %jit3A_854 = arith.constant 1 : i16
    %jit3A_855 = arith.constant 0 : i16
    %broadcast_in_dim3A_856 = vector.broadcast %jit3A_854 : i16 to vector<8x4096xi16>
    %broadcast_in_dim3A_857 = vector.broadcast %jit3A_855 : i16 to vector<8x4096xi16>
    %select_n3A_858 = arith.select %eq3A_853, %broadcast_in_dim3A_856, %broadcast_in_dim3A_857 : vector<8x4096xi1>, vector<8x4096xi16>
    %add3A_859 = arith.addi %add3A_831, %select_n3A_851 : vector<8x4096xi16>
    %add3A_860 = arith.addi %add3A_832, %select_n3A_858 : vector<8x4096xi16>
    %convert_element_type3A_861 = arith.sitofp %select_n3A_851 : vector<8x4096xi16> to vector<8x4096xf32>
    %mul3A_862 = arith.mulf %convert_element_type3A_861, %get3A_844 : vector<8x4096xf32>
    %add3A_863 = arith.addf %add3A_835, %mul3A_862 : vector<8x4096xf32>
    %convert_element_type3A_864 = arith.sitofp %select_n3A_858 : vector<8x4096xi16> to vector<8x4096xf32>
    %mul3A_865 = arith.mulf %convert_element_type3A_864, %get3A_844 : vector<8x4096xf32>
    %add3A_866 = arith.addf %add3A_838, %mul3A_865 : vector<8x4096xf32>
    %get3A_867 = arith.constant 232 : index
    %get3A_868 = arith.constant 0 : index
    %get3A_869 = vector.load %arg1[%get3A_867, %get3A_868] : memref<512x4096xi16, #tpu.memory_space<vmem>>, vector<8x4096xi16>
    %get3A_870 = arith.constant 232 : index
    %get3A_871 = arith.constant 0 : index
    %get3A_872 = vector.load %arg2[%get3A_870, %get3A_871] : memref<512x4096xf32, #tpu.memory_space<vmem>>, vector<8x4096xf32>
    %gt3A_873 = vector.broadcast %convert_element_type3A_54 : i16 to vector<8x4096xi16>
    %gt3A_874 = arith.cmpi sgt, %get3A_869, %gt3A_873 : vector<8x4096xi16>
    %jit3A_875 = arith.constant 1 : i16
    %jit3A_876 = arith.constant 0 : i16
    %broadcast_in_dim3A_877 = vector.broadcast %jit3A_875 : i16 to vector<8x4096xi16>
    %broadcast_in_dim3A_878 = vector.broadcast %jit3A_876 : i16 to vector<8x4096xi16>
    %select_n3A_879 = arith.select %gt3A_874, %broadcast_in_dim3A_877, %broadcast_in_dim3A_878 : vector<8x4096xi1>, vector<8x4096xi16>
    %eq3A_880 = vector.broadcast %convert_element_type3A_54 : i16 to vector<8x4096xi16>
    %eq3A_881 = arith.cmpi eq, %get3A_869, %eq3A_880 : vector<8x4096xi16>
    %jit3A_882 = arith.constant 1 : i16
    %jit3A_883 = arith.constant 0 : i16
    %broadcast_in_dim3A_884 = vector.broadcast %jit3A_882 : i16 to vector<8x4096xi16>
    %broadcast_in_dim3A_885 = vector.broadcast %jit3A_883 : i16 to vector<8x4096xi16>
    %select_n3A_886 = arith.select %eq3A_881, %broadcast_in_dim3A_884, %broadcast_in_dim3A_885 : vector<8x4096xi1>, vector<8x4096xi16>
    %add3A_887 = arith.addi %add3A_859, %select_n3A_879 : vector<8x4096xi16>
    %add3A_888 = arith.addi %add3A_860, %select_n3A_886 : vector<8x4096xi16>
    %convert_element_type3A_889 = arith.sitofp %select_n3A_879 : vector<8x4096xi16> to vector<8x4096xf32>
    %mul3A_890 = arith.mulf %convert_element_type3A_889, %get3A_872 : vector<8x4096xf32>
    %add3A_891 = arith.addf %add3A_863, %mul3A_890 : vector<8x4096xf32>
    %convert_element_type3A_892 = arith.sitofp %select_n3A_886 : vector<8x4096xi16> to vector<8x4096xf32>
    %mul3A_893 = arith.mulf %convert_element_type3A_892, %get3A_872 : vector<8x4096xf32>
    %add3A_894 = arith.addf %add3A_866, %mul3A_893 : vector<8x4096xf32>
    %get3A_895 = arith.constant 240 : index
    %get3A_896 = arith.constant 0 : index
    %get3A_897 = vector.load %arg1[%get3A_895, %get3A_896] : memref<512x4096xi16, #tpu.memory_space<vmem>>, vector<8x4096xi16>
    %get3A_898 = arith.constant 240 : index
    %get3A_899 = arith.constant 0 : index
    %get3A_900 = vector.load %arg2[%get3A_898, %get3A_899] : memref<512x4096xf32, #tpu.memory_space<vmem>>, vector<8x4096xf32>
    %gt3A_901 = vector.broadcast %convert_element_type3A_54 : i16 to vector<8x4096xi16>
    %gt3A_902 = arith.cmpi sgt, %get3A_897, %gt3A_901 : vector<8x4096xi16>
    %jit3A_903 = arith.constant 1 : i16
    %jit3A_904 = arith.constant 0 : i16
    %broadcast_in_dim3A_905 = vector.broadcast %jit3A_903 : i16 to vector<8x4096xi16>
    %broadcast_in_dim3A_906 = vector.broadcast %jit3A_904 : i16 to vector<8x4096xi16>
    %select_n3A_907 = arith.select %gt3A_902, %broadcast_in_dim3A_905, %broadcast_in_dim3A_906 : vector<8x4096xi1>, vector<8x4096xi16>
    %eq3A_908 = vector.broadcast %convert_element_type3A_54 : i16 to vector<8x4096xi16>
    %eq3A_909 = arith.cmpi eq, %get3A_897, %eq3A_908 : vector<8x4096xi16>
    %jit3A_910 = arith.constant 1 : i16
    %jit3A_911 = arith.constant 0 : i16
    %broadcast_in_dim3A_912 = vector.broadcast %jit3A_910 : i16 to vector<8x4096xi16>
    %broadcast_in_dim3A_913 = vector.broadcast %jit3A_911 : i16 to vector<8x4096xi16>
    %select_n3A_914 = arith.select %eq3A_909, %broadcast_in_dim3A_912, %broadcast_in_dim3A_913 : vector<8x4096xi1>, vector<8x4096xi16>
    %add3A_915 = arith.addi %add3A_887, %select_n3A_907 : vector<8x4096xi16>
    %add3A_916 = arith.addi %add3A_888, %select_n3A_914 : vector<8x4096xi16>
    %convert_element_type3A_917 = arith.sitofp %select_n3A_907 : vector<8x4096xi16> to vector<8x4096xf32>
    %mul3A_918 = arith.mulf %convert_element_type3A_917, %get3A_900 : vector<8x4096xf32>
    %add3A_919 = arith.addf %add3A_891, %mul3A_918 : vector<8x4096xf32>
    %convert_element_type3A_920 = arith.sitofp %select_n3A_914 : vector<8x4096xi16> to vector<8x4096xf32>
    %mul3A_921 = arith.mulf %convert_element_type3A_920, %get3A_900 : vector<8x4096xf32>
    %add3A_922 = arith.addf %add3A_894, %mul3A_921 : vector<8x4096xf32>
    %get3A_923 = arith.constant 248 : index
    %get3A_924 = arith.constant 0 : index
    %get3A_925 = vector.load %arg1[%get3A_923, %get3A_924] : memref<512x4096xi16, #tpu.memory_space<vmem>>, vector<8x4096xi16>
    %get3A_926 = arith.constant 248 : index
    %get3A_927 = arith.constant 0 : index
    %get3A_928 = vector.load %arg2[%get3A_926, %get3A_927] : memref<512x4096xf32, #tpu.memory_space<vmem>>, vector<8x4096xf32>
    %gt3A_929 = vector.broadcast %convert_element_type3A_54 : i16 to vector<8x4096xi16>
    %gt3A_930 = arith.cmpi sgt, %get3A_925, %gt3A_929 : vector<8x4096xi16>
    %jit3A_931 = arith.constant 1 : i16
    %jit3A_932 = arith.constant 0 : i16
    %broadcast_in_dim3A_933 = vector.broadcast %jit3A_931 : i16 to vector<8x4096xi16>
    %broadcast_in_dim3A_934 = vector.broadcast %jit3A_932 : i16 to vector<8x4096xi16>
    %select_n3A_935 = arith.select %gt3A_930, %broadcast_in_dim3A_933, %broadcast_in_dim3A_934 : vector<8x4096xi1>, vector<8x4096xi16>
    %eq3A_936 = vector.broadcast %convert_element_type3A_54 : i16 to vector<8x4096xi16>
    %eq3A_937 = arith.cmpi eq, %get3A_925, %eq3A_936 : vector<8x4096xi16>
    %jit3A_938 = arith.constant 1 : i16
    %jit3A_939 = arith.constant 0 : i16
    %broadcast_in_dim3A_940 = vector.broadcast %jit3A_938 : i16 to vector<8x4096xi16>
    %broadcast_in_dim3A_941 = vector.broadcast %jit3A_939 : i16 to vector<8x4096xi16>
    %select_n3A_942 = arith.select %eq3A_937, %broadcast_in_dim3A_940, %broadcast_in_dim3A_941 : vector<8x4096xi1>, vector<8x4096xi16>
    %add3A_943 = arith.addi %add3A_915, %select_n3A_935 : vector<8x4096xi16>
    %add3A_944 = arith.addi %add3A_916, %select_n3A_942 : vector<8x4096xi16>
    %convert_element_type3A_945 = arith.sitofp %select_n3A_935 : vector<8x4096xi16> to vector<8x4096xf32>
    %mul3A_946 = arith.mulf %convert_element_type3A_945, %get3A_928 : vector<8x4096xf32>
    %add3A_947 = arith.addf %add3A_919, %mul3A_946 : vector<8x4096xf32>
    %convert_element_type3A_948 = arith.sitofp %select_n3A_942 : vector<8x4096xi16> to vector<8x4096xf32>
    %mul3A_949 = arith.mulf %convert_element_type3A_948, %get3A_928 : vector<8x4096xf32>
    %add3A_950 = arith.addf %add3A_922, %mul3A_949 : vector<8x4096xf32>
    %get3A_951 = arith.constant 256 : index
    %get3A_952 = arith.constant 0 : index
    %get3A_953 = vector.load %arg1[%get3A_951, %get3A_952] : memref<512x4096xi16, #tpu.memory_space<vmem>>, vector<8x4096xi16>
    %get3A_954 = arith.constant 256 : index
    %get3A_955 = arith.constant 0 : index
    %get3A_956 = vector.load %arg2[%get3A_954, %get3A_955] : memref<512x4096xf32, #tpu.memory_space<vmem>>, vector<8x4096xf32>
    %gt3A_957 = vector.broadcast %convert_element_type3A_54 : i16 to vector<8x4096xi16>
    %gt3A_958 = arith.cmpi sgt, %get3A_953, %gt3A_957 : vector<8x4096xi16>
    %jit3A_959 = arith.constant 1 : i16
    %jit3A_960 = arith.constant 0 : i16
    %broadcast_in_dim3A_961 = vector.broadcast %jit3A_959 : i16 to vector<8x4096xi16>
    %broadcast_in_dim3A_962 = vector.broadcast %jit3A_960 : i16 to vector<8x4096xi16>
    %select_n3A_963 = arith.select %gt3A_958, %broadcast_in_dim3A_961, %broadcast_in_dim3A_962 : vector<8x4096xi1>, vector<8x4096xi16>
    %eq3A_964 = vector.broadcast %convert_element_type3A_54 : i16 to vector<8x4096xi16>
    %eq3A_965 = arith.cmpi eq, %get3A_953, %eq3A_964 : vector<8x4096xi16>
    %jit3A_966 = arith.constant 1 : i16
    %jit3A_967 = arith.constant 0 : i16
    %broadcast_in_dim3A_968 = vector.broadcast %jit3A_966 : i16 to vector<8x4096xi16>
    %broadcast_in_dim3A_969 = vector.broadcast %jit3A_967 : i16 to vector<8x4096xi16>
    %select_n3A_970 = arith.select %eq3A_965, %broadcast_in_dim3A_968, %broadcast_in_dim3A_969 : vector<8x4096xi1>, vector<8x4096xi16>
    %add3A_971 = arith.addi %add3A_943, %select_n3A_963 : vector<8x4096xi16>
    %add3A_972 = arith.addi %add3A_944, %select_n3A_970 : vector<8x4096xi16>
    %convert_element_type3A_973 = arith.sitofp %select_n3A_963 : vector<8x4096xi16> to vector<8x4096xf32>
    %mul3A_974 = arith.mulf %convert_element_type3A_973, %get3A_956 : vector<8x4096xf32>
    %add3A_975 = arith.addf %add3A_947, %mul3A_974 : vector<8x4096xf32>
    %convert_element_type3A_976 = arith.sitofp %select_n3A_970 : vector<8x4096xi16> to vector<8x4096xf32>
    %mul3A_977 = arith.mulf %convert_element_type3A_976, %get3A_956 : vector<8x4096xf32>
    %add3A_978 = arith.addf %add3A_950, %mul3A_977 : vector<8x4096xf32>
    %get3A_979 = arith.constant 264 : index
    %get3A_980 = arith.constant 0 : index
    %get3A_981 = vector.load %arg1[%get3A_979, %get3A_980] : memref<512x4096xi16, #tpu.memory_space<vmem>>, vector<8x4096xi16>
    %get3A_982 = arith.constant 264 : index
    %get3A_983 = arith.constant 0 : index
    %get3A_984 = vector.load %arg2[%get3A_982, %get3A_983] : memref<512x4096xf32, #tpu.memory_space<vmem>>, vector<8x4096xf32>
    %gt3A_985 = vector.broadcast %convert_element_type3A_54 : i16 to vector<8x4096xi16>
    %gt3A_986 = arith.cmpi sgt, %get3A_981, %gt3A_985 : vector<8x4096xi16>
    %jit3A_987 = arith.constant 1 : i16
    %jit3A_988 = arith.constant 0 : i16
    %broadcast_in_dim3A_989 = vector.broadcast %jit3A_987 : i16 to vector<8x4096xi16>
    %broadcast_in_dim3A_990 = vector.broadcast %jit3A_988 : i16 to vector<8x4096xi16>
    %select_n3A_991 = arith.select %gt3A_986, %broadcast_in_dim3A_989, %broadcast_in_dim3A_990 : vector<8x4096xi1>, vector<8x4096xi16>
    %eq3A_992 = vector.broadcast %convert_element_type3A_54 : i16 to vector<8x4096xi16>
    %eq3A_993 = arith.cmpi eq, %get3A_981, %eq3A_992 : vector<8x4096xi16>
    %jit3A_994 = arith.constant 1 : i16
    %jit3A_995 = arith.constant 0 : i16
    %broadcast_in_dim3A_996 = vector.broadcast %jit3A_994 : i16 to vector<8x4096xi16>
    %broadcast_in_dim3A_997 = vector.broadcast %jit3A_995 : i16 to vector<8x4096xi16>
    %select_n3A_998 = arith.select %eq3A_993, %broadcast_in_dim3A_996, %broadcast_in_dim3A_997 : vector<8x4096xi1>, vector<8x4096xi16>
    %add3A_999 = arith.addi %add3A_971, %select_n3A_991 : vector<8x4096xi16>
    %add3A_1000 = arith.addi %add3A_972, %select_n3A_998 : vector<8x4096xi16>
    %convert_element_type3A_1001 = arith.sitofp %select_n3A_991 : vector<8x4096xi16> to vector<8x4096xf32>
    %mul3A_1002 = arith.mulf %convert_element_type3A_1001, %get3A_984 : vector<8x4096xf32>
    %add3A_1003 = arith.addf %add3A_975, %mul3A_1002 : vector<8x4096xf32>
    %convert_element_type3A_1004 = arith.sitofp %select_n3A_998 : vector<8x4096xi16> to vector<8x4096xf32>
    %mul3A_1005 = arith.mulf %convert_element_type3A_1004, %get3A_984 : vector<8x4096xf32>
    %add3A_1006 = arith.addf %add3A_978, %mul3A_1005 : vector<8x4096xf32>
    %get3A_1007 = arith.constant 272 : index
    %get3A_1008 = arith.constant 0 : index
    %get3A_1009 = vector.load %arg1[%get3A_1007, %get3A_1008] : memref<512x4096xi16, #tpu.memory_space<vmem>>, vector<8x4096xi16>
    %get3A_1010 = arith.constant 272 : index
    %get3A_1011 = arith.constant 0 : index
    %get3A_1012 = vector.load %arg2[%get3A_1010, %get3A_1011] : memref<512x4096xf32, #tpu.memory_space<vmem>>, vector<8x4096xf32>
    %gt3A_1013 = vector.broadcast %convert_element_type3A_54 : i16 to vector<8x4096xi16>
    %gt3A_1014 = arith.cmpi sgt, %get3A_1009, %gt3A_1013 : vector<8x4096xi16>
    %jit3A_1015 = arith.constant 1 : i16
    %jit3A_1016 = arith.constant 0 : i16
    %broadcast_in_dim3A_1017 = vector.broadcast %jit3A_1015 : i16 to vector<8x4096xi16>
    %broadcast_in_dim3A_1018 = vector.broadcast %jit3A_1016 : i16 to vector<8x4096xi16>
    %select_n3A_1019 = arith.select %gt3A_1014, %broadcast_in_dim3A_1017, %broadcast_in_dim3A_1018 : vector<8x4096xi1>, vector<8x4096xi16>
    %eq3A_1020 = vector.broadcast %convert_element_type3A_54 : i16 to vector<8x4096xi16>
    %eq3A_1021 = arith.cmpi eq, %get3A_1009, %eq3A_1020 : vector<8x4096xi16>
    %jit3A_1022 = arith.constant 1 : i16
    %jit3A_1023 = arith.constant 0 : i16
    %broadcast_in_dim3A_1024 = vector.broadcast %jit3A_1022 : i16 to vector<8x4096xi16>
    %broadcast_in_dim3A_1025 = vector.broadcast %jit3A_1023 : i16 to vector<8x4096xi16>
    %select_n3A_1026 = arith.select %eq3A_1021, %broadcast_in_dim3A_1024, %broadcast_in_dim3A_1025 : vector<8x4096xi1>, vector<8x4096xi16>
    %add3A_1027 = arith.addi %add3A_999, %select_n3A_1019 : vector<8x4096xi16>
    %add3A_1028 = arith.addi %add3A_1000, %select_n3A_1026 : vector<8x4096xi16>
    %convert_element_type3A_1029 = arith.sitofp %select_n3A_1019 : vector<8x4096xi16> to vector<8x4096xf32>
    %mul3A_1030 = arith.mulf %convert_element_type3A_1029, %get3A_1012 : vector<8x4096xf32>
    %add3A_1031 = arith.addf %add3A_1003, %mul3A_1030 : vector<8x4096xf32>
    %convert_element_type3A_1032 = arith.sitofp %select_n3A_1026 : vector<8x4096xi16> to vector<8x4096xf32>
    %mul3A_1033 = arith.mulf %convert_element_type3A_1032, %get3A_1012 : vector<8x4096xf32>
    %add3A_1034 = arith.addf %add3A_1006, %mul3A_1033 : vector<8x4096xf32>
    %get3A_1035 = arith.constant 280 : index
    %get3A_1036 = arith.constant 0 : index
    %get3A_1037 = vector.load %arg1[%get3A_1035, %get3A_1036] : memref<512x4096xi16, #tpu.memory_space<vmem>>, vector<8x4096xi16>
    %get3A_1038 = arith.constant 280 : index
    %get3A_1039 = arith.constant 0 : index
    %get3A_1040 = vector.load %arg2[%get3A_1038, %get3A_1039] : memref<512x4096xf32, #tpu.memory_space<vmem>>, vector<8x4096xf32>
    %gt3A_1041 = vector.broadcast %convert_element_type3A_54 : i16 to vector<8x4096xi16>
    %gt3A_1042 = arith.cmpi sgt, %get3A_1037, %gt3A_1041 : vector<8x4096xi16>
    %jit3A_1043 = arith.constant 1 : i16
    %jit3A_1044 = arith.constant 0 : i16
    %broadcast_in_dim3A_1045 = vector.broadcast %jit3A_1043 : i16 to vector<8x4096xi16>
    %broadcast_in_dim3A_1046 = vector.broadcast %jit3A_1044 : i16 to vector<8x4096xi16>
    %select_n3A_1047 = arith.select %gt3A_1042, %broadcast_in_dim3A_1045, %broadcast_in_dim3A_1046 : vector<8x4096xi1>, vector<8x4096xi16>
    %eq3A_1048 = vector.broadcast %convert_element_type3A_54 : i16 to vector<8x4096xi16>
    %eq3A_1049 = arith.cmpi eq, %get3A_1037, %eq3A_1048 : vector<8x4096xi16>
    %jit3A_1050 = arith.constant 1 : i16
    %jit3A_1051 = arith.constant 0 : i16
    %broadcast_in_dim3A_1052 = vector.broadcast %jit3A_1050 : i16 to vector<8x4096xi16>
    %broadcast_in_dim3A_1053 = vector.broadcast %jit3A_1051 : i16 to vector<8x4096xi16>
    %select_n3A_1054 = arith.select %eq3A_1049, %broadcast_in_dim3A_1052, %broadcast_in_dim3A_1053 : vector<8x4096xi1>, vector<8x4096xi16>
    %add3A_1055 = arith.addi %add3A_1027, %select_n3A_1047 : vector<8x4096xi16>
    %add3A_1056 = arith.addi %add3A_1028, %select_n3A_1054 : vector<8x4096xi16>
    %convert_element_type3A_1057 = arith.sitofp %select_n3A_1047 : vector<8x4096xi16> to vector<8x4096xf32>
    %mul3A_1058 = arith.mulf %convert_element_type3A_1057, %get3A_1040 : vector<8x4096xf32>
    %add3A_1059 = arith.addf %add3A_1031, %mul3A_1058 : vector<8x4096xf32>
    %convert_element_type3A_1060 = arith.sitofp %select_n3A_1054 : vector<8x4096xi16> to vector<8x4096xf32>
    %mul3A_1061 = arith.mulf %convert_element_type3A_1060, %get3A_1040 : vector<8x4096xf32>
    %add3A_1062 = arith.addf %add3A_1034, %mul3A_1061 : vector<8x4096xf32>
    %get3A_1063 = arith.constant 288 : index
    %get3A_1064 = arith.constant 0 : index
    %get3A_1065 = vector.load %arg1[%get3A_1063, %get3A_1064] : memref<512x4096xi16, #tpu.memory_space<vmem>>, vector<8x4096xi16>
    %get3A_1066 = arith.constant 288 : index
    %get3A_1067 = arith.constant 0 : index
    %get3A_1068 = vector.load %arg2[%get3A_1066, %get3A_1067] : memref<512x4096xf32, #tpu.memory_space<vmem>>, vector<8x4096xf32>
    %gt3A_1069 = vector.broadcast %convert_element_type3A_54 : i16 to vector<8x4096xi16>
    %gt3A_1070 = arith.cmpi sgt, %get3A_1065, %gt3A_1069 : vector<8x4096xi16>
    %jit3A_1071 = arith.constant 1 : i16
    %jit3A_1072 = arith.constant 0 : i16
    %broadcast_in_dim3A_1073 = vector.broadcast %jit3A_1071 : i16 to vector<8x4096xi16>
    %broadcast_in_dim3A_1074 = vector.broadcast %jit3A_1072 : i16 to vector<8x4096xi16>
    %select_n3A_1075 = arith.select %gt3A_1070, %broadcast_in_dim3A_1073, %broadcast_in_dim3A_1074 : vector<8x4096xi1>, vector<8x4096xi16>
    %eq3A_1076 = vector.broadcast %convert_element_type3A_54 : i16 to vector<8x4096xi16>
    %eq3A_1077 = arith.cmpi eq, %get3A_1065, %eq3A_1076 : vector<8x4096xi16>
    %jit3A_1078 = arith.constant 1 : i16
    %jit3A_1079 = arith.constant 0 : i16
    %broadcast_in_dim3A_1080 = vector.broadcast %jit3A_1078 : i16 to vector<8x4096xi16>
    %broadcast_in_dim3A_1081 = vector.broadcast %jit3A_1079 : i16 to vector<8x4096xi16>
    %select_n3A_1082 = arith.select %eq3A_1077, %broadcast_in_dim3A_1080, %broadcast_in_dim3A_1081 : vector<8x4096xi1>, vector<8x4096xi16>
    %add3A_1083 = arith.addi %add3A_1055, %select_n3A_1075 : vector<8x4096xi16>
    %add3A_1084 = arith.addi %add3A_1056, %select_n3A_1082 : vector<8x4096xi16>
    %convert_element_type3A_1085 = arith.sitofp %select_n3A_1075 : vector<8x4096xi16> to vector<8x4096xf32>
    %mul3A_1086 = arith.mulf %convert_element_type3A_1085, %get3A_1068 : vector<8x4096xf32>
    %add3A_1087 = arith.addf %add3A_1059, %mul3A_1086 : vector<8x4096xf32>
    %convert_element_type3A_1088 = arith.sitofp %select_n3A_1082 : vector<8x4096xi16> to vector<8x4096xf32>
    %mul3A_1089 = arith.mulf %convert_element_type3A_1088, %get3A_1068 : vector<8x4096xf32>
    %add3A_1090 = arith.addf %add3A_1062, %mul3A_1089 : vector<8x4096xf32>
    %get3A_1091 = arith.constant 296 : index
    %get3A_1092 = arith.constant 0 : index
    %get3A_1093 = vector.load %arg1[%get3A_1091, %get3A_1092] : memref<512x4096xi16, #tpu.memory_space<vmem>>, vector<8x4096xi16>
    %get3A_1094 = arith.constant 296 : index
    %get3A_1095 = arith.constant 0 : index
    %get3A_1096 = vector.load %arg2[%get3A_1094, %get3A_1095] : memref<512x4096xf32, #tpu.memory_space<vmem>>, vector<8x4096xf32>
    %gt3A_1097 = vector.broadcast %convert_element_type3A_54 : i16 to vector<8x4096xi16>
    %gt3A_1098 = arith.cmpi sgt, %get3A_1093, %gt3A_1097 : vector<8x4096xi16>
    %jit3A_1099 = arith.constant 1 : i16
    %jit3A_1100 = arith.constant 0 : i16
    %broadcast_in_dim3A_1101 = vector.broadcast %jit3A_1099 : i16 to vector<8x4096xi16>
    %broadcast_in_dim3A_1102 = vector.broadcast %jit3A_1100 : i16 to vector<8x4096xi16>
    %select_n3A_1103 = arith.select %gt3A_1098, %broadcast_in_dim3A_1101, %broadcast_in_dim3A_1102 : vector<8x4096xi1>, vector<8x4096xi16>
    %eq3A_1104 = vector.broadcast %convert_element_type3A_54 : i16 to vector<8x4096xi16>
    %eq3A_1105 = arith.cmpi eq, %get3A_1093, %eq3A_1104 : vector<8x4096xi16>
    %jit3A_1106 = arith.constant 1 : i16
    %jit3A_1107 = arith.constant 0 : i16
    %broadcast_in_dim3A_1108 = vector.broadcast %jit3A_1106 : i16 to vector<8x4096xi16>
    %broadcast_in_dim3A_1109 = vector.broadcast %jit3A_1107 : i16 to vector<8x4096xi16>
    %select_n3A_1110 = arith.select %eq3A_1105, %broadcast_in_dim3A_1108, %broadcast_in_dim3A_1109 : vector<8x4096xi1>, vector<8x4096xi16>
    %add3A_1111 = arith.addi %add3A_1083, %select_n3A_1103 : vector<8x4096xi16>
    %add3A_1112 = arith.addi %add3A_1084, %select_n3A_1110 : vector<8x4096xi16>
    %convert_element_type3A_1113 = arith.sitofp %select_n3A_1103 : vector<8x4096xi16> to vector<8x4096xf32>
    %mul3A_1114 = arith.mulf %convert_element_type3A_1113, %get3A_1096 : vector<8x4096xf32>
    %add3A_1115 = arith.addf %add3A_1087, %mul3A_1114 : vector<8x4096xf32>
    %convert_element_type3A_1116 = arith.sitofp %select_n3A_1110 : vector<8x4096xi16> to vector<8x4096xf32>
    %mul3A_1117 = arith.mulf %convert_element_type3A_1116, %get3A_1096 : vector<8x4096xf32>
    %add3A_1118 = arith.addf %add3A_1090, %mul3A_1117 : vector<8x4096xf32>
    %get3A_1119 = arith.constant 304 : index
    %get3A_1120 = arith.constant 0 : index
    %get3A_1121 = vector.load %arg1[%get3A_1119, %get3A_1120] : memref<512x4096xi16, #tpu.memory_space<vmem>>, vector<8x4096xi16>
    %get3A_1122 = arith.constant 304 : index
    %get3A_1123 = arith.constant 0 : index
    %get3A_1124 = vector.load %arg2[%get3A_1122, %get3A_1123] : memref<512x4096xf32, #tpu.memory_space<vmem>>, vector<8x4096xf32>
    %gt3A_1125 = vector.broadcast %convert_element_type3A_54 : i16 to vector<8x4096xi16>
    %gt3A_1126 = arith.cmpi sgt, %get3A_1121, %gt3A_1125 : vector<8x4096xi16>
    %jit3A_1127 = arith.constant 1 : i16
    %jit3A_1128 = arith.constant 0 : i16
    %broadcast_in_dim3A_1129 = vector.broadcast %jit3A_1127 : i16 to vector<8x4096xi16>
    %broadcast_in_dim3A_1130 = vector.broadcast %jit3A_1128 : i16 to vector<8x4096xi16>
    %select_n3A_1131 = arith.select %gt3A_1126, %broadcast_in_dim3A_1129, %broadcast_in_dim3A_1130 : vector<8x4096xi1>, vector<8x4096xi16>
    %eq3A_1132 = vector.broadcast %convert_element_type3A_54 : i16 to vector<8x4096xi16>
    %eq3A_1133 = arith.cmpi eq, %get3A_1121, %eq3A_1132 : vector<8x4096xi16>
    %jit3A_1134 = arith.constant 1 : i16
    %jit3A_1135 = arith.constant 0 : i16
    %broadcast_in_dim3A_1136 = vector.broadcast %jit3A_1134 : i16 to vector<8x4096xi16>
    %broadcast_in_dim3A_1137 = vector.broadcast %jit3A_1135 : i16 to vector<8x4096xi16>
    %select_n3A_1138 = arith.select %eq3A_1133, %broadcast_in_dim3A_1136, %broadcast_in_dim3A_1137 : vector<8x4096xi1>, vector<8x4096xi16>
    %add3A_1139 = arith.addi %add3A_1111, %select_n3A_1131 : vector<8x4096xi16>
    %add3A_1140 = arith.addi %add3A_1112, %select_n3A_1138 : vector<8x4096xi16>
    %convert_element_type3A_1141 = arith.sitofp %select_n3A_1131 : vector<8x4096xi16> to vector<8x4096xf32>
    %mul3A_1142 = arith.mulf %convert_element_type3A_1141, %get3A_1124 : vector<8x4096xf32>
    %add3A_1143 = arith.addf %add3A_1115, %mul3A_1142 : vector<8x4096xf32>
    %convert_element_type3A_1144 = arith.sitofp %select_n3A_1138 : vector<8x4096xi16> to vector<8x4096xf32>
    %mul3A_1145 = arith.mulf %convert_element_type3A_1144, %get3A_1124 : vector<8x4096xf32>
    %add3A_1146 = arith.addf %add3A_1118, %mul3A_1145 : vector<8x4096xf32>
    %get3A_1147 = arith.constant 312 : index
    %get3A_1148 = arith.constant 0 : index
    %get3A_1149 = vector.load %arg1[%get3A_1147, %get3A_1148] : memref<512x4096xi16, #tpu.memory_space<vmem>>, vector<8x4096xi16>
    %get3A_1150 = arith.constant 312 : index
    %get3A_1151 = arith.constant 0 : index
    %get3A_1152 = vector.load %arg2[%get3A_1150, %get3A_1151] : memref<512x4096xf32, #tpu.memory_space<vmem>>, vector<8x4096xf32>
    %gt3A_1153 = vector.broadcast %convert_element_type3A_54 : i16 to vector<8x4096xi16>
    %gt3A_1154 = arith.cmpi sgt, %get3A_1149, %gt3A_1153 : vector<8x4096xi16>
    %jit3A_1155 = arith.constant 1 : i16
    %jit3A_1156 = arith.constant 0 : i16
    %broadcast_in_dim3A_1157 = vector.broadcast %jit3A_1155 : i16 to vector<8x4096xi16>
    %broadcast_in_dim3A_1158 = vector.broadcast %jit3A_1156 : i16 to vector<8x4096xi16>
    %select_n3A_1159 = arith.select %gt3A_1154, %broadcast_in_dim3A_1157, %broadcast_in_dim3A_1158 : vector<8x4096xi1>, vector<8x4096xi16>
    %eq3A_1160 = vector.broadcast %convert_element_type3A_54 : i16 to vector<8x4096xi16>
    %eq3A_1161 = arith.cmpi eq, %get3A_1149, %eq3A_1160 : vector<8x4096xi16>
    %jit3A_1162 = arith.constant 1 : i16
    %jit3A_1163 = arith.constant 0 : i16
    %broadcast_in_dim3A_1164 = vector.broadcast %jit3A_1162 : i16 to vector<8x4096xi16>
    %broadcast_in_dim3A_1165 = vector.broadcast %jit3A_1163 : i16 to vector<8x4096xi16>
    %select_n3A_1166 = arith.select %eq3A_1161, %broadcast_in_dim3A_1164, %broadcast_in_dim3A_1165 : vector<8x4096xi1>, vector<8x4096xi16>
    %add3A_1167 = arith.addi %add3A_1139, %select_n3A_1159 : vector<8x4096xi16>
    %add3A_1168 = arith.addi %add3A_1140, %select_n3A_1166 : vector<8x4096xi16>
    %convert_element_type3A_1169 = arith.sitofp %select_n3A_1159 : vector<8x4096xi16> to vector<8x4096xf32>
    %mul3A_1170 = arith.mulf %convert_element_type3A_1169, %get3A_1152 : vector<8x4096xf32>
    %add3A_1171 = arith.addf %add3A_1143, %mul3A_1170 : vector<8x4096xf32>
    %convert_element_type3A_1172 = arith.sitofp %select_n3A_1166 : vector<8x4096xi16> to vector<8x4096xf32>
    %mul3A_1173 = arith.mulf %convert_element_type3A_1172, %get3A_1152 : vector<8x4096xf32>
    %add3A_1174 = arith.addf %add3A_1146, %mul3A_1173 : vector<8x4096xf32>
    %get3A_1175 = arith.constant 320 : index
    %get3A_1176 = arith.constant 0 : index
    %get3A_1177 = vector.load %arg1[%get3A_1175, %get3A_1176] : memref<512x4096xi16, #tpu.memory_space<vmem>>, vector<8x4096xi16>
    %get3A_1178 = arith.constant 320 : index
    %get3A_1179 = arith.constant 0 : index
    %get3A_1180 = vector.load %arg2[%get3A_1178, %get3A_1179] : memref<512x4096xf32, #tpu.memory_space<vmem>>, vector<8x4096xf32>
    %gt3A_1181 = vector.broadcast %convert_element_type3A_54 : i16 to vector<8x4096xi16>
    %gt3A_1182 = arith.cmpi sgt, %get3A_1177, %gt3A_1181 : vector<8x4096xi16>
    %jit3A_1183 = arith.constant 1 : i16
    %jit3A_1184 = arith.constant 0 : i16
    %broadcast_in_dim3A_1185 = vector.broadcast %jit3A_1183 : i16 to vector<8x4096xi16>
    %broadcast_in_dim3A_1186 = vector.broadcast %jit3A_1184 : i16 to vector<8x4096xi16>
    %select_n3A_1187 = arith.select %gt3A_1182, %broadcast_in_dim3A_1185, %broadcast_in_dim3A_1186 : vector<8x4096xi1>, vector<8x4096xi16>
    %eq3A_1188 = vector.broadcast %convert_element_type3A_54 : i16 to vector<8x4096xi16>
    %eq3A_1189 = arith.cmpi eq, %get3A_1177, %eq3A_1188 : vector<8x4096xi16>
    %jit3A_1190 = arith.constant 1 : i16
    %jit3A_1191 = arith.constant 0 : i16
    %broadcast_in_dim3A_1192 = vector.broadcast %jit3A_1190 : i16 to vector<8x4096xi16>
    %broadcast_in_dim3A_1193 = vector.broadcast %jit3A_1191 : i16 to vector<8x4096xi16>
    %select_n3A_1194 = arith.select %eq3A_1189, %broadcast_in_dim3A_1192, %broadcast_in_dim3A_1193 : vector<8x4096xi1>, vector<8x4096xi16>
    %add3A_1195 = arith.addi %add3A_1167, %select_n3A_1187 : vector<8x4096xi16>
    %add3A_1196 = arith.addi %add3A_1168, %select_n3A_1194 : vector<8x4096xi16>
    %convert_element_type3A_1197 = arith.sitofp %select_n3A_1187 : vector<8x4096xi16> to vector<8x4096xf32>
    %mul3A_1198 = arith.mulf %convert_element_type3A_1197, %get3A_1180 : vector<8x4096xf32>
    %add3A_1199 = arith.addf %add3A_1171, %mul3A_1198 : vector<8x4096xf32>
    %convert_element_type3A_1200 = arith.sitofp %select_n3A_1194 : vector<8x4096xi16> to vector<8x4096xf32>
    %mul3A_1201 = arith.mulf %convert_element_type3A_1200, %get3A_1180 : vector<8x4096xf32>
    %add3A_1202 = arith.addf %add3A_1174, %mul3A_1201 : vector<8x4096xf32>
    %get3A_1203 = arith.constant 328 : index
    %get3A_1204 = arith.constant 0 : index
    %get3A_1205 = vector.load %arg1[%get3A_1203, %get3A_1204] : memref<512x4096xi16, #tpu.memory_space<vmem>>, vector<8x4096xi16>
    %get3A_1206 = arith.constant 328 : index
    %get3A_1207 = arith.constant 0 : index
    %get3A_1208 = vector.load %arg2[%get3A_1206, %get3A_1207] : memref<512x4096xf32, #tpu.memory_space<vmem>>, vector<8x4096xf32>
    %gt3A_1209 = vector.broadcast %convert_element_type3A_54 : i16 to vector<8x4096xi16>
    %gt3A_1210 = arith.cmpi sgt, %get3A_1205, %gt3A_1209 : vector<8x4096xi16>
    %jit3A_1211 = arith.constant 1 : i16
    %jit3A_1212 = arith.constant 0 : i16
    %broadcast_in_dim3A_1213 = vector.broadcast %jit3A_1211 : i16 to vector<8x4096xi16>
    %broadcast_in_dim3A_1214 = vector.broadcast %jit3A_1212 : i16 to vector<8x4096xi16>
    %select_n3A_1215 = arith.select %gt3A_1210, %broadcast_in_dim3A_1213, %broadcast_in_dim3A_1214 : vector<8x4096xi1>, vector<8x4096xi16>
    %eq3A_1216 = vector.broadcast %convert_element_type3A_54 : i16 to vector<8x4096xi16>
    %eq3A_1217 = arith.cmpi eq, %get3A_1205, %eq3A_1216 : vector<8x4096xi16>
    %jit3A_1218 = arith.constant 1 : i16
    %jit3A_1219 = arith.constant 0 : i16
    %broadcast_in_dim3A_1220 = vector.broadcast %jit3A_1218 : i16 to vector<8x4096xi16>
    %broadcast_in_dim3A_1221 = vector.broadcast %jit3A_1219 : i16 to vector<8x4096xi16>
    %select_n3A_1222 = arith.select %eq3A_1217, %broadcast_in_dim3A_1220, %broadcast_in_dim3A_1221 : vector<8x4096xi1>, vector<8x4096xi16>
    %add3A_1223 = arith.addi %add3A_1195, %select_n3A_1215 : vector<8x4096xi16>
    %add3A_1224 = arith.addi %add3A_1196, %select_n3A_1222 : vector<8x4096xi16>
    %convert_element_type3A_1225 = arith.sitofp %select_n3A_1215 : vector<8x4096xi16> to vector<8x4096xf32>
    %mul3A_1226 = arith.mulf %convert_element_type3A_1225, %get3A_1208 : vector<8x4096xf32>
    %add3A_1227 = arith.addf %add3A_1199, %mul3A_1226 : vector<8x4096xf32>
    %convert_element_type3A_1228 = arith.sitofp %select_n3A_1222 : vector<8x4096xi16> to vector<8x4096xf32>
    %mul3A_1229 = arith.mulf %convert_element_type3A_1228, %get3A_1208 : vector<8x4096xf32>
    %add3A_1230 = arith.addf %add3A_1202, %mul3A_1229 : vector<8x4096xf32>
    %get3A_1231 = arith.constant 336 : index
    %get3A_1232 = arith.constant 0 : index
    %get3A_1233 = vector.load %arg1[%get3A_1231, %get3A_1232] : memref<512x4096xi16, #tpu.memory_space<vmem>>, vector<8x4096xi16>
    %get3A_1234 = arith.constant 336 : index
    %get3A_1235 = arith.constant 0 : index
    %get3A_1236 = vector.load %arg2[%get3A_1234, %get3A_1235] : memref<512x4096xf32, #tpu.memory_space<vmem>>, vector<8x4096xf32>
    %gt3A_1237 = vector.broadcast %convert_element_type3A_54 : i16 to vector<8x4096xi16>
    %gt3A_1238 = arith.cmpi sgt, %get3A_1233, %gt3A_1237 : vector<8x4096xi16>
    %jit3A_1239 = arith.constant 1 : i16
    %jit3A_1240 = arith.constant 0 : i16
    %broadcast_in_dim3A_1241 = vector.broadcast %jit3A_1239 : i16 to vector<8x4096xi16>
    %broadcast_in_dim3A_1242 = vector.broadcast %jit3A_1240 : i16 to vector<8x4096xi16>
    %select_n3A_1243 = arith.select %gt3A_1238, %broadcast_in_dim3A_1241, %broadcast_in_dim3A_1242 : vector<8x4096xi1>, vector<8x4096xi16>
    %eq3A_1244 = vector.broadcast %convert_element_type3A_54 : i16 to vector<8x4096xi16>
    %eq3A_1245 = arith.cmpi eq, %get3A_1233, %eq3A_1244 : vector<8x4096xi16>
    %jit3A_1246 = arith.constant 1 : i16
    %jit3A_1247 = arith.constant 0 : i16
    %broadcast_in_dim3A_1248 = vector.broadcast %jit3A_1246 : i16 to vector<8x4096xi16>
    %broadcast_in_dim3A_1249 = vector.broadcast %jit3A_1247 : i16 to vector<8x4096xi16>
    %select_n3A_1250 = arith.select %eq3A_1245, %broadcast_in_dim3A_1248, %broadcast_in_dim3A_1249 : vector<8x4096xi1>, vector<8x4096xi16>
    %add3A_1251 = arith.addi %add3A_1223, %select_n3A_1243 : vector<8x4096xi16>
    %add3A_1252 = arith.addi %add3A_1224, %select_n3A_1250 : vector<8x4096xi16>
    %convert_element_type3A_1253 = arith.sitofp %select_n3A_1243 : vector<8x4096xi16> to vector<8x4096xf32>
    %mul3A_1254 = arith.mulf %convert_element_type3A_1253, %get3A_1236 : vector<8x4096xf32>
    %add3A_1255 = arith.addf %add3A_1227, %mul3A_1254 : vector<8x4096xf32>
    %convert_element_type3A_1256 = arith.sitofp %select_n3A_1250 : vector<8x4096xi16> to vector<8x4096xf32>
    %mul3A_1257 = arith.mulf %convert_element_type3A_1256, %get3A_1236 : vector<8x4096xf32>
    %add3A_1258 = arith.addf %add3A_1230, %mul3A_1257 : vector<8x4096xf32>
    %get3A_1259 = arith.constant 344 : index
    %get3A_1260 = arith.constant 0 : index
    %get3A_1261 = vector.load %arg1[%get3A_1259, %get3A_1260] : memref<512x4096xi16, #tpu.memory_space<vmem>>, vector<8x4096xi16>
    %get3A_1262 = arith.constant 344 : index
    %get3A_1263 = arith.constant 0 : index
    %get3A_1264 = vector.load %arg2[%get3A_1262, %get3A_1263] : memref<512x4096xf32, #tpu.memory_space<vmem>>, vector<8x4096xf32>
    %gt3A_1265 = vector.broadcast %convert_element_type3A_54 : i16 to vector<8x4096xi16>
    %gt3A_1266 = arith.cmpi sgt, %get3A_1261, %gt3A_1265 : vector<8x4096xi16>
    %jit3A_1267 = arith.constant 1 : i16
    %jit3A_1268 = arith.constant 0 : i16
    %broadcast_in_dim3A_1269 = vector.broadcast %jit3A_1267 : i16 to vector<8x4096xi16>
    %broadcast_in_dim3A_1270 = vector.broadcast %jit3A_1268 : i16 to vector<8x4096xi16>
    %select_n3A_1271 = arith.select %gt3A_1266, %broadcast_in_dim3A_1269, %broadcast_in_dim3A_1270 : vector<8x4096xi1>, vector<8x4096xi16>
    %eq3A_1272 = vector.broadcast %convert_element_type3A_54 : i16 to vector<8x4096xi16>
    %eq3A_1273 = arith.cmpi eq, %get3A_1261, %eq3A_1272 : vector<8x4096xi16>
    %jit3A_1274 = arith.constant 1 : i16
    %jit3A_1275 = arith.constant 0 : i16
    %broadcast_in_dim3A_1276 = vector.broadcast %jit3A_1274 : i16 to vector<8x4096xi16>
    %broadcast_in_dim3A_1277 = vector.broadcast %jit3A_1275 : i16 to vector<8x4096xi16>
    %select_n3A_1278 = arith.select %eq3A_1273, %broadcast_in_dim3A_1276, %broadcast_in_dim3A_1277 : vector<8x4096xi1>, vector<8x4096xi16>
    %add3A_1279 = arith.addi %add3A_1251, %select_n3A_1271 : vector<8x4096xi16>
    %add3A_1280 = arith.addi %add3A_1252, %select_n3A_1278 : vector<8x4096xi16>
    %convert_element_type3A_1281 = arith.sitofp %select_n3A_1271 : vector<8x4096xi16> to vector<8x4096xf32>
    %mul3A_1282 = arith.mulf %convert_element_type3A_1281, %get3A_1264 : vector<8x4096xf32>
    %add3A_1283 = arith.addf %add3A_1255, %mul3A_1282 : vector<8x4096xf32>
    %convert_element_type3A_1284 = arith.sitofp %select_n3A_1278 : vector<8x4096xi16> to vector<8x4096xf32>
    %mul3A_1285 = arith.mulf %convert_element_type3A_1284, %get3A_1264 : vector<8x4096xf32>
    %add3A_1286 = arith.addf %add3A_1258, %mul3A_1285 : vector<8x4096xf32>
    %get3A_1287 = arith.constant 352 : index
    %get3A_1288 = arith.constant 0 : index
    %get3A_1289 = vector.load %arg1[%get3A_1287, %get3A_1288] : memref<512x4096xi16, #tpu.memory_space<vmem>>, vector<8x4096xi16>
    %get3A_1290 = arith.constant 352 : index
    %get3A_1291 = arith.constant 0 : index
    %get3A_1292 = vector.load %arg2[%get3A_1290, %get3A_1291] : memref<512x4096xf32, #tpu.memory_space<vmem>>, vector<8x4096xf32>
    %gt3A_1293 = vector.broadcast %convert_element_type3A_54 : i16 to vector<8x4096xi16>
    %gt3A_1294 = arith.cmpi sgt, %get3A_1289, %gt3A_1293 : vector<8x4096xi16>
    %jit3A_1295 = arith.constant 1 : i16
    %jit3A_1296 = arith.constant 0 : i16
    %broadcast_in_dim3A_1297 = vector.broadcast %jit3A_1295 : i16 to vector<8x4096xi16>
    %broadcast_in_dim3A_1298 = vector.broadcast %jit3A_1296 : i16 to vector<8x4096xi16>
    %select_n3A_1299 = arith.select %gt3A_1294, %broadcast_in_dim3A_1297, %broadcast_in_dim3A_1298 : vector<8x4096xi1>, vector<8x4096xi16>
    %eq3A_1300 = vector.broadcast %convert_element_type3A_54 : i16 to vector<8x4096xi16>
    %eq3A_1301 = arith.cmpi eq, %get3A_1289, %eq3A_1300 : vector<8x4096xi16>
    %jit3A_1302 = arith.constant 1 : i16
    %jit3A_1303 = arith.constant 0 : i16
    %broadcast_in_dim3A_1304 = vector.broadcast %jit3A_1302 : i16 to vector<8x4096xi16>
    %broadcast_in_dim3A_1305 = vector.broadcast %jit3A_1303 : i16 to vector<8x4096xi16>
    %select_n3A_1306 = arith.select %eq3A_1301, %broadcast_in_dim3A_1304, %broadcast_in_dim3A_1305 : vector<8x4096xi1>, vector<8x4096xi16>
    %add3A_1307 = arith.addi %add3A_1279, %select_n3A_1299 : vector<8x4096xi16>
    %add3A_1308 = arith.addi %add3A_1280, %select_n3A_1306 : vector<8x4096xi16>
    %convert_element_type3A_1309 = arith.sitofp %select_n3A_1299 : vector<8x4096xi16> to vector<8x4096xf32>
    %mul3A_1310 = arith.mulf %convert_element_type3A_1309, %get3A_1292 : vector<8x4096xf32>
    %add3A_1311 = arith.addf %add3A_1283, %mul3A_1310 : vector<8x4096xf32>
    %convert_element_type3A_1312 = arith.sitofp %select_n3A_1306 : vector<8x4096xi16> to vector<8x4096xf32>
    %mul3A_1313 = arith.mulf %convert_element_type3A_1312, %get3A_1292 : vector<8x4096xf32>
    %add3A_1314 = arith.addf %add3A_1286, %mul3A_1313 : vector<8x4096xf32>
    %get3A_1315 = arith.constant 360 : index
    %get3A_1316 = arith.constant 0 : index
    %get3A_1317 = vector.load %arg1[%get3A_1315, %get3A_1316] : memref<512x4096xi16, #tpu.memory_space<vmem>>, vector<8x4096xi16>
    %get3A_1318 = arith.constant 360 : index
    %get3A_1319 = arith.constant 0 : index
    %get3A_1320 = vector.load %arg2[%get3A_1318, %get3A_1319] : memref<512x4096xf32, #tpu.memory_space<vmem>>, vector<8x4096xf32>
    %gt3A_1321 = vector.broadcast %convert_element_type3A_54 : i16 to vector<8x4096xi16>
    %gt3A_1322 = arith.cmpi sgt, %get3A_1317, %gt3A_1321 : vector<8x4096xi16>
    %jit3A_1323 = arith.constant 1 : i16
    %jit3A_1324 = arith.constant 0 : i16
    %broadcast_in_dim3A_1325 = vector.broadcast %jit3A_1323 : i16 to vector<8x4096xi16>
    %broadcast_in_dim3A_1326 = vector.broadcast %jit3A_1324 : i16 to vector<8x4096xi16>
    %select_n3A_1327 = arith.select %gt3A_1322, %broadcast_in_dim3A_1325, %broadcast_in_dim3A_1326 : vector<8x4096xi1>, vector<8x4096xi16>
    %eq3A_1328 = vector.broadcast %convert_element_type3A_54 : i16 to vector<8x4096xi16>
    %eq3A_1329 = arith.cmpi eq, %get3A_1317, %eq3A_1328 : vector<8x4096xi16>
    %jit3A_1330 = arith.constant 1 : i16
    %jit3A_1331 = arith.constant 0 : i16
    %broadcast_in_dim3A_1332 = vector.broadcast %jit3A_1330 : i16 to vector<8x4096xi16>
    %broadcast_in_dim3A_1333 = vector.broadcast %jit3A_1331 : i16 to vector<8x4096xi16>
    %select_n3A_1334 = arith.select %eq3A_1329, %broadcast_in_dim3A_1332, %broadcast_in_dim3A_1333 : vector<8x4096xi1>, vector<8x4096xi16>
    %add3A_1335 = arith.addi %add3A_1307, %select_n3A_1327 : vector<8x4096xi16>
    %add3A_1336 = arith.addi %add3A_1308, %select_n3A_1334 : vector<8x4096xi16>
    %convert_element_type3A_1337 = arith.sitofp %select_n3A_1327 : vector<8x4096xi16> to vector<8x4096xf32>
    %mul3A_1338 = arith.mulf %convert_element_type3A_1337, %get3A_1320 : vector<8x4096xf32>
    %add3A_1339 = arith.addf %add3A_1311, %mul3A_1338 : vector<8x4096xf32>
    %convert_element_type3A_1340 = arith.sitofp %select_n3A_1334 : vector<8x4096xi16> to vector<8x4096xf32>
    %mul3A_1341 = arith.mulf %convert_element_type3A_1340, %get3A_1320 : vector<8x4096xf32>
    %add3A_1342 = arith.addf %add3A_1314, %mul3A_1341 : vector<8x4096xf32>
    %get3A_1343 = arith.constant 368 : index
    %get3A_1344 = arith.constant 0 : index
    %get3A_1345 = vector.load %arg1[%get3A_1343, %get3A_1344] : memref<512x4096xi16, #tpu.memory_space<vmem>>, vector<8x4096xi16>
    %get3A_1346 = arith.constant 368 : index
    %get3A_1347 = arith.constant 0 : index
    %get3A_1348 = vector.load %arg2[%get3A_1346, %get3A_1347] : memref<512x4096xf32, #tpu.memory_space<vmem>>, vector<8x4096xf32>
    %gt3A_1349 = vector.broadcast %convert_element_type3A_54 : i16 to vector<8x4096xi16>
    %gt3A_1350 = arith.cmpi sgt, %get3A_1345, %gt3A_1349 : vector<8x4096xi16>
    %jit3A_1351 = arith.constant 1 : i16
    %jit3A_1352 = arith.constant 0 : i16
    %broadcast_in_dim3A_1353 = vector.broadcast %jit3A_1351 : i16 to vector<8x4096xi16>
    %broadcast_in_dim3A_1354 = vector.broadcast %jit3A_1352 : i16 to vector<8x4096xi16>
    %select_n3A_1355 = arith.select %gt3A_1350, %broadcast_in_dim3A_1353, %broadcast_in_dim3A_1354 : vector<8x4096xi1>, vector<8x4096xi16>
    %eq3A_1356 = vector.broadcast %convert_element_type3A_54 : i16 to vector<8x4096xi16>
    %eq3A_1357 = arith.cmpi eq, %get3A_1345, %eq3A_1356 : vector<8x4096xi16>
    %jit3A_1358 = arith.constant 1 : i16
    %jit3A_1359 = arith.constant 0 : i16
    %broadcast_in_dim3A_1360 = vector.broadcast %jit3A_1358 : i16 to vector<8x4096xi16>
    %broadcast_in_dim3A_1361 = vector.broadcast %jit3A_1359 : i16 to vector<8x4096xi16>
    %select_n3A_1362 = arith.select %eq3A_1357, %broadcast_in_dim3A_1360, %broadcast_in_dim3A_1361 : vector<8x4096xi1>, vector<8x4096xi16>
    %add3A_1363 = arith.addi %add3A_1335, %select_n3A_1355 : vector<8x4096xi16>
    %add3A_1364 = arith.addi %add3A_1336, %select_n3A_1362 : vector<8x4096xi16>
    %convert_element_type3A_1365 = arith.sitofp %select_n3A_1355 : vector<8x4096xi16> to vector<8x4096xf32>
    %mul3A_1366 = arith.mulf %convert_element_type3A_1365, %get3A_1348 : vector<8x4096xf32>
    %add3A_1367 = arith.addf %add3A_1339, %mul3A_1366 : vector<8x4096xf32>
    %convert_element_type3A_1368 = arith.sitofp %select_n3A_1362 : vector<8x4096xi16> to vector<8x4096xf32>
    %mul3A_1369 = arith.mulf %convert_element_type3A_1368, %get3A_1348 : vector<8x4096xf32>
    %add3A_1370 = arith.addf %add3A_1342, %mul3A_1369 : vector<8x4096xf32>
    %get3A_1371 = arith.constant 376 : index
    %get3A_1372 = arith.constant 0 : index
    %get3A_1373 = vector.load %arg1[%get3A_1371, %get3A_1372] : memref<512x4096xi16, #tpu.memory_space<vmem>>, vector<8x4096xi16>
    %get3A_1374 = arith.constant 376 : index
    %get3A_1375 = arith.constant 0 : index
    %get3A_1376 = vector.load %arg2[%get3A_1374, %get3A_1375] : memref<512x4096xf32, #tpu.memory_space<vmem>>, vector<8x4096xf32>
    %gt3A_1377 = vector.broadcast %convert_element_type3A_54 : i16 to vector<8x4096xi16>
    %gt3A_1378 = arith.cmpi sgt, %get3A_1373, %gt3A_1377 : vector<8x4096xi16>
    %jit3A_1379 = arith.constant 1 : i16
    %jit3A_1380 = arith.constant 0 : i16
    %broadcast_in_dim3A_1381 = vector.broadcast %jit3A_1379 : i16 to vector<8x4096xi16>
    %broadcast_in_dim3A_1382 = vector.broadcast %jit3A_1380 : i16 to vector<8x4096xi16>
    %select_n3A_1383 = arith.select %gt3A_1378, %broadcast_in_dim3A_1381, %broadcast_in_dim3A_1382 : vector<8x4096xi1>, vector<8x4096xi16>
    %eq3A_1384 = vector.broadcast %convert_element_type3A_54 : i16 to vector<8x4096xi16>
    %eq3A_1385 = arith.cmpi eq, %get3A_1373, %eq3A_1384 : vector<8x4096xi16>
    %jit3A_1386 = arith.constant 1 : i16
    %jit3A_1387 = arith.constant 0 : i16
    %broadcast_in_dim3A_1388 = vector.broadcast %jit3A_1386 : i16 to vector<8x4096xi16>
    %broadcast_in_dim3A_1389 = vector.broadcast %jit3A_1387 : i16 to vector<8x4096xi16>
    %select_n3A_1390 = arith.select %eq3A_1385, %broadcast_in_dim3A_1388, %broadcast_in_dim3A_1389 : vector<8x4096xi1>, vector<8x4096xi16>
    %add3A_1391 = arith.addi %add3A_1363, %select_n3A_1383 : vector<8x4096xi16>
    %add3A_1392 = arith.addi %add3A_1364, %select_n3A_1390 : vector<8x4096xi16>
    %convert_element_type3A_1393 = arith.sitofp %select_n3A_1383 : vector<8x4096xi16> to vector<8x4096xf32>
    %mul3A_1394 = arith.mulf %convert_element_type3A_1393, %get3A_1376 : vector<8x4096xf32>
    %add3A_1395 = arith.addf %add3A_1367, %mul3A_1394 : vector<8x4096xf32>
    %convert_element_type3A_1396 = arith.sitofp %select_n3A_1390 : vector<8x4096xi16> to vector<8x4096xf32>
    %mul3A_1397 = arith.mulf %convert_element_type3A_1396, %get3A_1376 : vector<8x4096xf32>
    %add3A_1398 = arith.addf %add3A_1370, %mul3A_1397 : vector<8x4096xf32>
    %get3A_1399 = arith.constant 384 : index
    %get3A_1400 = arith.constant 0 : index
    %get3A_1401 = vector.load %arg1[%get3A_1399, %get3A_1400] : memref<512x4096xi16, #tpu.memory_space<vmem>>, vector<8x4096xi16>
    %get3A_1402 = arith.constant 384 : index
    %get3A_1403 = arith.constant 0 : index
    %get3A_1404 = vector.load %arg2[%get3A_1402, %get3A_1403] : memref<512x4096xf32, #tpu.memory_space<vmem>>, vector<8x4096xf32>
    %gt3A_1405 = vector.broadcast %convert_element_type3A_54 : i16 to vector<8x4096xi16>
    %gt3A_1406 = arith.cmpi sgt, %get3A_1401, %gt3A_1405 : vector<8x4096xi16>
    %jit3A_1407 = arith.constant 1 : i16
    %jit3A_1408 = arith.constant 0 : i16
    %broadcast_in_dim3A_1409 = vector.broadcast %jit3A_1407 : i16 to vector<8x4096xi16>
    %broadcast_in_dim3A_1410 = vector.broadcast %jit3A_1408 : i16 to vector<8x4096xi16>
    %select_n3A_1411 = arith.select %gt3A_1406, %broadcast_in_dim3A_1409, %broadcast_in_dim3A_1410 : vector<8x4096xi1>, vector<8x4096xi16>
    %eq3A_1412 = vector.broadcast %convert_element_type3A_54 : i16 to vector<8x4096xi16>
    %eq3A_1413 = arith.cmpi eq, %get3A_1401, %eq3A_1412 : vector<8x4096xi16>
    %jit3A_1414 = arith.constant 1 : i16
    %jit3A_1415 = arith.constant 0 : i16
    %broadcast_in_dim3A_1416 = vector.broadcast %jit3A_1414 : i16 to vector<8x4096xi16>
    %broadcast_in_dim3A_1417 = vector.broadcast %jit3A_1415 : i16 to vector<8x4096xi16>
    %select_n3A_1418 = arith.select %eq3A_1413, %broadcast_in_dim3A_1416, %broadcast_in_dim3A_1417 : vector<8x4096xi1>, vector<8x4096xi16>
    %add3A_1419 = arith.addi %add3A_1391, %select_n3A_1411 : vector<8x4096xi16>
    %add3A_1420 = arith.addi %add3A_1392, %select_n3A_1418 : vector<8x4096xi16>
    %convert_element_type3A_1421 = arith.sitofp %select_n3A_1411 : vector<8x4096xi16> to vector<8x4096xf32>
    %mul3A_1422 = arith.mulf %convert_element_type3A_1421, %get3A_1404 : vector<8x4096xf32>
    %add3A_1423 = arith.addf %add3A_1395, %mul3A_1422 : vector<8x4096xf32>
    %convert_element_type3A_1424 = arith.sitofp %select_n3A_1418 : vector<8x4096xi16> to vector<8x4096xf32>
    %mul3A_1425 = arith.mulf %convert_element_type3A_1424, %get3A_1404 : vector<8x4096xf32>
    %add3A_1426 = arith.addf %add3A_1398, %mul3A_1425 : vector<8x4096xf32>
    %get3A_1427 = arith.constant 392 : index
    %get3A_1428 = arith.constant 0 : index
    %get3A_1429 = vector.load %arg1[%get3A_1427, %get3A_1428] : memref<512x4096xi16, #tpu.memory_space<vmem>>, vector<8x4096xi16>
    %get3A_1430 = arith.constant 392 : index
    %get3A_1431 = arith.constant 0 : index
    %get3A_1432 = vector.load %arg2[%get3A_1430, %get3A_1431] : memref<512x4096xf32, #tpu.memory_space<vmem>>, vector<8x4096xf32>
    %gt3A_1433 = vector.broadcast %convert_element_type3A_54 : i16 to vector<8x4096xi16>
    %gt3A_1434 = arith.cmpi sgt, %get3A_1429, %gt3A_1433 : vector<8x4096xi16>
    %jit3A_1435 = arith.constant 1 : i16
    %jit3A_1436 = arith.constant 0 : i16
    %broadcast_in_dim3A_1437 = vector.broadcast %jit3A_1435 : i16 to vector<8x4096xi16>
    %broadcast_in_dim3A_1438 = vector.broadcast %jit3A_1436 : i16 to vector<8x4096xi16>
    %select_n3A_1439 = arith.select %gt3A_1434, %broadcast_in_dim3A_1437, %broadcast_in_dim3A_1438 : vector<8x4096xi1>, vector<8x4096xi16>
    %eq3A_1440 = vector.broadcast %convert_element_type3A_54 : i16 to vector<8x4096xi16>
    %eq3A_1441 = arith.cmpi eq, %get3A_1429, %eq3A_1440 : vector<8x4096xi16>
    %jit3A_1442 = arith.constant 1 : i16
    %jit3A_1443 = arith.constant 0 : i16
    %broadcast_in_dim3A_1444 = vector.broadcast %jit3A_1442 : i16 to vector<8x4096xi16>
    %broadcast_in_dim3A_1445 = vector.broadcast %jit3A_1443 : i16 to vector<8x4096xi16>
    %select_n3A_1446 = arith.select %eq3A_1441, %broadcast_in_dim3A_1444, %broadcast_in_dim3A_1445 : vector<8x4096xi1>, vector<8x4096xi16>
    %add3A_1447 = arith.addi %add3A_1419, %select_n3A_1439 : vector<8x4096xi16>
    %add3A_1448 = arith.addi %add3A_1420, %select_n3A_1446 : vector<8x4096xi16>
    %convert_element_type3A_1449 = arith.sitofp %select_n3A_1439 : vector<8x4096xi16> to vector<8x4096xf32>
    %mul3A_1450 = arith.mulf %convert_element_type3A_1449, %get3A_1432 : vector<8x4096xf32>
    %add3A_1451 = arith.addf %add3A_1423, %mul3A_1450 : vector<8x4096xf32>
    %convert_element_type3A_1452 = arith.sitofp %select_n3A_1446 : vector<8x4096xi16> to vector<8x4096xf32>
    %mul3A_1453 = arith.mulf %convert_element_type3A_1452, %get3A_1432 : vector<8x4096xf32>
    %add3A_1454 = arith.addf %add3A_1426, %mul3A_1453 : vector<8x4096xf32>
    %get3A_1455 = arith.constant 400 : index
    %get3A_1456 = arith.constant 0 : index
    %get3A_1457 = vector.load %arg1[%get3A_1455, %get3A_1456] : memref<512x4096xi16, #tpu.memory_space<vmem>>, vector<8x4096xi16>
    %get3A_1458 = arith.constant 400 : index
    %get3A_1459 = arith.constant 0 : index
    %get3A_1460 = vector.load %arg2[%get3A_1458, %get3A_1459] : memref<512x4096xf32, #tpu.memory_space<vmem>>, vector<8x4096xf32>
    %gt3A_1461 = vector.broadcast %convert_element_type3A_54 : i16 to vector<8x4096xi16>
    %gt3A_1462 = arith.cmpi sgt, %get3A_1457, %gt3A_1461 : vector<8x4096xi16>
    %jit3A_1463 = arith.constant 1 : i16
    %jit3A_1464 = arith.constant 0 : i16
    %broadcast_in_dim3A_1465 = vector.broadcast %jit3A_1463 : i16 to vector<8x4096xi16>
    %broadcast_in_dim3A_1466 = vector.broadcast %jit3A_1464 : i16 to vector<8x4096xi16>
    %select_n3A_1467 = arith.select %gt3A_1462, %broadcast_in_dim3A_1465, %broadcast_in_dim3A_1466 : vector<8x4096xi1>, vector<8x4096xi16>
    %eq3A_1468 = vector.broadcast %convert_element_type3A_54 : i16 to vector<8x4096xi16>
    %eq3A_1469 = arith.cmpi eq, %get3A_1457, %eq3A_1468 : vector<8x4096xi16>
    %jit3A_1470 = arith.constant 1 : i16
    %jit3A_1471 = arith.constant 0 : i16
    %broadcast_in_dim3A_1472 = vector.broadcast %jit3A_1470 : i16 to vector<8x4096xi16>
    %broadcast_in_dim3A_1473 = vector.broadcast %jit3A_1471 : i16 to vector<8x4096xi16>
    %select_n3A_1474 = arith.select %eq3A_1469, %broadcast_in_dim3A_1472, %broadcast_in_dim3A_1473 : vector<8x4096xi1>, vector<8x4096xi16>
    %add3A_1475 = arith.addi %add3A_1447, %select_n3A_1467 : vector<8x4096xi16>
    %add3A_1476 = arith.addi %add3A_1448, %select_n3A_1474 : vector<8x4096xi16>
    %convert_element_type3A_1477 = arith.sitofp %select_n3A_1467 : vector<8x4096xi16> to vector<8x4096xf32>
    %mul3A_1478 = arith.mulf %convert_element_type3A_1477, %get3A_1460 : vector<8x4096xf32>
    %add3A_1479 = arith.addf %add3A_1451, %mul3A_1478 : vector<8x4096xf32>
    %convert_element_type3A_1480 = arith.sitofp %select_n3A_1474 : vector<8x4096xi16> to vector<8x4096xf32>
    %mul3A_1481 = arith.mulf %convert_element_type3A_1480, %get3A_1460 : vector<8x4096xf32>
    %add3A_1482 = arith.addf %add3A_1454, %mul3A_1481 : vector<8x4096xf32>
    %get3A_1483 = arith.constant 408 : index
    %get3A_1484 = arith.constant 0 : index
    %get3A_1485 = vector.load %arg1[%get3A_1483, %get3A_1484] : memref<512x4096xi16, #tpu.memory_space<vmem>>, vector<8x4096xi16>
    %get3A_1486 = arith.constant 408 : index
    %get3A_1487 = arith.constant 0 : index
    %get3A_1488 = vector.load %arg2[%get3A_1486, %get3A_1487] : memref<512x4096xf32, #tpu.memory_space<vmem>>, vector<8x4096xf32>
    %gt3A_1489 = vector.broadcast %convert_element_type3A_54 : i16 to vector<8x4096xi16>
    %gt3A_1490 = arith.cmpi sgt, %get3A_1485, %gt3A_1489 : vector<8x4096xi16>
    %jit3A_1491 = arith.constant 1 : i16
    %jit3A_1492 = arith.constant 0 : i16
    %broadcast_in_dim3A_1493 = vector.broadcast %jit3A_1491 : i16 to vector<8x4096xi16>
    %broadcast_in_dim3A_1494 = vector.broadcast %jit3A_1492 : i16 to vector<8x4096xi16>
    %select_n3A_1495 = arith.select %gt3A_1490, %broadcast_in_dim3A_1493, %broadcast_in_dim3A_1494 : vector<8x4096xi1>, vector<8x4096xi16>
    %eq3A_1496 = vector.broadcast %convert_element_type3A_54 : i16 to vector<8x4096xi16>
    %eq3A_1497 = arith.cmpi eq, %get3A_1485, %eq3A_1496 : vector<8x4096xi16>
    %jit3A_1498 = arith.constant 1 : i16
    %jit3A_1499 = arith.constant 0 : i16
    %broadcast_in_dim3A_1500 = vector.broadcast %jit3A_1498 : i16 to vector<8x4096xi16>
    %broadcast_in_dim3A_1501 = vector.broadcast %jit3A_1499 : i16 to vector<8x4096xi16>
    %select_n3A_1502 = arith.select %eq3A_1497, %broadcast_in_dim3A_1500, %broadcast_in_dim3A_1501 : vector<8x4096xi1>, vector<8x4096xi16>
    %add3A_1503 = arith.addi %add3A_1475, %select_n3A_1495 : vector<8x4096xi16>
    %add3A_1504 = arith.addi %add3A_1476, %select_n3A_1502 : vector<8x4096xi16>
    %convert_element_type3A_1505 = arith.sitofp %select_n3A_1495 : vector<8x4096xi16> to vector<8x4096xf32>
    %mul3A_1506 = arith.mulf %convert_element_type3A_1505, %get3A_1488 : vector<8x4096xf32>
    %add3A_1507 = arith.addf %add3A_1479, %mul3A_1506 : vector<8x4096xf32>
    %convert_element_type3A_1508 = arith.sitofp %select_n3A_1502 : vector<8x4096xi16> to vector<8x4096xf32>
    %mul3A_1509 = arith.mulf %convert_element_type3A_1508, %get3A_1488 : vector<8x4096xf32>
    %add3A_1510 = arith.addf %add3A_1482, %mul3A_1509 : vector<8x4096xf32>
    %get3A_1511 = arith.constant 416 : index
    %get3A_1512 = arith.constant 0 : index
    %get3A_1513 = vector.load %arg1[%get3A_1511, %get3A_1512] : memref<512x4096xi16, #tpu.memory_space<vmem>>, vector<8x4096xi16>
    %get3A_1514 = arith.constant 416 : index
    %get3A_1515 = arith.constant 0 : index
    %get3A_1516 = vector.load %arg2[%get3A_1514, %get3A_1515] : memref<512x4096xf32, #tpu.memory_space<vmem>>, vector<8x4096xf32>
    %gt3A_1517 = vector.broadcast %convert_element_type3A_54 : i16 to vector<8x4096xi16>
    %gt3A_1518 = arith.cmpi sgt, %get3A_1513, %gt3A_1517 : vector<8x4096xi16>
    %jit3A_1519 = arith.constant 1 : i16
    %jit3A_1520 = arith.constant 0 : i16
    %broadcast_in_dim3A_1521 = vector.broadcast %jit3A_1519 : i16 to vector<8x4096xi16>
    %broadcast_in_dim3A_1522 = vector.broadcast %jit3A_1520 : i16 to vector<8x4096xi16>
    %select_n3A_1523 = arith.select %gt3A_1518, %broadcast_in_dim3A_1521, %broadcast_in_dim3A_1522 : vector<8x4096xi1>, vector<8x4096xi16>
    %eq3A_1524 = vector.broadcast %convert_element_type3A_54 : i16 to vector<8x4096xi16>
    %eq3A_1525 = arith.cmpi eq, %get3A_1513, %eq3A_1524 : vector<8x4096xi16>
    %jit3A_1526 = arith.constant 1 : i16
    %jit3A_1527 = arith.constant 0 : i16
    %broadcast_in_dim3A_1528 = vector.broadcast %jit3A_1526 : i16 to vector<8x4096xi16>
    %broadcast_in_dim3A_1529 = vector.broadcast %jit3A_1527 : i16 to vector<8x4096xi16>
    %select_n3A_1530 = arith.select %eq3A_1525, %broadcast_in_dim3A_1528, %broadcast_in_dim3A_1529 : vector<8x4096xi1>, vector<8x4096xi16>
    %add3A_1531 = arith.addi %add3A_1503, %select_n3A_1523 : vector<8x4096xi16>
    %add3A_1532 = arith.addi %add3A_1504, %select_n3A_1530 : vector<8x4096xi16>
    %convert_element_type3A_1533 = arith.sitofp %select_n3A_1523 : vector<8x4096xi16> to vector<8x4096xf32>
    %mul3A_1534 = arith.mulf %convert_element_type3A_1533, %get3A_1516 : vector<8x4096xf32>
    %add3A_1535 = arith.addf %add3A_1507, %mul3A_1534 : vector<8x4096xf32>
    %convert_element_type3A_1536 = arith.sitofp %select_n3A_1530 : vector<8x4096xi16> to vector<8x4096xf32>
    %mul3A_1537 = arith.mulf %convert_element_type3A_1536, %get3A_1516 : vector<8x4096xf32>
    %add3A_1538 = arith.addf %add3A_1510, %mul3A_1537 : vector<8x4096xf32>
    %get3A_1539 = arith.constant 424 : index
    %get3A_1540 = arith.constant 0 : index
    %get3A_1541 = vector.load %arg1[%get3A_1539, %get3A_1540] : memref<512x4096xi16, #tpu.memory_space<vmem>>, vector<8x4096xi16>
    %get3A_1542 = arith.constant 424 : index
    %get3A_1543 = arith.constant 0 : index
    %get3A_1544 = vector.load %arg2[%get3A_1542, %get3A_1543] : memref<512x4096xf32, #tpu.memory_space<vmem>>, vector<8x4096xf32>
    %gt3A_1545 = vector.broadcast %convert_element_type3A_54 : i16 to vector<8x4096xi16>
    %gt3A_1546 = arith.cmpi sgt, %get3A_1541, %gt3A_1545 : vector<8x4096xi16>
    %jit3A_1547 = arith.constant 1 : i16
    %jit3A_1548 = arith.constant 0 : i16
    %broadcast_in_dim3A_1549 = vector.broadcast %jit3A_1547 : i16 to vector<8x4096xi16>
    %broadcast_in_dim3A_1550 = vector.broadcast %jit3A_1548 : i16 to vector<8x4096xi16>
    %select_n3A_1551 = arith.select %gt3A_1546, %broadcast_in_dim3A_1549, %broadcast_in_dim3A_1550 : vector<8x4096xi1>, vector<8x4096xi16>
    %eq3A_1552 = vector.broadcast %convert_element_type3A_54 : i16 to vector<8x4096xi16>
    %eq3A_1553 = arith.cmpi eq, %get3A_1541, %eq3A_1552 : vector<8x4096xi16>
    %jit3A_1554 = arith.constant 1 : i16
    %jit3A_1555 = arith.constant 0 : i16
    %broadcast_in_dim3A_1556 = vector.broadcast %jit3A_1554 : i16 to vector<8x4096xi16>
    %broadcast_in_dim3A_1557 = vector.broadcast %jit3A_1555 : i16 to vector<8x4096xi16>
    %select_n3A_1558 = arith.select %eq3A_1553, %broadcast_in_dim3A_1556, %broadcast_in_dim3A_1557 : vector<8x4096xi1>, vector<8x4096xi16>
    %add3A_1559 = arith.addi %add3A_1531, %select_n3A_1551 : vector<8x4096xi16>
    %add3A_1560 = arith.addi %add3A_1532, %select_n3A_1558 : vector<8x4096xi16>
    %convert_element_type3A_1561 = arith.sitofp %select_n3A_1551 : vector<8x4096xi16> to vector<8x4096xf32>
    %mul3A_1562 = arith.mulf %convert_element_type3A_1561, %get3A_1544 : vector<8x4096xf32>
    %add3A_1563 = arith.addf %add3A_1535, %mul3A_1562 : vector<8x4096xf32>
    %convert_element_type3A_1564 = arith.sitofp %select_n3A_1558 : vector<8x4096xi16> to vector<8x4096xf32>
    %mul3A_1565 = arith.mulf %convert_element_type3A_1564, %get3A_1544 : vector<8x4096xf32>
    %add3A_1566 = arith.addf %add3A_1538, %mul3A_1565 : vector<8x4096xf32>
    %get3A_1567 = arith.constant 432 : index
    %get3A_1568 = arith.constant 0 : index
    %get3A_1569 = vector.load %arg1[%get3A_1567, %get3A_1568] : memref<512x4096xi16, #tpu.memory_space<vmem>>, vector<8x4096xi16>
    %get3A_1570 = arith.constant 432 : index
    %get3A_1571 = arith.constant 0 : index
    %get3A_1572 = vector.load %arg2[%get3A_1570, %get3A_1571] : memref<512x4096xf32, #tpu.memory_space<vmem>>, vector<8x4096xf32>
    %gt3A_1573 = vector.broadcast %convert_element_type3A_54 : i16 to vector<8x4096xi16>
    %gt3A_1574 = arith.cmpi sgt, %get3A_1569, %gt3A_1573 : vector<8x4096xi16>
    %jit3A_1575 = arith.constant 1 : i16
    %jit3A_1576 = arith.constant 0 : i16
    %broadcast_in_dim3A_1577 = vector.broadcast %jit3A_1575 : i16 to vector<8x4096xi16>
    %broadcast_in_dim3A_1578 = vector.broadcast %jit3A_1576 : i16 to vector<8x4096xi16>
    %select_n3A_1579 = arith.select %gt3A_1574, %broadcast_in_dim3A_1577, %broadcast_in_dim3A_1578 : vector<8x4096xi1>, vector<8x4096xi16>
    %eq3A_1580 = vector.broadcast %convert_element_type3A_54 : i16 to vector<8x4096xi16>
    %eq3A_1581 = arith.cmpi eq, %get3A_1569, %eq3A_1580 : vector<8x4096xi16>
    %jit3A_1582 = arith.constant 1 : i16
    %jit3A_1583 = arith.constant 0 : i16
    %broadcast_in_dim3A_1584 = vector.broadcast %jit3A_1582 : i16 to vector<8x4096xi16>
    %broadcast_in_dim3A_1585 = vector.broadcast %jit3A_1583 : i16 to vector<8x4096xi16>
    %select_n3A_1586 = arith.select %eq3A_1581, %broadcast_in_dim3A_1584, %broadcast_in_dim3A_1585 : vector<8x4096xi1>, vector<8x4096xi16>
    %add3A_1587 = arith.addi %add3A_1559, %select_n3A_1579 : vector<8x4096xi16>
    %add3A_1588 = arith.addi %add3A_1560, %select_n3A_1586 : vector<8x4096xi16>
    %convert_element_type3A_1589 = arith.sitofp %select_n3A_1579 : vector<8x4096xi16> to vector<8x4096xf32>
    %mul3A_1590 = arith.mulf %convert_element_type3A_1589, %get3A_1572 : vector<8x4096xf32>
    %add3A_1591 = arith.addf %add3A_1563, %mul3A_1590 : vector<8x4096xf32>
    %convert_element_type3A_1592 = arith.sitofp %select_n3A_1586 : vector<8x4096xi16> to vector<8x4096xf32>
    %mul3A_1593 = arith.mulf %convert_element_type3A_1592, %get3A_1572 : vector<8x4096xf32>
    %add3A_1594 = arith.addf %add3A_1566, %mul3A_1593 : vector<8x4096xf32>
    %get3A_1595 = arith.constant 440 : index
    %get3A_1596 = arith.constant 0 : index
    %get3A_1597 = vector.load %arg1[%get3A_1595, %get3A_1596] : memref<512x4096xi16, #tpu.memory_space<vmem>>, vector<8x4096xi16>
    %get3A_1598 = arith.constant 440 : index
    %get3A_1599 = arith.constant 0 : index
    %get3A_1600 = vector.load %arg2[%get3A_1598, %get3A_1599] : memref<512x4096xf32, #tpu.memory_space<vmem>>, vector<8x4096xf32>
    %gt3A_1601 = vector.broadcast %convert_element_type3A_54 : i16 to vector<8x4096xi16>
    %gt3A_1602 = arith.cmpi sgt, %get3A_1597, %gt3A_1601 : vector<8x4096xi16>
    %jit3A_1603 = arith.constant 1 : i16
    %jit3A_1604 = arith.constant 0 : i16
    %broadcast_in_dim3A_1605 = vector.broadcast %jit3A_1603 : i16 to vector<8x4096xi16>
    %broadcast_in_dim3A_1606 = vector.broadcast %jit3A_1604 : i16 to vector<8x4096xi16>
    %select_n3A_1607 = arith.select %gt3A_1602, %broadcast_in_dim3A_1605, %broadcast_in_dim3A_1606 : vector<8x4096xi1>, vector<8x4096xi16>
    %eq3A_1608 = vector.broadcast %convert_element_type3A_54 : i16 to vector<8x4096xi16>
    %eq3A_1609 = arith.cmpi eq, %get3A_1597, %eq3A_1608 : vector<8x4096xi16>
    %jit3A_1610 = arith.constant 1 : i16
    %jit3A_1611 = arith.constant 0 : i16
    %broadcast_in_dim3A_1612 = vector.broadcast %jit3A_1610 : i16 to vector<8x4096xi16>
    %broadcast_in_dim3A_1613 = vector.broadcast %jit3A_1611 : i16 to vector<8x4096xi16>
    %select_n3A_1614 = arith.select %eq3A_1609, %broadcast_in_dim3A_1612, %broadcast_in_dim3A_1613 : vector<8x4096xi1>, vector<8x4096xi16>
    %add3A_1615 = arith.addi %add3A_1587, %select_n3A_1607 : vector<8x4096xi16>
    %add3A_1616 = arith.addi %add3A_1588, %select_n3A_1614 : vector<8x4096xi16>
    %convert_element_type3A_1617 = arith.sitofp %select_n3A_1607 : vector<8x4096xi16> to vector<8x4096xf32>
    %mul3A_1618 = arith.mulf %convert_element_type3A_1617, %get3A_1600 : vector<8x4096xf32>
    %add3A_1619 = arith.addf %add3A_1591, %mul3A_1618 : vector<8x4096xf32>
    %convert_element_type3A_1620 = arith.sitofp %select_n3A_1614 : vector<8x4096xi16> to vector<8x4096xf32>
    %mul3A_1621 = arith.mulf %convert_element_type3A_1620, %get3A_1600 : vector<8x4096xf32>
    %add3A_1622 = arith.addf %add3A_1594, %mul3A_1621 : vector<8x4096xf32>
    %get3A_1623 = arith.constant 448 : index
    %get3A_1624 = arith.constant 0 : index
    %get3A_1625 = vector.load %arg1[%get3A_1623, %get3A_1624] : memref<512x4096xi16, #tpu.memory_space<vmem>>, vector<8x4096xi16>
    %get3A_1626 = arith.constant 448 : index
    %get3A_1627 = arith.constant 0 : index
    %get3A_1628 = vector.load %arg2[%get3A_1626, %get3A_1627] : memref<512x4096xf32, #tpu.memory_space<vmem>>, vector<8x4096xf32>
    %gt3A_1629 = vector.broadcast %convert_element_type3A_54 : i16 to vector<8x4096xi16>
    %gt3A_1630 = arith.cmpi sgt, %get3A_1625, %gt3A_1629 : vector<8x4096xi16>
    %jit3A_1631 = arith.constant 1 : i16
    %jit3A_1632 = arith.constant 0 : i16
    %broadcast_in_dim3A_1633 = vector.broadcast %jit3A_1631 : i16 to vector<8x4096xi16>
    %broadcast_in_dim3A_1634 = vector.broadcast %jit3A_1632 : i16 to vector<8x4096xi16>
    %select_n3A_1635 = arith.select %gt3A_1630, %broadcast_in_dim3A_1633, %broadcast_in_dim3A_1634 : vector<8x4096xi1>, vector<8x4096xi16>
    %eq3A_1636 = vector.broadcast %convert_element_type3A_54 : i16 to vector<8x4096xi16>
    %eq3A_1637 = arith.cmpi eq, %get3A_1625, %eq3A_1636 : vector<8x4096xi16>
    %jit3A_1638 = arith.constant 1 : i16
    %jit3A_1639 = arith.constant 0 : i16
    %broadcast_in_dim3A_1640 = vector.broadcast %jit3A_1638 : i16 to vector<8x4096xi16>
    %broadcast_in_dim3A_1641 = vector.broadcast %jit3A_1639 : i16 to vector<8x4096xi16>
    %select_n3A_1642 = arith.select %eq3A_1637, %broadcast_in_dim3A_1640, %broadcast_in_dim3A_1641 : vector<8x4096xi1>, vector<8x4096xi16>
    %add3A_1643 = arith.addi %add3A_1615, %select_n3A_1635 : vector<8x4096xi16>
    %add3A_1644 = arith.addi %add3A_1616, %select_n3A_1642 : vector<8x4096xi16>
    %convert_element_type3A_1645 = arith.sitofp %select_n3A_1635 : vector<8x4096xi16> to vector<8x4096xf32>
    %mul3A_1646 = arith.mulf %convert_element_type3A_1645, %get3A_1628 : vector<8x4096xf32>
    %add3A_1647 = arith.addf %add3A_1619, %mul3A_1646 : vector<8x4096xf32>
    %convert_element_type3A_1648 = arith.sitofp %select_n3A_1642 : vector<8x4096xi16> to vector<8x4096xf32>
    %mul3A_1649 = arith.mulf %convert_element_type3A_1648, %get3A_1628 : vector<8x4096xf32>
    %add3A_1650 = arith.addf %add3A_1622, %mul3A_1649 : vector<8x4096xf32>
    %get3A_1651 = arith.constant 456 : index
    %get3A_1652 = arith.constant 0 : index
    %get3A_1653 = vector.load %arg1[%get3A_1651, %get3A_1652] : memref<512x4096xi16, #tpu.memory_space<vmem>>, vector<8x4096xi16>
    %get3A_1654 = arith.constant 456 : index
    %get3A_1655 = arith.constant 0 : index
    %get3A_1656 = vector.load %arg2[%get3A_1654, %get3A_1655] : memref<512x4096xf32, #tpu.memory_space<vmem>>, vector<8x4096xf32>
    %gt3A_1657 = vector.broadcast %convert_element_type3A_54 : i16 to vector<8x4096xi16>
    %gt3A_1658 = arith.cmpi sgt, %get3A_1653, %gt3A_1657 : vector<8x4096xi16>
    %jit3A_1659 = arith.constant 1 : i16
    %jit3A_1660 = arith.constant 0 : i16
    %broadcast_in_dim3A_1661 = vector.broadcast %jit3A_1659 : i16 to vector<8x4096xi16>
    %broadcast_in_dim3A_1662 = vector.broadcast %jit3A_1660 : i16 to vector<8x4096xi16>
    %select_n3A_1663 = arith.select %gt3A_1658, %broadcast_in_dim3A_1661, %broadcast_in_dim3A_1662 : vector<8x4096xi1>, vector<8x4096xi16>
    %eq3A_1664 = vector.broadcast %convert_element_type3A_54 : i16 to vector<8x4096xi16>
    %eq3A_1665 = arith.cmpi eq, %get3A_1653, %eq3A_1664 : vector<8x4096xi16>
    %jit3A_1666 = arith.constant 1 : i16
    %jit3A_1667 = arith.constant 0 : i16
    %broadcast_in_dim3A_1668 = vector.broadcast %jit3A_1666 : i16 to vector<8x4096xi16>
    %broadcast_in_dim3A_1669 = vector.broadcast %jit3A_1667 : i16 to vector<8x4096xi16>
    %select_n3A_1670 = arith.select %eq3A_1665, %broadcast_in_dim3A_1668, %broadcast_in_dim3A_1669 : vector<8x4096xi1>, vector<8x4096xi16>
    %add3A_1671 = arith.addi %add3A_1643, %select_n3A_1663 : vector<8x4096xi16>
    %add3A_1672 = arith.addi %add3A_1644, %select_n3A_1670 : vector<8x4096xi16>
    %convert_element_type3A_1673 = arith.sitofp %select_n3A_1663 : vector<8x4096xi16> to vector<8x4096xf32>
    %mul3A_1674 = arith.mulf %convert_element_type3A_1673, %get3A_1656 : vector<8x4096xf32>
    %add3A_1675 = arith.addf %add3A_1647, %mul3A_1674 : vector<8x4096xf32>
    %convert_element_type3A_1676 = arith.sitofp %select_n3A_1670 : vector<8x4096xi16> to vector<8x4096xf32>
    %mul3A_1677 = arith.mulf %convert_element_type3A_1676, %get3A_1656 : vector<8x4096xf32>
    %add3A_1678 = arith.addf %add3A_1650, %mul3A_1677 : vector<8x4096xf32>
    %get3A_1679 = arith.constant 464 : index
    %get3A_1680 = arith.constant 0 : index
    %get3A_1681 = vector.load %arg1[%get3A_1679, %get3A_1680] : memref<512x4096xi16, #tpu.memory_space<vmem>>, vector<8x4096xi16>
    %get3A_1682 = arith.constant 464 : index
    %get3A_1683 = arith.constant 0 : index
    %get3A_1684 = vector.load %arg2[%get3A_1682, %get3A_1683] : memref<512x4096xf32, #tpu.memory_space<vmem>>, vector<8x4096xf32>
    %gt3A_1685 = vector.broadcast %convert_element_type3A_54 : i16 to vector<8x4096xi16>
    %gt3A_1686 = arith.cmpi sgt, %get3A_1681, %gt3A_1685 : vector<8x4096xi16>
    %jit3A_1687 = arith.constant 1 : i16
    %jit3A_1688 = arith.constant 0 : i16
    %broadcast_in_dim3A_1689 = vector.broadcast %jit3A_1687 : i16 to vector<8x4096xi16>
    %broadcast_in_dim3A_1690 = vector.broadcast %jit3A_1688 : i16 to vector<8x4096xi16>
    %select_n3A_1691 = arith.select %gt3A_1686, %broadcast_in_dim3A_1689, %broadcast_in_dim3A_1690 : vector<8x4096xi1>, vector<8x4096xi16>
    %eq3A_1692 = vector.broadcast %convert_element_type3A_54 : i16 to vector<8x4096xi16>
    %eq3A_1693 = arith.cmpi eq, %get3A_1681, %eq3A_1692 : vector<8x4096xi16>
    %jit3A_1694 = arith.constant 1 : i16
    %jit3A_1695 = arith.constant 0 : i16
    %broadcast_in_dim3A_1696 = vector.broadcast %jit3A_1694 : i16 to vector<8x4096xi16>
    %broadcast_in_dim3A_1697 = vector.broadcast %jit3A_1695 : i16 to vector<8x4096xi16>
    %select_n3A_1698 = arith.select %eq3A_1693, %broadcast_in_dim3A_1696, %broadcast_in_dim3A_1697 : vector<8x4096xi1>, vector<8x4096xi16>
    %add3A_1699 = arith.addi %add3A_1671, %select_n3A_1691 : vector<8x4096xi16>
    %add3A_1700 = arith.addi %add3A_1672, %select_n3A_1698 : vector<8x4096xi16>
    %convert_element_type3A_1701 = arith.sitofp %select_n3A_1691 : vector<8x4096xi16> to vector<8x4096xf32>
    %mul3A_1702 = arith.mulf %convert_element_type3A_1701, %get3A_1684 : vector<8x4096xf32>
    %add3A_1703 = arith.addf %add3A_1675, %mul3A_1702 : vector<8x4096xf32>
    %convert_element_type3A_1704 = arith.sitofp %select_n3A_1698 : vector<8x4096xi16> to vector<8x4096xf32>
    %mul3A_1705 = arith.mulf %convert_element_type3A_1704, %get3A_1684 : vector<8x4096xf32>
    %add3A_1706 = arith.addf %add3A_1678, %mul3A_1705 : vector<8x4096xf32>
    %get3A_1707 = arith.constant 472 : index
    %get3A_1708 = arith.constant 0 : index
    %get3A_1709 = vector.load %arg1[%get3A_1707, %get3A_1708] : memref<512x4096xi16, #tpu.memory_space<vmem>>, vector<8x4096xi16>
    %get3A_1710 = arith.constant 472 : index
    %get3A_1711 = arith.constant 0 : index
    %get3A_1712 = vector.load %arg2[%get3A_1710, %get3A_1711] : memref<512x4096xf32, #tpu.memory_space<vmem>>, vector<8x4096xf32>
    %gt3A_1713 = vector.broadcast %convert_element_type3A_54 : i16 to vector<8x4096xi16>
    %gt3A_1714 = arith.cmpi sgt, %get3A_1709, %gt3A_1713 : vector<8x4096xi16>
    %jit3A_1715 = arith.constant 1 : i16
    %jit3A_1716 = arith.constant 0 : i16
    %broadcast_in_dim3A_1717 = vector.broadcast %jit3A_1715 : i16 to vector<8x4096xi16>
    %broadcast_in_dim3A_1718 = vector.broadcast %jit3A_1716 : i16 to vector<8x4096xi16>
    %select_n3A_1719 = arith.select %gt3A_1714, %broadcast_in_dim3A_1717, %broadcast_in_dim3A_1718 : vector<8x4096xi1>, vector<8x4096xi16>
    %eq3A_1720 = vector.broadcast %convert_element_type3A_54 : i16 to vector<8x4096xi16>
    %eq3A_1721 = arith.cmpi eq, %get3A_1709, %eq3A_1720 : vector<8x4096xi16>
    %jit3A_1722 = arith.constant 1 : i16
    %jit3A_1723 = arith.constant 0 : i16
    %broadcast_in_dim3A_1724 = vector.broadcast %jit3A_1722 : i16 to vector<8x4096xi16>
    %broadcast_in_dim3A_1725 = vector.broadcast %jit3A_1723 : i16 to vector<8x4096xi16>
    %select_n3A_1726 = arith.select %eq3A_1721, %broadcast_in_dim3A_1724, %broadcast_in_dim3A_1725 : vector<8x4096xi1>, vector<8x4096xi16>
    %add3A_1727 = arith.addi %add3A_1699, %select_n3A_1719 : vector<8x4096xi16>
    %add3A_1728 = arith.addi %add3A_1700, %select_n3A_1726 : vector<8x4096xi16>
    %convert_element_type3A_1729 = arith.sitofp %select_n3A_1719 : vector<8x4096xi16> to vector<8x4096xf32>
    %mul3A_1730 = arith.mulf %convert_element_type3A_1729, %get3A_1712 : vector<8x4096xf32>
    %add3A_1731 = arith.addf %add3A_1703, %mul3A_1730 : vector<8x4096xf32>
    %convert_element_type3A_1732 = arith.sitofp %select_n3A_1726 : vector<8x4096xi16> to vector<8x4096xf32>
    %mul3A_1733 = arith.mulf %convert_element_type3A_1732, %get3A_1712 : vector<8x4096xf32>
    %add3A_1734 = arith.addf %add3A_1706, %mul3A_1733 : vector<8x4096xf32>
    %get3A_1735 = arith.constant 480 : index
    %get3A_1736 = arith.constant 0 : index
    %get3A_1737 = vector.load %arg1[%get3A_1735, %get3A_1736] : memref<512x4096xi16, #tpu.memory_space<vmem>>, vector<8x4096xi16>
    %get3A_1738 = arith.constant 480 : index
    %get3A_1739 = arith.constant 0 : index
    %get3A_1740 = vector.load %arg2[%get3A_1738, %get3A_1739] : memref<512x4096xf32, #tpu.memory_space<vmem>>, vector<8x4096xf32>
    %gt3A_1741 = vector.broadcast %convert_element_type3A_54 : i16 to vector<8x4096xi16>
    %gt3A_1742 = arith.cmpi sgt, %get3A_1737, %gt3A_1741 : vector<8x4096xi16>
    %jit3A_1743 = arith.constant 1 : i16
    %jit3A_1744 = arith.constant 0 : i16
    %broadcast_in_dim3A_1745 = vector.broadcast %jit3A_1743 : i16 to vector<8x4096xi16>
    %broadcast_in_dim3A_1746 = vector.broadcast %jit3A_1744 : i16 to vector<8x4096xi16>
    %select_n3A_1747 = arith.select %gt3A_1742, %broadcast_in_dim3A_1745, %broadcast_in_dim3A_1746 : vector<8x4096xi1>, vector<8x4096xi16>
    %eq3A_1748 = vector.broadcast %convert_element_type3A_54 : i16 to vector<8x4096xi16>
    %eq3A_1749 = arith.cmpi eq, %get3A_1737, %eq3A_1748 : vector<8x4096xi16>
    %jit3A_1750 = arith.constant 1 : i16
    %jit3A_1751 = arith.constant 0 : i16
    %broadcast_in_dim3A_1752 = vector.broadcast %jit3A_1750 : i16 to vector<8x4096xi16>
    %broadcast_in_dim3A_1753 = vector.broadcast %jit3A_1751 : i16 to vector<8x4096xi16>
    %select_n3A_1754 = arith.select %eq3A_1749, %broadcast_in_dim3A_1752, %broadcast_in_dim3A_1753 : vector<8x4096xi1>, vector<8x4096xi16>
    %add3A_1755 = arith.addi %add3A_1727, %select_n3A_1747 : vector<8x4096xi16>
    %add3A_1756 = arith.addi %add3A_1728, %select_n3A_1754 : vector<8x4096xi16>
    %convert_element_type3A_1757 = arith.sitofp %select_n3A_1747 : vector<8x4096xi16> to vector<8x4096xf32>
    %mul3A_1758 = arith.mulf %convert_element_type3A_1757, %get3A_1740 : vector<8x4096xf32>
    %add3A_1759 = arith.addf %add3A_1731, %mul3A_1758 : vector<8x4096xf32>
    %convert_element_type3A_1760 = arith.sitofp %select_n3A_1754 : vector<8x4096xi16> to vector<8x4096xf32>
    %mul3A_1761 = arith.mulf %convert_element_type3A_1760, %get3A_1740 : vector<8x4096xf32>
    %add3A_1762 = arith.addf %add3A_1734, %mul3A_1761 : vector<8x4096xf32>
    %get3A_1763 = arith.constant 488 : index
    %get3A_1764 = arith.constant 0 : index
    %get3A_1765 = vector.load %arg1[%get3A_1763, %get3A_1764] : memref<512x4096xi16, #tpu.memory_space<vmem>>, vector<8x4096xi16>
    %get3A_1766 = arith.constant 488 : index
    %get3A_1767 = arith.constant 0 : index
    %get3A_1768 = vector.load %arg2[%get3A_1766, %get3A_1767] : memref<512x4096xf32, #tpu.memory_space<vmem>>, vector<8x4096xf32>
    %gt3A_1769 = vector.broadcast %convert_element_type3A_54 : i16 to vector<8x4096xi16>
    %gt3A_1770 = arith.cmpi sgt, %get3A_1765, %gt3A_1769 : vector<8x4096xi16>
    %jit3A_1771 = arith.constant 1 : i16
    %jit3A_1772 = arith.constant 0 : i16
    %broadcast_in_dim3A_1773 = vector.broadcast %jit3A_1771 : i16 to vector<8x4096xi16>
    %broadcast_in_dim3A_1774 = vector.broadcast %jit3A_1772 : i16 to vector<8x4096xi16>
    %select_n3A_1775 = arith.select %gt3A_1770, %broadcast_in_dim3A_1773, %broadcast_in_dim3A_1774 : vector<8x4096xi1>, vector<8x4096xi16>
    %eq3A_1776 = vector.broadcast %convert_element_type3A_54 : i16 to vector<8x4096xi16>
    %eq3A_1777 = arith.cmpi eq, %get3A_1765, %eq3A_1776 : vector<8x4096xi16>
    %jit3A_1778 = arith.constant 1 : i16
    %jit3A_1779 = arith.constant 0 : i16
    %broadcast_in_dim3A_1780 = vector.broadcast %jit3A_1778 : i16 to vector<8x4096xi16>
    %broadcast_in_dim3A_1781 = vector.broadcast %jit3A_1779 : i16 to vector<8x4096xi16>
    %select_n3A_1782 = arith.select %eq3A_1777, %broadcast_in_dim3A_1780, %broadcast_in_dim3A_1781 : vector<8x4096xi1>, vector<8x4096xi16>
    %add3A_1783 = arith.addi %add3A_1755, %select_n3A_1775 : vector<8x4096xi16>
    %add3A_1784 = arith.addi %add3A_1756, %select_n3A_1782 : vector<8x4096xi16>
    %convert_element_type3A_1785 = arith.sitofp %select_n3A_1775 : vector<8x4096xi16> to vector<8x4096xf32>
    %mul3A_1786 = arith.mulf %convert_element_type3A_1785, %get3A_1768 : vector<8x4096xf32>
    %add3A_1787 = arith.addf %add3A_1759, %mul3A_1786 : vector<8x4096xf32>
    %convert_element_type3A_1788 = arith.sitofp %select_n3A_1782 : vector<8x4096xi16> to vector<8x4096xf32>
    %mul3A_1789 = arith.mulf %convert_element_type3A_1788, %get3A_1768 : vector<8x4096xf32>
    %add3A_1790 = arith.addf %add3A_1762, %mul3A_1789 : vector<8x4096xf32>
    %get3A_1791 = arith.constant 496 : index
    %get3A_1792 = arith.constant 0 : index
    %get3A_1793 = vector.load %arg1[%get3A_1791, %get3A_1792] : memref<512x4096xi16, #tpu.memory_space<vmem>>, vector<8x4096xi16>
    %get3A_1794 = arith.constant 496 : index
    %get3A_1795 = arith.constant 0 : index
    %get3A_1796 = vector.load %arg2[%get3A_1794, %get3A_1795] : memref<512x4096xf32, #tpu.memory_space<vmem>>, vector<8x4096xf32>
    %gt3A_1797 = vector.broadcast %convert_element_type3A_54 : i16 to vector<8x4096xi16>
    %gt3A_1798 = arith.cmpi sgt, %get3A_1793, %gt3A_1797 : vector<8x4096xi16>
    %jit3A_1799 = arith.constant 1 : i16
    %jit3A_1800 = arith.constant 0 : i16
    %broadcast_in_dim3A_1801 = vector.broadcast %jit3A_1799 : i16 to vector<8x4096xi16>
    %broadcast_in_dim3A_1802 = vector.broadcast %jit3A_1800 : i16 to vector<8x4096xi16>
    %select_n3A_1803 = arith.select %gt3A_1798, %broadcast_in_dim3A_1801, %broadcast_in_dim3A_1802 : vector<8x4096xi1>, vector<8x4096xi16>
    %eq3A_1804 = vector.broadcast %convert_element_type3A_54 : i16 to vector<8x4096xi16>
    %eq3A_1805 = arith.cmpi eq, %get3A_1793, %eq3A_1804 : vector<8x4096xi16>
    %jit3A_1806 = arith.constant 1 : i16
    %jit3A_1807 = arith.constant 0 : i16
    %broadcast_in_dim3A_1808 = vector.broadcast %jit3A_1806 : i16 to vector<8x4096xi16>
    %broadcast_in_dim3A_1809 = vector.broadcast %jit3A_1807 : i16 to vector<8x4096xi16>
    %select_n3A_1810 = arith.select %eq3A_1805, %broadcast_in_dim3A_1808, %broadcast_in_dim3A_1809 : vector<8x4096xi1>, vector<8x4096xi16>
    %add3A_1811 = arith.addi %add3A_1783, %select_n3A_1803 : vector<8x4096xi16>
    %add3A_1812 = arith.addi %add3A_1784, %select_n3A_1810 : vector<8x4096xi16>
    %convert_element_type3A_1813 = arith.sitofp %select_n3A_1803 : vector<8x4096xi16> to vector<8x4096xf32>
    %mul3A_1814 = arith.mulf %convert_element_type3A_1813, %get3A_1796 : vector<8x4096xf32>
    %add3A_1815 = arith.addf %add3A_1787, %mul3A_1814 : vector<8x4096xf32>
    %convert_element_type3A_1816 = arith.sitofp %select_n3A_1810 : vector<8x4096xi16> to vector<8x4096xf32>
    %mul3A_1817 = arith.mulf %convert_element_type3A_1816, %get3A_1796 : vector<8x4096xf32>
    %add3A_1818 = arith.addf %add3A_1790, %mul3A_1817 : vector<8x4096xf32>
    %get3A_1819 = arith.constant 504 : index
    %get3A_1820 = arith.constant 0 : index
    %get3A_1821 = vector.load %arg1[%get3A_1819, %get3A_1820] : memref<512x4096xi16, #tpu.memory_space<vmem>>, vector<8x4096xi16>
    %get3A_1822 = arith.constant 504 : index
    %get3A_1823 = arith.constant 0 : index
    %get3A_1824 = vector.load %arg2[%get3A_1822, %get3A_1823] : memref<512x4096xf32, #tpu.memory_space<vmem>>, vector<8x4096xf32>
    %gt3A_1825 = vector.broadcast %convert_element_type3A_54 : i16 to vector<8x4096xi16>
    %gt3A_1826 = arith.cmpi sgt, %get3A_1821, %gt3A_1825 : vector<8x4096xi16>
    %jit3A_1827 = arith.constant 1 : i16
    %jit3A_1828 = arith.constant 0 : i16
    %broadcast_in_dim3A_1829 = vector.broadcast %jit3A_1827 : i16 to vector<8x4096xi16>
    %broadcast_in_dim3A_1830 = vector.broadcast %jit3A_1828 : i16 to vector<8x4096xi16>
    %select_n3A_1831 = arith.select %gt3A_1826, %broadcast_in_dim3A_1829, %broadcast_in_dim3A_1830 : vector<8x4096xi1>, vector<8x4096xi16>
    %eq3A_1832 = vector.broadcast %convert_element_type3A_54 : i16 to vector<8x4096xi16>
    %eq3A_1833 = arith.cmpi eq, %get3A_1821, %eq3A_1832 : vector<8x4096xi16>
    %jit3A_1834 = arith.constant 1 : i16
    %jit3A_1835 = arith.constant 0 : i16
    %broadcast_in_dim3A_1836 = vector.broadcast %jit3A_1834 : i16 to vector<8x4096xi16>
    %broadcast_in_dim3A_1837 = vector.broadcast %jit3A_1835 : i16 to vector<8x4096xi16>
    %select_n3A_1838 = arith.select %eq3A_1833, %broadcast_in_dim3A_1836, %broadcast_in_dim3A_1837 : vector<8x4096xi1>, vector<8x4096xi16>
    %add3A_1839 = arith.addi %add3A_1811, %select_n3A_1831 : vector<8x4096xi16>
    %add3A_1840 = arith.addi %add3A_1812, %select_n3A_1838 : vector<8x4096xi16>
    %convert_element_type3A_1841 = arith.sitofp %select_n3A_1831 : vector<8x4096xi16> to vector<8x4096xf32>
    %mul3A_1842 = arith.mulf %convert_element_type3A_1841, %get3A_1824 : vector<8x4096xf32>
    %add3A_1843 = arith.addf %add3A_1815, %mul3A_1842 : vector<8x4096xf32>
    %convert_element_type3A_1844 = arith.sitofp %select_n3A_1838 : vector<8x4096xi16> to vector<8x4096xf32>
    %mul3A_1845 = arith.mulf %convert_element_type3A_1844, %get3A_1824 : vector<8x4096xf32>
    %add3A_1846 = arith.addf %add3A_1818, %mul3A_1845 : vector<8x4096xf32>
    %reduce_sum3A_1847 = vector.shape_cast %add3A_1843 : vector<8x4096xf32> to vector<1x8x4096xf32>
    %reduce_sum3A_1848 = arith.constant dense<0.000000e+00> : vector<1xf32>
    %reduce_sum3A_1849 = vector.multi_reduction <add>, %reduce_sum3A_1847, %reduce_sum3A_1848 [1, 2] : vector<1x8x4096xf32> to vector<1xf32>
    %reduce_sum3A_1850 = vector.shape_cast %reduce_sum3A_1849 : vector<1xf32> to vector<1x1x1xf32>
    %reduce_sum3A_1851 = vector.extract %reduce_sum3A_1850[0, 0, 0] : f32 from vector<1x1x1xf32>
    %convert_element_type3A_1852 = arith.sitofp %add3A_1839 : vector<8x4096xi16> to vector<8x4096xf32>
    %reduce_sum3A_1853 = vector.shape_cast %convert_element_type3A_1852 : vector<8x4096xf32> to vector<1x8x4096xf32>
    %reduce_sum3A_1854 = arith.constant dense<0.000000e+00> : vector<1xf32>
    %reduce_sum3A_1855 = vector.multi_reduction <add>, %reduce_sum3A_1853, %reduce_sum3A_1854 [1, 2] : vector<1x8x4096xf32> to vector<1xf32>
    %reduce_sum3A_1856 = vector.shape_cast %reduce_sum3A_1855 : vector<1xf32> to vector<1x1x1xf32>
    %reduce_sum3A_1857 = vector.extract %reduce_sum3A_1856[0, 0, 0] : f32 from vector<1x1x1xf32>
    %reduce_sum3A_1858 = vector.shape_cast %add3A_1846 : vector<8x4096xf32> to vector<1x8x4096xf32>
    %reduce_sum3A_1859 = arith.constant dense<0.000000e+00> : vector<1xf32>
    %reduce_sum3A_1860 = vector.multi_reduction <add>, %reduce_sum3A_1858, %reduce_sum3A_1859 [1, 2] : vector<1x8x4096xf32> to vector<1xf32>
    %reduce_sum3A_1861 = vector.shape_cast %reduce_sum3A_1860 : vector<1xf32> to vector<1x1x1xf32>
    %reduce_sum3A_1862 = vector.extract %reduce_sum3A_1861[0, 0, 0] : f32 from vector<1x1x1xf32>
    %convert_element_type3A_1863 = arith.sitofp %add3A_1840 : vector<8x4096xi16> to vector<8x4096xf32>
    %reduce_sum3A_1864 = vector.shape_cast %convert_element_type3A_1863 : vector<8x4096xf32> to vector<1x8x4096xf32>
    %reduce_sum3A_1865 = arith.constant dense<0.000000e+00> : vector<1xf32>
    %reduce_sum3A_1866 = vector.multi_reduction <add>, %reduce_sum3A_1864, %reduce_sum3A_1865 [1, 2] : vector<1x8x4096xf32> to vector<1xf32>
    %reduce_sum3A_1867 = vector.shape_cast %reduce_sum3A_1866 : vector<1xf32> to vector<1x1x1xf32>
    %reduce_sum3A_1868 = vector.extract %reduce_sum3A_1867[0, 0, 0] : f32 from vector<1x1x1xf32>
    %max3A = arith.constant 1.000000e+00 : f32
    %max3A_1869 = arith.maximumf %reduce_sum3A_1868, %max3A : f32
    %div3A = arith.divf %reduce_sum3A_1862, %max3A_1869 : f32
    %sub3A = arith.constant 4.194300e+05 : f32
    %sub3A_1870 = arith.subf %sub3A, %reduce_sum3A_1857 : f32
    %mul3A_1871 = arith.mulf %sub3A_1870, %div3A : f32
    %add3A_1872 = arith.addf %reduce_sum3A_1851, %mul3A_1871 : f32
    %div3A_1873 = arith.constant 4.194300e+05 : f32
    %div3A_1874 = arith.divf %add3A_1872, %div3A_1873 : f32
    %swap3A = arith.constant 0 : index
    %swap3A_1875 = arith.constant 0 : index
    %swap3A_1876 = memref.load %arg3[%swap3A, %swap3A_1875] : memref<1x1xf32, #tpu.memory_space<smem>>
    memref.store %div3A_1874, %arg3[%swap3A, %swap3A_1875] : memref<1x1xf32, #tpu.memory_space<smem>>
    return
  }
}

</mosaic_0001>

<sc_bundles>
// kernel: kernel.5.cloned.1.call-start
scs
__scs_entry_jumppad:
0x0: {  	(pc) =	sbr.rel $0x88, $3  }
0x1: {  	(tag) =	ssettag $0x0;
	lr =	simm.s32 $0x1  }
0x2: {  	[smem:$0x3F9F] =	sst lr;
	_ =	strace $0xD0000000  }
0x3: {  	_ = 	snop  }
0x4: {  	_ = 	snop  }
0x5: {  	_ = 	snop  }
0x6: {  	_ = 	snop  }
0x7: {  	_ = 	snop  }
__scs_overlays_trampoline_lowered:
0x8: {  	[smem:$0x3FAE] =	sst s0  }
0x9: {  	[smem:$0x3FAF] =	sst s1  }
0xa: {  	[smem:$0x3FB0] =	sst s2  }
0xb: {  	[smem:$0x3FB1] =	sst s3  }
0xc: {  	[smem:$0x3FB2] =	sst s4  }
0xd: {  	[smem:$0x3FB3] =	sst s5  }
0xe: {  	[smem:$0x3FB4] =	sst s6  }
0xf: {  	[smem:$0x3FB5] =	sst s7  }
0x10: {  	[smem:$0x3FB6] =	sst s8  }
0x11: {  	[smem:$0x3FB7] =	sst s9;
	s0 =	simm.s32 @!p0 $0x0  }
0x12: {  	s1 =	sld [smem:$0x3F9D];
	s0 =	simm.s32 @p0 $0x1  }
0x13: {  	[smem:$0x3FB8] =	sst s0;
	s0 =	simm.s32 @!p1 $0x0  }
0x14: {  	s2 =	sld [smem:$0x3F9C];
	s0 =	simm.s32 @p1 $0x1  }
0x15: {  	[smem:$0x3FB9] =	sst s0;
	s0 =	simm.s32 @!p2 $0x0  }
0x16: {  	s3 =	sld [smem:$0x3FDB];
	s0 =	simm.s32 @p2 $0x1  }
0x17: {  	s4 =	simm.s32 $0x1BF5;
	[smem:$0x3FBB] =	sst s0  }
0x18: {  	s0 =	sld [smem:$0x3F9E];
	_ =	swait.ge [sflag:s4], $0x0  }
0x19: {  	s7 =	sld [smem:$0x3F9F]  }
0x1a: {  	s8 =	sadd.s32 $0xFFFFE003, lr  }
0x1b: {  	s9 =	sadd.s32 $0xFFFFFEF7, lr;
	s5 =	simm.s32 $0xFFFFFFFF;
	p2 =	slt.u32 s8, $0xFFFFF086  }
0x1c: {  	p1 =	slt.u32 s9, $0xF7A;
	s5 =	simm.s32 @!p2 $0x0  }
0x1d: {  	s5 =	simm.s32 @p1 $0x1;
	p0 =	seq.s32 s7, s2  }
0x1e: {  	s7 =	smul.u32 @!p0 $0xF7A, s2;
	p2 =	seq.s32 @!p0 s5, $0x0  }
0x1f: {  	s9 =	smul.u32 $0xF7A, s1;
	s8 =	simm.s32 @!p0 $0x1BF5;
	p2 =	por !p2, p0  }
0x20: {  	[sflag:s8] =	ssyncset.s32 @!p0 $0xFFFFF086;
	s6 =	sadd.s32 @!p0 s3, s7;
	s7 =	simm.s32 @!p0 $0x108  }
0x21: {  	s3 =	sadd.s32 s3, s9;
	s6 =	sadd.s32 @!p0 $0x88, s6;
	s7 =	simm.s32 @p2 $0x1082  }
0x22: {  	[simem:s7], [sflag:s8] =	dma.local @!p0 [hbm:s6], $0xF7A  }
0x23: {  	s9 =	sor.u32 $0xD0000000, s2;
	s6 =	simm.s32 $0x108;
	_ =	swait.ge @!p0 [sflag:s8], $0x0  }
0x24: {  	s3 =	sadd.s32 $0x88, s3;
	s6 =	simm.s32 @!p1 $0x1082;
	[sflag:s4] =	ssyncset.s32 $0xFFFFF086  }
0x25: {  	[simem:s6], [sflag:s4] =	dma.local [hbm:s3], $0xF7A  }
0x26: {  	[smem:$0x3F9F] =	sst s1;
	(tag) =	ssettag s2;
	_ =	strace s9  }
0x27: {  	s1 =	sld [smem:$0x3FAF]  }
0x28: {  	s2 =	sld [smem:$0x3FB0]  }
0x29: {  	s4 =	sld [smem:$0x3FB2]  }
0x2a: {  	p0 =	seq.s32 s5, $0x0;
	s5 =	sld [smem:$0x3FB3]  }
0x2b: {  	s6 =	sld [smem:$0x3FB4]  }
0x2c: {  	s7 =	sld [smem:$0x3FB5]  }
0x2d: {  	s3 =	simm.s32 $0x108;
	s8 =	sld [smem:$0x3FB6]  }
0x2e: {  	s3 =	simm.s32 @!p0 $0x1082;
	s9 =	sld [smem:$0x3FB7]  }
0x2f: {  	lr =	sadd.s32 s0, s3;
	s0 =	sld [smem:$0x3FAE]  }
0x30: {  	s3 =	sld [smem:$0x3FB1]  }
0x31: {  	[smem:$0x3FBA] =	sst s10  }
0x32: {  	s10 =	sld [smem:$0x3FB8];
	_ =	sdelay $0x3  }
0x33: {  	p0 =	seq.s32 s10, $0x1;
	s10 =	sld [smem:$0x3FBA];
	_ =	sdelay $0x3  }
0x34: {  	[smem:$0x3FBA] =	sst s10  }
0x35: {  	s10 =	sld [smem:$0x3FB9];
	_ =	sdelay $0x3  }
0x36: {  	p1 =	seq.s32 s10, $0x1;
	s10 =	sld [smem:$0x3FBA];
	_ =	sdelay $0x3  }
0x37: {  	[smem:$0x3FBA] =	sst s10  }
0x38: {  	s10 =	sld [smem:$0x3FBB]  }
0x39: {  	_ = 	snop;
	(pc) =	sbr.ind lr, $3  }
0x3a: {  	_ = 	snop  }
0x3b: {  	_ = 	snop  }
0x3c: {  	p2 =	seq.s32 s10, $0x1;
	s10 =	sld [smem:$0x3FBA]  }
0x3d: {  	_ =	shalt  }
0x3e: {  	_ =	shalt  }
0x3f: {  	_ =	shalt  }
0x40: {  	_ =	shalt  }
0x41: {  	_ =	shalt  }
0x42: {  	_ =	shalt  }
0x43: {  	_ =	shalt  }
0x44: {  	_ =	shalt  }
0x45: {  	_ =	shalt  }
0x46: {  	_ =	shalt  }
0x47: {  	_ =	shalt  }
0x48: {  	_ =	shalt  }
0x49: {  	_ =	shalt  }
0x4a: {  	_ =	shalt  }
0x4b: {  	_ =	shalt  }
0x4c: {  	_ =	shalt  }
0x4d: {  	_ =	shalt  }
0x4e: {  	_ =	shalt  }
0x4f: {  	_ =	shalt  }
0x50: {  	_ =	shalt  }
0x51: {  	_ =	shalt  }
0x52: {  	_ =	shalt  }
0x53: {  	_ =	shalt  }
0x54: {  	_ =	shalt  }
0x55: {  	_ =	shalt  }
0x56: {  	_ =	shalt  }
0x57: {  	_ =	shalt  }
0x58: {  	_ =	shalt  }
0x59: {  	_ =	shalt  }
0x5a: {  	_ =	shalt  }
0x5b: {  	_ =	shalt  }
0x5c: {  	_ =	shalt  }
0x5d: {  	_ =	shalt  }
0x5e: {  	_ =	shalt  }
0x5f: {  	_ =	shalt  }
0x60: {  	_ =	shalt  }
0x61: {  	_ =	shalt  }
0x62: {  	_ =	shalt  }
0x63: {  	_ =	shalt  }
0x64: {  	_ =	shalt  }
0x65: {  	_ =	shalt  }
0x66: {  	_ =	shalt  }
0x67: {  	_ =	shalt  }
0x68: {  	_ =	shalt  }
0x69: {  	_ =	shalt  }
0x6a: {  	_ =	shalt  }
0x6b: {  	_ =	shalt  }
0x6c: {  	_ =	shalt  }
0x6d: {  	_ =	shalt  }
0x6e: {  	_ =	shalt  }
0x6f: {  	_ =	shalt  }
0x70: {  	_ =	shalt  }
0x71: {  	_ =	shalt  }
0x72: {  	_ =	shalt  }
0x73: {  	_ =	shalt  }
0x74: {  	_ =	shalt  }
0x75: {  	_ =	shalt  }
0x76: {  	_ =	shalt  }
0x77: {  	_ =	shalt  }
0x78: {  	_ =	shalt  }
0x79: {  	_ =	shalt  }
0x7a: {  	_ =	shalt  }
0x7b: {  	_ =	shalt  }
0x7c: {  	_ =	shalt  }
0x7d: {  	_ =	shalt  }
0x7e: {  	_ =	shalt  }
0x7f: {  	_ =	shalt  }
0x80: {  	_ =	shalt  }
0x81: {  	_ =	shalt  }
0x82: {  	_ =	shalt  }
0x83: {  	_ =	shalt  }
0x84: {  	_ =	shalt  }
0x85: {  	_ =	shalt  }
0x86: {  	_ =	shalt  }
0x87: {  	_ =	shalt  }
.Lfunc_end0:
.L_simem_size_0:
called_computation_lowered:
.L_overlay_start_0:
0x88: {  	s2 =	sld [smem:$0x3FD9]  }
0x89: {  	s3 =	sld [smem:$0x3FFE];
	_ =	sdelay $0x1  }
0x8a: {  	s1 =	srdreg.scid  }
0x8b: {  	s0 =	sand.u32 $0x1, s1  }
0x8c: {  	s16 =	sshll.u32 s0, $0xA;
	s2 =	sadd.s32 s3, s2  }
0x8d: {  	s2 =	sadd.s32 s2, s16  }
0x8e: {  	[smem:$0x3FC6] =	sst s2  }
0x8f: {  	_ = 	snop  }
0x90: {  	(tm) =	ssettm $0x1  }
0x91: {  	s17 =	sld [smem:$0x3FFB];
	_ =	sdelay $0x3  }
0x92: {  	_ =	strace s17  }
0x93: {  	s2 =	sld [smem:$0x3FFC];
	_ =	sdelay $0x3  }
0x94: {  	_ =	strace s2  }
0x95: {  	s2 =	sld [smem:$0x3FFD];
	_ =	sdelay $0x3  }
0x96: {  	_ =	strace s2  }
0x97: {  	_ =	strace $0x8FFFFFFF  }
0x98: {  	s18 =	sld [smem:$0x3FDB];
	_ =	sdelay $0x1  }
0x99: {  	s19 =	simm.s32 $_scs_section_size  }
0x9a: {  	s4 =	simm.s32 $_size__tile_overlayer_lowered;
	s5 =	simm.s32 $_tile_overlayer_lowered  }
0x9b: {  	s22 =	simm.s32 $0x1BFF;
	s21 =	sshll.u32 s5, $0x1;
	s2 =	sadd.s32 s19, s18  }
0x9c: {  	s6 =	simm.s32 $0x0;
	s20 =	sshll.u32 s4, $0x1;
	s4 =	sadd.s32 s21, s2  }
0x9d: {  	[timem:s6], [sflag:s22] =	dma.local [hbm:s4], s20  }
0x9e: {  	_ =	swait.ge [sflag:s22], s20  }
0x9f: {  	s3 =	ssub.s32 $0x0, s20;
	[sflag:s22] =	ssyncset.done $0x0  }
0xa0: {  	[sflag:s22] =	ssyncadd.s32 s3;
	_ =	sdelay $0x1  }
0xa1: {  	s23 =	simm.s32 $0x1B8B  }
0xa2: {  	_ =	swait.ge [sflag:s23], $0x1  }
0xa3: {  	[sflag:s23] =	ssyncset.done $0x0  }
0xa4: {  	s25 =	simm.s32 $0x1B8E;
	s24 =	sld [smem:$0x3FFE];
	[sflag:s23] =	ssyncadd.s32 $0xFFFFFFFF  }
0xa5: {  	s26 =	simm.s32 $execute0_lowered;
	[smem:$0x3FD2] =	sst s25  }
0xa6: {  	s4 =	sshll.u32 s26, $0x1;
	_ =	strace $0x80000046;
	[dreg:$0x1] =	wrdreg $0xFFFFFFFF  }
0xa7: {  	s28 =	simm.s32 $_size_execute0_lowered;
	s2 =	sadd.s32 s2, s4;
	[dreg:$0x0] =	wrdreg $0x0  }
0xa8: {  	s4 =	sshll.u32 s28, $0x1;
	[dreg:$0x2] =	wrdreg s2  }
0xa9: {  	[dreg:$0x3] =	wrdreg s4  }
0xaa: {  	[dreg:$0x4] =	wrdreg $0xC0  }
0xab: {  	_ =	task [dreg:s6], $0x5FFFF  }
0xac: {  	[dreg:$0x1] =	wrdreg $0xFFFFFFFF  }
0xad: {  	[dreg:$0x0] =	wrdreg $0x60  }
0xae: {  	[dreg:$0x2] =	wrdreg s24  }
0xaf: {  	[dreg:$0x3] =	wrdreg $0x9  }
0xb0: {  	_ =	task.clear_ibuf [dreg:s6], $0x4FFFF;
	_ =	strace $0x90000046  }
0xb1: {  	s29 =	simm.s32 $0x9;
	_ =	strace $0x80000048  }
0xb2: {  	_ =	swait.ge [sflag:s29], $0x1  }
0xb3: {  	[sflag:s29] =	ssyncadd.s32 $0xFFFFFFFF  }
0xb4: {  	_ =	strace $0x90000048  }
0xb5: {  	_ =	sfence  }
0xb6: {  	s30 =	sld [smem:$0x0];
	_ =	sdelay $0x2  }
0xb7: {  	s31 =	sshll.u32 s1, $0xD;
	s1 =	sshrl.u32 s1, $0x2  }
0xb8: {  	s3 =	sand.u32 $0x4000, s31;
	s1 =	sadd.s32 s1, s30  }
0xb9: {  	s0 =	sor.u32 s3, s0;
	s1 =	sshll.u32 s1, $0x11  }
0xba: {  	s0 =	sor.u32 s1, s0  }
0xbb: {  	s0 =	sadd.s32 $0x8F2B, s0  }
0xbc: {  	[sflag:s0] =	ssyncadd.remote.s32 $0x1  }
0xbd: {  	_ =	sfence.sel $0xFFFF  }
0xbe: {  	[dreg:$0x0] =	wrdreg $0xFFFFFFFF;
	(pc) =	sbr.abs _section_cstart, $3  }
0xbf: {  	[dreg:$0x1] =	wrdreg $0xFFFFFFFF  }
0xc0: {  	_ =	task.clear_ibuf [dreg:s6], $0x2FFFF;
	_ =	strace $0x9FFFFFFF  }
0xc1: {  	(tm) =	ssettm $0x7FFFFFFF  }
tec
execute0_lowered:
.L_overlay_start_1:
0x0: {  	(tag) =	ssettag $0x1  }
0x1: {  	s1 =	srdreg.scid  }
0x2: {  	s0 =	stileid.u32;
	s4 =	rddreg [dreg:$0x0];
	s2 =	simm.s32 $0x0  }
0x3: {  	s7 =	simm.s32 $0x8000;
	s3 =	sand.u32 $0x1, s1;
	s30 =	sshll.u32 s0, $0x1  }
0x4: {  	s8 =	simm.s32 $0x80;
	s9 =	simm.s32 $0x400;
	s1 =	sor.u32 s3, s30  }
0x5: {  	s10 =	simm.s32 $0x0;
	s5 =	sshll.u32 s1, $0xC;
	s6 =	sshll.u32 s1, $0x7  }
0x6: {  	[smem:$0x7FF] =	sst s2;
	s3 =	ssub.s32 $0x2, s3;
	s6 =	sor.u32 s6, s5  }
0x7: {  	s1 =	rddreg [dreg:$0x1];
	_ =	strace $0x80000047;
	s6 =	sand.u32 $0x18380, s6  }
0x8: {  	s31 =	sshrl.u32 s3, $0x1;
	s5 =	sadd.s32 s5, s4;
	s6 =	sshrl.u32 s6, $0x3  }
0x9: {  	v1 =	vlaneseq.u32;
	s4 =	sadd.s32 s6, s4;
	s6 =	ssub.s32 s3, s31;
	s3 =	sadd.s32 $0x61400, s5  }
0xa: {  	v0 =	vimm.s32 $0x0;
	v2 =	vimm.s32 $0x1;
	v1 =	vmul.u32 $0x100, v1;
	s4 =	sadd.s32 $0x81400, s4;
	s5 =	smax.u32 s6, $0x1;
	s6 =	simm.s32 $0x1  }
.LBB2_1:
0xb: {  	[tilespmem:$0x8000] =	vst v0  }
0xc: {  	[tilespmem:$0x8010] =	vst v0  }
0xd: {  	[tilespmem:$0x8020] =	vst v0  }
0xe: {  	[tilespmem:$0x8030] =	vst v0  }
0xf: {  	[tilespmem:$0x8040] =	vst v0  }
0x10: {  	[tilespmem:$0x8050] =	vst v0  }
0x11: {  	[tilespmem:$0x8060] =	vst v0  }
0x12: {  	[tilespmem:$0x8070] =	vst v0  }
0x13: {  	[tilespmem:$0x8080] =	vst v0  }
0x14: {  	[tilespmem:$0x8090] =	vst v0  }
0x15: {  	[tilespmem:$0x80A0] =	vst v0  }
0x16: {  	[tilespmem:$0x80B0] =	vst v0  }
0x17: {  	[tilespmem:$0x80C0] =	vst v0  }
0x18: {  	[tilespmem:$0x80D0] =	vst v0  }
0x19: {  	[tilespmem:$0x80E0] =	vst v0  }
0x1a: {  	[tilespmem:$0x80F0] =	vst v0  }
0x1b: {  	[tilespmem:$0x8100] =	vst v0  }
0x1c: {  	[tilespmem:$0x8110] =	vst v0  }
0x1d: {  	[tilespmem:$0x8120] =	vst v0  }
0x1e: {  	[tilespmem:$0x8130] =	vst v0  }
0x1f: {  	[tilespmem:$0x8140] =	vst v0  }
0x20: {  	[tilespmem:$0x8150] =	vst v0  }
0x21: {  	[tilespmem:$0x8160] =	vst v0  }
0x22: {  	[tilespmem:$0x8170] =	vst v0  }
0x23: {  	[tilespmem:$0x8180] =	vst v0  }
0x24: {  	[tilespmem:$0x8190] =	vst v0  }
0x25: {  	[tilespmem:$0x81A0] =	vst v0  }
0x26: {  	[tilespmem:$0x81B0] =	vst v0  }
0x27: {  	[tilespmem:$0x81C0] =	vst v0  }
0x28: {  	[tilespmem:$0x81D0] =	vst v0  }
0x29: {  	[tilespmem:$0x81E0] =	vst v0  }
0x2a: {  	[tilespmem:$0x81F0] =	vst v0  }
0x2b: {  	[tilespmem:$0x8200] =	vst v0  }
0x2c: {  	[tilespmem:$0x8210] =	vst v0  }
0x2d: {  	[tilespmem:$0x8220] =	vst v0  }
0x2e: {  	[tilespmem:$0x8230] =	vst v0  }
0x2f: {  	[tilespmem:$0x8240] =	vst v0  }
0x30: {  	[tilespmem:$0x8250] =	vst v0  }
0x31: {  	[tilespmem:$0x8260] =	vst v0  }
0x32: {  	[tilespmem:$0x8270] =	vst v0  }
0x33: {  	[tilespmem:$0x8280] =	vst v0  }
0x34: {  	[tilespmem:$0x8290] =	vst v0  }
0x35: {  	[tilespmem:$0x82A0] =	vst v0  }
0x36: {  	[tilespmem:$0x82B0] =	vst v0  }
0x37: {  	[tilespmem:$0x82C0] =	vst v0  }
0x38: {  	[tilespmem:$0x82D0] =	vst v0  }
0x39: {  	[tilespmem:$0x82E0] =	vst v0  }
0x3a: {  	[tilespmem:$0x82F0] =	vst v0  }
0x3b: {  	[tilespmem:$0x8300] =	vst v0  }
0x3c: {  	[tilespmem:$0x8310] =	vst v0  }
0x3d: {  	[tilespmem:$0x8320] =	vst v0  }
0x3e: {  	[tilespmem:$0x8330] =	vst v0  }
0x3f: {  	[tilespmem:$0x8340] =	vst v0  }
0x40: {  	[tilespmem:$0x8350] =	vst v0  }
0x41: {  	[tilespmem:$0x8360] =	vst v0  }
0x42: {  	[tilespmem:$0x8370] =	vst v0  }
0x43: {  	[tilespmem:$0x8380] =	vst v0  }
0x44: {  	[tilespmem:$0x8390] =	vst v0  }
0x45: {  	[tilespmem:$0x83A0] =	vst v0  }
0x46: {  	[tilespmem:$0x83B0] =	vst v0  }
0x47: {  	[tilespmem:$0x83C0] =	vst v0  }
0x48: {  	[tilespmem:$0x83D0] =	vst v0  }
0x49: {  	[tilespmem:$0x83E0] =	vst v0  }
0x4a: {  	[tilespmem:$0x83F0] =	vst v0  }
0x4b: {  	[tilespmem:$0x8400] =	vst v0  }
0x4c: {  	[tilespmem:$0x8410] =	vst v0  }
0x4d: {  	[tilespmem:$0x8420] =	vst v0  }
0x4e: {  	[tilespmem:$0x8430] =	vst v0  }
0x4f: {  	[tilespmem:$0x8440] =	vst v0  }
0x50: {  	[tilespmem:$0x8450] =	vst v0  }
0x51: {  	[tilespmem:$0x8460] =	vst v0  }
0x52: {  	[tilespmem:$0x8470] =	vst v0  }
0x53: {  	[tilespmem:$0x8480] =	vst v0  }
0x54: {  	[tilespmem:$0x8490] =	vst v0  }
0x55: {  	[tilespmem:$0x84A0] =	vst v0  }
0x56: {  	[tilespmem:$0x84B0] =	vst v0  }
0x57: {  	[tilespmem:$0x84C0] =	vst v0  }
0x58: {  	[tilespmem:$0x84D0] =	vst v0  }
0x59: {  	[tilespmem:$0x84E0] =	vst v0  }
0x5a: {  	[tilespmem:$0x84F0] =	vst v0  }
0x5b: {  	[tilespmem:$0x8500] =	vst v0  }
0x5c: {  	[tilespmem:$0x8510] =	vst v0  }
0x5d: {  	[tilespmem:$0x8520] =	vst v0  }
0x5e: {  	[tilespmem:$0x8530] =	vst v0  }
0x5f: {  	[tilespmem:$0x8540] =	vst v0  }
0x60: {  	[tilespmem:$0x8550] =	vst v0  }
0x61: {  	[tilespmem:$0x8560] =	vst v0  }
0x62: {  	[tilespmem:$0x8570] =	vst v0  }
0x63: {  	[tilespmem:$0x8580] =	vst v0  }
0x64: {  	[tilespmem:$0x8590] =	vst v0  }
0x65: {  	[tilespmem:$0x85A0] =	vst v0  }
0x66: {  	[tilespmem:$0x85B0] =	vst v0  }
0x67: {  	[tilespmem:$0x85C0] =	vst v0  }
0x68: {  	[tilespmem:$0x85D0] =	vst v0  }
0x69: {  	[tilespmem:$0x85E0] =	vst v0  }
0x6a: {  	[tilespmem:$0x85F0] =	vst v0  }
0x6b: {  	[tilespmem:$0x8600] =	vst v0  }
0x6c: {  	[tilespmem:$0x8610] =	vst v0  }
0x6d: {  	[tilespmem:$0x8620] =	vst v0  }
0x6e: {  	[tilespmem:$0x8630] =	vst v0  }
0x6f: {  	[tilespmem:$0x8640] =	vst v0  }
0x70: {  	[tilespmem:$0x8650] =	vst v0  }
0x71: {  	[tilespmem:$0x8660] =	vst v0  }
0x72: {  	[tilespmem:$0x8670] =	vst v0  }
0x73: {  	[tilespmem:$0x8680] =	vst v0  }
0x74: {  	[tilespmem:$0x8690] =	vst v0  }
0x75: {  	[tilespmem:$0x86A0] =	vst v0  }
0x76: {  	[tilespmem:$0x86B0] =	vst v0  }
0x77: {  	[tilespmem:$0x86C0] =	vst v0  }
0x78: {  	[tilespmem:$0x86D0] =	vst v0  }
0x79: {  	[tilespmem:$0x86E0] =	vst v0  }
0x7a: {  	[tilespmem:$0x86F0] =	vst v0  }
0x7b: {  	[tilespmem:$0x8700] =	vst v0  }
0x7c: {  	[tilespmem:$0x8710] =	vst v0  }
0x7d: {  	[tilespmem:$0x8720] =	vst v0  }
0x7e: {  	[tilespmem:$0x8730] =	vst v0  }
0x7f: {  	[tilespmem:$0x8740] =	vst v0  }
0x80: {  	[tilespmem:$0x8750] =	vst v0  }
0x81: {  	[tilespmem:$0x8760] =	vst v0  }
0x82: {  	[tilespmem:$0x8770] =	vst v0  }
0x83: {  	[tilespmem:$0x8780] =	vst v0  }
0x84: {  	[tilespmem:$0x8790] =	vst v0  }
0x85: {  	[tilespmem:$0x87A0] =	vst v0  }
0x86: {  	[tilespmem:$0x87B0] =	vst v0  }
0x87: {  	[tilespmem:$0x87C0] =	vst v0  }
0x88: {  	[tilespmem:$0x87D0] =	vst v0  }
0x89: {  	[tilespmem:$0x87E0] =	vst v0  }
0x8a: {  	[tilespmem:$0x87F0] =	vst v0  }
0x8b: {  	[tilespmem:$0x8800] =	vst v0  }
0x8c: {  	[tilespmem:$0x8810] =	vst v0  }
0x8d: {  	[tilespmem:$0x8820] =	vst v0  }
0x8e: {  	[tilespmem:$0x8830] =	vst v0  }
0x8f: {  	[tilespmem:$0x8840] =	vst v0  }
0x90: {  	[tilespmem:$0x8850] =	vst v0  }
0x91: {  	[tilespmem:$0x8860] =	vst v0  }
0x92: {  	[tilespmem:$0x8870] =	vst v0  }
0x93: {  	[tilespmem:$0x8880] =	vst v0  }
0x94: {  	[tilespmem:$0x8890] =	vst v0  }
0x95: {  	[tilespmem:$0x88A0] =	vst v0  }
0x96: {  	[tilespmem:$0x88B0] =	vst v0  }
0x97: {  	[tilespmem:$0x88C0] =	vst v0  }
0x98: {  	[tilespmem:$0x88D0] =	vst v0  }
0x99: {  	[tilespmem:$0x88E0] =	vst v0  }
0x9a: {  	[tilespmem:$0x88F0] =	vst v0  }
0x9b: {  	[tilespmem:$0x8900] =	vst v0  }
0x9c: {  	[tilespmem:$0x8910] =	vst v0  }
0x9d: {  	[tilespmem:$0x8920] =	vst v0  }
0x9e: {  	[tilespmem:$0x8930] =	vst v0  }
0x9f: {  	[tilespmem:$0x8940] =	vst v0  }
0xa0: {  	[tilespmem:$0x8950] =	vst v0  }
0xa1: {  	[tilespmem:$0x8960] =	vst v0  }
0xa2: {  	[tilespmem:$0x8970] =	vst v0  }
0xa3: {  	[tilespmem:$0x8980] =	vst v0  }
0xa4: {  	[tilespmem:$0x8990] =	vst v0  }
0xa5: {  	[tilespmem:$0x89A0] =	vst v0  }
0xa6: {  	[tilespmem:$0x89B0] =	vst v0  }
0xa7: {  	[tilespmem:$0x89C0] =	vst v0  }
0xa8: {  	[tilespmem:$0x89D0] =	vst v0  }
0xa9: {  	[tilespmem:$0x89E0] =	vst v0  }
0xaa: {  	[tilespmem:$0x89F0] =	vst v0  }
0xab: {  	[tilespmem:$0x8A00] =	vst v0  }
0xac: {  	[tilespmem:$0x8A10] =	vst v0  }
0xad: {  	[tilespmem:$0x8A20] =	vst v0  }
0xae: {  	[tilespmem:$0x8A30] =	vst v0  }
0xaf: {  	[tilespmem:$0x8A40] =	vst v0  }
0xb0: {  	[tilespmem:$0x8A50] =	vst v0  }
0xb1: {  	[tilespmem:$0x8A60] =	vst v0  }
0xb2: {  	[tilespmem:$0x8A70] =	vst v0  }
0xb3: {  	[tilespmem:$0x8A80] =	vst v0  }
0xb4: {  	[tilespmem:$0x8A90] =	vst v0  }
0xb5: {  	[tilespmem:$0x8AA0] =	vst v0  }
0xb6: {  	[tilespmem:$0x8AB0] =	vst v0  }
0xb7: {  	[tilespmem:$0x8AC0] =	vst v0  }
0xb8: {  	[tilespmem:$0x8AD0] =	vst v0  }
0xb9: {  	[tilespmem:$0x8AE0] =	vst v0  }
0xba: {  	[tilespmem:$0x8AF0] =	vst v0  }
0xbb: {  	[tilespmem:$0x8B00] =	vst v0  }
0xbc: {  	[tilespmem:$0x8B10] =	vst v0  }
0xbd: {  	[tilespmem:$0x8B20] =	vst v0  }
0xbe: {  	[tilespmem:$0x8B30] =	vst v0  }
0xbf: {  	[tilespmem:$0x8B40] =	vst v0  }
0xc0: {  	[tilespmem:$0x8B50] =	vst v0  }
0xc1: {  	[tilespmem:$0x8B60] =	vst v0  }
0xc2: {  	[tilespmem:$0x8B70] =	vst v0  }
0xc3: {  	[tilespmem:$0x8B80] =	vst v0  }
0xc4: {  	[tilespmem:$0x8B90] =	vst v0  }
0xc5: {  	[tilespmem:$0x8BA0] =	vst v0  }
0xc6: {  	[tilespmem:$0x8BB0] =	vst v0  }
0xc7: {  	[tilespmem:$0x8BC0] =	vst v0  }
0xc8: {  	[tilespmem:$0x8BD0] =	vst v0  }
0xc9: {  	[tilespmem:$0x8BE0] =	vst v0  }
0xca: {  	[tilespmem:$0x8BF0] =	vst v0  }
0xcb: {  	[tilespmem:$0x8C00] =	vst v0  }
0xcc: {  	[tilespmem:$0x8C10] =	vst v0  }
0xcd: {  	[tilespmem:$0x8C20] =	vst v0  }
0xce: {  	[tilespmem:$0x8C30] =	vst v0  }
0xcf: {  	[tilespmem:$0x8C40] =	vst v0  }
0xd0: {  	[tilespmem:$0x8C50] =	vst v0  }
0xd1: {  	[tilespmem:$0x8C60] =	vst v0  }
0xd2: {  	[tilespmem:$0x8C70] =	vst v0  }
0xd3: {  	[tilespmem:$0x8C80] =	vst v0  }
0xd4: {  	[tilespmem:$0x8C90] =	vst v0  }
0xd5: {  	[tilespmem:$0x8CA0] =	vst v0  }
0xd6: {  	[tilespmem:$0x8CB0] =	vst v0  }
0xd7: {  	[tilespmem:$0x8CC0] =	vst v0  }
0xd8: {  	[tilespmem:$0x8CD0] =	vst v0  }
0xd9: {  	[tilespmem:$0x8CE0] =	vst v0  }
0xda: {  	[tilespmem:$0x8CF0] =	vst v0  }
0xdb: {  	[tilespmem:$0x8D00] =	vst v0  }
0xdc: {  	[tilespmem:$0x8D10] =	vst v0  }
0xdd: {  	[tilespmem:$0x8D20] =	vst v0  }
0xde: {  	[tilespmem:$0x8D30] =	vst v0  }
0xdf: {  	[tilespmem:$0x8D40] =	vst v0  }
0xe0: {  	[tilespmem:$0x8D50] =	vst v0  }
0xe1: {  	[tilespmem:$0x8D60] =	vst v0  }
0xe2: {  	[tilespmem:$0x8D70] =	vst v0  }
0xe3: {  	[tilespmem:$0x8D80] =	vst v0  }
0xe4: {  	[tilespmem:$0x8D90] =	vst v0  }
0xe5: {  	[tilespmem:$0x8DA0] =	vst v0  }
0xe6: {  	[tilespmem:$0x8DB0] =	vst v0  }
0xe7: {  	[tilespmem:$0x8DC0] =	vst v0  }
0xe8: {  	[tilespmem:$0x8DD0] =	vst v0  }
0xe9: {  	[tilespmem:$0x8DE0] =	vst v0  }
0xea: {  	[tilespmem:$0x8DF0] =	vst v0  }
0xeb: {  	[tilespmem:$0x8E00] =	vst v0  }
0xec: {  	[tilespmem:$0x8E10] =	vst v0  }
0xed: {  	[tilespmem:$0x8E20] =	vst v0  }
0xee: {  	[tilespmem:$0x8E30] =	vst v0  }
0xef: {  	[tilespmem:$0x8E40] =	vst v0  }
0xf0: {  	[tilespmem:$0x8E50] =	vst v0  }
0xf1: {  	[tilespmem:$0x8E60] =	vst v0  }
0xf2: {  	[tilespmem:$0x8E70] =	vst v0  }
0xf3: {  	[tilespmem:$0x8E80] =	vst v0  }
0xf4: {  	[tilespmem:$0x8E90] =	vst v0  }
0xf5: {  	[tilespmem:$0x8EA0] =	vst v0  }
0xf6: {  	[tilespmem:$0x8EB0] =	vst v0  }
0xf7: {  	[tilespmem:$0x8EC0] =	vst v0  }
0xf8: {  	[tilespmem:$0x8ED0] =	vst v0  }
0xf9: {  	[tilespmem:$0x8EE0] =	vst v0  }
0xfa: {  	[tilespmem:$0x8EF0] =	vst v0  }
0xfb: {  	[tilespmem:$0x8F00] =	vst v0  }
0xfc: {  	[tilespmem:$0x8F10] =	vst v0  }
0xfd: {  	[tilespmem:$0x8F20] =	vst v0  }
0xfe: {  	[tilespmem:$0x8F30] =	vst v0  }
0xff: {  	[tilespmem:$0x8F40] =	vst v0  }
0x100: {  	[tilespmem:$0x8F50] =	vst v0  }
0x101: {  	[tilespmem:$0x8F60] =	vst v0  }
0x102: {  	[tilespmem:$0x8F70] =	vst v0  }
0x103: {  	[tilespmem:$0x8F80] =	vst v0  }
0x104: {  	[tilespmem:$0x8F90] =	vst v0  }
0x105: {  	[tilespmem:$0x8FA0] =	vst v0  }
0x106: {  	[tilespmem:$0x8FB0] =	vst v0  }
0x107: {  	[tilespmem:$0x8FC0] =	vst v0  }
0x108: {  	[tilespmem:$0x8FD0] =	vst v0  }
0x109: {  	[tilespmem:$0x8FE0] =	vst v0  }
0x10a: {  	[tilespmem:$0x8FF0] =	vst v0  }
0x10b: {  	[tilespmem:s2], [sflag:$0x1] =	stream.linear.gather [hbm4b:s3+s2], $0x8000, $0x38;
	[tilespmem:$0x9000] =	vst v63  }
0x10c: {  	_ =	swait.ge [sflag:s6], $0x8000  }
0x10d: {  	[sflag:s6] =	ssyncset.done $0x0  }
0x10e: {  	s11 =	simm.s32 $0x0;
	[sflag:s6] =	ssyncadd.s32 $0xFFFF8000  }
.LBB2_2:
0x10f: {  	s12 =	sshra.s32 s11, $0x2  }
0x110: {  	v3 =	vld [tilespmem:s12+$0x0];
	_ =	sdelay $0x4  }
0x111: {  	v4 =	vshrl.u32 v3, $0x7;
	v3 =	vshrl.u32 v3, $0x17  }
0x112: {  	v4 =	vand.u32 $0x1FF, v4;
	v5 =	vadd.s32 v1, v3  }
0x113: {  	v3 =	vand.u32 $0x7F, v3;
	v4 =	vadd.s32 v1, v4;
	v5 =	vand.u32 $0x1F80, v5  }
0x114: {  	v3 =	vor.u32 v3, v5;
	_ =	sdelay $0x3  }
0x115: {  	[tilespmem:v4+s7+$0x0] =	vst.idx.add.s32.msk $0xffff, v2  }
0x116: {  	[tilespmem:v3+s7+$0x0] =	vst.idx.add.s32.msk $0xffff, v2  }
0x117: {  	v3 =	vld [tilespmem:s12+$0x10];
	_ =	sdelay $0x4  }
0x118: {  	v50 =	vshrl.u32 v3, $0x7;
	v3 =	vshrl.u32 v3, $0x17  }
0x119: {  	v4 =	vand.u32 $0x1FF, v50;
	v51 =	vadd.s32 v1, v3  }
0x11a: {  	v3 =	vand.u32 $0x7F, v3;
	v4 =	vadd.s32 v1, v4;
	v5 =	vand.u32 $0x1F80, v51  }
0x11b: {  	v3 =	vor.u32 v3, v5;
	_ =	sdelay $0x3  }
0x11c: {  	[tilespmem:v4+s7+$0x0] =	vst.idx.add.s32.msk $0xffff, v2  }
0x11d: {  	[tilespmem:v3+s7+$0x0] =	vst.idx.add.s32.msk $0xffff, v2  }
0x11e: {  	v3 =	vld [tilespmem:s12+$0x20];
	_ =	sdelay $0x4  }
0x11f: {  	v52 =	vshrl.u32 v3, $0x7;
	v3 =	vshrl.u32 v3, $0x17  }
0x120: {  	v4 =	vand.u32 $0x1FF, v52;
	v53 =	vadd.s32 v1, v3  }
0x121: {  	v3 =	vand.u32 $0x7F, v3;
	v4 =	vadd.s32 v1, v4;
	v5 =	vand.u32 $0x1F80, v53  }
0x122: {  	v3 =	vor.u32 v3, v5;
	_ =	sdelay $0x3  }
0x123: {  	[tilespmem:v4+s7+$0x0] =	vst.idx.add.s32.msk $0xffff, v2  }
0x124: {  	[tilespmem:v3+s7+$0x0] =	vst.idx.add.s32.msk $0xffff, v2  }
0x125: {  	v3 =	vld [tilespmem:s12+$0x30];
	_ =	sdelay $0x4  }
0x126: {  	v54 =	vshrl.u32 v3, $0x7;
	v3 =	vshrl.u32 v3, $0x17  }
0x127: {  	v4 =	vand.u32 $0x1FF, v54;
	v55 =	vadd.s32 v1, v3  }
0x128: {  	v3 =	vand.u32 $0x7F, v3;
	v4 =	vadd.s32 v1, v4;
	v5 =	vand.u32 $0x1F80, v55  }
0x129: {  	v3 =	vor.u32 v3, v5;
	_ =	sdelay $0x3  }
0x12a: {  	[tilespmem:v4+s7+$0x0] =	vst.idx.add.s32.msk $0xffff, v2  }
0x12b: {  	[tilespmem:v3+s7+$0x0] =	vst.idx.add.s32.msk $0xffff, v2  }
0x12c: {  	v3 =	vld [tilespmem:s12+$0x40];
	_ =	sdelay $0x4  }
0x12d: {  	v56 =	vshrl.u32 v3, $0x7;
	v3 =	vshrl.u32 v3, $0x17  }
0x12e: {  	v4 =	vand.u32 $0x1FF, v56;
	v57 =	vadd.s32 v1, v3  }
0x12f: {  	v3 =	vand.u32 $0x7F, v3;
	v4 =	vadd.s32 v1, v4;
	v5 =	vand.u32 $0x1F80, v57  }
0x130: {  	v3 =	vor.u32 v3, v5;
	_ =	sdelay $0x3  }
0x131: {  	[tilespmem:v4+s7+$0x0] =	vst.idx.add.s32.msk $0xffff, v2  }
0x132: {  	[tilespmem:v3+s7+$0x0] =	vst.idx.add.s32.msk $0xffff, v2  }
0x133: {  	v3 =	vld [tilespmem:s12+$0x50];
	_ =	sdelay $0x4  }
0x134: {  	v58 =	vshrl.u32 v3, $0x7;
	v3 =	vshrl.u32 v3, $0x17  }
0x135: {  	v4 =	vand.u32 $0x1FF, v58;
	v59 =	vadd.s32 v1, v3  }
0x136: {  	v3 =	vand.u32 $0x7F, v3;
	v4 =	vadd.s32 v1, v4;
	v5 =	vand.u32 $0x1F80, v59  }
0x137: {  	v3 =	vor.u32 v3, v5;
	_ =	sdelay $0x3  }
0x138: {  	[tilespmem:v4+s7+$0x0] =	vst.idx.add.s32.msk $0xffff, v2  }
0x139: {  	[tilespmem:v3+s7+$0x0] =	vst.idx.add.s32.msk $0xffff, v2  }
0x13a: {  	v3 =	vld [tilespmem:s12+$0x60];
	_ =	sdelay $0x4  }
0x13b: {  	v60 =	vshrl.u32 v3, $0x7;
	v3 =	vshrl.u32 v3, $0x17  }
0x13c: {  	v4 =	vand.u32 $0x1FF, v60;
	v61 =	vadd.s32 v1, v3  }
0x13d: {  	v3 =	vand.u32 $0x7F, v3;
	v4 =	vadd.s32 v1, v4;
	v5 =	vand.u32 $0x1F80, v61  }
0x13e: {  	v3 =	vor.u32 v3, v5;
	_ =	sdelay $0x3  }
0x13f: {  	[tilespmem:v4+s7+$0x0] =	vst.idx.add.s32.msk $0xffff, v2  }
0x140: {  	[tilespmem:v3+s7+$0x0] =	vst.idx.add.s32.msk $0xffff, v2  }
0x141: {  	v3 =	vld [tilespmem:s12+$0x70];
	_ =	sdelay $0x4  }
0x142: {  	v62 =	vshrl.u32 v3, $0x7;
	v3 =	vshrl.u32 v3, $0x17  }
0x143: {  	v4 =	vand.u32 $0x1FF, v62;
	v63 =	vadd.s32 v1, v3  }
0x144: {  	v3 =	vand.u32 $0x7F, v3;
	v4 =	vadd.s32 v1, v4;
	v5 =	vand.u32 $0x1F80, v63  }
0x145: {  	p0 =	sne.s32 s11, $0x1FE00;
	v3 =	vor.u32 v3, v5  }
.Ltmp0:
0x146: {  	_ = 	snop;
	(pc) =	sbr.rel @p0 .LBB2_2-.Ltmp0, $3  }
0x147: {  	_ =	sdelay $0x1  }
0x148: {  	[tilespmem:v4+s7+$0x0] =	vst.idx.add.s32.msk $0xffff, v2  }
0x149: {  	s11 =	sadd.s32 $0x200, s11;
	[tilespmem:v3+s7+$0x0] =	vst.idx.add.s32.msk $0xffff, v2  }
0x14a: {  	s10 =	sadd.s32 $0x1, s10  }
0x14b: {  	p0 =	sne.s32 s10, s5  }
.Ltmp1:
0x14c: {  	_ = 	snop;
	(pc) =	sbr.rel @p0 .LBB2_1-.Ltmp1, $4  }
0x14d: {  	[hbm4b:s4+s8] =	stream.strided.scatter [tilespmem:s7], [sflag:$0x1], $0x1000, s9, s8, $0x38;
	[tilespmem:$0x9000] =	vst v63  }
0x14e: {  	_ =	swait.ge [sflag:s6], $0x1000  }
0x14f: {  	[sflag:s6] =	ssyncset.done $0x0  }
0x150: {  	[sflag:s6] =	ssyncadd.s32 $0xFFFFF000  }
0x151: {  	_ =	sfence.sel $0x180000  }
0x152: {  	[bflag:$0x0] =	sbarrier.arrive $0xFFFF  }
0x153: {  	p0 =	sne.s32 s0, $0x0;
	_ =	strace $0x90000047  }
0x154: {  	s0 =	sadd.s32 @!p0 $0x100000, s1;
	[bflag:$0x2] =	sbarrier.arrive $0xFFFF  }
0x155: {  	[sflag:s0] =	ssyncadd.tile.s32 @!p0 $0x1;
	_ =	shalt  }
.Lfunc_end2:
_tile_overlayer_lowered:
.L_overlay_start_2:
0x156: {  	(tag) =	ssettag $0x2  }
0x157: {  	s0 =	rddreg [dreg:$0x0];
	s2 =	stileid.u32  }
0x158: {  	s1 =	rddreg [dreg:$0x1];
	p0 =	sne.s32 s2, $0x0  }
0x159: {  	s3 =	rddreg [dreg:$0x2];
	[bflag:$0x3] =	sbarrier.arrive $0xFFFF;
	s2 =	simm.s32 @!p0 $0x1C01  }
0x15a: {  	[timem:s3], [sflag:s2] =	dma.local @!p0 [hbm:s0], s1  }
0x15b: {  	s0 =	simm.s32 @!p0 $0x1  }
0x15c: {  	_ =	swait.ge @!p0 [sflag:s0], s1  }
0x15d: {  	s1 =	ssub.s32 @!p0 $0x0, s1;
	[sflag:s0] =	ssyncset.done @!p0 $0x0  }
0x15e: {  	[sflag:s0] =	ssyncadd.s32 @!p0 s1  }
0x15f: {  	[bflag:$0x3] =	sbarrier.arrive $0xFFFF  }
0x160: {  	_ =	shalt  }

</sc_bundles>
